<compile_context>
chip_gen: v7x
topology: tpu7x:2x2x1
jax: 0.10.2.dev20260603
libtpu: 0.0.44.dev20260713+nightly
codegen_flags: <defaults>
</compile_context>

<pallas_src>
import jax
import jax.numpy as jnp
from jax import lax
from jax.experimental import pallas as pl
from jax.experimental.pallas import tpu as pltpu
from jax.experimental.pallas import tpu_sc as plsc

N = 10000
E = 320000
D = 128
L = 3

NC = 2
NS = 16
NW = NC * NS
NP = 10240
RPW = NP // NS
ZBR = 32

EPW = E // NW
CK = 80
CH = EPW // CK


def _sc_body(h_hbm, src_hbm, dst_hbm, agg_out, cnt_out, src_r, dst_r,
             rows_r, zb_v, ones_v, zbc_v, agg_sh, cnt_sh,
             sem_i, sem_g, sem_s):
    cid = lax.axis_index("c")
    sid = lax.axis_index("s")
    wid = cid * NS + sid

    def _zrow(r, _):
        for c in range(D // 16):
            zb_v[r, pl.ds(c * 16, 16)] = jnp.zeros((16,), jnp.float32)
        return 0
    lax.fori_loop(0, ZBR, _zrow, 0)

    def _zcnt(k, _):
        zbc_v[pl.ds(k * 16, 16)] = jnp.zeros((16,), jnp.float32)
        return 0
    lax.fori_loop(0, RPW // 16, _zcnt, 0)

    def _ofill(k, _):
        ones_v[pl.ds(k * 16, 16)] = jnp.ones((16,), jnp.float32)
        return 0
    lax.fori_loop(0, CK // 16, _ofill, 0)

    for k in range(RPW // ZBR):
        pltpu.sync_copy(zb_v, agg_sh.at[pl.ds(sid * RPW + k * ZBR, ZBR)])
    pltpu.sync_copy(zbc_v, cnt_sh.at[pl.ds(sid * RPW, RPW)])
    plsc.subcore_barrier()

    def _idx_load(jj, sync=False):
        s = jj % 4
        e0 = wid * EPW + jj * CK
        if sync:
            pltpu.sync_copy(src_hbm.at[pl.ds(e0, CK)], src_r.at[s])
            pltpu.sync_copy(dst_hbm.at[pl.ds(e0, CK)], dst_r.at[s])
        else:
            pltpu.async_copy(src_hbm.at[pl.ds(e0, CK)], src_r.at[s],
                             sem_i.at[s])
            pltpu.async_copy(dst_hbm.at[pl.ds(e0, CK)], dst_r.at[s],
                             sem_i.at[s])

    def _idx_wait(jj):
        s = jj % 4
        pltpu.make_async_copy(src_hbm.at[pl.ds(0, CK)], src_r.at[s],
                              sem_i.at[s]).wait()
        pltpu.make_async_copy(dst_hbm.at[pl.ds(0, CK)], dst_r.at[s],
                              sem_i.at[s]).wait()

    def _gather(jj):
        pltpu.async_copy(h_hbm.at[src_r.at[jj % 4]], rows_r.at[jj % 3],
                         sem_g.at[jj % 3])

    def _gather_wait(jj):
        pltpu.make_async_copy(h_hbm.at[src_r.at[jj % 4]],
                              rows_r.at[jj % 3], sem_g.at[jj % 3]).wait()

    def _scatter(jj):
        pltpu.async_copy(rows_r.at[jj % 3], agg_sh.at[dst_r.at[jj % 4]],
                         sem_s.at[jj % 3], add=True)
        pltpu.async_copy(ones_v, cnt_sh.at[dst_r.at[jj % 4]],
                         sem_s.at[jj % 3], add=True)

    def _scatter_wait(jj):
        pltpu.make_async_copy(rows_r.at[jj % 3], agg_sh.at[dst_r.at[jj % 4]],
                              sem_s.at[jj % 3]).wait()
        pltpu.make_async_copy(ones_v, cnt_sh.at[dst_r.at[jj % 4]],
                              sem_s.at[jj % 3]).wait()

    def _idx_load_t(jj_t, s):
        e0 = wid * EPW + jj_t * CK
        pltpu.async_copy(src_hbm.at[pl.ds(e0, CK)], src_r.at[s],
                         sem_i.at[s])
        pltpu.async_copy(dst_hbm.at[pl.ds(e0, CK)], dst_r.at[s],
                         sem_i.at[s])

    def _gather_t(jj_t, s, r):
        del jj_t
        pltpu.async_copy(h_hbm.at[src_r.at[s]], rows_r.at[r], sem_g.at[r])

    def _gather_wait_t(jj_t, s, r):
        del jj_t
        pltpu.make_async_copy(h_hbm.at[src_r.at[s]], rows_r.at[r],
                              sem_g.at[r]).wait()

    def _scatter_t(jj_t, s, r):
        del jj_t
        pltpu.async_copy(rows_r.at[r], agg_sh.at[dst_r.at[s]],
                         sem_s.at[r], add=True)
        pltpu.async_copy(ones_v, cnt_sh.at[dst_r.at[s]], sem_s.at[r],
                         add=True)

    _idx_load(0, sync=True)
    _idx_load(1, sync=True)
    _gather(0)
    _gather(1)
    _idx_load(2)
    _idx_wait(2)
    _idx_load(3)
    _gather(2)
    _gather_wait(0)
    _scatter(0)
    _idx_wait(3)
    _scatter_wait(0)
    _idx_load(4)
    _gather(3)
    _gather_wait(1)
    _scatter(1)

    def _group(g, _):
        for t in range(12):
            j = 2 + t
            jt = 2 + g * 12 + t
            _idx_wait(j + 2)
            _scatter_wait(j - 1)
            _idx_load_t(jt + 3, (j + 3) % 4)
            _gather_t(jt + 2, (j + 2) % 4, (j + 2) % 3)
            _gather_wait_t(jt, j % 4, j % 3)
            _scatter_t(jt, j % 4, j % 3)
        return 0
    lax.fori_loop(0, (CH - 5) // 12, _group, 0)

    j = CH - 3
    _idx_wait(j + 2)
    _scatter_wait(j - 1)
    _gather(j + 2)
    _gather_wait(j)
    _scatter(j)
    for j in (CH - 2, CH - 1):
        _scatter_wait(j - 1)
        _gather_wait(j)
        _scatter(j)
    _scatter_wait(CH - 1)

    plsc.subcore_barrier()
    pltpu.sync_copy(agg_sh.at[pl.ds(sid * RPW, RPW)],
                    agg_out.at[cid, pl.ds(sid * RPW, RPW)])
    pltpu.sync_copy(cnt_sh.at[pl.ds(sid * RPW, RPW)], zbc_v)
    pltpu.sync_copy(zbc_v, cnt_out.at[pl.ds(cid * NP + sid * RPW, RPW)])


def _make_sc_agg():
    mesh = plsc.VectorSubcoreMesh(core_axis_name="c", subcore_axis_name="s")
    out_type = (jax.ShapeDtypeStruct((NC, NP, D), jnp.float32),
                jax.ShapeDtypeStruct((NC * NP,), jnp.float32))
    scratch = [
        pltpu.VMEM((4, CK), jnp.int32),
        pltpu.VMEM((4, CK), jnp.int32),
        pltpu.VMEM((3, CK, D), jnp.float32),
        pltpu.VMEM((ZBR, D), jnp.float32),
        pltpu.VMEM((CK,), jnp.float32),
        pltpu.VMEM((RPW,), jnp.float32),
        pltpu.VMEM_SHARED((NP, D), jnp.float32),
        pltpu.VMEM_SHARED((NP,), jnp.float32),
        pltpu.SemaphoreType.DMA((4,)),
        pltpu.SemaphoreType.DMA((3,)),
        pltpu.SemaphoreType.DMA((3,)),
    ]
    return pl.kernel(_sc_body, out_type=out_type, mesh=mesh,
                     scratch_types=scratch)


_sc_agg = _make_sc_agg()


def _dense_body(agg2_ref, cnt2_ref, h_ref, Wl_ref, bl_ref, Wr_ref,
                gamma_ref, beta_ref, relu_ref, out_ref):
    agg = agg2_ref[0, :N] + agg2_ref[1, :N]
    cnt = cnt2_ref[0, :N] + cnt2_ref[1, :N]
    mean = agg / jnp.maximum(cnt[:, None], 1.0)
    h = h_ref[...]
    out = (jnp.dot(mean, Wl_ref[...], preferred_element_type=jnp.float32)
           + bl_ref[...][None, :]
           + jnp.dot(h, Wr_ref[...], preferred_element_type=jnp.float32))
    nrm = jnp.sqrt(jnp.sum(out * out, axis=1, keepdims=True))
    out = out / jnp.maximum(nrm, 1e-12)
    mu = jnp.mean(out, axis=0, keepdims=True)
    var = jnp.mean((out - mu) * (out - mu), axis=0, keepdims=True)
    out = (gamma_ref[...][None, :] * (out - mu) / jnp.sqrt(var + 1e-5)
           + beta_ref[...][None, :] + h)
    out = jnp.where(relu_ref[0] > 0.0, jnp.maximum(out, 0.0), out)
    out_ref[...] = out


_dense = pl.pallas_call(
    _dense_body, out_shape=jax.ShapeDtypeStruct((N, D), jnp.float32))


def kernel(x, edge_index, Wl, bl, Wr, gamma, beta):
    src = edge_index[0]
    dst = edge_index[1]
    relu_flags = jnp.arange(L, dtype=jnp.float32)[::-1].reshape(L, 1)

    def _layer(h, xs):
        Wl_i, bl_i, Wr_i, gamma_i, beta_i, relu_i = xs
        agg2, cnt2 = _sc_agg(h, src, dst)
        h = _dense(agg2, cnt2.reshape(NC, NP), h, Wl_i, bl_i, Wr_i,
                   gamma_i, beta_i, relu_i)
        return h, None

    h, _ = lax.scan(_layer, x,
                    (Wl[:L], bl[:L], Wr[:L], gamma[:L], beta[:L], relu_flags))
    return h

# --- scband reference (transcript-rebuilt; emitter-appended) ---
"""Pipeline reference for scband-graph-sageencoder-68023692034097 (READ-ONLY COPY).

The authoritative reference and input builder live on the scoring server;
editing this copy changes nothing except your own understanding.
"""

import jax, jax.numpy as jnp
import numpy as np

N = 10000
E = 320000
D = 128
L = 3  # dims = [128, 128, 128, 128] -> 3 SAGEConv layers


def setup_inputs(seed: int = 0) -> dict:
    key = jax.random.key(seed)
    ks = jax.random.split(key, 6)
    x = jax.random.normal(ks[0], (N, D), dtype=jnp.float32)
    edge_index = jax.random.randint(ks[1], (2, E), 0, N, dtype=jnp.int32)
    # SAGEConv params per layer: lin_l (neighbor agg, with bias), lin_r (root, no bias)
    Wl = jax.random.normal(ks[2], (L, D, D), dtype=jnp.float32) * (1.0 / np.sqrt(D))
    bl = jnp.zeros((L, D), dtype=jnp.float32)
    Wr = jax.random.normal(ks[3], (L, D, D), dtype=jnp.float32) * (1.0 / np.sqrt(D))
    # BatchNorm1d affine params per layer
    gamma = jnp.ones((L, D), dtype=jnp.float32)
    beta = jnp.zeros((L, D), dtype=jnp.float32)
    return {"x": x, "edge_index": edge_index, "Wl": Wl, "bl": bl, "Wr": Wr, "gamma": gamma, "beta": beta}


def reference(x, edge_index, Wl, bl, Wr, gamma, beta):
    src = edge_index[0]
    dst = edge_index[1]
    ones = jnp.ones((E, 1), dtype=x.dtype)
    h = x
    for i in range(L):
        # SAGEConv with mean aggregation: out = lin_l(mean_j x_j) + lin_r(x_i)
        msgs = h[src]  # gather
        agg = jax.ops.segment_sum(msgs, dst, num_segments=N)  # scatter-add
        cnt = jax.ops.segment_sum(ones, dst, num_segments=N)
        mean = agg / jnp.clip(cnt, 1.0, None)
        out = mean @ Wl[i] + bl[i] + h @ Wr[i]
        # normalize=True -> L2 normalize output
        nrm = jnp.linalg.norm(out, axis=-1, keepdims=True)
        out = out / jnp.clip(nrm, 1e-12, None)
        # BatchNorm1d (training-mode batch statistics)
        mu = out.mean(axis=0)
        var = out.var(axis=0)
        out = gamma[i] * (out - mu) / jnp.sqrt(var + 1e-5) + beta[i]
        # residual: all dims equal -> Identity projection
        out = out + h
        if i < L - 1:
            out = jax.nn.relu(out)
            # dropout is identity in eval mode
        h = out
    return h

if __name__ == "__main__":
    import jax
    _d = setup_inputs()
    print(jax.jit(kernel)(*tuple(_d.values())))

</pallas_src>

<mosaic_0001>
#map = affine_map<(d0, d1) -> (0, 0)>
#map1 = affine_map<(d0, d1) -> (0)>
#map2 = affine_map<(d0, d1) -> (0, 0, 0)>
module attributes {stable_mosaic.version = 14 : i64} {
  func.func @_sc_body(%arg0: i32, %arg1: i32, %arg2: memref<10000x128xf32, #tpu.memory_space<hbm>>, %arg3: memref<320000xi32, #tpu.memory_space<hbm>>, %arg4: memref<320000xi32, #tpu.memory_space<hbm>>, %arg5: memref<2x10240x128xf32, #tpu.memory_space<hbm>>, %arg6: memref<20480xf32, #tpu.memory_space<hbm>>, %arg7: memref<4x80xi32, #tpu.memory_space<vmem>>, %arg8: memref<4x80xi32, #tpu.memory_space<vmem>>, %arg9: memref<3x80x128xf32, #tpu.memory_space<vmem>>, %arg10: memref<32x128xf32, #tpu.memory_space<vmem>>, %arg11: memref<80xf32, #tpu.memory_space<vmem>>, %arg12: memref<640xf32, #tpu.memory_space<vmem>>, %arg13: memref<10240x128xf32, #tpu.memory_space<vmem_shared>>, %arg14: memref<10240xf32, #tpu.memory_space<vmem_shared>>, %arg15: memref<4x!tpu.dma_semaphore, #tpu.memory_space<semaphore_mem>>, %arg16: memref<3x!tpu.dma_semaphore, #tpu.memory_space<semaphore_mem>>, %arg17: memref<3x!tpu.dma_semaphore, #tpu.memory_space<semaphore_mem>>) attributes {dimension_semantics = [#tpu.dimension_semantics<core_parallel>, #tpu.dimension_semantics<subcore_parallel>], iteration_bounds = array<i64: 2, 16>, scalar_prefetch = 0 : i64, scratch_operands = 11 : i64, tpu.core_type = #tpu.core_type<sc_vector_subcore>, window_params = [{transform_indices = #map}, {transform_indices = #map1}, {transform_indices = #map1}, {transform_indices = #map2}, {transform_indices = #map1}]} {
    %mul3A = arith.constant 16 : i32
    %mul3A_0 = arith.muli %arg0, %mul3A : i32
    %add3A = arith.addi %mul3A_0, %arg1 : i32
    %scan3A = arith.constant 0 : i32
    %scan3A_1 = arith.constant 0 : i32
    %scan3A_2 = arith.constant 32 : i32
    %scan3A_3 = arith.addi %scan3A_1, %scan3A_2 : i32
    %scan3A_4 = arith.constant 1 : i32
    %scan3A_5 = scf.for %scan3A_689 = %scan3A_1 to %scan3A_3 step %scan3A_4 iter_args(%scan3A_690 = %scan3A) -> (i32)  : i32 {
      %broadcast_in_dim3A = arith.constant 0.000000e+00 : f32
      %broadcast_in_dim3A_691 = vector.broadcast %broadcast_in_dim3A : f32 to vector<16xf32>
      %swap3A = arith.index_cast %scan3A_689 : i32 to index
      %swap3A_692 = arith.constant 0 : index
      %swap3A_693 = tpu.vector_load %arg10[%swap3A, %swap3A_692] {strides = array<i32>} : memref<32x128xf32, #tpu.memory_space<vmem>>, vector<1x16xf32>,
      %swap3A_694 = vector.shape_cast %swap3A_693 : vector<1x16xf32> to vector<16xf32>
      %swap3A_695 = vector.shape_cast %broadcast_in_dim3A_691 : vector<16xf32> to vector<1x16xf32>
      tpu.vector_store %arg10[%swap3A, %swap3A_692], %swap3A_695 {strides = array<i32>} : memref<32x128xf32, #tpu.memory_space<vmem>>, vector<1x16xf32>,
      %broadcast_in_dim3A_696 = arith.constant 0.000000e+00 : f32
      %broadcast_in_dim3A_697 = vector.broadcast %broadcast_in_dim3A_696 : f32 to vector<16xf32>
      %swap3A_698 = arith.index_cast %scan3A_689 : i32 to index
      %swap3A_699 = arith.constant 16 : index
      %swap3A_700 = tpu.vector_load %arg10[%swap3A_698, %swap3A_699] {strides = array<i32>} : memref<32x128xf32, #tpu.memory_space<vmem>>, vector<1x16xf32>,
      %swap3A_701 = vector.shape_cast %swap3A_700 : vector<1x16xf32> to vector<16xf32>
      %swap3A_702 = vector.shape_cast %broadcast_in_dim3A_697 : vector<16xf32> to vector<1x16xf32>
      tpu.vector_store %arg10[%swap3A_698, %swap3A_699], %swap3A_702 {strides = array<i32>} : memref<32x128xf32, #tpu.memory_space<vmem>>, vector<1x16xf32>,
      %broadcast_in_dim3A_703 = arith.constant 0.000000e+00 : f32
      %broadcast_in_dim3A_704 = vector.broadcast %broadcast_in_dim3A_703 : f32 to vector<16xf32>
      %swap3A_705 = arith.index_cast %scan3A_689 : i32 to index
      %swap3A_706 = arith.constant 32 : index
      %swap3A_707 = tpu.vector_load %arg10[%swap3A_705, %swap3A_706] {strides = array<i32>} : memref<32x128xf32, #tpu.memory_space<vmem>>, vector<1x16xf32>,
      %swap3A_708 = vector.shape_cast %swap3A_707 : vector<1x16xf32> to vector<16xf32>
      %swap3A_709 = vector.shape_cast %broadcast_in_dim3A_704 : vector<16xf32> to vector<1x16xf32>
      tpu.vector_store %arg10[%swap3A_705, %swap3A_706], %swap3A_709 {strides = array<i32>} : memref<32x128xf32, #tpu.memory_space<vmem>>, vector<1x16xf32>,
      %broadcast_in_dim3A_710 = arith.constant 0.000000e+00 : f32
      %broadcast_in_dim3A_711 = vector.broadcast %broadcast_in_dim3A_710 : f32 to vector<16xf32>
      %swap3A_712 = arith.index_cast %scan3A_689 : i32 to index
      %swap3A_713 = arith.constant 48 : index
      %swap3A_714 = tpu.vector_load %arg10[%swap3A_712, %swap3A_713] {strides = array<i32>} : memref<32x128xf32, #tpu.memory_space<vmem>>, vector<1x16xf32>,
      %swap3A_715 = vector.shape_cast %swap3A_714 : vector<1x16xf32> to vector<16xf32>
      %swap3A_716 = vector.shape_cast %broadcast_in_dim3A_711 : vector<16xf32> to vector<1x16xf32>
      tpu.vector_store %arg10[%swap3A_712, %swap3A_713], %swap3A_716 {strides = array<i32>} : memref<32x128xf32, #tpu.memory_space<vmem>>, vector<1x16xf32>,
      %broadcast_in_dim3A_717 = arith.constant 0.000000e+00 : f32
      %broadcast_in_dim3A_718 = vector.broadcast %broadcast_in_dim3A_717 : f32 to vector<16xf32>
      %swap3A_719 = arith.index_cast %scan3A_689 : i32 to index
      %swap3A_720 = arith.constant 64 : index
      %swap3A_721 = tpu.vector_load %arg10[%swap3A_719, %swap3A_720] {strides = array<i32>} : memref<32x128xf32, #tpu.memory_space<vmem>>, vector<1x16xf32>,
      %swap3A_722 = vector.shape_cast %swap3A_721 : vector<1x16xf32> to vector<16xf32>
      %swap3A_723 = vector.shape_cast %broadcast_in_dim3A_718 : vector<16xf32> to vector<1x16xf32>
      tpu.vector_store %arg10[%swap3A_719, %swap3A_720], %swap3A_723 {strides = array<i32>} : memref<32x128xf32, #tpu.memory_space<vmem>>, vector<1x16xf32>,
      %broadcast_in_dim3A_724 = arith.constant 0.000000e+00 : f32
      %broadcast_in_dim3A_725 = vector.broadcast %broadcast_in_dim3A_724 : f32 to vector<16xf32>
      %swap3A_726 = arith.index_cast %scan3A_689 : i32 to index
      %swap3A_727 = arith.constant 80 : index
      %swap3A_728 = tpu.vector_load %arg10[%swap3A_726, %swap3A_727] {strides = array<i32>} : memref<32x128xf32, #tpu.memory_space<vmem>>, vector<1x16xf32>,
      %swap3A_729 = vector.shape_cast %swap3A_728 : vector<1x16xf32> to vector<16xf32>
      %swap3A_730 = vector.shape_cast %broadcast_in_dim3A_725 : vector<16xf32> to vector<1x16xf32>
      tpu.vector_store %arg10[%swap3A_726, %swap3A_727], %swap3A_730 {strides = array<i32>} : memref<32x128xf32, #tpu.memory_space<vmem>>, vector<1x16xf32>,
      %broadcast_in_dim3A_731 = arith.constant 0.000000e+00 : f32
      %broadcast_in_dim3A_732 = vector.broadcast %broadcast_in_dim3A_731 : f32 to vector<16xf32>
      %swap3A_733 = arith.index_cast %scan3A_689 : i32 to index
      %swap3A_734 = arith.constant 96 : index
      %swap3A_735 = tpu.vector_load %arg10[%swap3A_733, %swap3A_734] {strides = array<i32>} : memref<32x128xf32, #tpu.memory_space<vmem>>, vector<1x16xf32>,
      %swap3A_736 = vector.shape_cast %swap3A_735 : vector<1x16xf32> to vector<16xf32>
      %swap3A_737 = vector.shape_cast %broadcast_in_dim3A_732 : vector<16xf32> to vector<1x16xf32>
      tpu.vector_store %arg10[%swap3A_733, %swap3A_734], %swap3A_737 {strides = array<i32>} : memref<32x128xf32, #tpu.memory_space<vmem>>, vector<1x16xf32>,
      %broadcast_in_dim3A_738 = arith.constant 0.000000e+00 : f32
      %broadcast_in_dim3A_739 = vector.broadcast %broadcast_in_dim3A_738 : f32 to vector<16xf32>
      %swap3A_740 = arith.index_cast %scan3A_689 : i32 to index
      %swap3A_741 = arith.constant 112 : index
      %swap3A_742 = tpu.vector_load %arg10[%swap3A_740, %swap3A_741] {strides = array<i32>} : memref<32x128xf32, #tpu.memory_space<vmem>>, vector<1x16xf32>,
      %swap3A_743 = vector.shape_cast %swap3A_742 : vector<1x16xf32> to vector<16xf32>
      %swap3A_744 = vector.shape_cast %broadcast_in_dim3A_739 : vector<16xf32> to vector<1x16xf32>
      tpu.vector_store %arg10[%swap3A_740, %swap3A_741], %swap3A_744 {strides = array<i32>} : memref<32x128xf32, #tpu.memory_space<vmem>>, vector<1x16xf32>,
      %scan3A_745 = arith.constant 0 : i32
      scf.yield %scan3A_745 : i32
    }
    %scan3A_6 = arith.constant 32 : i32
    %scan3A_7 = arith.constant 0 : i32
    %scan3A_8 = arith.constant 0 : i32
    %scan3A_9 = arith.constant 40 : i32
    %scan3A_10 = arith.addi %scan3A_8, %scan3A_9 : i32
    %scan3A_11 = arith.constant 1 : i32
    %scan3A_12 = scf.for %scan3A_689 = %scan3A_8 to %scan3A_10 step %scan3A_11 iter_args(%scan3A_690 = %scan3A_7) -> (i32)  : i32 {
      %broadcast_in_dim3A = arith.constant 0.000000e+00 : f32
      %broadcast_in_dim3A_691 = vector.broadcast %broadcast_in_dim3A : f32 to vector<16xf32>
      %mul3A_692 = arith.constant 16 : i32
      %mul3A_693 = arith.muli %scan3A_689, %mul3A_692 : i32
      %swap3A = arith.index_cast %mul3A_693 : i32 to index
      %swap3A_694 = tpu.vector_load %arg12[%swap3A] {strides = array<i32>} : memref<640xf32, #tpu.memory_space<vmem>>, vector<16xf32>,
      %swap3A_695 = vector.shape_cast %swap3A_694 : vector<16xf32> to vector<16xf32>
      %swap3A_696 = vector.shape_cast %broadcast_in_dim3A_691 : vector<16xf32> to vector<16xf32>
      tpu.vector_store %arg12[%swap3A], %swap3A_696 {strides = array<i32>} : memref<640xf32, #tpu.memory_space<vmem>>, vector<16xf32>,
      %scan3A_697 = arith.constant 0 : i32
      scf.yield %scan3A_697 : i32
    }
    %scan3A_13 = arith.constant 40 : i32
    %scan3A_14 = arith.constant 0 : i32
    %scan3A_15 = arith.constant 0 : i32
    %scan3A_16 = arith.constant 5 : i32
    %scan3A_17 = arith.addi %scan3A_15, %scan3A_16 : i32
    %scan3A_18 = arith.constant 1 : i32
    %scan3A_19 = scf.for %scan3A_689 = %scan3A_15 to %scan3A_17 step %scan3A_18 iter_args(%scan3A_690 = %scan3A_14) -> (i32)  : i32 {
      %broadcast_in_dim3A = arith.constant 1.000000e+00 : f32
      %broadcast_in_dim3A_691 = vector.broadcast %broadcast_in_dim3A : f32 to vector<16xf32>
      %mul3A_692 = arith.constant 16 : i32
      %mul3A_693 = arith.muli %scan3A_689, %mul3A_692 : i32
      %swap3A = arith.index_cast %mul3A_693 : i32 to index
      %swap3A_694 = tpu.vector_load %arg11[%swap3A] {strides = array<i32>} : memref<80xf32, #tpu.memory_space<vmem>>, vector<16xf32>,
      %swap3A_695 = vector.shape_cast %swap3A_694 : vector<16xf32> to vector<16xf32>
      %swap3A_696 = vector.shape_cast %broadcast_in_dim3A_691 : vector<16xf32> to vector<16xf32>
      tpu.vector_store %arg11[%swap3A], %swap3A_696 {strides = array<i32>} : memref<80xf32, #tpu.memory_space<vmem>>, vector<16xf32>,
      %scan3A_697 = arith.constant 0 : i32
      scf.yield %scan3A_697 : i32
    }
    %scan3A_20 = arith.constant 5 : i32
    %mul3A_21 = arith.constant 640 : i32
    %mul3A_22 = arith.muli %arg1, %mul3A_21 : i32
    %add3A_23 = arith.constant 0 : i32
    %add3A_24 = arith.addi %mul3A_22, %add3A_23 : i32
    "tpu.region"() ({
      %run_scoped3A_689 = tpu.sem_alloc : memref<!tpu.dma_semaphore, #tpu.memory_space<semaphore_mem>>
      %dma_start3A_690 = arith.constant 0 : i32
      %dma_start3A_691 = tpu.memref_slice %arg13[%add3A_24, %dma_start3A_690] : memref<10240x128xf32, #tpu.memory_space<vmem_shared>> -> memref<32x128xf32, #tpu.memory_space<vmem_shared>>
      %dma_start3A_692 = arith.constant 0 : i32
      %dma_start3A_693 = tpu.memref_slice %arg13[%add3A_24, %dma_start3A_692] : memref<10240x128xf32, #tpu.memory_space<vmem_shared>> -> memref<32x128xf32, #tpu.memory_space<vmem_shared>>
      tpu.enqueue_dma source(%arg10 : memref<32x128xf32, #tpu.memory_space<vmem>>) target(%dma_start3A_693 : memref<32x128xf32, #tpu.memory_space<vmem_shared>>) target_semaphore(%run_scoped3A_689 : memref<!tpu.dma_semaphore, #tpu.memory_space<semaphore_mem>>)
      %dma_wait3A_694 = arith.constant 0 : i32
      %dma_wait3A_695 = tpu.memref_slice %arg13[%add3A_24, %dma_wait3A_694] : memref<10240x128xf32, #tpu.memory_space<vmem_shared>> -> memref<32x128xf32, #tpu.memory_space<vmem_shared>>
      %dma_wait3A_696 = arith.constant 0 : i32
      %dma_wait3A_697 = tpu.memref_slice %arg13[%add3A_24, %dma_wait3A_696] : memref<10240x128xf32, #tpu.memory_space<vmem_shared>> -> memref<32x128xf32, #tpu.memory_space<vmem_shared>>
      tpu.wait_dma2 semaphore(%run_scoped3A_689 : memref<!tpu.dma_semaphore, #tpu.memory_space<semaphore_mem>>) src(%arg10 : memref<32x128xf32, #tpu.memory_space<vmem>>) dst(%dma_wait3A_697 : memref<32x128xf32, #tpu.memory_space<vmem_shared>>)
      tpu.yield
    }) : () -> ()
    %mul3A_25 = arith.constant 640 : i32
    %mul3A_26 = arith.muli %arg1, %mul3A_25 : i32
    %add3A_27 = arith.constant 32 : i32
    %add3A_28 = arith.addi %mul3A_26, %add3A_27 : i32
    "tpu.region"() ({
      %run_scoped3A_689 = tpu.sem_alloc : memref<!tpu.dma_semaphore, #tpu.memory_space<semaphore_mem>>
      %dma_start3A_690 = arith.constant 0 : i32
      %dma_start3A_691 = tpu.memref_slice %arg13[%add3A_28, %dma_start3A_690] : memref<10240x128xf32, #tpu.memory_space<vmem_shared>> -> memref<32x128xf32, #tpu.memory_space<vmem_shared>>
      %dma_start3A_692 = arith.constant 0 : i32
      %dma_start3A_693 = tpu.memref_slice %arg13[%add3A_28, %dma_start3A_692] : memref<10240x128xf32, #tpu.memory_space<vmem_shared>> -> memref<32x128xf32, #tpu.memory_space<vmem_shared>>
      tpu.enqueue_dma source(%arg10 : memref<32x128xf32, #tpu.memory_space<vmem>>) target(%dma_start3A_693 : memref<32x128xf32, #tpu.memory_space<vmem_shared>>) target_semaphore(%run_scoped3A_689 : memref<!tpu.dma_semaphore, #tpu.memory_space<semaphore_mem>>)
      %dma_wait3A_694 = arith.constant 0 : i32
      %dma_wait3A_695 = tpu.memref_slice %arg13[%add3A_28, %dma_wait3A_694] : memref<10240x128xf32, #tpu.memory_space<vmem_shared>> -> memref<32x128xf32, #tpu.memory_space<vmem_shared>>
      %dma_wait3A_696 = arith.constant 0 : i32
      %dma_wait3A_697 = tpu.memref_slice %arg13[%add3A_28, %dma_wait3A_696] : memref<10240x128xf32, #tpu.memory_space<vmem_shared>> -> memref<32x128xf32, #tpu.memory_space<vmem_shared>>
      tpu.wait_dma2 semaphore(%run_scoped3A_689 : memref<!tpu.dma_semaphore, #tpu.memory_space<semaphore_mem>>) src(%arg10 : memref<32x128xf32, #tpu.memory_space<vmem>>) dst(%dma_wait3A_697 : memref<32x128xf32, #tpu.memory_space<vmem_shared>>)
      tpu.yield
    }) : () -> ()
    %mul3A_29 = arith.constant 640 : i32
    %mul3A_30 = arith.muli %arg1, %mul3A_29 : i32
    %add3A_31 = arith.constant 64 : i32
    %add3A_32 = arith.addi %mul3A_30, %add3A_31 : i32
    "tpu.region"() ({
      %run_scoped3A_689 = tpu.sem_alloc : memref<!tpu.dma_semaphore, #tpu.memory_space<semaphore_mem>>
      %dma_start3A_690 = arith.constant 0 : i32
      %dma_start3A_691 = tpu.memref_slice %arg13[%add3A_32, %dma_start3A_690] : memref<10240x128xf32, #tpu.memory_space<vmem_shared>> -> memref<32x128xf32, #tpu.memory_space<vmem_shared>>
      %dma_start3A_692 = arith.constant 0 : i32
      %dma_start3A_693 = tpu.memref_slice %arg13[%add3A_32, %dma_start3A_692] : memref<10240x128xf32, #tpu.memory_space<vmem_shared>> -> memref<32x128xf32, #tpu.memory_space<vmem_shared>>
      tpu.enqueue_dma source(%arg10 : memref<32x128xf32, #tpu.memory_space<vmem>>) target(%dma_start3A_693 : memref<32x128xf32, #tpu.memory_space<vmem_shared>>) target_semaphore(%run_scoped3A_689 : memref<!tpu.dma_semaphore, #tpu.memory_space<semaphore_mem>>)
      %dma_wait3A_694 = arith.constant 0 : i32
      %dma_wait3A_695 = tpu.memref_slice %arg13[%add3A_32, %dma_wait3A_694] : memref<10240x128xf32, #tpu.memory_space<vmem_shared>> -> memref<32x128xf32, #tpu.memory_space<vmem_shared>>
      %dma_wait3A_696 = arith.constant 0 : i32
      %dma_wait3A_697 = tpu.memref_slice %arg13[%add3A_32, %dma_wait3A_696] : memref<10240x128xf32, #tpu.memory_space<vmem_shared>> -> memref<32x128xf32, #tpu.memory_space<vmem_shared>>
      tpu.wait_dma2 semaphore(%run_scoped3A_689 : memref<!tpu.dma_semaphore, #tpu.memory_space<semaphore_mem>>) src(%arg10 : memref<32x128xf32, #tpu.memory_space<vmem>>) dst(%dma_wait3A_697 : memref<32x128xf32, #tpu.memory_space<vmem_shared>>)
      tpu.yield
    }) : () -> ()
    %mul3A_33 = arith.constant 640 : i32
    %mul3A_34 = arith.muli %arg1, %mul3A_33 : i32
    %add3A_35 = arith.constant 96 : i32
    %add3A_36 = arith.addi %mul3A_34, %add3A_35 : i32
    "tpu.region"() ({
      %run_scoped3A_689 = tpu.sem_alloc : memref<!tpu.dma_semaphore, #tpu.memory_space<semaphore_mem>>
      %dma_start3A_690 = arith.constant 0 : i32
      %dma_start3A_691 = tpu.memref_slice %arg13[%add3A_36, %dma_start3A_690] : memref<10240x128xf32, #tpu.memory_space<vmem_shared>> -> memref<32x128xf32, #tpu.memory_space<vmem_shared>>
      %dma_start3A_692 = arith.constant 0 : i32
      %dma_start3A_693 = tpu.memref_slice %arg13[%add3A_36, %dma_start3A_692] : memref<10240x128xf32, #tpu.memory_space<vmem_shared>> -> memref<32x128xf32, #tpu.memory_space<vmem_shared>>
      tpu.enqueue_dma source(%arg10 : memref<32x128xf32, #tpu.memory_space<vmem>>) target(%dma_start3A_693 : memref<32x128xf32, #tpu.memory_space<vmem_shared>>) target_semaphore(%run_scoped3A_689 : memref<!tpu.dma_semaphore, #tpu.memory_space<semaphore_mem>>)
      %dma_wait3A_694 = arith.constant 0 : i32
      %dma_wait3A_695 = tpu.memref_slice %arg13[%add3A_36, %dma_wait3A_694] : memref<10240x128xf32, #tpu.memory_space<vmem_shared>> -> memref<32x128xf32, #tpu.memory_space<vmem_shared>>
      %dma_wait3A_696 = arith.constant 0 : i32
      %dma_wait3A_697 = tpu.memref_slice %arg13[%add3A_36, %dma_wait3A_696] : memref<10240x128xf32, #tpu.memory_space<vmem_shared>> -> memref<32x128xf32, #tpu.memory_space<vmem_shared>>
      tpu.wait_dma2 semaphore(%run_scoped3A_689 : memref<!tpu.dma_semaphore, #tpu.memory_space<semaphore_mem>>) src(%arg10 : memref<32x128xf32, #tpu.memory_space<vmem>>) dst(%dma_wait3A_697 : memref<32x128xf32, #tpu.memory_space<vmem_shared>>)
      tpu.yield
    }) : () -> ()
    %mul3A_37 = arith.constant 640 : i32
    %mul3A_38 = arith.muli %arg1, %mul3A_37 : i32
    %add3A_39 = arith.constant 128 : i32
    %add3A_40 = arith.addi %mul3A_38, %add3A_39 : i32
    "tpu.region"() ({
      %run_scoped3A_689 = tpu.sem_alloc : memref<!tpu.dma_semaphore, #tpu.memory_space<semaphore_mem>>
      %dma_start3A_690 = arith.constant 0 : i32
      %dma_start3A_691 = tpu.memref_slice %arg13[%add3A_40, %dma_start3A_690] : memref<10240x128xf32, #tpu.memory_space<vmem_shared>> -> memref<32x128xf32, #tpu.memory_space<vmem_shared>>
      %dma_start3A_692 = arith.constant 0 : i32
      %dma_start3A_693 = tpu.memref_slice %arg13[%add3A_40, %dma_start3A_692] : memref<10240x128xf32, #tpu.memory_space<vmem_shared>> -> memref<32x128xf32, #tpu.memory_space<vmem_shared>>
      tpu.enqueue_dma source(%arg10 : memref<32x128xf32, #tpu.memory_space<vmem>>) target(%dma_start3A_693 : memref<32x128xf32, #tpu.memory_space<vmem_shared>>) target_semaphore(%run_scoped3A_689 : memref<!tpu.dma_semaphore, #tpu.memory_space<semaphore_mem>>)
      %dma_wait3A_694 = arith.constant 0 : i32
      %dma_wait3A_695 = tpu.memref_slice %arg13[%add3A_40, %dma_wait3A_694] : memref<10240x128xf32, #tpu.memory_space<vmem_shared>> -> memref<32x128xf32, #tpu.memory_space<vmem_shared>>
      %dma_wait3A_696 = arith.constant 0 : i32
      %dma_wait3A_697 = tpu.memref_slice %arg13[%add3A_40, %dma_wait3A_696] : memref<10240x128xf32, #tpu.memory_space<vmem_shared>> -> memref<32x128xf32, #tpu.memory_space<vmem_shared>>
      tpu.wait_dma2 semaphore(%run_scoped3A_689 : memref<!tpu.dma_semaphore, #tpu.memory_space<semaphore_mem>>) src(%arg10 : memref<32x128xf32, #tpu.memory_space<vmem>>) dst(%dma_wait3A_697 : memref<32x128xf32, #tpu.memory_space<vmem_shared>>)
      tpu.yield
    }) : () -> ()
    %mul3A_41 = arith.constant 640 : i32
    %mul3A_42 = arith.muli %arg1, %mul3A_41 : i32
    %add3A_43 = arith.constant 160 : i32
    %add3A_44 = arith.addi %mul3A_42, %add3A_43 : i32
    "tpu.region"() ({
      %run_scoped3A_689 = tpu.sem_alloc : memref<!tpu.dma_semaphore, #tpu.memory_space<semaphore_mem>>
      %dma_start3A_690 = arith.constant 0 : i32
      %dma_start3A_691 = tpu.memref_slice %arg13[%add3A_44, %dma_start3A_690] : memref<10240x128xf32, #tpu.memory_space<vmem_shared>> -> memref<32x128xf32, #tpu.memory_space<vmem_shared>>
      %dma_start3A_692 = arith.constant 0 : i32
      %dma_start3A_693 = tpu.memref_slice %arg13[%add3A_44, %dma_start3A_692] : memref<10240x128xf32, #tpu.memory_space<vmem_shared>> -> memref<32x128xf32, #tpu.memory_space<vmem_shared>>
      tpu.enqueue_dma source(%arg10 : memref<32x128xf32, #tpu.memory_space<vmem>>) target(%dma_start3A_693 : memref<32x128xf32, #tpu.memory_space<vmem_shared>>) target_semaphore(%run_scoped3A_689 : memref<!tpu.dma_semaphore, #tpu.memory_space<semaphore_mem>>)
      %dma_wait3A_694 = arith.constant 0 : i32
      %dma_wait3A_695 = tpu.memref_slice %arg13[%add3A_44, %dma_wait3A_694] : memref<10240x128xf32, #tpu.memory_space<vmem_shared>> -> memref<32x128xf32, #tpu.memory_space<vmem_shared>>
      %dma_wait3A_696 = arith.constant 0 : i32
      %dma_wait3A_697 = tpu.memref_slice %arg13[%add3A_44, %dma_wait3A_696] : memref<10240x128xf32, #tpu.memory_space<vmem_shared>> -> memref<32x128xf32, #tpu.memory_space<vmem_shared>>
      tpu.wait_dma2 semaphore(%run_scoped3A_689 : memref<!tpu.dma_semaphore, #tpu.memory_space<semaphore_mem>>) src(%arg10 : memref<32x128xf32, #tpu.memory_space<vmem>>) dst(%dma_wait3A_697 : memref<32x128xf32, #tpu.memory_space<vmem_shared>>)
      tpu.yield
    }) : () -> ()
    %mul3A_45 = arith.constant 640 : i32
    %mul3A_46 = arith.muli %arg1, %mul3A_45 : i32
    %add3A_47 = arith.constant 192 : i32
    %add3A_48 = arith.addi %mul3A_46, %add3A_47 : i32
    "tpu.region"() ({
      %run_scoped3A_689 = tpu.sem_alloc : memref<!tpu.dma_semaphore, #tpu.memory_space<semaphore_mem>>
      %dma_start3A_690 = arith.constant 0 : i32
      %dma_start3A_691 = tpu.memref_slice %arg13[%add3A_48, %dma_start3A_690] : memref<10240x128xf32, #tpu.memory_space<vmem_shared>> -> memref<32x128xf32, #tpu.memory_space<vmem_shared>>
      %dma_start3A_692 = arith.constant 0 : i32
      %dma_start3A_693 = tpu.memref_slice %arg13[%add3A_48, %dma_start3A_692] : memref<10240x128xf32, #tpu.memory_space<vmem_shared>> -> memref<32x128xf32, #tpu.memory_space<vmem_shared>>
      tpu.enqueue_dma source(%arg10 : memref<32x128xf32, #tpu.memory_space<vmem>>) target(%dma_start3A_693 : memref<32x128xf32, #tpu.memory_space<vmem_shared>>) target_semaphore(%run_scoped3A_689 : memref<!tpu.dma_semaphore, #tpu.memory_space<semaphore_mem>>)
      %dma_wait3A_694 = arith.constant 0 : i32
      %dma_wait3A_695 = tpu.memref_slice %arg13[%add3A_48, %dma_wait3A_694] : memref<10240x128xf32, #tpu.memory_space<vmem_shared>> -> memref<32x128xf32, #tpu.memory_space<vmem_shared>>
      %dma_wait3A_696 = arith.constant 0 : i32
      %dma_wait3A_697 = tpu.memref_slice %arg13[%add3A_48, %dma_wait3A_696] : memref<10240x128xf32, #tpu.memory_space<vmem_shared>> -> memref<32x128xf32, #tpu.memory_space<vmem_shared>>
      tpu.wait_dma2 semaphore(%run_scoped3A_689 : memref<!tpu.dma_semaphore, #tpu.memory_space<semaphore_mem>>) src(%arg10 : memref<32x128xf32, #tpu.memory_space<vmem>>) dst(%dma_wait3A_697 : memref<32x128xf32, #tpu.memory_space<vmem_shared>>)
      tpu.yield
    }) : () -> ()
    %mul3A_49 = arith.constant 640 : i32
    %mul3A_50 = arith.muli %arg1, %mul3A_49 : i32
    %add3A_51 = arith.constant 224 : i32
    %add3A_52 = arith.addi %mul3A_50, %add3A_51 : i32
    "tpu.region"() ({
      %run_scoped3A_689 = tpu.sem_alloc : memref<!tpu.dma_semaphore, #tpu.memory_space<semaphore_mem>>
      %dma_start3A_690 = arith.constant 0 : i32
      %dma_start3A_691 = tpu.memref_slice %arg13[%add3A_52, %dma_start3A_690] : memref<10240x128xf32, #tpu.memory_space<vmem_shared>> -> memref<32x128xf32, #tpu.memory_space<vmem_shared>>
      %dma_start3A_692 = arith.constant 0 : i32
      %dma_start3A_693 = tpu.memref_slice %arg13[%add3A_52, %dma_start3A_692] : memref<10240x128xf32, #tpu.memory_space<vmem_shared>> -> memref<32x128xf32, #tpu.memory_space<vmem_shared>>
      tpu.enqueue_dma source(%arg10 : memref<32x128xf32, #tpu.memory_space<vmem>>) target(%dma_start3A_693 : memref<32x128xf32, #tpu.memory_space<vmem_shared>>) target_semaphore(%run_scoped3A_689 : memref<!tpu.dma_semaphore, #tpu.memory_space<semaphore_mem>>)
      %dma_wait3A_694 = arith.constant 0 : i32
      %dma_wait3A_695 = tpu.memref_slice %arg13[%add3A_52, %dma_wait3A_694] : memref<10240x128xf32, #tpu.memory_space<vmem_shared>> -> memref<32x128xf32, #tpu.memory_space<vmem_shared>>
      %dma_wait3A_696 = arith.constant 0 : i32
      %dma_wait3A_697 = tpu.memref_slice %arg13[%add3A_52, %dma_wait3A_696] : memref<10240x128xf32, #tpu.memory_space<vmem_shared>> -> memref<32x128xf32, #tpu.memory_space<vmem_shared>>
      tpu.wait_dma2 semaphore(%run_scoped3A_689 : memref<!tpu.dma_semaphore, #tpu.memory_space<semaphore_mem>>) src(%arg10 : memref<32x128xf32, #tpu.memory_space<vmem>>) dst(%dma_wait3A_697 : memref<32x128xf32, #tpu.memory_space<vmem_shared>>)
      tpu.yield
    }) : () -> ()
    %mul3A_53 = arith.constant 640 : i32
    %mul3A_54 = arith.muli %arg1, %mul3A_53 : i32
    %add3A_55 = arith.constant 256 : i32
    %add3A_56 = arith.addi %mul3A_54, %add3A_55 : i32
    "tpu.region"() ({
      %run_scoped3A_689 = tpu.sem_alloc : memref<!tpu.dma_semaphore, #tpu.memory_space<semaphore_mem>>
      %dma_start3A_690 = arith.constant 0 : i32
      %dma_start3A_691 = tpu.memref_slice %arg13[%add3A_56, %dma_start3A_690] : memref<10240x128xf32, #tpu.memory_space<vmem_shared>> -> memref<32x128xf32, #tpu.memory_space<vmem_shared>>
      %dma_start3A_692 = arith.constant 0 : i32
      %dma_start3A_693 = tpu.memref_slice %arg13[%add3A_56, %dma_start3A_692] : memref<10240x128xf32, #tpu.memory_space<vmem_shared>> -> memref<32x128xf32, #tpu.memory_space<vmem_shared>>
      tpu.enqueue_dma source(%arg10 : memref<32x128xf32, #tpu.memory_space<vmem>>) target(%dma_start3A_693 : memref<32x128xf32, #tpu.memory_space<vmem_shared>>) target_semaphore(%run_scoped3A_689 : memref<!tpu.dma_semaphore, #tpu.memory_space<semaphore_mem>>)
      %dma_wait3A_694 = arith.constant 0 : i32
      %dma_wait3A_695 = tpu.memref_slice %arg13[%add3A_56, %dma_wait3A_694] : memref<10240x128xf32, #tpu.memory_space<vmem_shared>> -> memref<32x128xf32, #tpu.memory_space<vmem_shared>>
      %dma_wait3A_696 = arith.constant 0 : i32
      %dma_wait3A_697 = tpu.memref_slice %arg13[%add3A_56, %dma_wait3A_696] : memref<10240x128xf32, #tpu.memory_space<vmem_shared>> -> memref<32x128xf32, #tpu.memory_space<vmem_shared>>
      tpu.wait_dma2 semaphore(%run_scoped3A_689 : memref<!tpu.dma_semaphore, #tpu.memory_space<semaphore_mem>>) src(%arg10 : memref<32x128xf32, #tpu.memory_space<vmem>>) dst(%dma_wait3A_697 : memref<32x128xf32, #tpu.memory_space<vmem_shared>>)
      tpu.yield
    }) : () -> ()
    %mul3A_57 = arith.constant 640 : i32
    %mul3A_58 = arith.muli %arg1, %mul3A_57 : i32
    %add3A_59 = arith.constant 288 : i32
    %add3A_60 = arith.addi %mul3A_58, %add3A_59 : i32
    "tpu.region"() ({
      %run_scoped3A_689 = tpu.sem_alloc : memref<!tpu.dma_semaphore, #tpu.memory_space<semaphore_mem>>
      %dma_start3A_690 = arith.constant 0 : i32
      %dma_start3A_691 = tpu.memref_slice %arg13[%add3A_60, %dma_start3A_690] : memref<10240x128xf32, #tpu.memory_space<vmem_shared>> -> memref<32x128xf32, #tpu.memory_space<vmem_shared>>
      %dma_start3A_692 = arith.constant 0 : i32
      %dma_start3A_693 = tpu.memref_slice %arg13[%add3A_60, %dma_start3A_692] : memref<10240x128xf32, #tpu.memory_space<vmem_shared>> -> memref<32x128xf32, #tpu.memory_space<vmem_shared>>
      tpu.enqueue_dma source(%arg10 : memref<32x128xf32, #tpu.memory_space<vmem>>) target(%dma_start3A_693 : memref<32x128xf32, #tpu.memory_space<vmem_shared>>) target_semaphore(%run_scoped3A_689 : memref<!tpu.dma_semaphore, #tpu.memory_space<semaphore_mem>>)
      %dma_wait3A_694 = arith.constant 0 : i32
      %dma_wait3A_695 = tpu.memref_slice %arg13[%add3A_60, %dma_wait3A_694] : memref<10240x128xf32, #tpu.memory_space<vmem_shared>> -> memref<32x128xf32, #tpu.memory_space<vmem_shared>>
      %dma_wait3A_696 = arith.constant 0 : i32
      %dma_wait3A_697 = tpu.memref_slice %arg13[%add3A_60, %dma_wait3A_696] : memref<10240x128xf32, #tpu.memory_space<vmem_shared>> -> memref<32x128xf32, #tpu.memory_space<vmem_shared>>
      tpu.wait_dma2 semaphore(%run_scoped3A_689 : memref<!tpu.dma_semaphore, #tpu.memory_space<semaphore_mem>>) src(%arg10 : memref<32x128xf32, #tpu.memory_space<vmem>>) dst(%dma_wait3A_697 : memref<32x128xf32, #tpu.memory_space<vmem_shared>>)
      tpu.yield
    }) : () -> ()
    %mul3A_61 = arith.constant 640 : i32
    %mul3A_62 = arith.muli %arg1, %mul3A_61 : i32
    %add3A_63 = arith.constant 320 : i32
    %add3A_64 = arith.addi %mul3A_62, %add3A_63 : i32
    "tpu.region"() ({
      %run_scoped3A_689 = tpu.sem_alloc : memref<!tpu.dma_semaphore, #tpu.memory_space<semaphore_mem>>
      %dma_start3A_690 = arith.constant 0 : i32
      %dma_start3A_691 = tpu.memref_slice %arg13[%add3A_64, %dma_start3A_690] : memref<10240x128xf32, #tpu.memory_space<vmem_shared>> -> memref<32x128xf32, #tpu.memory_space<vmem_shared>>
      %dma_start3A_692 = arith.constant 0 : i32
      %dma_start3A_693 = tpu.memref_slice %arg13[%add3A_64, %dma_start3A_692] : memref<10240x128xf32, #tpu.memory_space<vmem_shared>> -> memref<32x128xf32, #tpu.memory_space<vmem_shared>>
      tpu.enqueue_dma source(%arg10 : memref<32x128xf32, #tpu.memory_space<vmem>>) target(%dma_start3A_693 : memref<32x128xf32, #tpu.memory_space<vmem_shared>>) target_semaphore(%run_scoped3A_689 : memref<!tpu.dma_semaphore, #tpu.memory_space<semaphore_mem>>)
      %dma_wait3A_694 = arith.constant 0 : i32
      %dma_wait3A_695 = tpu.memref_slice %arg13[%add3A_64, %dma_wait3A_694] : memref<10240x128xf32, #tpu.memory_space<vmem_shared>> -> memref<32x128xf32, #tpu.memory_space<vmem_shared>>
      %dma_wait3A_696 = arith.constant 0 : i32
      %dma_wait3A_697 = tpu.memref_slice %arg13[%add3A_64, %dma_wait3A_696] : memref<10240x128xf32, #tpu.memory_space<vmem_shared>> -> memref<32x128xf32, #tpu.memory_space<vmem_shared>>
      tpu.wait_dma2 semaphore(%run_scoped3A_689 : memref<!tpu.dma_semaphore, #tpu.memory_space<semaphore_mem>>) src(%arg10 : memref<32x128xf32, #tpu.memory_space<vmem>>) dst(%dma_wait3A_697 : memref<32x128xf32, #tpu.memory_space<vmem_shared>>)
      tpu.yield
    }) : () -> ()
    %mul3A_65 = arith.constant 640 : i32
    %mul3A_66 = arith.muli %arg1, %mul3A_65 : i32
    %add3A_67 = arith.constant 352 : i32
    %add3A_68 = arith.addi %mul3A_66, %add3A_67 : i32
    "tpu.region"() ({
      %run_scoped3A_689 = tpu.sem_alloc : memref<!tpu.dma_semaphore, #tpu.memory_space<semaphore_mem>>
      %dma_start3A_690 = arith.constant 0 : i32
      %dma_start3A_691 = tpu.memref_slice %arg13[%add3A_68, %dma_start3A_690] : memref<10240x128xf32, #tpu.memory_space<vmem_shared>> -> memref<32x128xf32, #tpu.memory_space<vmem_shared>>
      %dma_start3A_692 = arith.constant 0 : i32
      %dma_start3A_693 = tpu.memref_slice %arg13[%add3A_68, %dma_start3A_692] : memref<10240x128xf32, #tpu.memory_space<vmem_shared>> -> memref<32x128xf32, #tpu.memory_space<vmem_shared>>
      tpu.enqueue_dma source(%arg10 : memref<32x128xf32, #tpu.memory_space<vmem>>) target(%dma_start3A_693 : memref<32x128xf32, #tpu.memory_space<vmem_shared>>) target_semaphore(%run_scoped3A_689 : memref<!tpu.dma_semaphore, #tpu.memory_space<semaphore_mem>>)
      %dma_wait3A_694 = arith.constant 0 : i32
      %dma_wait3A_695 = tpu.memref_slice %arg13[%add3A_68, %dma_wait3A_694] : memref<10240x128xf32, #tpu.memory_space<vmem_shared>> -> memref<32x128xf32, #tpu.memory_space<vmem_shared>>
      %dma_wait3A_696 = arith.constant 0 : i32
      %dma_wait3A_697 = tpu.memref_slice %arg13[%add3A_68, %dma_wait3A_696] : memref<10240x128xf32, #tpu.memory_space<vmem_shared>> -> memref<32x128xf32, #tpu.memory_space<vmem_shared>>
      tpu.wait_dma2 semaphore(%run_scoped3A_689 : memref<!tpu.dma_semaphore, #tpu.memory_space<semaphore_mem>>) src(%arg10 : memref<32x128xf32, #tpu.memory_space<vmem>>) dst(%dma_wait3A_697 : memref<32x128xf32, #tpu.memory_space<vmem_shared>>)
      tpu.yield
    }) : () -> ()
    %mul3A_69 = arith.constant 640 : i32
    %mul3A_70 = arith.muli %arg1, %mul3A_69 : i32
    %add3A_71 = arith.constant 384 : i32
    %add3A_72 = arith.addi %mul3A_70, %add3A_71 : i32
    "tpu.region"() ({
      %run_scoped3A_689 = tpu.sem_alloc : memref<!tpu.dma_semaphore, #tpu.memory_space<semaphore_mem>>
      %dma_start3A_690 = arith.constant 0 : i32
      %dma_start3A_691 = tpu.memref_slice %arg13[%add3A_72, %dma_start3A_690] : memref<10240x128xf32, #tpu.memory_space<vmem_shared>> -> memref<32x128xf32, #tpu.memory_space<vmem_shared>>
      %dma_start3A_692 = arith.constant 0 : i32
      %dma_start3A_693 = tpu.memref_slice %arg13[%add3A_72, %dma_start3A_692] : memref<10240x128xf32, #tpu.memory_space<vmem_shared>> -> memref<32x128xf32, #tpu.memory_space<vmem_shared>>
      tpu.enqueue_dma source(%arg10 : memref<32x128xf32, #tpu.memory_space<vmem>>) target(%dma_start3A_693 : memref<32x128xf32, #tpu.memory_space<vmem_shared>>) target_semaphore(%run_scoped3A_689 : memref<!tpu.dma_semaphore, #tpu.memory_space<semaphore_mem>>)
      %dma_wait3A_694 = arith.constant 0 : i32
      %dma_wait3A_695 = tpu.memref_slice %arg13[%add3A_72, %dma_wait3A_694] : memref<10240x128xf32, #tpu.memory_space<vmem_shared>> -> memref<32x128xf32, #tpu.memory_space<vmem_shared>>
      %dma_wait3A_696 = arith.constant 0 : i32
      %dma_wait3A_697 = tpu.memref_slice %arg13[%add3A_72, %dma_wait3A_696] : memref<10240x128xf32, #tpu.memory_space<vmem_shared>> -> memref<32x128xf32, #tpu.memory_space<vmem_shared>>
      tpu.wait_dma2 semaphore(%run_scoped3A_689 : memref<!tpu.dma_semaphore, #tpu.memory_space<semaphore_mem>>) src(%arg10 : memref<32x128xf32, #tpu.memory_space<vmem>>) dst(%dma_wait3A_697 : memref<32x128xf32, #tpu.memory_space<vmem_shared>>)
      tpu.yield
    }) : () -> ()
    %mul3A_73 = arith.constant 640 : i32
    %mul3A_74 = arith.muli %arg1, %mul3A_73 : i32
    %add3A_75 = arith.constant 416 : i32
    %add3A_76 = arith.addi %mul3A_74, %add3A_75 : i32
    "tpu.region"() ({
      %run_scoped3A_689 = tpu.sem_alloc : memref<!tpu.dma_semaphore, #tpu.memory_space<semaphore_mem>>
      %dma_start3A_690 = arith.constant 0 : i32
      %dma_start3A_691 = tpu.memref_slice %arg13[%add3A_76, %dma_start3A_690] : memref<10240x128xf32, #tpu.memory_space<vmem_shared>> -> memref<32x128xf32, #tpu.memory_space<vmem_shared>>
      %dma_start3A_692 = arith.constant 0 : i32
      %dma_start3A_693 = tpu.memref_slice %arg13[%add3A_76, %dma_start3A_692] : memref<10240x128xf32, #tpu.memory_space<vmem_shared>> -> memref<32x128xf32, #tpu.memory_space<vmem_shared>>
      tpu.enqueue_dma source(%arg10 : memref<32x128xf32, #tpu.memory_space<vmem>>) target(%dma_start3A_693 : memref<32x128xf32, #tpu.memory_space<vmem_shared>>) target_semaphore(%run_scoped3A_689 : memref<!tpu.dma_semaphore, #tpu.memory_space<semaphore_mem>>)
      %dma_wait3A_694 = arith.constant 0 : i32
      %dma_wait3A_695 = tpu.memref_slice %arg13[%add3A_76, %dma_wait3A_694] : memref<10240x128xf32, #tpu.memory_space<vmem_shared>> -> memref<32x128xf32, #tpu.memory_space<vmem_shared>>
      %dma_wait3A_696 = arith.constant 0 : i32
      %dma_wait3A_697 = tpu.memref_slice %arg13[%add3A_76, %dma_wait3A_696] : memref<10240x128xf32, #tpu.memory_space<vmem_shared>> -> memref<32x128xf32, #tpu.memory_space<vmem_shared>>
      tpu.wait_dma2 semaphore(%run_scoped3A_689 : memref<!tpu.dma_semaphore, #tpu.memory_space<semaphore_mem>>) src(%arg10 : memref<32x128xf32, #tpu.memory_space<vmem>>) dst(%dma_wait3A_697 : memref<32x128xf32, #tpu.memory_space<vmem_shared>>)
      tpu.yield
    }) : () -> ()
    %mul3A_77 = arith.constant 640 : i32
    %mul3A_78 = arith.muli %arg1, %mul3A_77 : i32
    %add3A_79 = arith.constant 448 : i32
    %add3A_80 = arith.addi %mul3A_78, %add3A_79 : i32
    "tpu.region"() ({
      %run_scoped3A_689 = tpu.sem_alloc : memref<!tpu.dma_semaphore, #tpu.memory_space<semaphore_mem>>
      %dma_start3A_690 = arith.constant 0 : i32
      %dma_start3A_691 = tpu.memref_slice %arg13[%add3A_80, %dma_start3A_690] : memref<10240x128xf32, #tpu.memory_space<vmem_shared>> -> memref<32x128xf32, #tpu.memory_space<vmem_shared>>
      %dma_start3A_692 = arith.constant 0 : i32
      %dma_start3A_693 = tpu.memref_slice %arg13[%add3A_80, %dma_start3A_692] : memref<10240x128xf32, #tpu.memory_space<vmem_shared>> -> memref<32x128xf32, #tpu.memory_space<vmem_shared>>
      tpu.enqueue_dma source(%arg10 : memref<32x128xf32, #tpu.memory_space<vmem>>) target(%dma_start3A_693 : memref<32x128xf32, #tpu.memory_space<vmem_shared>>) target_semaphore(%run_scoped3A_689 : memref<!tpu.dma_semaphore, #tpu.memory_space<semaphore_mem>>)
      %dma_wait3A_694 = arith.constant 0 : i32
      %dma_wait3A_695 = tpu.memref_slice %arg13[%add3A_80, %dma_wait3A_694] : memref<10240x128xf32, #tpu.memory_space<vmem_shared>> -> memref<32x128xf32, #tpu.memory_space<vmem_shared>>
      %dma_wait3A_696 = arith.constant 0 : i32
      %dma_wait3A_697 = tpu.memref_slice %arg13[%add3A_80, %dma_wait3A_696] : memref<10240x128xf32, #tpu.memory_space<vmem_shared>> -> memref<32x128xf32, #tpu.memory_space<vmem_shared>>
      tpu.wait_dma2 semaphore(%run_scoped3A_689 : memref<!tpu.dma_semaphore, #tpu.memory_space<semaphore_mem>>) src(%arg10 : memref<32x128xf32, #tpu.memory_space<vmem>>) dst(%dma_wait3A_697 : memref<32x128xf32, #tpu.memory_space<vmem_shared>>)
      tpu.yield
    }) : () -> ()
    %mul3A_81 = arith.constant 640 : i32
    %mul3A_82 = arith.muli %arg1, %mul3A_81 : i32
    %add3A_83 = arith.constant 480 : i32
    %add3A_84 = arith.addi %mul3A_82, %add3A_83 : i32
    "tpu.region"() ({
      %run_scoped3A_689 = tpu.sem_alloc : memref<!tpu.dma_semaphore, #tpu.memory_space<semaphore_mem>>
      %dma_start3A_690 = arith.constant 0 : i32
      %dma_start3A_691 = tpu.memref_slice %arg13[%add3A_84, %dma_start3A_690] : memref<10240x128xf32, #tpu.memory_space<vmem_shared>> -> memref<32x128xf32, #tpu.memory_space<vmem_shared>>
      %dma_start3A_692 = arith.constant 0 : i32
      %dma_start3A_693 = tpu.memref_slice %arg13[%add3A_84, %dma_start3A_692] : memref<10240x128xf32, #tpu.memory_space<vmem_shared>> -> memref<32x128xf32, #tpu.memory_space<vmem_shared>>
      tpu.enqueue_dma source(%arg10 : memref<32x128xf32, #tpu.memory_space<vmem>>) target(%dma_start3A_693 : memref<32x128xf32, #tpu.memory_space<vmem_shared>>) target_semaphore(%run_scoped3A_689 : memref<!tpu.dma_semaphore, #tpu.memory_space<semaphore_mem>>)
      %dma_wait3A_694 = arith.constant 0 : i32
      %dma_wait3A_695 = tpu.memref_slice %arg13[%add3A_84, %dma_wait3A_694] : memref<10240x128xf32, #tpu.memory_space<vmem_shared>> -> memref<32x128xf32, #tpu.memory_space<vmem_shared>>
      %dma_wait3A_696 = arith.constant 0 : i32
      %dma_wait3A_697 = tpu.memref_slice %arg13[%add3A_84, %dma_wait3A_696] : memref<10240x128xf32, #tpu.memory_space<vmem_shared>> -> memref<32x128xf32, #tpu.memory_space<vmem_shared>>
      tpu.wait_dma2 semaphore(%run_scoped3A_689 : memref<!tpu.dma_semaphore, #tpu.memory_space<semaphore_mem>>) src(%arg10 : memref<32x128xf32, #tpu.memory_space<vmem>>) dst(%dma_wait3A_697 : memref<32x128xf32, #tpu.memory_space<vmem_shared>>)
      tpu.yield
    }) : () -> ()
    %mul3A_85 = arith.constant 640 : i32
    %mul3A_86 = arith.muli %arg1, %mul3A_85 : i32
    %add3A_87 = arith.constant 512 : i32
    %add3A_88 = arith.addi %mul3A_86, %add3A_87 : i32
    "tpu.region"() ({
      %run_scoped3A_689 = tpu.sem_alloc : memref<!tpu.dma_semaphore, #tpu.memory_space<semaphore_mem>>
      %dma_start3A_690 = arith.constant 0 : i32
      %dma_start3A_691 = tpu.memref_slice %arg13[%add3A_88, %dma_start3A_690] : memref<10240x128xf32, #tpu.memory_space<vmem_shared>> -> memref<32x128xf32, #tpu.memory_space<vmem_shared>>
      %dma_start3A_692 = arith.constant 0 : i32
      %dma_start3A_693 = tpu.memref_slice %arg13[%add3A_88, %dma_start3A_692] : memref<10240x128xf32, #tpu.memory_space<vmem_shared>> -> memref<32x128xf32, #tpu.memory_space<vmem_shared>>
      tpu.enqueue_dma source(%arg10 : memref<32x128xf32, #tpu.memory_space<vmem>>) target(%dma_start3A_693 : memref<32x128xf32, #tpu.memory_space<vmem_shared>>) target_semaphore(%run_scoped3A_689 : memref<!tpu.dma_semaphore, #tpu.memory_space<semaphore_mem>>)
      %dma_wait3A_694 = arith.constant 0 : i32
      %dma_wait3A_695 = tpu.memref_slice %arg13[%add3A_88, %dma_wait3A_694] : memref<10240x128xf32, #tpu.memory_space<vmem_shared>> -> memref<32x128xf32, #tpu.memory_space<vmem_shared>>
      %dma_wait3A_696 = arith.constant 0 : i32
      %dma_wait3A_697 = tpu.memref_slice %arg13[%add3A_88, %dma_wait3A_696] : memref<10240x128xf32, #tpu.memory_space<vmem_shared>> -> memref<32x128xf32, #tpu.memory_space<vmem_shared>>
      tpu.wait_dma2 semaphore(%run_scoped3A_689 : memref<!tpu.dma_semaphore, #tpu.memory_space<semaphore_mem>>) src(%arg10 : memref<32x128xf32, #tpu.memory_space<vmem>>) dst(%dma_wait3A_697 : memref<32x128xf32, #tpu.memory_space<vmem_shared>>)
      tpu.yield
    }) : () -> ()
    %mul3A_89 = arith.constant 640 : i32
    %mul3A_90 = arith.muli %arg1, %mul3A_89 : i32
    %add3A_91 = arith.constant 544 : i32
    %add3A_92 = arith.addi %mul3A_90, %add3A_91 : i32
    "tpu.region"() ({
      %run_scoped3A_689 = tpu.sem_alloc : memref<!tpu.dma_semaphore, #tpu.memory_space<semaphore_mem>>
      %dma_start3A_690 = arith.constant 0 : i32
      %dma_start3A_691 = tpu.memref_slice %arg13[%add3A_92, %dma_start3A_690] : memref<10240x128xf32, #tpu.memory_space<vmem_shared>> -> memref<32x128xf32, #tpu.memory_space<vmem_shared>>
      %dma_start3A_692 = arith.constant 0 : i32
      %dma_start3A_693 = tpu.memref_slice %arg13[%add3A_92, %dma_start3A_692] : memref<10240x128xf32, #tpu.memory_space<vmem_shared>> -> memref<32x128xf32, #tpu.memory_space<vmem_shared>>
      tpu.enqueue_dma source(%arg10 : memref<32x128xf32, #tpu.memory_space<vmem>>) target(%dma_start3A_693 : memref<32x128xf32, #tpu.memory_space<vmem_shared>>) target_semaphore(%run_scoped3A_689 : memref<!tpu.dma_semaphore, #tpu.memory_space<semaphore_mem>>)
      %dma_wait3A_694 = arith.constant 0 : i32
      %dma_wait3A_695 = tpu.memref_slice %arg13[%add3A_92, %dma_wait3A_694] : memref<10240x128xf32, #tpu.memory_space<vmem_shared>> -> memref<32x128xf32, #tpu.memory_space<vmem_shared>>
      %dma_wait3A_696 = arith.constant 0 : i32
      %dma_wait3A_697 = tpu.memref_slice %arg13[%add3A_92, %dma_wait3A_696] : memref<10240x128xf32, #tpu.memory_space<vmem_shared>> -> memref<32x128xf32, #tpu.memory_space<vmem_shared>>
      tpu.wait_dma2 semaphore(%run_scoped3A_689 : memref<!tpu.dma_semaphore, #tpu.memory_space<semaphore_mem>>) src(%arg10 : memref<32x128xf32, #tpu.memory_space<vmem>>) dst(%dma_wait3A_697 : memref<32x128xf32, #tpu.memory_space<vmem_shared>>)
      tpu.yield
    }) : () -> ()
    %mul3A_93 = arith.constant 640 : i32
    %mul3A_94 = arith.muli %arg1, %mul3A_93 : i32
    %add3A_95 = arith.constant 576 : i32
    %add3A_96 = arith.addi %mul3A_94, %add3A_95 : i32
    "tpu.region"() ({
      %run_scoped3A_689 = tpu.sem_alloc : memref<!tpu.dma_semaphore, #tpu.memory_space<semaphore_mem>>
      %dma_start3A_690 = arith.constant 0 : i32
      %dma_start3A_691 = tpu.memref_slice %arg13[%add3A_96, %dma_start3A_690] : memref<10240x128xf32, #tpu.memory_space<vmem_shared>> -> memref<32x128xf32, #tpu.memory_space<vmem_shared>>
      %dma_start3A_692 = arith.constant 0 : i32
      %dma_start3A_693 = tpu.memref_slice %arg13[%add3A_96, %dma_start3A_692] : memref<10240x128xf32, #tpu.memory_space<vmem_shared>> -> memref<32x128xf32, #tpu.memory_space<vmem_shared>>
      tpu.enqueue_dma source(%arg10 : memref<32x128xf32, #tpu.memory_space<vmem>>) target(%dma_start3A_693 : memref<32x128xf32, #tpu.memory_space<vmem_shared>>) target_semaphore(%run_scoped3A_689 : memref<!tpu.dma_semaphore, #tpu.memory_space<semaphore_mem>>)
      %dma_wait3A_694 = arith.constant 0 : i32
      %dma_wait3A_695 = tpu.memref_slice %arg13[%add3A_96, %dma_wait3A_694] : memref<10240x128xf32, #tpu.memory_space<vmem_shared>> -> memref<32x128xf32, #tpu.memory_space<vmem_shared>>
      %dma_wait3A_696 = arith.constant 0 : i32
      %dma_wait3A_697 = tpu.memref_slice %arg13[%add3A_96, %dma_wait3A_696] : memref<10240x128xf32, #tpu.memory_space<vmem_shared>> -> memref<32x128xf32, #tpu.memory_space<vmem_shared>>
      tpu.wait_dma2 semaphore(%run_scoped3A_689 : memref<!tpu.dma_semaphore, #tpu.memory_space<semaphore_mem>>) src(%arg10 : memref<32x128xf32, #tpu.memory_space<vmem>>) dst(%dma_wait3A_697 : memref<32x128xf32, #tpu.memory_space<vmem_shared>>)
      tpu.yield
    }) : () -> ()
    %mul3A_97 = arith.constant 640 : i32
    %mul3A_98 = arith.muli %arg1, %mul3A_97 : i32
    %add3A_99 = arith.constant 608 : i32
    %add3A_100 = arith.addi %mul3A_98, %add3A_99 : i32
    "tpu.region"() ({
      %run_scoped3A_689 = tpu.sem_alloc : memref<!tpu.dma_semaphore, #tpu.memory_space<semaphore_mem>>
      %dma_start3A_690 = arith.constant 0 : i32
      %dma_start3A_691 = tpu.memref_slice %arg13[%add3A_100, %dma_start3A_690] : memref<10240x128xf32, #tpu.memory_space<vmem_shared>> -> memref<32x128xf32, #tpu.memory_space<vmem_shared>>
      %dma_start3A_692 = arith.constant 0 : i32
      %dma_start3A_693 = tpu.memref_slice %arg13[%add3A_100, %dma_start3A_692] : memref<10240x128xf32, #tpu.memory_space<vmem_shared>> -> memref<32x128xf32, #tpu.memory_space<vmem_shared>>
      tpu.enqueue_dma source(%arg10 : memref<32x128xf32, #tpu.memory_space<vmem>>) target(%dma_start3A_693 : memref<32x128xf32, #tpu.memory_space<vmem_shared>>) target_semaphore(%run_scoped3A_689 : memref<!tpu.dma_semaphore, #tpu.memory_space<semaphore_mem>>)
      %dma_wait3A_694 = arith.constant 0 : i32
      %dma_wait3A_695 = tpu.memref_slice %arg13[%add3A_100, %dma_wait3A_694] : memref<10240x128xf32, #tpu.memory_space<vmem_shared>> -> memref<32x128xf32, #tpu.memory_space<vmem_shared>>
      %dma_wait3A_696 = arith.constant 0 : i32
      %dma_wait3A_697 = tpu.memref_slice %arg13[%add3A_100, %dma_wait3A_696] : memref<10240x128xf32, #tpu.memory_space<vmem_shared>> -> memref<32x128xf32, #tpu.memory_space<vmem_shared>>
      tpu.wait_dma2 semaphore(%run_scoped3A_689 : memref<!tpu.dma_semaphore, #tpu.memory_space<semaphore_mem>>) src(%arg10 : memref<32x128xf32, #tpu.memory_space<vmem>>) dst(%dma_wait3A_697 : memref<32x128xf32, #tpu.memory_space<vmem_shared>>)
      tpu.yield
    }) : () -> ()
    %mul3A_101 = arith.constant 640 : i32
    %mul3A_102 = arith.muli %arg1, %mul3A_101 : i32
    "tpu.region"() ({
      %run_scoped3A_689 = tpu.sem_alloc : memref<!tpu.dma_semaphore, #tpu.memory_space<semaphore_mem>>
      %dma_start3A_690 = tpu.memref_slice %arg14[%mul3A_102] : memref<10240xf32, #tpu.memory_space<vmem_shared>> -> memref<640xf32, #tpu.memory_space<vmem_shared>>
      %dma_start3A_691 = tpu.memref_slice %arg14[%mul3A_102] : memref<10240xf32, #tpu.memory_space<vmem_shared>> -> memref<640xf32, #tpu.memory_space<vmem_shared>>
      tpu.enqueue_dma source(%arg12 : memref<640xf32, #tpu.memory_space<vmem>>) target(%dma_start3A_691 : memref<640xf32, #tpu.memory_space<vmem_shared>>) target_semaphore(%run_scoped3A_689 : memref<!tpu.dma_semaphore, #tpu.memory_space<semaphore_mem>>)
      %dma_wait3A_692 = tpu.memref_slice %arg14[%mul3A_102] : memref<10240xf32, #tpu.memory_space<vmem_shared>> -> memref<640xf32, #tpu.memory_space<vmem_shared>>
      %dma_wait3A_693 = tpu.memref_slice %arg14[%mul3A_102] : memref<10240xf32, #tpu.memory_space<vmem_shared>> -> memref<640xf32, #tpu.memory_space<vmem_shared>>
      tpu.wait_dma2 semaphore(%run_scoped3A_689 : memref<!tpu.dma_semaphore, #tpu.memory_space<semaphore_mem>>) src(%arg12 : memref<640xf32, #tpu.memory_space<vmem>>) dst(%dma_wait3A_693 : memref<640xf32, #tpu.memory_space<vmem_shared>>)
      tpu.yield
    }) : () -> ()
    %barrier3A = arith.constant 0 : index
    tpu.barrier barrier_id(%barrier3A)
    %mul3A_103 = arith.constant 10000 : i32
    %mul3A_104 = arith.muli %add3A, %mul3A_103 : i32
    %add3A_105 = arith.constant 0 : i32
    %add3A_106 = arith.addi %mul3A_104, %add3A_105 : i32
    %run_scoped3A = arith.constant 0 : i32
    "tpu.region"() ({
      %run_scoped3A_689 = tpu.sem_alloc : memref<!tpu.dma_semaphore, #tpu.memory_space<semaphore_mem>>
      %dma_start3A_690 = arith.constant 0 : i32
      %dma_start3A_691 = tpu.memref_slice %arg7[%run_scoped3A, %dma_start3A_690] : memref<4x80xi32, #tpu.memory_space<vmem>> -> memref<1x80xi32, #tpu.memory_space<vmem>>
      %dma_start3A_692 = tpu.memref_squeeze %dma_start3A_691 : memref<1x80xi32, #tpu.memory_space<vmem>> -> memref<80xi32, #tpu.memory_space<vmem>>
      %dma_start3A_693 = tpu.memref_slice %arg3[%add3A_106] : memref<320000xi32, #tpu.memory_space<hbm>> -> memref<80xi32, #tpu.memory_space<hbm>>
      %dma_start3A_694 = arith.constant 0 : i32
      %dma_start3A_695 = tpu.memref_slice %arg7[%run_scoped3A, %dma_start3A_694] : memref<4x80xi32, #tpu.memory_space<vmem>> -> memref<1x80xi32, #tpu.memory_space<vmem>>
      %dma_start3A_696 = tpu.memref_squeeze %dma_start3A_695 : memref<1x80xi32, #tpu.memory_space<vmem>> -> memref<80xi32, #tpu.memory_space<vmem>>
      %dma_start3A_697 = tpu.memref_slice %arg3[%add3A_106] : memref<320000xi32, #tpu.memory_space<hbm>> -> memref<80xi32, #tpu.memory_space<hbm>>
      tpu.enqueue_dma source(%dma_start3A_697 : memref<80xi32, #tpu.memory_space<hbm>>) target(%dma_start3A_696 : memref<80xi32, #tpu.memory_space<vmem>>) target_semaphore(%run_scoped3A_689 : memref<!tpu.dma_semaphore, #tpu.memory_space<semaphore_mem>>)
      %dma_wait3A_698 = arith.constant 0 : i32
      %dma_wait3A_699 = tpu.memref_slice %arg7[%run_scoped3A, %dma_wait3A_698] : memref<4x80xi32, #tpu.memory_space<vmem>> -> memref<1x80xi32, #tpu.memory_space<vmem>>
      %dma_wait3A_700 = tpu.memref_squeeze %dma_wait3A_699 : memref<1x80xi32, #tpu.memory_space<vmem>> -> memref<80xi32, #tpu.memory_space<vmem>>
      %dma_wait3A_701 = tpu.memref_slice %arg3[%add3A_106] : memref<320000xi32, #tpu.memory_space<hbm>> -> memref<80xi32, #tpu.memory_space<hbm>>
      %dma_wait3A_702 = arith.constant 0 : i32
      %dma_wait3A_703 = tpu.memref_slice %arg7[%run_scoped3A, %dma_wait3A_702] : memref<4x80xi32, #tpu.memory_space<vmem>> -> memref<1x80xi32, #tpu.memory_space<vmem>>
      %dma_wait3A_704 = tpu.memref_squeeze %dma_wait3A_703 : memref<1x80xi32, #tpu.memory_space<vmem>> -> memref<80xi32, #tpu.memory_space<vmem>>
      %dma_wait3A_705 = tpu.memref_slice %arg3[%add3A_106] : memref<320000xi32, #tpu.memory_space<hbm>> -> memref<80xi32, #tpu.memory_space<hbm>>
      tpu.wait_dma2 semaphore(%run_scoped3A_689 : memref<!tpu.dma_semaphore, #tpu.memory_space<semaphore_mem>>) src(%dma_wait3A_705 : memref<80xi32, #tpu.memory_space<hbm>>) dst(%dma_wait3A_704 : memref<80xi32, #tpu.memory_space<vmem>>)
      tpu.yield
    }) : () -> ()
    %run_scoped3A_107 = arith.constant 0 : i32
    "tpu.region"() ({
      %run_scoped3A_689 = tpu.sem_alloc : memref<!tpu.dma_semaphore, #tpu.memory_space<semaphore_mem>>
      %dma_start3A_690 = arith.constant 0 : i32
      %dma_start3A_691 = tpu.memref_slice %arg8[%run_scoped3A_107, %dma_start3A_690] : memref<4x80xi32, #tpu.memory_space<vmem>> -> memref<1x80xi32, #tpu.memory_space<vmem>>
      %dma_start3A_692 = tpu.memref_squeeze %dma_start3A_691 : memref<1x80xi32, #tpu.memory_space<vmem>> -> memref<80xi32, #tpu.memory_space<vmem>>
      %dma_start3A_693 = tpu.memref_slice %arg4[%add3A_106] : memref<320000xi32, #tpu.memory_space<hbm>> -> memref<80xi32, #tpu.memory_space<hbm>>
      %dma_start3A_694 = arith.constant 0 : i32
      %dma_start3A_695 = tpu.memref_slice %arg8[%run_scoped3A_107, %dma_start3A_694] : memref<4x80xi32, #tpu.memory_space<vmem>> -> memref<1x80xi32, #tpu.memory_space<vmem>>
      %dma_start3A_696 = tpu.memref_squeeze %dma_start3A_695 : memref<1x80xi32, #tpu.memory_space<vmem>> -> memref<80xi32, #tpu.memory_space<vmem>>
      %dma_start3A_697 = tpu.memref_slice %arg4[%add3A_106] : memref<320000xi32, #tpu.memory_space<hbm>> -> memref<80xi32, #tpu.memory_space<hbm>>
      tpu.enqueue_dma source(%dma_start3A_697 : memref<80xi32, #tpu.memory_space<hbm>>) target(%dma_start3A_696 : memref<80xi32, #tpu.memory_space<vmem>>) target_semaphore(%run_scoped3A_689 : memref<!tpu.dma_semaphore, #tpu.memory_space<semaphore_mem>>)
      %dma_wait3A_698 = arith.constant 0 : i32
      %dma_wait3A_699 = tpu.memref_slice %arg8[%run_scoped3A_107, %dma_wait3A_698] : memref<4x80xi32, #tpu.memory_space<vmem>> -> memref<1x80xi32, #tpu.memory_space<vmem>>
      %dma_wait3A_700 = tpu.memref_squeeze %dma_wait3A_699 : memref<1x80xi32, #tpu.memory_space<vmem>> -> memref<80xi32, #tpu.memory_space<vmem>>
      %dma_wait3A_701 = tpu.memref_slice %arg4[%add3A_106] : memref<320000xi32, #tpu.memory_space<hbm>> -> memref<80xi32, #tpu.memory_space<hbm>>
      %dma_wait3A_702 = arith.constant 0 : i32
      %dma_wait3A_703 = tpu.memref_slice %arg8[%run_scoped3A_107, %dma_wait3A_702] : memref<4x80xi32, #tpu.memory_space<vmem>> -> memref<1x80xi32, #tpu.memory_space<vmem>>
      %dma_wait3A_704 = tpu.memref_squeeze %dma_wait3A_703 : memref<1x80xi32, #tpu.memory_space<vmem>> -> memref<80xi32, #tpu.memory_space<vmem>>
      %dma_wait3A_705 = tpu.memref_slice %arg4[%add3A_106] : memref<320000xi32, #tpu.memory_space<hbm>> -> memref<80xi32, #tpu.memory_space<hbm>>
      tpu.wait_dma2 semaphore(%run_scoped3A_689 : memref<!tpu.dma_semaphore, #tpu.memory_space<semaphore_mem>>) src(%dma_wait3A_705 : memref<80xi32, #tpu.memory_space<hbm>>) dst(%dma_wait3A_704 : memref<80xi32, #tpu.memory_space<vmem>>)
      tpu.yield
    }) : () -> ()
    %mul3A_108 = arith.constant 10000 : i32
    %mul3A_109 = arith.muli %add3A, %mul3A_108 : i32
    %add3A_110 = arith.constant 80 : i32
    %add3A_111 = arith.addi %mul3A_109, %add3A_110 : i32
    %run_scoped3A_112 = arith.constant 1 : i32
    "tpu.region"() ({
      %run_scoped3A_689 = tpu.sem_alloc : memref<!tpu.dma_semaphore, #tpu.memory_space<semaphore_mem>>
      %dma_start3A_690 = arith.constant 0 : i32
      %dma_start3A_691 = tpu.memref_slice %arg7[%run_scoped3A_112, %dma_start3A_690] : memref<4x80xi32, #tpu.memory_space<vmem>> -> memref<1x80xi32, #tpu.memory_space<vmem>>
      %dma_start3A_692 = tpu.memref_squeeze %dma_start3A_691 : memref<1x80xi32, #tpu.memory_space<vmem>> -> memref<80xi32, #tpu.memory_space<vmem>>
      %dma_start3A_693 = tpu.memref_slice %arg3[%add3A_111] : memref<320000xi32, #tpu.memory_space<hbm>> -> memref<80xi32, #tpu.memory_space<hbm>>
      %dma_start3A_694 = arith.constant 0 : i32
      %dma_start3A_695 = tpu.memref_slice %arg7[%run_scoped3A_112, %dma_start3A_694] : memref<4x80xi32, #tpu.memory_space<vmem>> -> memref<1x80xi32, #tpu.memory_space<vmem>>
      %dma_start3A_696 = tpu.memref_squeeze %dma_start3A_695 : memref<1x80xi32, #tpu.memory_space<vmem>> -> memref<80xi32, #tpu.memory_space<vmem>>
      %dma_start3A_697 = tpu.memref_slice %arg3[%add3A_111] : memref<320000xi32, #tpu.memory_space<hbm>> -> memref<80xi32, #tpu.memory_space<hbm>>
      tpu.enqueue_dma source(%dma_start3A_697 : memref<80xi32, #tpu.memory_space<hbm>>) target(%dma_start3A_696 : memref<80xi32, #tpu.memory_space<vmem>>) target_semaphore(%run_scoped3A_689 : memref<!tpu.dma_semaphore, #tpu.memory_space<semaphore_mem>>)
      %dma_wait3A_698 = arith.constant 0 : i32
      %dma_wait3A_699 = tpu.memref_slice %arg7[%run_scoped3A_112, %dma_wait3A_698] : memref<4x80xi32, #tpu.memory_space<vmem>> -> memref<1x80xi32, #tpu.memory_space<vmem>>
      %dma_wait3A_700 = tpu.memref_squeeze %dma_wait3A_699 : memref<1x80xi32, #tpu.memory_space<vmem>> -> memref<80xi32, #tpu.memory_space<vmem>>
      %dma_wait3A_701 = tpu.memref_slice %arg3[%add3A_111] : memref<320000xi32, #tpu.memory_space<hbm>> -> memref<80xi32, #tpu.memory_space<hbm>>
      %dma_wait3A_702 = arith.constant 0 : i32
      %dma_wait3A_703 = tpu.memref_slice %arg7[%run_scoped3A_112, %dma_wait3A_702] : memref<4x80xi32, #tpu.memory_space<vmem>> -> memref<1x80xi32, #tpu.memory_space<vmem>>
      %dma_wait3A_704 = tpu.memref_squeeze %dma_wait3A_703 : memref<1x80xi32, #tpu.memory_space<vmem>> -> memref<80xi32, #tpu.memory_space<vmem>>
      %dma_wait3A_705 = tpu.memref_slice %arg3[%add3A_111] : memref<320000xi32, #tpu.memory_space<hbm>> -> memref<80xi32, #tpu.memory_space<hbm>>
      tpu.wait_dma2 semaphore(%run_scoped3A_689 : memref<!tpu.dma_semaphore, #tpu.memory_space<semaphore_mem>>) src(%dma_wait3A_705 : memref<80xi32, #tpu.memory_space<hbm>>) dst(%dma_wait3A_704 : memref<80xi32, #tpu.memory_space<vmem>>)
      tpu.yield
    }) : () -> ()
    %run_scoped3A_113 = arith.constant 1 : i32
    "tpu.region"() ({
      %run_scoped3A_689 = tpu.sem_alloc : memref<!tpu.dma_semaphore, #tpu.memory_space<semaphore_mem>>
      %dma_start3A_690 = arith.constant 0 : i32
      %dma_start3A_691 = tpu.memref_slice %arg8[%run_scoped3A_113, %dma_start3A_690] : memref<4x80xi32, #tpu.memory_space<vmem>> -> memref<1x80xi32, #tpu.memory_space<vmem>>
      %dma_start3A_692 = tpu.memref_squeeze %dma_start3A_691 : memref<1x80xi32, #tpu.memory_space<vmem>> -> memref<80xi32, #tpu.memory_space<vmem>>
      %dma_start3A_693 = tpu.memref_slice %arg4[%add3A_111] : memref<320000xi32, #tpu.memory_space<hbm>> -> memref<80xi32, #tpu.memory_space<hbm>>
      %dma_start3A_694 = arith.constant 0 : i32
      %dma_start3A_695 = tpu.memref_slice %arg8[%run_scoped3A_113, %dma_start3A_694] : memref<4x80xi32, #tpu.memory_space<vmem>> -> memref<1x80xi32, #tpu.memory_space<vmem>>
      %dma_start3A_696 = tpu.memref_squeeze %dma_start3A_695 : memref<1x80xi32, #tpu.memory_space<vmem>> -> memref<80xi32, #tpu.memory_space<vmem>>
      %dma_start3A_697 = tpu.memref_slice %arg4[%add3A_111] : memref<320000xi32, #tpu.memory_space<hbm>> -> memref<80xi32, #tpu.memory_space<hbm>>
      tpu.enqueue_dma source(%dma_start3A_697 : memref<80xi32, #tpu.memory_space<hbm>>) target(%dma_start3A_696 : memref<80xi32, #tpu.memory_space<vmem>>) target_semaphore(%run_scoped3A_689 : memref<!tpu.dma_semaphore, #tpu.memory_space<semaphore_mem>>)
      %dma_wait3A_698 = arith.constant 0 : i32
      %dma_wait3A_699 = tpu.memref_slice %arg8[%run_scoped3A_113, %dma_wait3A_698] : memref<4x80xi32, #tpu.memory_space<vmem>> -> memref<1x80xi32, #tpu.memory_space<vmem>>
      %dma_wait3A_700 = tpu.memref_squeeze %dma_wait3A_699 : memref<1x80xi32, #tpu.memory_space<vmem>> -> memref<80xi32, #tpu.memory_space<vmem>>
      %dma_wait3A_701 = tpu.memref_slice %arg4[%add3A_111] : memref<320000xi32, #tpu.memory_space<hbm>> -> memref<80xi32, #tpu.memory_space<hbm>>
      %dma_wait3A_702 = arith.constant 0 : i32
      %dma_wait3A_703 = tpu.memref_slice %arg8[%run_scoped3A_113, %dma_wait3A_702] : memref<4x80xi32, #tpu.memory_space<vmem>> -> memref<1x80xi32, #tpu.memory_space<vmem>>
      %dma_wait3A_704 = tpu.memref_squeeze %dma_wait3A_703 : memref<1x80xi32, #tpu.memory_space<vmem>> -> memref<80xi32, #tpu.memory_space<vmem>>
      %dma_wait3A_705 = tpu.memref_slice %arg4[%add3A_111] : memref<320000xi32, #tpu.memory_space<hbm>> -> memref<80xi32, #tpu.memory_space<hbm>>
      tpu.wait_dma2 semaphore(%run_scoped3A_689 : memref<!tpu.dma_semaphore, #tpu.memory_space<semaphore_mem>>) src(%dma_wait3A_705 : memref<80xi32, #tpu.memory_space<hbm>>) dst(%dma_wait3A_704 : memref<80xi32, #tpu.memory_space<vmem>>)
      tpu.yield
    }) : () -> ()
    %dma_start3A = arith.constant 0 : i32
    %dma_start3A_114 = arith.constant 0 : i32
    %dma_start3A_115 = arith.constant 0 : i32
    %dma_start3A_116 = arith.constant 0 : i32
    %dma_start3A_117 = arith.constant 0 : i32
    %dma_start3A_118 = tpu.memref_slice %arg9[%dma_start3A_114, %dma_start3A_116, %dma_start3A_117] : memref<3x80x128xf32, #tpu.memory_space<vmem>> -> memref<1x80x128xf32, #tpu.memory_space<vmem>>
    %dma_start3A_119 = tpu.memref_squeeze %dma_start3A_118 : memref<1x80x128xf32, #tpu.memory_space<vmem>> -> memref<80x128xf32, #tpu.memory_space<vmem>>
    %dma_start3A_120 = arith.constant 0 : i32
    %dma_start3A_121 = tpu.memref_slice %arg7[%dma_start3A, %dma_start3A_120] : memref<4x80xi32, #tpu.memory_space<vmem>> -> memref<1x80xi32, #tpu.memory_space<vmem>>
    %dma_start3A_122 = tpu.memref_squeeze %dma_start3A_121 : memref<1x80xi32, #tpu.memory_space<vmem>> -> memref<80xi32, #tpu.memory_space<vmem>>
    %dma_start3A_123 = arith.constant 0 : i32
    %dma_start3A_124 = arith.constant 0 : i32
    %dma_start3A_125 = tpu.memref_slice %arg2[%dma_start3A_123, %dma_start3A_124] : memref<10000x128xf32, #tpu.memory_space<hbm>> -> memref<10000x128xf32, #tpu.memory_space<hbm>>
    %dma_start3A_126 = tpu.memref_slice %arg16[%dma_start3A_115] : memref<3x!tpu.dma_semaphore, #tpu.memory_space<semaphore_mem>> -> memref<1x!tpu.dma_semaphore, #tpu.memory_space<semaphore_mem>>
    %dma_start3A_127 = tpu.memref_squeeze %dma_start3A_126 : memref<1x!tpu.dma_semaphore, #tpu.memory_space<semaphore_mem>> -> memref<!tpu.dma_semaphore, #tpu.memory_space<semaphore_mem>>
    tpu.enqueue_indirect_dma source(%dma_start3A_125 : memref<10000x128xf32, #tpu.memory_space<hbm>>) target(%dma_start3A_119 : memref<80x128xf32, #tpu.memory_space<vmem>>) offsets(%dma_start3A_122 : memref<80xi32, #tpu.memory_space<vmem>>) semaphore(%dma_start3A_127 : memref<!tpu.dma_semaphore, #tpu.memory_space<semaphore_mem>>)
    %dma_start3A_128 = arith.constant 1 : i32
    %dma_start3A_129 = arith.constant 1 : i32
    %dma_start3A_130 = arith.constant 1 : i32
    %dma_start3A_131 = arith.constant 0 : i32
    %dma_start3A_132 = arith.constant 0 : i32
    %dma_start3A_133 = tpu.memref_slice %arg9[%dma_start3A_129, %dma_start3A_131, %dma_start3A_132] : memref<3x80x128xf32, #tpu.memory_space<vmem>> -> memref<1x80x128xf32, #tpu.memory_space<vmem>>
    %dma_start3A_134 = tpu.memref_squeeze %dma_start3A_133 : memref<1x80x128xf32, #tpu.memory_space<vmem>> -> memref<80x128xf32, #tpu.memory_space<vmem>>
    %dma_start3A_135 = arith.constant 0 : i32
    %dma_start3A_136 = tpu.memref_slice %arg7[%dma_start3A_128, %dma_start3A_135] : memref<4x80xi32, #tpu.memory_space<vmem>> -> memref<1x80xi32, #tpu.memory_space<vmem>>
    %dma_start3A_137 = tpu.memref_squeeze %dma_start3A_136 : memref<1x80xi32, #tpu.memory_space<vmem>> -> memref<80xi32, #tpu.memory_space<vmem>>
    %dma_start3A_138 = arith.constant 0 : i32
    %dma_start3A_139 = arith.constant 0 : i32
    %dma_start3A_140 = tpu.memref_slice %arg2[%dma_start3A_138, %dma_start3A_139] : memref<10000x128xf32, #tpu.memory_space<hbm>> -> memref<10000x128xf32, #tpu.memory_space<hbm>>
    %dma_start3A_141 = tpu.memref_slice %arg16[%dma_start3A_130] : memref<3x!tpu.dma_semaphore, #tpu.memory_space<semaphore_mem>> -> memref<1x!tpu.dma_semaphore, #tpu.memory_space<semaphore_mem>>
    %dma_start3A_142 = tpu.memref_squeeze %dma_start3A_141 : memref<1x!tpu.dma_semaphore, #tpu.memory_space<semaphore_mem>> -> memref<!tpu.dma_semaphore, #tpu.memory_space<semaphore_mem>>
    tpu.enqueue_indirect_dma source(%dma_start3A_140 : memref<10000x128xf32, #tpu.memory_space<hbm>>) target(%dma_start3A_134 : memref<80x128xf32, #tpu.memory_space<vmem>>) offsets(%dma_start3A_137 : memref<80xi32, #tpu.memory_space<vmem>>) semaphore(%dma_start3A_142 : memref<!tpu.dma_semaphore, #tpu.memory_space<semaphore_mem>>)
    %mul3A_143 = arith.constant 10000 : i32
    %mul3A_144 = arith.muli %add3A, %mul3A_143 : i32
    %add3A_145 = arith.constant 160 : i32
    %add3A_146 = arith.addi %mul3A_144, %add3A_145 : i32
    %dma_start3A_147 = arith.constant 2 : i32
    %dma_start3A_148 = arith.constant 2 : i32
    %dma_start3A_149 = arith.constant 0 : i32
    %dma_start3A_150 = tpu.memref_slice %arg7[%dma_start3A_147, %dma_start3A_149] : memref<4x80xi32, #tpu.memory_space<vmem>> -> memref<1x80xi32, #tpu.memory_space<vmem>>
    %dma_start3A_151 = tpu.memref_squeeze %dma_start3A_150 : memref<1x80xi32, #tpu.memory_space<vmem>> -> memref<80xi32, #tpu.memory_space<vmem>>
    %dma_start3A_152 = tpu.memref_slice %arg3[%add3A_146] : memref<320000xi32, #tpu.memory_space<hbm>> -> memref<80xi32, #tpu.memory_space<hbm>>
    %dma_start3A_153 = tpu.memref_slice %arg15[%dma_start3A_148] : memref<4x!tpu.dma_semaphore, #tpu.memory_space<semaphore_mem>> -> memref<1x!tpu.dma_semaphore, #tpu.memory_space<semaphore_mem>>
    %dma_start3A_154 = tpu.memref_squeeze %dma_start3A_153 : memref<1x!tpu.dma_semaphore, #tpu.memory_space<semaphore_mem>> -> memref<!tpu.dma_semaphore, #tpu.memory_space<semaphore_mem>>
    %dma_start3A_155 = arith.constant 0 : i32
    %dma_start3A_156 = tpu.memref_slice %arg7[%dma_start3A_147, %dma_start3A_155] : memref<4x80xi32, #tpu.memory_space<vmem>> -> memref<1x80xi32, #tpu.memory_space<vmem>>
    %dma_start3A_157 = tpu.memref_squeeze %dma_start3A_156 : memref<1x80xi32, #tpu.memory_space<vmem>> -> memref<80xi32, #tpu.memory_space<vmem>>
    %dma_start3A_158 = tpu.memref_slice %arg3[%add3A_146] : memref<320000xi32, #tpu.memory_space<hbm>> -> memref<80xi32, #tpu.memory_space<hbm>>
    tpu.enqueue_dma source(%dma_start3A_158 : memref<80xi32, #tpu.memory_space<hbm>>) target(%dma_start3A_157 : memref<80xi32, #tpu.memory_space<vmem>>) target_semaphore(%dma_start3A_154 : memref<!tpu.dma_semaphore, #tpu.memory_space<semaphore_mem>>)
    %dma_start3A_159 = arith.constant 2 : i32
    %dma_start3A_160 = arith.constant 2 : i32
    %dma_start3A_161 = arith.constant 0 : i32
    %dma_start3A_162 = tpu.memref_slice %arg8[%dma_start3A_159, %dma_start3A_161] : memref<4x80xi32, #tpu.memory_space<vmem>> -> memref<1x80xi32, #tpu.memory_space<vmem>>
    %dma_start3A_163 = tpu.memref_squeeze %dma_start3A_162 : memref<1x80xi32, #tpu.memory_space<vmem>> -> memref<80xi32, #tpu.memory_space<vmem>>
    %dma_start3A_164 = tpu.memref_slice %arg4[%add3A_146] : memref<320000xi32, #tpu.memory_space<hbm>> -> memref<80xi32, #tpu.memory_space<hbm>>
    %dma_start3A_165 = tpu.memref_slice %arg15[%dma_start3A_160] : memref<4x!tpu.dma_semaphore, #tpu.memory_space<semaphore_mem>> -> memref<1x!tpu.dma_semaphore, #tpu.memory_space<semaphore_mem>>
    %dma_start3A_166 = tpu.memref_squeeze %dma_start3A_165 : memref<1x!tpu.dma_semaphore, #tpu.memory_space<semaphore_mem>> -> memref<!tpu.dma_semaphore, #tpu.memory_space<semaphore_mem>>
    %dma_start3A_167 = arith.constant 0 : i32
    %dma_start3A_168 = tpu.memref_slice %arg8[%dma_start3A_159, %dma_start3A_167] : memref<4x80xi32, #tpu.memory_space<vmem>> -> memref<1x80xi32, #tpu.memory_space<vmem>>
    %dma_start3A_169 = tpu.memref_squeeze %dma_start3A_168 : memref<1x80xi32, #tpu.memory_space<vmem>> -> memref<80xi32, #tpu.memory_space<vmem>>
    %dma_start3A_170 = tpu.memref_slice %arg4[%add3A_146] : memref<320000xi32, #tpu.memory_space<hbm>> -> memref<80xi32, #tpu.memory_space<hbm>>
    tpu.enqueue_dma source(%dma_start3A_170 : memref<80xi32, #tpu.memory_space<hbm>>) target(%dma_start3A_169 : memref<80xi32, #tpu.memory_space<vmem>>) target_semaphore(%dma_start3A_166 : memref<!tpu.dma_semaphore, #tpu.memory_space<semaphore_mem>>)
    %dma_wait3A = arith.constant 2 : i32
    %dma_wait3A_171 = arith.constant 2 : i32
    %dma_wait3A_172 = arith.constant 0 : i32
    %dma_wait3A_173 = tpu.memref_slice %arg7[%dma_wait3A, %dma_wait3A_172] : memref<4x80xi32, #tpu.memory_space<vmem>> -> memref<1x80xi32, #tpu.memory_space<vmem>>
    %dma_wait3A_174 = tpu.memref_squeeze %dma_wait3A_173 : memref<1x80xi32, #tpu.memory_space<vmem>> -> memref<80xi32, #tpu.memory_space<vmem>>
    %dma_wait3A_175 = arith.constant 0 : i32
    %dma_wait3A_176 = tpu.memref_slice %arg3[%dma_wait3A_175] : memref<320000xi32, #tpu.memory_space<hbm>> -> memref<80xi32, #tpu.memory_space<hbm>>
    %dma_wait3A_177 = tpu.memref_slice %arg15[%dma_wait3A_171] : memref<4x!tpu.dma_semaphore, #tpu.memory_space<semaphore_mem>> -> memref<1x!tpu.dma_semaphore, #tpu.memory_space<semaphore_mem>>
    %dma_wait3A_178 = tpu.memref_squeeze %dma_wait3A_177 : memref<1x!tpu.dma_semaphore, #tpu.memory_space<semaphore_mem>> -> memref<!tpu.dma_semaphore, #tpu.memory_space<semaphore_mem>>
    %dma_wait3A_179 = arith.constant 0 : i32
    %dma_wait3A_180 = tpu.memref_slice %arg7[%dma_wait3A, %dma_wait3A_179] : memref<4x80xi32, #tpu.memory_space<vmem>> -> memref<1x80xi32, #tpu.memory_space<vmem>>
    %dma_wait3A_181 = tpu.memref_squeeze %dma_wait3A_180 : memref<1x80xi32, #tpu.memory_space<vmem>> -> memref<80xi32, #tpu.memory_space<vmem>>
    %dma_wait3A_182 = arith.constant 0 : i32
    %dma_wait3A_183 = tpu.memref_slice %arg3[%dma_wait3A_182] : memref<320000xi32, #tpu.memory_space<hbm>> -> memref<80xi32, #tpu.memory_space<hbm>>
    tpu.wait_dma2 semaphore(%dma_wait3A_178 : memref<!tpu.dma_semaphore, #tpu.memory_space<semaphore_mem>>) src(%dma_wait3A_183 : memref<80xi32, #tpu.memory_space<hbm>>) dst(%dma_wait3A_181 : memref<80xi32, #tpu.memory_space<vmem>>)
    %dma_wait3A_184 = arith.constant 2 : i32
    %dma_wait3A_185 = arith.constant 2 : i32
    %dma_wait3A_186 = arith.constant 0 : i32
    %dma_wait3A_187 = tpu.memref_slice %arg8[%dma_wait3A_184, %dma_wait3A_186] : memref<4x80xi32, #tpu.memory_space<vmem>> -> memref<1x80xi32, #tpu.memory_space<vmem>>
    %dma_wait3A_188 = tpu.memref_squeeze %dma_wait3A_187 : memref<1x80xi32, #tpu.memory_space<vmem>> -> memref<80xi32, #tpu.memory_space<vmem>>
    %dma_wait3A_189 = arith.constant 0 : i32
    %dma_wait3A_190 = tpu.memref_slice %arg4[%dma_wait3A_189] : memref<320000xi32, #tpu.memory_space<hbm>> -> memref<80xi32, #tpu.memory_space<hbm>>
    %dma_wait3A_191 = tpu.memref_slice %arg15[%dma_wait3A_185] : memref<4x!tpu.dma_semaphore, #tpu.memory_space<semaphore_mem>> -> memref<1x!tpu.dma_semaphore, #tpu.memory_space<semaphore_mem>>
    %dma_wait3A_192 = tpu.memref_squeeze %dma_wait3A_191 : memref<1x!tpu.dma_semaphore, #tpu.memory_space<semaphore_mem>> -> memref<!tpu.dma_semaphore, #tpu.memory_space<semaphore_mem>>
    %dma_wait3A_193 = arith.constant 0 : i32
    %dma_wait3A_194 = tpu.memref_slice %arg8[%dma_wait3A_184, %dma_wait3A_193] : memref<4x80xi32, #tpu.memory_space<vmem>> -> memref<1x80xi32, #tpu.memory_space<vmem>>
    %dma_wait3A_195 = tpu.memref_squeeze %dma_wait3A_194 : memref<1x80xi32, #tpu.memory_space<vmem>> -> memref<80xi32, #tpu.memory_space<vmem>>
    %dma_wait3A_196 = arith.constant 0 : i32
    %dma_wait3A_197 = tpu.memref_slice %arg4[%dma_wait3A_196] : memref<320000xi32, #tpu.memory_space<hbm>> -> memref<80xi32, #tpu.memory_space<hbm>>
    tpu.wait_dma2 semaphore(%dma_wait3A_192 : memref<!tpu.dma_semaphore, #tpu.memory_space<semaphore_mem>>) src(%dma_wait3A_197 : memref<80xi32, #tpu.memory_space<hbm>>) dst(%dma_wait3A_195 : memref<80xi32, #tpu.memory_space<vmem>>)
    %mul3A_198 = arith.constant 10000 : i32
    %mul3A_199 = arith.muli %add3A, %mul3A_198 : i32
    %add3A_200 = arith.constant 240 : i32
    %add3A_201 = arith.addi %mul3A_199, %add3A_200 : i32
    %dma_start3A_202 = arith.constant 3 : i32
    %dma_start3A_203 = arith.constant 3 : i32
    %dma_start3A_204 = arith.constant 0 : i32
    %dma_start3A_205 = tpu.memref_slice %arg7[%dma_start3A_202, %dma_start3A_204] : memref<4x80xi32, #tpu.memory_space<vmem>> -> memref<1x80xi32, #tpu.memory_space<vmem>>
    %dma_start3A_206 = tpu.memref_squeeze %dma_start3A_205 : memref<1x80xi32, #tpu.memory_space<vmem>> -> memref<80xi32, #tpu.memory_space<vmem>>
    %dma_start3A_207 = tpu.memref_slice %arg3[%add3A_201] : memref<320000xi32, #tpu.memory_space<hbm>> -> memref<80xi32, #tpu.memory_space<hbm>>
    %dma_start3A_208 = tpu.memref_slice %arg15[%dma_start3A_203] : memref<4x!tpu.dma_semaphore, #tpu.memory_space<semaphore_mem>> -> memref<1x!tpu.dma_semaphore, #tpu.memory_space<semaphore_mem>>
    %dma_start3A_209 = tpu.memref_squeeze %dma_start3A_208 : memref<1x!tpu.dma_semaphore, #tpu.memory_space<semaphore_mem>> -> memref<!tpu.dma_semaphore, #tpu.memory_space<semaphore_mem>>
    %dma_start3A_210 = arith.constant 0 : i32
    %dma_start3A_211 = tpu.memref_slice %arg7[%dma_start3A_202, %dma_start3A_210] : memref<4x80xi32, #tpu.memory_space<vmem>> -> memref<1x80xi32, #tpu.memory_space<vmem>>
    %dma_start3A_212 = tpu.memref_squeeze %dma_start3A_211 : memref<1x80xi32, #tpu.memory_space<vmem>> -> memref<80xi32, #tpu.memory_space<vmem>>
    %dma_start3A_213 = tpu.memref_slice %arg3[%add3A_201] : memref<320000xi32, #tpu.memory_space<hbm>> -> memref<80xi32, #tpu.memory_space<hbm>>
    tpu.enqueue_dma source(%dma_start3A_213 : memref<80xi32, #tpu.memory_space<hbm>>) target(%dma_start3A_212 : memref<80xi32, #tpu.memory_space<vmem>>) target_semaphore(%dma_start3A_209 : memref<!tpu.dma_semaphore, #tpu.memory_space<semaphore_mem>>)
    %dma_start3A_214 = arith.constant 3 : i32
    %dma_start3A_215 = arith.constant 3 : i32
    %dma_start3A_216 = arith.constant 0 : i32
    %dma_start3A_217 = tpu.memref_slice %arg8[%dma_start3A_214, %dma_start3A_216] : memref<4x80xi32, #tpu.memory_space<vmem>> -> memref<1x80xi32, #tpu.memory_space<vmem>>
    %dma_start3A_218 = tpu.memref_squeeze %dma_start3A_217 : memref<1x80xi32, #tpu.memory_space<vmem>> -> memref<80xi32, #tpu.memory_space<vmem>>
    %dma_start3A_219 = tpu.memref_slice %arg4[%add3A_201] : memref<320000xi32, #tpu.memory_space<hbm>> -> memref<80xi32, #tpu.memory_space<hbm>>
    %dma_start3A_220 = tpu.memref_slice %arg15[%dma_start3A_215] : memref<4x!tpu.dma_semaphore, #tpu.memory_space<semaphore_mem>> -> memref<1x!tpu.dma_semaphore, #tpu.memory_space<semaphore_mem>>
    %dma_start3A_221 = tpu.memref_squeeze %dma_start3A_220 : memref<1x!tpu.dma_semaphore, #tpu.memory_space<semaphore_mem>> -> memref<!tpu.dma_semaphore, #tpu.memory_space<semaphore_mem>>
    %dma_start3A_222 = arith.constant 0 : i32
    %dma_start3A_223 = tpu.memref_slice %arg8[%dma_start3A_214, %dma_start3A_222] : memref<4x80xi32, #tpu.memory_space<vmem>> -> memref<1x80xi32, #tpu.memory_space<vmem>>
    %dma_start3A_224 = tpu.memref_squeeze %dma_start3A_223 : memref<1x80xi32, #tpu.memory_space<vmem>> -> memref<80xi32, #tpu.memory_space<vmem>>
    %dma_start3A_225 = tpu.memref_slice %arg4[%add3A_201] : memref<320000xi32, #tpu.memory_space<hbm>> -> memref<80xi32, #tpu.memory_space<hbm>>
    tpu.enqueue_dma source(%dma_start3A_225 : memref<80xi32, #tpu.memory_space<hbm>>) target(%dma_start3A_224 : memref<80xi32, #tpu.memory_space<vmem>>) target_semaphore(%dma_start3A_221 : memref<!tpu.dma_semaphore, #tpu.memory_space<semaphore_mem>>)
    %dma_start3A_226 = arith.constant 2 : i32
    %dma_start3A_227 = arith.constant 2 : i32
    %dma_start3A_228 = arith.constant 2 : i32
    %dma_start3A_229 = arith.constant 0 : i32
    %dma_start3A_230 = arith.constant 0 : i32
    %dma_start3A_231 = tpu.memref_slice %arg9[%dma_start3A_227, %dma_start3A_229, %dma_start3A_230] : memref<3x80x128xf32, #tpu.memory_space<vmem>> -> memref<1x80x128xf32, #tpu.memory_space<vmem>>
    %dma_start3A_232 = tpu.memref_squeeze %dma_start3A_231 : memref<1x80x128xf32, #tpu.memory_space<vmem>> -> memref<80x128xf32, #tpu.memory_space<vmem>>
    %dma_start3A_233 = arith.constant 0 : i32
    %dma_start3A_234 = tpu.memref_slice %arg7[%dma_start3A_226, %dma_start3A_233] : memref<4x80xi32, #tpu.memory_space<vmem>> -> memref<1x80xi32, #tpu.memory_space<vmem>>
    %dma_start3A_235 = tpu.memref_squeeze %dma_start3A_234 : memref<1x80xi32, #tpu.memory_space<vmem>> -> memref<80xi32, #tpu.memory_space<vmem>>
    %dma_start3A_236 = arith.constant 0 : i32
    %dma_start3A_237 = arith.constant 0 : i32
    %dma_start3A_238 = tpu.memref_slice %arg2[%dma_start3A_236, %dma_start3A_237] : memref<10000x128xf32, #tpu.memory_space<hbm>> -> memref<10000x128xf32, #tpu.memory_space<hbm>>
    %dma_start3A_239 = tpu.memref_slice %arg16[%dma_start3A_228] : memref<3x!tpu.dma_semaphore, #tpu.memory_space<semaphore_mem>> -> memref<1x!tpu.dma_semaphore, #tpu.memory_space<semaphore_mem>>
    %dma_start3A_240 = tpu.memref_squeeze %dma_start3A_239 : memref<1x!tpu.dma_semaphore, #tpu.memory_space<semaphore_mem>> -> memref<!tpu.dma_semaphore, #tpu.memory_space<semaphore_mem>>
    tpu.enqueue_indirect_dma source(%dma_start3A_238 : memref<10000x128xf32, #tpu.memory_space<hbm>>) target(%dma_start3A_232 : memref<80x128xf32, #tpu.memory_space<vmem>>) offsets(%dma_start3A_235 : memref<80xi32, #tpu.memory_space<vmem>>) semaphore(%dma_start3A_240 : memref<!tpu.dma_semaphore, #tpu.memory_space<semaphore_mem>>)
    %dma_wait3A_241 = arith.constant 0 : i32
    %dma_wait3A_242 = arith.constant 0 : i32
    %dma_wait3A_243 = arith.constant 0 : i32
    %dma_wait3A_244 = arith.constant 0 : i32
    %dma_wait3A_245 = arith.constant 0 : i32
    %dma_wait3A_246 = tpu.memref_slice %arg9[%dma_wait3A_242, %dma_wait3A_244, %dma_wait3A_245] : memref<3x80x128xf32, #tpu.memory_space<vmem>> -> memref<1x80x128xf32, #tpu.memory_space<vmem>>
    %dma_wait3A_247 = tpu.memref_squeeze %dma_wait3A_246 : memref<1x80x128xf32, #tpu.memory_space<vmem>> -> memref<80x128xf32, #tpu.memory_space<vmem>>
    %dma_wait3A_248 = arith.constant 0 : i32
    %dma_wait3A_249 = tpu.memref_slice %arg7[%dma_wait3A_241, %dma_wait3A_248] : memref<4x80xi32, #tpu.memory_space<vmem>> -> memref<1x80xi32, #tpu.memory_space<vmem>>
    %dma_wait3A_250 = tpu.memref_squeeze %dma_wait3A_249 : memref<1x80xi32, #tpu.memory_space<vmem>> -> memref<80xi32, #tpu.memory_space<vmem>>
    %dma_wait3A_251 = arith.constant 0 : i32
    %dma_wait3A_252 = arith.constant 0 : i32
    %dma_wait3A_253 = tpu.memref_slice %arg2[%dma_wait3A_251, %dma_wait3A_252] : memref<10000x128xf32, #tpu.memory_space<hbm>> -> memref<10000x128xf32, #tpu.memory_space<hbm>>
    %dma_wait3A_254 = tpu.memref_slice %arg16[%dma_wait3A_243] : memref<3x!tpu.dma_semaphore, #tpu.memory_space<semaphore_mem>> -> memref<1x!tpu.dma_semaphore, #tpu.memory_space<semaphore_mem>>
    %dma_wait3A_255 = tpu.memref_squeeze %dma_wait3A_254 : memref<1x!tpu.dma_semaphore, #tpu.memory_space<semaphore_mem>> -> memref<!tpu.dma_semaphore, #tpu.memory_space<semaphore_mem>>
    tpu.wait_indirect_dma semaphore(%dma_wait3A_255 : memref<!tpu.dma_semaphore, #tpu.memory_space<semaphore_mem>>) src(%dma_wait3A_253 : memref<10000x128xf32, #tpu.memory_space<hbm>>) dst(%dma_wait3A_247 : memref<80x128xf32, #tpu.memory_space<vmem>>)
    %dma_start3A_256 = arith.constant 0 : i32
    %dma_start3A_257 = arith.constant 0 : i32
    %dma_start3A_258 = arith.constant 0 : i32
    %dma_start3A_259 = arith.constant 0 : i32
    %dma_start3A_260 = arith.constant 0 : i32
    %dma_start3A_261 = tpu.memref_slice %arg9[%dma_start3A_256, %dma_start3A_259, %dma_start3A_260] : memref<3x80x128xf32, #tpu.memory_space<vmem>> -> memref<1x80x128xf32, #tpu.memory_space<vmem>>
    %dma_start3A_262 = tpu.memref_squeeze %dma_start3A_261 : memref<1x80x128xf32, #tpu.memory_space<vmem>> -> memref<80x128xf32, #tpu.memory_space<vmem>>
    %dma_start3A_263 = arith.constant 0 : i32
    %dma_start3A_264 = tpu.memref_slice %arg8[%dma_start3A_257, %dma_start3A_263] : memref<4x80xi32, #tpu.memory_space<vmem>> -> memref<1x80xi32, #tpu.memory_space<vmem>>
    %dma_start3A_265 = tpu.memref_squeeze %dma_start3A_264 : memref<1x80xi32, #tpu.memory_space<vmem>> -> memref<80xi32, #tpu.memory_space<vmem>>
    %dma_start3A_266 = arith.constant 0 : i32
    %dma_start3A_267 = arith.constant 0 : i32
    %dma_start3A_268 = tpu.memref_slice %arg13[%dma_start3A_266, %dma_start3A_267] : memref<10240x128xf32, #tpu.memory_space<vmem_shared>> -> memref<10240x128xf32, #tpu.memory_space<vmem_shared>>
    %dma_start3A_269 = tpu.memref_slice %arg17[%dma_start3A_258] : memref<3x!tpu.dma_semaphore, #tpu.memory_space<semaphore_mem>> -> memref<1x!tpu.dma_semaphore, #tpu.memory_space<semaphore_mem>>
    %dma_start3A_270 = tpu.memref_squeeze %dma_start3A_269 : memref<1x!tpu.dma_semaphore, #tpu.memory_space<semaphore_mem>> -> memref<!tpu.dma_semaphore, #tpu.memory_space<semaphore_mem>>
    tpu.enqueue_indirect_dma source(%dma_start3A_262 : memref<80x128xf32, #tpu.memory_space<vmem>>) target(%dma_start3A_268 : memref<10240x128xf32, #tpu.memory_space<vmem_shared>>) offsets(%dma_start3A_265 : memref<80xi32, #tpu.memory_space<vmem>>) semaphore(%dma_start3A_270 : memref<!tpu.dma_semaphore, #tpu.memory_space<semaphore_mem>>) {add = true}
    %dma_start3A_271 = arith.constant 0 : i32
    %dma_start3A_272 = arith.constant 0 : i32
    %dma_start3A_273 = arith.constant 0 : i32
    %dma_start3A_274 = tpu.memref_slice %arg8[%dma_start3A_271, %dma_start3A_273] : memref<4x80xi32, #tpu.memory_space<vmem>> -> memref<1x80xi32, #tpu.memory_space<vmem>>
    %dma_start3A_275 = tpu.memref_squeeze %dma_start3A_274 : memref<1x80xi32, #tpu.memory_space<vmem>> -> memref<80xi32, #tpu.memory_space<vmem>>
    %dma_start3A_276 = arith.constant 0 : i32
    %dma_start3A_277 = tpu.memref_slice %arg14[%dma_start3A_276] : memref<10240xf32, #tpu.memory_space<vmem_shared>> -> memref<10240xf32, #tpu.memory_space<vmem_shared>>
    %dma_start3A_278 = tpu.memref_slice %arg17[%dma_start3A_272] : memref<3x!tpu.dma_semaphore, #tpu.memory_space<semaphore_mem>> -> memref<1x!tpu.dma_semaphore, #tpu.memory_space<semaphore_mem>>
    %dma_start3A_279 = tpu.memref_squeeze %dma_start3A_278 : memref<1x!tpu.dma_semaphore, #tpu.memory_space<semaphore_mem>> -> memref<!tpu.dma_semaphore, #tpu.memory_space<semaphore_mem>>
    tpu.enqueue_indirect_dma source(%arg11 : memref<80xf32, #tpu.memory_space<vmem>>) target(%dma_start3A_277 : memref<10240xf32, #tpu.memory_space<vmem_shared>>) offsets(%dma_start3A_275 : memref<80xi32, #tpu.memory_space<vmem>>) semaphore(%dma_start3A_279 : memref<!tpu.dma_semaphore, #tpu.memory_space<semaphore_mem>>) {add = true}
    %dma_wait3A_280 = arith.constant 3 : i32
    %dma_wait3A_281 = arith.constant 3 : i32
    %dma_wait3A_282 = arith.constant 0 : i32
    %dma_wait3A_283 = tpu.memref_slice %arg7[%dma_wait3A_280, %dma_wait3A_282] : memref<4x80xi32, #tpu.memory_space<vmem>> -> memref<1x80xi32, #tpu.memory_space<vmem>>
    %dma_wait3A_284 = tpu.memref_squeeze %dma_wait3A_283 : memref<1x80xi32, #tpu.memory_space<vmem>> -> memref<80xi32, #tpu.memory_space<vmem>>
    %dma_wait3A_285 = arith.constant 0 : i32
    %dma_wait3A_286 = tpu.memref_slice %arg3[%dma_wait3A_285] : memref<320000xi32, #tpu.memory_space<hbm>> -> memref<80xi32, #tpu.memory_space<hbm>>
    %dma_wait3A_287 = tpu.memref_slice %arg15[%dma_wait3A_281] : memref<4x!tpu.dma_semaphore, #tpu.memory_space<semaphore_mem>> -> memref<1x!tpu.dma_semaphore, #tpu.memory_space<semaphore_mem>>
    %dma_wait3A_288 = tpu.memref_squeeze %dma_wait3A_287 : memref<1x!tpu.dma_semaphore, #tpu.memory_space<semaphore_mem>> -> memref<!tpu.dma_semaphore, #tpu.memory_space<semaphore_mem>>
    %dma_wait3A_289 = arith.constant 0 : i32
    %dma_wait3A_290 = tpu.memref_slice %arg7[%dma_wait3A_280, %dma_wait3A_289] : memref<4x80xi32, #tpu.memory_space<vmem>> -> memref<1x80xi32, #tpu.memory_space<vmem>>
    %dma_wait3A_291 = tpu.memref_squeeze %dma_wait3A_290 : memref<1x80xi32, #tpu.memory_space<vmem>> -> memref<80xi32, #tpu.memory_space<vmem>>
    %dma_wait3A_292 = arith.constant 0 : i32
    %dma_wait3A_293 = tpu.memref_slice %arg3[%dma_wait3A_292] : memref<320000xi32, #tpu.memory_space<hbm>> -> memref<80xi32, #tpu.memory_space<hbm>>
    tpu.wait_dma2 semaphore(%dma_wait3A_288 : memref<!tpu.dma_semaphore, #tpu.memory_space<semaphore_mem>>) src(%dma_wait3A_293 : memref<80xi32, #tpu.memory_space<hbm>>) dst(%dma_wait3A_291 : memref<80xi32, #tpu.memory_space<vmem>>)
    %dma_wait3A_294 = arith.constant 3 : i32
    %dma_wait3A_295 = arith.constant 3 : i32
    %dma_wait3A_296 = arith.constant 0 : i32
    %dma_wait3A_297 = tpu.memref_slice %arg8[%dma_wait3A_294, %dma_wait3A_296] : memref<4x80xi32, #tpu.memory_space<vmem>> -> memref<1x80xi32, #tpu.memory_space<vmem>>
    %dma_wait3A_298 = tpu.memref_squeeze %dma_wait3A_297 : memref<1x80xi32, #tpu.memory_space<vmem>> -> memref<80xi32, #tpu.memory_space<vmem>>
    %dma_wait3A_299 = arith.constant 0 : i32
    %dma_wait3A_300 = tpu.memref_slice %arg4[%dma_wait3A_299] : memref<320000xi32, #tpu.memory_space<hbm>> -> memref<80xi32, #tpu.memory_space<hbm>>
    %dma_wait3A_301 = tpu.memref_slice %arg15[%dma_wait3A_295] : memref<4x!tpu.dma_semaphore, #tpu.memory_space<semaphore_mem>> -> memref<1x!tpu.dma_semaphore, #tpu.memory_space<semaphore_mem>>
    %dma_wait3A_302 = tpu.memref_squeeze %dma_wait3A_301 : memref<1x!tpu.dma_semaphore, #tpu.memory_space<semaphore_mem>> -> memref<!tpu.dma_semaphore, #tpu.memory_space<semaphore_mem>>
    %dma_wait3A_303 = arith.constant 0 : i32
    %dma_wait3A_304 = tpu.memref_slice %arg8[%dma_wait3A_294, %dma_wait3A_303] : memref<4x80xi32, #tpu.memory_space<vmem>> -> memref<1x80xi32, #tpu.memory_space<vmem>>
    %dma_wait3A_305 = tpu.memref_squeeze %dma_wait3A_304 : memref<1x80xi32, #tpu.memory_space<vmem>> -> memref<80xi32, #tpu.memory_space<vmem>>
    %dma_wait3A_306 = arith.constant 0 : i32
    %dma_wait3A_307 = tpu.memref_slice %arg4[%dma_wait3A_306] : memref<320000xi32, #tpu.memory_space<hbm>> -> memref<80xi32, #tpu.memory_space<hbm>>
    tpu.wait_dma2 semaphore(%dma_wait3A_302 : memref<!tpu.dma_semaphore, #tpu.memory_space<semaphore_mem>>) src(%dma_wait3A_307 : memref<80xi32, #tpu.memory_space<hbm>>) dst(%dma_wait3A_305 : memref<80xi32, #tpu.memory_space<vmem>>)
    %dma_wait3A_308 = arith.constant 0 : i32
    %dma_wait3A_309 = arith.constant 0 : i32
    %dma_wait3A_310 = arith.constant 0 : i32
    %dma_wait3A_311 = arith.constant 0 : i32
    %dma_wait3A_312 = arith.constant 0 : i32
    %dma_wait3A_313 = tpu.memref_slice %arg9[%dma_wait3A_308, %dma_wait3A_311, %dma_wait3A_312] : memref<3x80x128xf32, #tpu.memory_space<vmem>> -> memref<1x80x128xf32, #tpu.memory_space<vmem>>
    %dma_wait3A_314 = tpu.memref_squeeze %dma_wait3A_313 : memref<1x80x128xf32, #tpu.memory_space<vmem>> -> memref<80x128xf32, #tpu.memory_space<vmem>>
    %dma_wait3A_315 = arith.constant 0 : i32
    %dma_wait3A_316 = tpu.memref_slice %arg8[%dma_wait3A_309, %dma_wait3A_315] : memref<4x80xi32, #tpu.memory_space<vmem>> -> memref<1x80xi32, #tpu.memory_space<vmem>>
    %dma_wait3A_317 = tpu.memref_squeeze %dma_wait3A_316 : memref<1x80xi32, #tpu.memory_space<vmem>> -> memref<80xi32, #tpu.memory_space<vmem>>
    %dma_wait3A_318 = arith.constant 0 : i32
    %dma_wait3A_319 = arith.constant 0 : i32
    %dma_wait3A_320 = tpu.memref_slice %arg13[%dma_wait3A_318, %dma_wait3A_319] : memref<10240x128xf32, #tpu.memory_space<vmem_shared>> -> memref<10240x128xf32, #tpu.memory_space<vmem_shared>>
    %dma_wait3A_321 = tpu.memref_slice %arg17[%dma_wait3A_310] : memref<3x!tpu.dma_semaphore, #tpu.memory_space<semaphore_mem>> -> memref<1x!tpu.dma_semaphore, #tpu.memory_space<semaphore_mem>>
    %dma_wait3A_322 = tpu.memref_squeeze %dma_wait3A_321 : memref<1x!tpu.dma_semaphore, #tpu.memory_space<semaphore_mem>> -> memref<!tpu.dma_semaphore, #tpu.memory_space<semaphore_mem>>
    tpu.wait_indirect_dma semaphore(%dma_wait3A_322 : memref<!tpu.dma_semaphore, #tpu.memory_space<semaphore_mem>>) src(%dma_wait3A_314 : memref<80x128xf32, #tpu.memory_space<vmem>>) dst(%dma_wait3A_320 : memref<10240x128xf32, #tpu.memory_space<vmem_shared>>)
    %dma_wait3A_323 = arith.constant 0 : i32
    %dma_wait3A_324 = arith.constant 0 : i32
    %dma_wait3A_325 = arith.constant 0 : i32
    %dma_wait3A_326 = tpu.memref_slice %arg8[%dma_wait3A_323, %dma_wait3A_325] : memref<4x80xi32, #tpu.memory_space<vmem>> -> memref<1x80xi32, #tpu.memory_space<vmem>>
    %dma_wait3A_327 = tpu.memref_squeeze %dma_wait3A_326 : memref<1x80xi32, #tpu.memory_space<vmem>> -> memref<80xi32, #tpu.memory_space<vmem>>
    %dma_wait3A_328 = arith.constant 0 : i32
    %dma_wait3A_329 = tpu.memref_slice %arg14[%dma_wait3A_328] : memref<10240xf32, #tpu.memory_space<vmem_shared>> -> memref<10240xf32, #tpu.memory_space<vmem_shared>>
    %dma_wait3A_330 = tpu.memref_slice %arg17[%dma_wait3A_324] : memref<3x!tpu.dma_semaphore, #tpu.memory_space<semaphore_mem>> -> memref<1x!tpu.dma_semaphore, #tpu.memory_space<semaphore_mem>>
    %dma_wait3A_331 = tpu.memref_squeeze %dma_wait3A_330 : memref<1x!tpu.dma_semaphore, #tpu.memory_space<semaphore_mem>> -> memref<!tpu.dma_semaphore, #tpu.memory_space<semaphore_mem>>
    tpu.wait_indirect_dma semaphore(%dma_wait3A_331 : memref<!tpu.dma_semaphore, #tpu.memory_space<semaphore_mem>>) src(%arg11 : memref<80xf32, #tpu.memory_space<vmem>>) dst(%dma_wait3A_329 : memref<10240xf32, #tpu.memory_space<vmem_shared>>)
    %mul3A_332 = arith.constant 10000 : i32
    %mul3A_333 = arith.muli %add3A, %mul3A_332 : i32
    %add3A_334 = arith.constant 320 : i32
    %add3A_335 = arith.addi %mul3A_333, %add3A_334 : i32
    %dma_start3A_336 = arith.constant 0 : i32
    %dma_start3A_337 = arith.constant 0 : i32
    %dma_start3A_338 = arith.constant 0 : i32
    %dma_start3A_339 = tpu.memref_slice %arg7[%dma_start3A_336, %dma_start3A_338] : memref<4x80xi32, #tpu.memory_space<vmem>> -> memref<1x80xi32, #tpu.memory_space<vmem>>
    %dma_start3A_340 = tpu.memref_squeeze %dma_start3A_339 : memref<1x80xi32, #tpu.memory_space<vmem>> -> memref<80xi32, #tpu.memory_space<vmem>>
    %dma_start3A_341 = tpu.memref_slice %arg3[%add3A_335] : memref<320000xi32, #tpu.memory_space<hbm>> -> memref<80xi32, #tpu.memory_space<hbm>>
    %dma_start3A_342 = tpu.memref_slice %arg15[%dma_start3A_337] : memref<4x!tpu.dma_semaphore, #tpu.memory_space<semaphore_mem>> -> memref<1x!tpu.dma_semaphore, #tpu.memory_space<semaphore_mem>>
    %dma_start3A_343 = tpu.memref_squeeze %dma_start3A_342 : memref<1x!tpu.dma_semaphore, #tpu.memory_space<semaphore_mem>> -> memref<!tpu.dma_semaphore, #tpu.memory_space<semaphore_mem>>
    %dma_start3A_344 = arith.constant 0 : i32
    %dma_start3A_345 = tpu.memref_slice %arg7[%dma_start3A_336, %dma_start3A_344] : memref<4x80xi32, #tpu.memory_space<vmem>> -> memref<1x80xi32, #tpu.memory_space<vmem>>
    %dma_start3A_346 = tpu.memref_squeeze %dma_start3A_345 : memref<1x80xi32, #tpu.memory_space<vmem>> -> memref<80xi32, #tpu.memory_space<vmem>>
    %dma_start3A_347 = tpu.memref_slice %arg3[%add3A_335] : memref<320000xi32, #tpu.memory_space<hbm>> -> memref<80xi32, #tpu.memory_space<hbm>>
    tpu.enqueue_dma source(%dma_start3A_347 : memref<80xi32, #tpu.memory_space<hbm>>) target(%dma_start3A_346 : memref<80xi32, #tpu.memory_space<vmem>>) target_semaphore(%dma_start3A_343 : memref<!tpu.dma_semaphore, #tpu.memory_space<semaphore_mem>>)
    %dma_start3A_348 = arith.constant 0 : i32
    %dma_start3A_349 = arith.constant 0 : i32
    %dma_start3A_350 = arith.constant 0 : i32
    %dma_start3A_351 = tpu.memref_slice %arg8[%dma_start3A_348, %dma_start3A_350] : memref<4x80xi32, #tpu.memory_space<vmem>> -> memref<1x80xi32, #tpu.memory_space<vmem>>
    %dma_start3A_352 = tpu.memref_squeeze %dma_start3A_351 : memref<1x80xi32, #tpu.memory_space<vmem>> -> memref<80xi32, #tpu.memory_space<vmem>>
    %dma_start3A_353 = tpu.memref_slice %arg4[%add3A_335] : memref<320000xi32, #tpu.memory_space<hbm>> -> memref<80xi32, #tpu.memory_space<hbm>>
    %dma_start3A_354 = tpu.memref_slice %arg15[%dma_start3A_349] : memref<4x!tpu.dma_semaphore, #tpu.memory_space<semaphore_mem>> -> memref<1x!tpu.dma_semaphore, #tpu.memory_space<semaphore_mem>>
    %dma_start3A_355 = tpu.memref_squeeze %dma_start3A_354 : memref<1x!tpu.dma_semaphore, #tpu.memory_space<semaphore_mem>> -> memref<!tpu.dma_semaphore, #tpu.memory_space<semaphore_mem>>
    %dma_start3A_356 = arith.constant 0 : i32
    %dma_start3A_357 = tpu.memref_slice %arg8[%dma_start3A_348, %dma_start3A_356] : memref<4x80xi32, #tpu.memory_space<vmem>> -> memref<1x80xi32, #tpu.memory_space<vmem>>
    %dma_start3A_358 = tpu.memref_squeeze %dma_start3A_357 : memref<1x80xi32, #tpu.memory_space<vmem>> -> memref<80xi32, #tpu.memory_space<vmem>>
    %dma_start3A_359 = tpu.memref_slice %arg4[%add3A_335] : memref<320000xi32, #tpu.memory_space<hbm>> -> memref<80xi32, #tpu.memory_space<hbm>>
    tpu.enqueue_dma source(%dma_start3A_359 : memref<80xi32, #tpu.memory_space<hbm>>) target(%dma_start3A_358 : memref<80xi32, #tpu.memory_space<vmem>>) target_semaphore(%dma_start3A_355 : memref<!tpu.dma_semaphore, #tpu.memory_space<semaphore_mem>>)
    %dma_start3A_360 = arith.constant 3 : i32
    %dma_start3A_361 = arith.constant 0 : i32
    %dma_start3A_362 = arith.constant 0 : i32
    %dma_start3A_363 = arith.constant 0 : i32
    %dma_start3A_364 = arith.constant 0 : i32
    %dma_start3A_365 = tpu.memref_slice %arg9[%dma_start3A_361, %dma_start3A_363, %dma_start3A_364] : memref<3x80x128xf32, #tpu.memory_space<vmem>> -> memref<1x80x128xf32, #tpu.memory_space<vmem>>
    %dma_start3A_366 = tpu.memref_squeeze %dma_start3A_365 : memref<1x80x128xf32, #tpu.memory_space<vmem>> -> memref<80x128xf32, #tpu.memory_space<vmem>>
    %dma_start3A_367 = arith.constant 0 : i32
    %dma_start3A_368 = tpu.memref_slice %arg7[%dma_start3A_360, %dma_start3A_367] : memref<4x80xi32, #tpu.memory_space<vmem>> -> memref<1x80xi32, #tpu.memory_space<vmem>>
    %dma_start3A_369 = tpu.memref_squeeze %dma_start3A_368 : memref<1x80xi32, #tpu.memory_space<vmem>> -> memref<80xi32, #tpu.memory_space<vmem>>
    %dma_start3A_370 = arith.constant 0 : i32
    %dma_start3A_371 = arith.constant 0 : i32
    %dma_start3A_372 = tpu.memref_slice %arg2[%dma_start3A_370, %dma_start3A_371] : memref<10000x128xf32, #tpu.memory_space<hbm>> -> memref<10000x128xf32, #tpu.memory_space<hbm>>
    %dma_start3A_373 = tpu.memref_slice %arg16[%dma_start3A_362] : memref<3x!tpu.dma_semaphore, #tpu.memory_space<semaphore_mem>> -> memref<1x!tpu.dma_semaphore, #tpu.memory_space<semaphore_mem>>
    %dma_start3A_374 = tpu.memref_squeeze %dma_start3A_373 : memref<1x!tpu.dma_semaphore, #tpu.memory_space<semaphore_mem>> -> memref<!tpu.dma_semaphore, #tpu.memory_space<semaphore_mem>>
    tpu.enqueue_indirect_dma source(%dma_start3A_372 : memref<10000x128xf32, #tpu.memory_space<hbm>>) target(%dma_start3A_366 : memref<80x128xf32, #tpu.memory_space<vmem>>) offsets(%dma_start3A_369 : memref<80xi32, #tpu.memory_space<vmem>>) semaphore(%dma_start3A_374 : memref<!tpu.dma_semaphore, #tpu.memory_space<semaphore_mem>>)
    %dma_wait3A_375 = arith.constant 1 : i32
    %dma_wait3A_376 = arith.constant 1 : i32
    %dma_wait3A_377 = arith.constant 1 : i32
    %dma_wait3A_378 = arith.constant 0 : i32
    %dma_wait3A_379 = arith.constant 0 : i32
    %dma_wait3A_380 = tpu.memref_slice %arg9[%dma_wait3A_376, %dma_wait3A_378, %dma_wait3A_379] : memref<3x80x128xf32, #tpu.memory_space<vmem>> -> memref<1x80x128xf32, #tpu.memory_space<vmem>>
    %dma_wait3A_381 = tpu.memref_squeeze %dma_wait3A_380 : memref<1x80x128xf32, #tpu.memory_space<vmem>> -> memref<80x128xf32, #tpu.memory_space<vmem>>
    %dma_wait3A_382 = arith.constant 0 : i32
    %dma_wait3A_383 = tpu.memref_slice %arg7[%dma_wait3A_375, %dma_wait3A_382] : memref<4x80xi32, #tpu.memory_space<vmem>> -> memref<1x80xi32, #tpu.memory_space<vmem>>
    %dma_wait3A_384 = tpu.memref_squeeze %dma_wait3A_383 : memref<1x80xi32, #tpu.memory_space<vmem>> -> memref<80xi32, #tpu.memory_space<vmem>>
    %dma_wait3A_385 = arith.constant 0 : i32
    %dma_wait3A_386 = arith.constant 0 : i32
    %dma_wait3A_387 = tpu.memref_slice %arg2[%dma_wait3A_385, %dma_wait3A_386] : memref<10000x128xf32, #tpu.memory_space<hbm>> -> memref<10000x128xf32, #tpu.memory_space<hbm>>
    %dma_wait3A_388 = tpu.memref_slice %arg16[%dma_wait3A_377] : memref<3x!tpu.dma_semaphore, #tpu.memory_space<semaphore_mem>> -> memref<1x!tpu.dma_semaphore, #tpu.memory_space<semaphore_mem>>
    %dma_wait3A_389 = tpu.memref_squeeze %dma_wait3A_388 : memref<1x!tpu.dma_semaphore, #tpu.memory_space<semaphore_mem>> -> memref<!tpu.dma_semaphore, #tpu.memory_space<semaphore_mem>>
    tpu.wait_indirect_dma semaphore(%dma_wait3A_389 : memref<!tpu.dma_semaphore, #tpu.memory_space<semaphore_mem>>) src(%dma_wait3A_387 : memref<10000x128xf32, #tpu.memory_space<hbm>>) dst(%dma_wait3A_381 : memref<80x128xf32, #tpu.memory_space<vmem>>)
    %dma_start3A_390 = arith.constant 1 : i32
    %dma_start3A_391 = arith.constant 1 : i32
    %dma_start3A_392 = arith.constant 1 : i32
    %dma_start3A_393 = arith.constant 0 : i32
    %dma_start3A_394 = arith.constant 0 : i32
    %dma_start3A_395 = tpu.memref_slice %arg9[%dma_start3A_390, %dma_start3A_393, %dma_start3A_394] : memref<3x80x128xf32, #tpu.memory_space<vmem>> -> memref<1x80x128xf32, #tpu.memory_space<vmem>>
    %dma_start3A_396 = tpu.memref_squeeze %dma_start3A_395 : memref<1x80x128xf32, #tpu.memory_space<vmem>> -> memref<80x128xf32, #tpu.memory_space<vmem>>
    %dma_start3A_397 = arith.constant 0 : i32
    %dma_start3A_398 = tpu.memref_slice %arg8[%dma_start3A_391, %dma_start3A_397] : memref<4x80xi32, #tpu.memory_space<vmem>> -> memref<1x80xi32, #tpu.memory_space<vmem>>
    %dma_start3A_399 = tpu.memref_squeeze %dma_start3A_398 : memref<1x80xi32, #tpu.memory_space<vmem>> -> memref<80xi32, #tpu.memory_space<vmem>>
    %dma_start3A_400 = arith.constant 0 : i32
    %dma_start3A_401 = arith.constant 0 : i32
    %dma_start3A_402 = tpu.memref_slice %arg13[%dma_start3A_400, %dma_start3A_401] : memref<10240x128xf32, #tpu.memory_space<vmem_shared>> -> memref<10240x128xf32, #tpu.memory_space<vmem_shared>>
    %dma_start3A_403 = tpu.memref_slice %arg17[%dma_start3A_392] : memref<3x!tpu.dma_semaphore, #tpu.memory_space<semaphore_mem>> -> memref<1x!tpu.dma_semaphore, #tpu.memory_space<semaphore_mem>>
    %dma_start3A_404 = tpu.memref_squeeze %dma_start3A_403 : memref<1x!tpu.dma_semaphore, #tpu.memory_space<semaphore_mem>> -> memref<!tpu.dma_semaphore, #tpu.memory_space<semaphore_mem>>
    tpu.enqueue_indirect_dma source(%dma_start3A_396 : memref<80x128xf32, #tpu.memory_space<vmem>>) target(%dma_start3A_402 : memref<10240x128xf32, #tpu.memory_space<vmem_shared>>) offsets(%dma_start3A_399 : memref<80xi32, #tpu.memory_space<vmem>>) semaphore(%dma_start3A_404 : memref<!tpu.dma_semaphore, #tpu.memory_space<semaphore_mem>>) {add = true}
    %dma_start3A_405 = arith.constant 1 : i32
    %dma_start3A_406 = arith.constant 1 : i32
    %dma_start3A_407 = arith.constant 0 : i32
    %dma_start3A_408 = tpu.memref_slice %arg8[%dma_start3A_405, %dma_start3A_407] : memref<4x80xi32, #tpu.memory_space<vmem>> -> memref<1x80xi32, #tpu.memory_space<vmem>>
    %dma_start3A_409 = tpu.memref_squeeze %dma_start3A_408 : memref<1x80xi32, #tpu.memory_space<vmem>> -> memref<80xi32, #tpu.memory_space<vmem>>
    %dma_start3A_410 = arith.constant 0 : i32
    %dma_start3A_411 = tpu.memref_slice %arg14[%dma_start3A_410] : memref<10240xf32, #tpu.memory_space<vmem_shared>> -> memref<10240xf32, #tpu.memory_space<vmem_shared>>
    %dma_start3A_412 = tpu.memref_slice %arg17[%dma_start3A_406] : memref<3x!tpu.dma_semaphore, #tpu.memory_space<semaphore_mem>> -> memref<1x!tpu.dma_semaphore, #tpu.memory_space<semaphore_mem>>
    %dma_start3A_413 = tpu.memref_squeeze %dma_start3A_412 : memref<1x!tpu.dma_semaphore, #tpu.memory_space<semaphore_mem>> -> memref<!tpu.dma_semaphore, #tpu.memory_space<semaphore_mem>>
    tpu.enqueue_indirect_dma source(%arg11 : memref<80xf32, #tpu.memory_space<vmem>>) target(%dma_start3A_411 : memref<10240xf32, #tpu.memory_space<vmem_shared>>) offsets(%dma_start3A_409 : memref<80xi32, #tpu.memory_space<vmem>>) semaphore(%dma_start3A_413 : memref<!tpu.dma_semaphore, #tpu.memory_space<semaphore_mem>>) {add = true}
    %scan3A_414 = arith.constant 0 : i32
    %scan3A_415 = arith.constant 0 : i32
    %scan3A_416 = arith.constant 10 : i32
    %scan3A_417 = arith.addi %scan3A_415, %scan3A_416 : i32
    %scan3A_418 = arith.constant 1 : i32
    %scan3A_419 = scf.for %scan3A_689 = %scan3A_415 to %scan3A_417 step %scan3A_418 iter_args(%scan3A_690 = %scan3A_414) -> (i32)  : i32 {
      %mul3A_691 = arith.constant 12 : i32
      %mul3A_692 = arith.muli %scan3A_689, %mul3A_691 : i32
      %add3A_693 = arith.constant 2 : i32
      %add3A_694 = arith.addi %add3A_693, %mul3A_692 : i32
      %add3A_695 = arith.constant 0 : i32
      %add3A_696 = arith.addi %add3A_694, %add3A_695 : i32
      %dma_wait3A_697 = arith.constant 0 : i32
      %dma_wait3A_698 = arith.constant 0 : i32
      %dma_wait3A_699 = arith.constant 0 : i32
      %dma_wait3A_700 = tpu.memref_slice %arg7[%dma_wait3A_697, %dma_wait3A_699] : memref<4x80xi32, #tpu.memory_space<vmem>> -> memref<1x80xi32, #tpu.memory_space<vmem>>
      %dma_wait3A_701 = tpu.memref_squeeze %dma_wait3A_700 : memref<1x80xi32, #tpu.memory_space<vmem>> -> memref<80xi32, #tpu.memory_space<vmem>>
      %dma_wait3A_702 = arith.constant 0 : i32
      %dma_wait3A_703 = tpu.memref_slice %arg3[%dma_wait3A_702] : memref<320000xi32, #tpu.memory_space<hbm>> -> memref<80xi32, #tpu.memory_space<hbm>>
      %dma_wait3A_704 = tpu.memref_slice %arg15[%dma_wait3A_698] : memref<4x!tpu.dma_semaphore, #tpu.memory_space<semaphore_mem>> -> memref<1x!tpu.dma_semaphore, #tpu.memory_space<semaphore_mem>>
      %dma_wait3A_705 = tpu.memref_squeeze %dma_wait3A_704 : memref<1x!tpu.dma_semaphore, #tpu.memory_space<semaphore_mem>> -> memref<!tpu.dma_semaphore, #tpu.memory_space<semaphore_mem>>
      %dma_wait3A_706 = arith.constant 0 : i32
      %dma_wait3A_707 = tpu.memref_slice %arg7[%dma_wait3A_697, %dma_wait3A_706] : memref<4x80xi32, #tpu.memory_space<vmem>> -> memref<1x80xi32, #tpu.memory_space<vmem>>
      %dma_wait3A_708 = tpu.memref_squeeze %dma_wait3A_707 : memref<1x80xi32, #tpu.memory_space<vmem>> -> memref<80xi32, #tpu.memory_space<vmem>>
      %dma_wait3A_709 = arith.constant 0 : i32
      %dma_wait3A_710 = tpu.memref_slice %arg3[%dma_wait3A_709] : memref<320000xi32, #tpu.memory_space<hbm>> -> memref<80xi32, #tpu.memory_space<hbm>>
      tpu.wait_dma2 semaphore(%dma_wait3A_705 : memref<!tpu.dma_semaphore, #tpu.memory_space<semaphore_mem>>) src(%dma_wait3A_710 : memref<80xi32, #tpu.memory_space<hbm>>) dst(%dma_wait3A_708 : memref<80xi32, #tpu.memory_space<vmem>>)
      %dma_wait3A_711 = arith.constant 0 : i32
      %dma_wait3A_712 = arith.constant 0 : i32
      %dma_wait3A_713 = arith.constant 0 : i32
      %dma_wait3A_714 = tpu.memref_slice %arg8[%dma_wait3A_711, %dma_wait3A_713] : memref<4x80xi32, #tpu.memory_space<vmem>> -> memref<1x80xi32, #tpu.memory_space<vmem>>
      %dma_wait3A_715 = tpu.memref_squeeze %dma_wait3A_714 : memref<1x80xi32, #tpu.memory_space<vmem>> -> memref<80xi32, #tpu.memory_space<vmem>>
      %dma_wait3A_716 = arith.constant 0 : i32
      %dma_wait3A_717 = tpu.memref_slice %arg4[%dma_wait3A_716] : memref<320000xi32, #tpu.memory_space<hbm>> -> memref<80xi32, #tpu.memory_space<hbm>>
      %dma_wait3A_718 = tpu.memref_slice %arg15[%dma_wait3A_712] : memref<4x!tpu.dma_semaphore, #tpu.memory_space<semaphore_mem>> -> memref<1x!tpu.dma_semaphore, #tpu.memory_space<semaphore_mem>>
      %dma_wait3A_719 = tpu.memref_squeeze %dma_wait3A_718 : memref<1x!tpu.dma_semaphore, #tpu.memory_space<semaphore_mem>> -> memref<!tpu.dma_semaphore, #tpu.memory_space<semaphore_mem>>
      %dma_wait3A_720 = arith.constant 0 : i32
      %dma_wait3A_721 = tpu.memref_slice %arg8[%dma_wait3A_711, %dma_wait3A_720] : memref<4x80xi32, #tpu.memory_space<vmem>> -> memref<1x80xi32, #tpu.memory_space<vmem>>
      %dma_wait3A_722 = tpu.memref_squeeze %dma_wait3A_721 : memref<1x80xi32, #tpu.memory_space<vmem>> -> memref<80xi32, #tpu.memory_space<vmem>>
      %dma_wait3A_723 = arith.constant 0 : i32
      %dma_wait3A_724 = tpu.memref_slice %arg4[%dma_wait3A_723] : memref<320000xi32, #tpu.memory_space<hbm>> -> memref<80xi32, #tpu.memory_space<hbm>>
      tpu.wait_dma2 semaphore(%dma_wait3A_719 : memref<!tpu.dma_semaphore, #tpu.memory_space<semaphore_mem>>) src(%dma_wait3A_724 : memref<80xi32, #tpu.memory_space<hbm>>) dst(%dma_wait3A_722 : memref<80xi32, #tpu.memory_space<vmem>>)
      %dma_wait3A_725 = arith.constant 1 : i32
      %dma_wait3A_726 = arith.constant 1 : i32
      %dma_wait3A_727 = arith.constant 1 : i32
      %dma_wait3A_728 = arith.constant 0 : i32
      %dma_wait3A_729 = arith.constant 0 : i32
      %dma_wait3A_730 = tpu.memref_slice %arg9[%dma_wait3A_725, %dma_wait3A_728, %dma_wait3A_729] : memref<3x80x128xf32, #tpu.memory_space<vmem>> -> memref<1x80x128xf32, #tpu.memory_space<vmem>>
      %dma_wait3A_731 = tpu.memref_squeeze %dma_wait3A_730 : memref<1x80x128xf32, #tpu.memory_space<vmem>> -> memref<80x128xf32, #tpu.memory_space<vmem>>
      %dma_wait3A_732 = arith.constant 0 : i32
      %dma_wait3A_733 = tpu.memref_slice %arg8[%dma_wait3A_726, %dma_wait3A_732] : memref<4x80xi32, #tpu.memory_space<vmem>> -> memref<1x80xi32, #tpu.memory_space<vmem>>
      %dma_wait3A_734 = tpu.memref_squeeze %dma_wait3A_733 : memref<1x80xi32, #tpu.memory_space<vmem>> -> memref<80xi32, #tpu.memory_space<vmem>>
      %dma_wait3A_735 = arith.constant 0 : i32
      %dma_wait3A_736 = arith.constant 0 : i32
      %dma_wait3A_737 = tpu.memref_slice %arg13[%dma_wait3A_735, %dma_wait3A_736] : memref<10240x128xf32, #tpu.memory_space<vmem_shared>> -> memref<10240x128xf32, #tpu.memory_space<vmem_shared>>
      %dma_wait3A_738 = tpu.memref_slice %arg17[%dma_wait3A_727] : memref<3x!tpu.dma_semaphore, #tpu.memory_space<semaphore_mem>> -> memref<1x!tpu.dma_semaphore, #tpu.memory_space<semaphore_mem>>
      %dma_wait3A_739 = tpu.memref_squeeze %dma_wait3A_738 : memref<1x!tpu.dma_semaphore, #tpu.memory_space<semaphore_mem>> -> memref<!tpu.dma_semaphore, #tpu.memory_space<semaphore_mem>>
      tpu.wait_indirect_dma semaphore(%dma_wait3A_739 : memref<!tpu.dma_semaphore, #tpu.memory_space<semaphore_mem>>) src(%dma_wait3A_731 : memref<80x128xf32, #tpu.memory_space<vmem>>) dst(%dma_wait3A_737 : memref<10240x128xf32, #tpu.memory_space<vmem_shared>>)
      %dma_wait3A_740 = arith.constant 1 : i32
      %dma_wait3A_741 = arith.constant 1 : i32
      %dma_wait3A_742 = arith.constant 0 : i32
      %dma_wait3A_743 = tpu.memref_slice %arg8[%dma_wait3A_740, %dma_wait3A_742] : memref<4x80xi32, #tpu.memory_space<vmem>> -> memref<1x80xi32, #tpu.memory_space<vmem>>
      %dma_wait3A_744 = tpu.memref_squeeze %dma_wait3A_743 : memref<1x80xi32, #tpu.memory_space<vmem>> -> memref<80xi32, #tpu.memory_space<vmem>>
      %dma_wait3A_745 = arith.constant 0 : i32
      %dma_wait3A_746 = tpu.memref_slice %arg14[%dma_wait3A_745] : memref<10240xf32, #tpu.memory_space<vmem_shared>> -> memref<10240xf32, #tpu.memory_space<vmem_shared>>
      %dma_wait3A_747 = tpu.memref_slice %arg17[%dma_wait3A_741] : memref<3x!tpu.dma_semaphore, #tpu.memory_space<semaphore_mem>> -> memref<1x!tpu.dma_semaphore, #tpu.memory_space<semaphore_mem>>
      %dma_wait3A_748 = tpu.memref_squeeze %dma_wait3A_747 : memref<1x!tpu.dma_semaphore, #tpu.memory_space<semaphore_mem>> -> memref<!tpu.dma_semaphore, #tpu.memory_space<semaphore_mem>>
      tpu.wait_indirect_dma semaphore(%dma_wait3A_748 : memref<!tpu.dma_semaphore, #tpu.memory_space<semaphore_mem>>) src(%arg11 : memref<80xf32, #tpu.memory_space<vmem>>) dst(%dma_wait3A_746 : memref<10240xf32, #tpu.memory_space<vmem_shared>>)
      %add3A_749 = arith.constant 3 : i32
      %add3A_750 = arith.addi %add3A_696, %add3A_749 : i32
      %mul3A_751 = arith.constant 10000 : i32
      %mul3A_752 = arith.muli %add3A, %mul3A_751 : i32
      %mul3A_753 = arith.constant 80 : i32
      %mul3A_754 = arith.muli %add3A_750, %mul3A_753 : i32
      %add3A_755 = arith.addi %mul3A_752, %mul3A_754 : i32
      %dma_start3A_756 = arith.constant 1 : i32
      %dma_start3A_757 = arith.constant 1 : i32
      %dma_start3A_758 = arith.constant 0 : i32
      %dma_start3A_759 = tpu.memref_slice %arg7[%dma_start3A_756, %dma_start3A_758] : memref<4x80xi32, #tpu.memory_space<vmem>> -> memref<1x80xi32, #tpu.memory_space<vmem>>
      %dma_start3A_760 = tpu.memref_squeeze %dma_start3A_759 : memref<1x80xi32, #tpu.memory_space<vmem>> -> memref<80xi32, #tpu.memory_space<vmem>>
      %dma_start3A_761 = tpu.memref_slice %arg3[%add3A_755] : memref<320000xi32, #tpu.memory_space<hbm>> -> memref<80xi32, #tpu.memory_space<hbm>>
      %dma_start3A_762 = tpu.memref_slice %arg15[%dma_start3A_757] : memref<4x!tpu.dma_semaphore, #tpu.memory_space<semaphore_mem>> -> memref<1x!tpu.dma_semaphore, #tpu.memory_space<semaphore_mem>>
      %dma_start3A_763 = tpu.memref_squeeze %dma_start3A_762 : memref<1x!tpu.dma_semaphore, #tpu.memory_space<semaphore_mem>> -> memref<!tpu.dma_semaphore, #tpu.memory_space<semaphore_mem>>
      %dma_start3A_764 = arith.constant 0 : i32
      %dma_start3A_765 = tpu.memref_slice %arg7[%dma_start3A_756, %dma_start3A_764] : memref<4x80xi32, #tpu.memory_space<vmem>> -> memref<1x80xi32, #tpu.memory_space<vmem>>
      %dma_start3A_766 = tpu.memref_squeeze %dma_start3A_765 : memref<1x80xi32, #tpu.memory_space<vmem>> -> memref<80xi32, #tpu.memory_space<vmem>>
      %dma_start3A_767 = tpu.memref_slice %arg3[%add3A_755] : memref<320000xi32, #tpu.memory_space<hbm>> -> memref<80xi32, #tpu.memory_space<hbm>>
      tpu.enqueue_dma source(%dma_start3A_767 : memref<80xi32, #tpu.memory_space<hbm>>) target(%dma_start3A_766 : memref<80xi32, #tpu.memory_space<vmem>>) target_semaphore(%dma_start3A_763 : memref<!tpu.dma_semaphore, #tpu.memory_space<semaphore_mem>>)
      %dma_start3A_768 = arith.constant 1 : i32
      %dma_start3A_769 = arith.constant 1 : i32
      %dma_start3A_770 = arith.constant 0 : i32
      %dma_start3A_771 = tpu.memref_slice %arg8[%dma_start3A_768, %dma_start3A_770] : memref<4x80xi32, #tpu.memory_space<vmem>> -> memref<1x80xi32, #tpu.memory_space<vmem>>
      %dma_start3A_772 = tpu.memref_squeeze %dma_start3A_771 : memref<1x80xi32, #tpu.memory_space<vmem>> -> memref<80xi32, #tpu.memory_space<vmem>>
      %dma_start3A_773 = tpu.memref_slice %arg4[%add3A_755] : memref<320000xi32, #tpu.memory_space<hbm>> -> memref<80xi32, #tpu.memory_space<hbm>>
      %dma_start3A_774 = tpu.memref_slice %arg15[%dma_start3A_769] : memref<4x!tpu.dma_semaphore, #tpu.memory_space<semaphore_mem>> -> memref<1x!tpu.dma_semaphore, #tpu.memory_space<semaphore_mem>>
      %dma_start3A_775 = tpu.memref_squeeze %dma_start3A_774 : memref<1x!tpu.dma_semaphore, #tpu.memory_space<semaphore_mem>> -> memref<!tpu.dma_semaphore, #tpu.memory_space<semaphore_mem>>
      %dma_start3A_776 = arith.constant 0 : i32
      %dma_start3A_777 = tpu.memref_slice %arg8[%dma_start3A_768, %dma_start3A_776] : memref<4x80xi32, #tpu.memory_space<vmem>> -> memref<1x80xi32, #tpu.memory_space<vmem>>
      %dma_start3A_778 = tpu.memref_squeeze %dma_start3A_777 : memref<1x80xi32, #tpu.memory_space<vmem>> -> memref<80xi32, #tpu.memory_space<vmem>>
      %dma_start3A_779 = tpu.memref_slice %arg4[%add3A_755] : memref<320000xi32, #tpu.memory_space<hbm>> -> memref<80xi32, #tpu.memory_space<hbm>>
      tpu.enqueue_dma source(%dma_start3A_779 : memref<80xi32, #tpu.memory_space<hbm>>) target(%dma_start3A_778 : memref<80xi32, #tpu.memory_space<vmem>>) target_semaphore(%dma_start3A_775 : memref<!tpu.dma_semaphore, #tpu.memory_space<semaphore_mem>>)
      %add3A_780 = arith.constant 2 : i32
      %add3A_781 = arith.addi %add3A_696, %add3A_780 : i32
      %dma_start3A_782 = arith.constant 0 : i32
      %dma_start3A_783 = arith.constant 1 : i32
      %dma_start3A_784 = arith.constant 1 : i32
      %dma_start3A_785 = arith.constant 0 : i32
      %dma_start3A_786 = arith.constant 0 : i32
      %dma_start3A_787 = tpu.memref_slice %arg9[%dma_start3A_783, %dma_start3A_785, %dma_start3A_786] : memref<3x80x128xf32, #tpu.memory_space<vmem>> -> memref<1x80x128xf32, #tpu.memory_space<vmem>>
      %dma_start3A_788 = tpu.memref_squeeze %dma_start3A_787 : memref<1x80x128xf32, #tpu.memory_space<vmem>> -> memref<80x128xf32, #tpu.memory_space<vmem>>
      %dma_start3A_789 = arith.constant 0 : i32
      %dma_start3A_790 = tpu.memref_slice %arg7[%dma_start3A_782, %dma_start3A_789] : memref<4x80xi32, #tpu.memory_space<vmem>> -> memref<1x80xi32, #tpu.memory_space<vmem>>
      %dma_start3A_791 = tpu.memref_squeeze %dma_start3A_790 : memref<1x80xi32, #tpu.memory_space<vmem>> -> memref<80xi32, #tpu.memory_space<vmem>>
      %dma_start3A_792 = arith.constant 0 : i32
      %dma_start3A_793 = arith.constant 0 : i32
      %dma_start3A_794 = tpu.memref_slice %arg2[%dma_start3A_792, %dma_start3A_793] : memref<10000x128xf32, #tpu.memory_space<hbm>> -> memref<10000x128xf32, #tpu.memory_space<hbm>>
      %dma_start3A_795 = tpu.memref_slice %arg16[%dma_start3A_784] : memref<3x!tpu.dma_semaphore, #tpu.memory_space<semaphore_mem>> -> memref<1x!tpu.dma_semaphore, #tpu.memory_space<semaphore_mem>>
      %dma_start3A_796 = tpu.memref_squeeze %dma_start3A_795 : memref<1x!tpu.dma_semaphore, #tpu.memory_space<semaphore_mem>> -> memref<!tpu.dma_semaphore, #tpu.memory_space<semaphore_mem>>
      tpu.enqueue_indirect_dma source(%dma_start3A_794 : memref<10000x128xf32, #tpu.memory_space<hbm>>) target(%dma_start3A_788 : memref<80x128xf32, #tpu.memory_space<vmem>>) offsets(%dma_start3A_791 : memref<80xi32, #tpu.memory_space<vmem>>) semaphore(%dma_start3A_796 : memref<!tpu.dma_semaphore, #tpu.memory_space<semaphore_mem>>)
      %dma_wait3A_797 = arith.constant 2 : i32
      %dma_wait3A_798 = arith.constant 2 : i32
      %dma_wait3A_799 = arith.constant 2 : i32
      %dma_wait3A_800 = arith.constant 0 : i32
      %dma_wait3A_801 = arith.constant 0 : i32
      %dma_wait3A_802 = tpu.memref_slice %arg9[%dma_wait3A_798, %dma_wait3A_800, %dma_wait3A_801] : memref<3x80x128xf32, #tpu.memory_space<vmem>> -> memref<1x80x128xf32, #tpu.memory_space<vmem>>
      %dma_wait3A_803 = tpu.memref_squeeze %dma_wait3A_802 : memref<1x80x128xf32, #tpu.memory_space<vmem>> -> memref<80x128xf32, #tpu.memory_space<vmem>>
      %dma_wait3A_804 = arith.constant 0 : i32
      %dma_wait3A_805 = tpu.memref_slice %arg7[%dma_wait3A_797, %dma_wait3A_804] : memref<4x80xi32, #tpu.memory_space<vmem>> -> memref<1x80xi32, #tpu.memory_space<vmem>>
      %dma_wait3A_806 = tpu.memref_squeeze %dma_wait3A_805 : memref<1x80xi32, #tpu.memory_space<vmem>> -> memref<80xi32, #tpu.memory_space<vmem>>
      %dma_wait3A_807 = arith.constant 0 : i32
      %dma_wait3A_808 = arith.constant 0 : i32
      %dma_wait3A_809 = tpu.memref_slice %arg2[%dma_wait3A_807, %dma_wait3A_808] : memref<10000x128xf32, #tpu.memory_space<hbm>> -> memref<10000x128xf32, #tpu.memory_space<hbm>>
      %dma_wait3A_810 = tpu.memref_slice %arg16[%dma_wait3A_799] : memref<3x!tpu.dma_semaphore, #tpu.memory_space<semaphore_mem>> -> memref<1x!tpu.dma_semaphore, #tpu.memory_space<semaphore_mem>>
      %dma_wait3A_811 = tpu.memref_squeeze %dma_wait3A_810 : memref<1x!tpu.dma_semaphore, #tpu.memory_space<semaphore_mem>> -> memref<!tpu.dma_semaphore, #tpu.memory_space<semaphore_mem>>
      tpu.wait_indirect_dma semaphore(%dma_wait3A_811 : memref<!tpu.dma_semaphore, #tpu.memory_space<semaphore_mem>>) src(%dma_wait3A_809 : memref<10000x128xf32, #tpu.memory_space<hbm>>) dst(%dma_wait3A_803 : memref<80x128xf32, #tpu.memory_space<vmem>>)
      %dma_start3A_812 = arith.constant 2 : i32
      %dma_start3A_813 = arith.constant 2 : i32
      %dma_start3A_814 = arith.constant 2 : i32
      %dma_start3A_815 = arith.constant 0 : i32
      %dma_start3A_816 = arith.constant 0 : i32
      %dma_start3A_817 = tpu.memref_slice %arg9[%dma_start3A_812, %dma_start3A_815, %dma_start3A_816] : memref<3x80x128xf32, #tpu.memory_space<vmem>> -> memref<1x80x128xf32, #tpu.memory_space<vmem>>
      %dma_start3A_818 = tpu.memref_squeeze %dma_start3A_817 : memref<1x80x128xf32, #tpu.memory_space<vmem>> -> memref<80x128xf32, #tpu.memory_space<vmem>>
      %dma_start3A_819 = arith.constant 0 : i32
      %dma_start3A_820 = tpu.memref_slice %arg8[%dma_start3A_813, %dma_start3A_819] : memref<4x80xi32, #tpu.memory_space<vmem>> -> memref<1x80xi32, #tpu.memory_space<vmem>>
      %dma_start3A_821 = tpu.memref_squeeze %dma_start3A_820 : memref<1x80xi32, #tpu.memory_space<vmem>> -> memref<80xi32, #tpu.memory_space<vmem>>
      %dma_start3A_822 = arith.constant 0 : i32
      %dma_start3A_823 = arith.constant 0 : i32
      %dma_start3A_824 = tpu.memref_slice %arg13[%dma_start3A_822, %dma_start3A_823] : memref<10240x128xf32, #tpu.memory_space<vmem_shared>> -> memref<10240x128xf32, #tpu.memory_space<vmem_shared>>
      %dma_start3A_825 = tpu.memref_slice %arg17[%dma_start3A_814] : memref<3x!tpu.dma_semaphore, #tpu.memory_space<semaphore_mem>> -> memref<1x!tpu.dma_semaphore, #tpu.memory_space<semaphore_mem>>
      %dma_start3A_826 = tpu.memref_squeeze %dma_start3A_825 : memref<1x!tpu.dma_semaphore, #tpu.memory_space<semaphore_mem>> -> memref<!tpu.dma_semaphore, #tpu.memory_space<semaphore_mem>>
      tpu.enqueue_indirect_dma source(%dma_start3A_818 : memref<80x128xf32, #tpu.memory_space<vmem>>) target(%dma_start3A_824 : memref<10240x128xf32, #tpu.memory_space<vmem_shared>>) offsets(%dma_start3A_821 : memref<80xi32, #tpu.memory_space<vmem>>) semaphore(%dma_start3A_826 : memref<!tpu.dma_semaphore, #tpu.memory_space<semaphore_mem>>) {add = true}
      %dma_start3A_827 = arith.constant 2 : i32
      %dma_start3A_828 = arith.constant 2 : i32
      %dma_start3A_829 = arith.constant 0 : i32
      %dma_start3A_830 = tpu.memref_slice %arg8[%dma_start3A_827, %dma_start3A_829] : memref<4x80xi32, #tpu.memory_space<vmem>> -> memref<1x80xi32, #tpu.memory_space<vmem>>
      %dma_start3A_831 = tpu.memref_squeeze %dma_start3A_830 : memref<1x80xi32, #tpu.memory_space<vmem>> -> memref<80xi32, #tpu.memory_space<vmem>>
      %dma_start3A_832 = arith.constant 0 : i32
      %dma_start3A_833 = tpu.memref_slice %arg14[%dma_start3A_832] : memref<10240xf32, #tpu.memory_space<vmem_shared>> -> memref<10240xf32, #tpu.memory_space<vmem_shared>>
      %dma_start3A_834 = tpu.memref_slice %arg17[%dma_start3A_828] : memref<3x!tpu.dma_semaphore, #tpu.memory_space<semaphore_mem>> -> memref<1x!tpu.dma_semaphore, #tpu.memory_space<semaphore_mem>>
      %dma_start3A_835 = tpu.memref_squeeze %dma_start3A_834 : memref<1x!tpu.dma_semaphore, #tpu.memory_space<semaphore_mem>> -> memref<!tpu.dma_semaphore, #tpu.memory_space<semaphore_mem>>
      tpu.enqueue_indirect_dma source(%arg11 : memref<80xf32, #tpu.memory_space<vmem>>) target(%dma_start3A_833 : memref<10240xf32, #tpu.memory_space<vmem_shared>>) offsets(%dma_start3A_831 : memref<80xi32, #tpu.memory_space<vmem>>) semaphore(%dma_start3A_835 : memref<!tpu.dma_semaphore, #tpu.memory_space<semaphore_mem>>) {add = true}
      %mul3A_836 = arith.constant 12 : i32
      %mul3A_837 = arith.muli %scan3A_689, %mul3A_836 : i32
      %add3A_838 = arith.constant 2 : i32
      %add3A_839 = arith.addi %add3A_838, %mul3A_837 : i32
      %add3A_840 = arith.constant 1 : i32
      %add3A_841 = arith.addi %add3A_839, %add3A_840 : i32
      %dma_wait3A_842 = arith.constant 1 : i32
      %dma_wait3A_843 = arith.constant 1 : i32
      %dma_wait3A_844 = arith.constant 0 : i32
      %dma_wait3A_845 = tpu.memref_slice %arg7[%dma_wait3A_842, %dma_wait3A_844] : memref<4x80xi32, #tpu.memory_space<vmem>> -> memref<1x80xi32, #tpu.memory_space<vmem>>
      %dma_wait3A_846 = tpu.memref_squeeze %dma_wait3A_845 : memref<1x80xi32, #tpu.memory_space<vmem>> -> memref<80xi32, #tpu.memory_space<vmem>>
      %dma_wait3A_847 = arith.constant 0 : i32
      %dma_wait3A_848 = tpu.memref_slice %arg3[%dma_wait3A_847] : memref<320000xi32, #tpu.memory_space<hbm>> -> memref<80xi32, #tpu.memory_space<hbm>>
      %dma_wait3A_849 = tpu.memref_slice %arg15[%dma_wait3A_843] : memref<4x!tpu.dma_semaphore, #tpu.memory_space<semaphore_mem>> -> memref<1x!tpu.dma_semaphore, #tpu.memory_space<semaphore_mem>>
      %dma_wait3A_850 = tpu.memref_squeeze %dma_wait3A_849 : memref<1x!tpu.dma_semaphore, #tpu.memory_space<semaphore_mem>> -> memref<!tpu.dma_semaphore, #tpu.memory_space<semaphore_mem>>
      %dma_wait3A_851 = arith.constant 0 : i32
      %dma_wait3A_852 = tpu.memref_slice %arg7[%dma_wait3A_842, %dma_wait3A_851] : memref<4x80xi32, #tpu.memory_space<vmem>> -> memref<1x80xi32, #tpu.memory_space<vmem>>
      %dma_wait3A_853 = tpu.memref_squeeze %dma_wait3A_852 : memref<1x80xi32, #tpu.memory_space<vmem>> -> memref<80xi32, #tpu.memory_space<vmem>>
      %dma_wait3A_854 = arith.constant 0 : i32
      %dma_wait3A_855 = tpu.memref_slice %arg3[%dma_wait3A_854] : memref<320000xi32, #tpu.memory_space<hbm>> -> memref<80xi32, #tpu.memory_space<hbm>>
      tpu.wait_dma2 semaphore(%dma_wait3A_850 : memref<!tpu.dma_semaphore, #tpu.memory_space<semaphore_mem>>) src(%dma_wait3A_855 : memref<80xi32, #tpu.memory_space<hbm>>) dst(%dma_wait3A_853 : memref<80xi32, #tpu.memory_space<vmem>>)
      %dma_wait3A_856 = arith.constant 1 : i32
      %dma_wait3A_857 = arith.constant 1 : i32
      %dma_wait3A_858 = arith.constant 0 : i32
      %dma_wait3A_859 = tpu.memref_slice %arg8[%dma_wait3A_856, %dma_wait3A_858] : memref<4x80xi32, #tpu.memory_space<vmem>> -> memref<1x80xi32, #tpu.memory_space<vmem>>
      %dma_wait3A_860 = tpu.memref_squeeze %dma_wait3A_859 : memref<1x80xi32, #tpu.memory_space<vmem>> -> memref<80xi32, #tpu.memory_space<vmem>>
      %dma_wait3A_861 = arith.constant 0 : i32
      %dma_wait3A_862 = tpu.memref_slice %arg4[%dma_wait3A_861] : memref<320000xi32, #tpu.memory_space<hbm>> -> memref<80xi32, #tpu.memory_space<hbm>>
      %dma_wait3A_863 = tpu.memref_slice %arg15[%dma_wait3A_857] : memref<4x!tpu.dma_semaphore, #tpu.memory_space<semaphore_mem>> -> memref<1x!tpu.dma_semaphore, #tpu.memory_space<semaphore_mem>>
      %dma_wait3A_864 = tpu.memref_squeeze %dma_wait3A_863 : memref<1x!tpu.dma_semaphore, #tpu.memory_space<semaphore_mem>> -> memref<!tpu.dma_semaphore, #tpu.memory_space<semaphore_mem>>
      %dma_wait3A_865 = arith.constant 0 : i32
      %dma_wait3A_866 = tpu.memref_slice %arg8[%dma_wait3A_856, %dma_wait3A_865] : memref<4x80xi32, #tpu.memory_space<vmem>> -> memref<1x80xi32, #tpu.memory_space<vmem>>
      %dma_wait3A_867 = tpu.memref_squeeze %dma_wait3A_866 : memref<1x80xi32, #tpu.memory_space<vmem>> -> memref<80xi32, #tpu.memory_space<vmem>>
      %dma_wait3A_868 = arith.constant 0 : i32
      %dma_wait3A_869 = tpu.memref_slice %arg4[%dma_wait3A_868] : memref<320000xi32, #tpu.memory_space<hbm>> -> memref<80xi32, #tpu.memory_space<hbm>>
      tpu.wait_dma2 semaphore(%dma_wait3A_864 : memref<!tpu.dma_semaphore, #tpu.memory_space<semaphore_mem>>) src(%dma_wait3A_869 : memref<80xi32, #tpu.memory_space<hbm>>) dst(%dma_wait3A_867 : memref<80xi32, #tpu.memory_space<vmem>>)
      %dma_wait3A_870 = arith.constant 2 : i32
      %dma_wait3A_871 = arith.constant 2 : i32
      %dma_wait3A_872 = arith.constant 2 : i32
      %dma_wait3A_873 = arith.constant 0 : i32
      %dma_wait3A_874 = arith.constant 0 : i32
      %dma_wait3A_875 = tpu.memref_slice %arg9[%dma_wait3A_870, %dma_wait3A_873, %dma_wait3A_874] : memref<3x80x128xf32, #tpu.memory_space<vmem>> -> memref<1x80x128xf32, #tpu.memory_space<vmem>>
      %dma_wait3A_876 = tpu.memref_squeeze %dma_wait3A_875 : memref<1x80x128xf32, #tpu.memory_space<vmem>> -> memref<80x128xf32, #tpu.memory_space<vmem>>
      %dma_wait3A_877 = arith.constant 0 : i32
      %dma_wait3A_878 = tpu.memref_slice %arg8[%dma_wait3A_871, %dma_wait3A_877] : memref<4x80xi32, #tpu.memory_space<vmem>> -> memref<1x80xi32, #tpu.memory_space<vmem>>
      %dma_wait3A_879 = tpu.memref_squeeze %dma_wait3A_878 : memref<1x80xi32, #tpu.memory_space<vmem>> -> memref<80xi32, #tpu.memory_space<vmem>>
      %dma_wait3A_880 = arith.constant 0 : i32
      %dma_wait3A_881 = arith.constant 0 : i32
      %dma_wait3A_882 = tpu.memref_slice %arg13[%dma_wait3A_880, %dma_wait3A_881] : memref<10240x128xf32, #tpu.memory_space<vmem_shared>> -> memref<10240x128xf32, #tpu.memory_space<vmem_shared>>
      %dma_wait3A_883 = tpu.memref_slice %arg17[%dma_wait3A_872] : memref<3x!tpu.dma_semaphore, #tpu.memory_space<semaphore_mem>> -> memref<1x!tpu.dma_semaphore, #tpu.memory_space<semaphore_mem>>
      %dma_wait3A_884 = tpu.memref_squeeze %dma_wait3A_883 : memref<1x!tpu.dma_semaphore, #tpu.memory_space<semaphore_mem>> -> memref<!tpu.dma_semaphore, #tpu.memory_space<semaphore_mem>>
      tpu.wait_indirect_dma semaphore(%dma_wait3A_884 : memref<!tpu.dma_semaphore, #tpu.memory_space<semaphore_mem>>) src(%dma_wait3A_876 : memref<80x128xf32, #tpu.memory_space<vmem>>) dst(%dma_wait3A_882 : memref<10240x128xf32, #tpu.memory_space<vmem_shared>>)
      %dma_wait3A_885 = arith.constant 2 : i32
      %dma_wait3A_886 = arith.constant 2 : i32
      %dma_wait3A_887 = arith.constant 0 : i32
      %dma_wait3A_888 = tpu.memref_slice %arg8[%dma_wait3A_885, %dma_wait3A_887] : memref<4x80xi32, #tpu.memory_space<vmem>> -> memref<1x80xi32, #tpu.memory_space<vmem>>
      %dma_wait3A_889 = tpu.memref_squeeze %dma_wait3A_888 : memref<1x80xi32, #tpu.memory_space<vmem>> -> memref<80xi32, #tpu.memory_space<vmem>>
      %dma_wait3A_890 = arith.constant 0 : i32
      %dma_wait3A_891 = tpu.memref_slice %arg14[%dma_wait3A_890] : memref<10240xf32, #tpu.memory_space<vmem_shared>> -> memref<10240xf32, #tpu.memory_space<vmem_shared>>
      %dma_wait3A_892 = tpu.memref_slice %arg17[%dma_wait3A_886] : memref<3x!tpu.dma_semaphore, #tpu.memory_space<semaphore_mem>> -> memref<1x!tpu.dma_semaphore, #tpu.memory_space<semaphore_mem>>
      %dma_wait3A_893 = tpu.memref_squeeze %dma_wait3A_892 : memref<1x!tpu.dma_semaphore, #tpu.memory_space<semaphore_mem>> -> memref<!tpu.dma_semaphore, #tpu.memory_space<semaphore_mem>>
      tpu.wait_indirect_dma semaphore(%dma_wait3A_893 : memref<!tpu.dma_semaphore, #tpu.memory_space<semaphore_mem>>) src(%arg11 : memref<80xf32, #tpu.memory_space<vmem>>) dst(%dma_wait3A_891 : memref<10240xf32, #tpu.memory_space<vmem_shared>>)
      %add3A_894 = arith.constant 3 : i32
      %add3A_895 = arith.addi %add3A_841, %add3A_894 : i32
      %mul3A_896 = arith.constant 10000 : i32
      %mul3A_897 = arith.muli %add3A, %mul3A_896 : i32
      %mul3A_898 = arith.constant 80 : i32
      %mul3A_899 = arith.muli %add3A_895, %mul3A_898 : i32
      %add3A_900 = arith.addi %mul3A_897, %mul3A_899 : i32
      %dma_start3A_901 = arith.constant 2 : i32
      %dma_start3A_902 = arith.constant 2 : i32
      %dma_start3A_903 = arith.constant 0 : i32
      %dma_start3A_904 = tpu.memref_slice %arg7[%dma_start3A_901, %dma_start3A_903] : memref<4x80xi32, #tpu.memory_space<vmem>> -> memref<1x80xi32, #tpu.memory_space<vmem>>
      %dma_start3A_905 = tpu.memref_squeeze %dma_start3A_904 : memref<1x80xi32, #tpu.memory_space<vmem>> -> memref<80xi32, #tpu.memory_space<vmem>>
      %dma_start3A_906 = tpu.memref_slice %arg3[%add3A_900] : memref<320000xi32, #tpu.memory_space<hbm>> -> memref<80xi32, #tpu.memory_space<hbm>>
      %dma_start3A_907 = tpu.memref_slice %arg15[%dma_start3A_902] : memref<4x!tpu.dma_semaphore, #tpu.memory_space<semaphore_mem>> -> memref<1x!tpu.dma_semaphore, #tpu.memory_space<semaphore_mem>>
      %dma_start3A_908 = tpu.memref_squeeze %dma_start3A_907 : memref<1x!tpu.dma_semaphore, #tpu.memory_space<semaphore_mem>> -> memref<!tpu.dma_semaphore, #tpu.memory_space<semaphore_mem>>
      %dma_start3A_909 = arith.constant 0 : i32
      %dma_start3A_910 = tpu.memref_slice %arg7[%dma_start3A_901, %dma_start3A_909] : memref<4x80xi32, #tpu.memory_space<vmem>> -> memref<1x80xi32, #tpu.memory_space<vmem>>
      %dma_start3A_911 = tpu.memref_squeeze %dma_start3A_910 : memref<1x80xi32, #tpu.memory_space<vmem>> -> memref<80xi32, #tpu.memory_space<vmem>>
      %dma_start3A_912 = tpu.memref_slice %arg3[%add3A_900] : memref<320000xi32, #tpu.memory_space<hbm>> -> memref<80xi32, #tpu.memory_space<hbm>>
      tpu.enqueue_dma source(%dma_start3A_912 : memref<80xi32, #tpu.memory_space<hbm>>) target(%dma_start3A_911 : memref<80xi32, #tpu.memory_space<vmem>>) target_semaphore(%dma_start3A_908 : memref<!tpu.dma_semaphore, #tpu.memory_space<semaphore_mem>>)
      %dma_start3A_913 = arith.constant 2 : i32
      %dma_start3A_914 = arith.constant 2 : i32
      %dma_start3A_915 = arith.constant 0 : i32
      %dma_start3A_916 = tpu.memref_slice %arg8[%dma_start3A_913, %dma_start3A_915] : memref<4x80xi32, #tpu.memory_space<vmem>> -> memref<1x80xi32, #tpu.memory_space<vmem>>
      %dma_start3A_917 = tpu.memref_squeeze %dma_start3A_916 : memref<1x80xi32, #tpu.memory_space<vmem>> -> memref<80xi32, #tpu.memory_space<vmem>>
      %dma_start3A_918 = tpu.memref_slice %arg4[%add3A_900] : memref<320000xi32, #tpu.memory_space<hbm>> -> memref<80xi32, #tpu.memory_space<hbm>>
      %dma_start3A_919 = tpu.memref_slice %arg15[%dma_start3A_914] : memref<4x!tpu.dma_semaphore, #tpu.memory_space<semaphore_mem>> -> memref<1x!tpu.dma_semaphore, #tpu.memory_space<semaphore_mem>>
      %dma_start3A_920 = tpu.memref_squeeze %dma_start3A_919 : memref<1x!tpu.dma_semaphore, #tpu.memory_space<semaphore_mem>> -> memref<!tpu.dma_semaphore, #tpu.memory_space<semaphore_mem>>
      %dma_start3A_921 = arith.constant 0 : i32
      %dma_start3A_922 = tpu.memref_slice %arg8[%dma_start3A_913, %dma_start3A_921] : memref<4x80xi32, #tpu.memory_space<vmem>> -> memref<1x80xi32, #tpu.memory_space<vmem>>
      %dma_start3A_923 = tpu.memref_squeeze %dma_start3A_922 : memref<1x80xi32, #tpu.memory_space<vmem>> -> memref<80xi32, #tpu.memory_space<vmem>>
      %dma_start3A_924 = tpu.memref_slice %arg4[%add3A_900] : memref<320000xi32, #tpu.memory_space<hbm>> -> memref<80xi32, #tpu.memory_space<hbm>>
      tpu.enqueue_dma source(%dma_start3A_924 : memref<80xi32, #tpu.memory_space<hbm>>) target(%dma_start3A_923 : memref<80xi32, #tpu.memory_space<vmem>>) target_semaphore(%dma_start3A_920 : memref<!tpu.dma_semaphore, #tpu.memory_space<semaphore_mem>>)
      %add3A_925 = arith.constant 2 : i32
      %add3A_926 = arith.addi %add3A_841, %add3A_925 : i32
      %dma_start3A_927 = arith.constant 1 : i32
      %dma_start3A_928 = arith.constant 2 : i32
      %dma_start3A_929 = arith.constant 2 : i32
      %dma_start3A_930 = arith.constant 0 : i32
      %dma_start3A_931 = arith.constant 0 : i32
      %dma_start3A_932 = tpu.memref_slice %arg9[%dma_start3A_928, %dma_start3A_930, %dma_start3A_931] : memref<3x80x128xf32, #tpu.memory_space<vmem>> -> memref<1x80x128xf32, #tpu.memory_space<vmem>>
      %dma_start3A_933 = tpu.memref_squeeze %dma_start3A_932 : memref<1x80x128xf32, #tpu.memory_space<vmem>> -> memref<80x128xf32, #tpu.memory_space<vmem>>
      %dma_start3A_934 = arith.constant 0 : i32
      %dma_start3A_935 = tpu.memref_slice %arg7[%dma_start3A_927, %dma_start3A_934] : memref<4x80xi32, #tpu.memory_space<vmem>> -> memref<1x80xi32, #tpu.memory_space<vmem>>
      %dma_start3A_936 = tpu.memref_squeeze %dma_start3A_935 : memref<1x80xi32, #tpu.memory_space<vmem>> -> memref<80xi32, #tpu.memory_space<vmem>>
      %dma_start3A_937 = arith.constant 0 : i32
      %dma_start3A_938 = arith.constant 0 : i32
      %dma_start3A_939 = tpu.memref_slice %arg2[%dma_start3A_937, %dma_start3A_938] : memref<10000x128xf32, #tpu.memory_space<hbm>> -> memref<10000x128xf32, #tpu.memory_space<hbm>>
      %dma_start3A_940 = tpu.memref_slice %arg16[%dma_start3A_929] : memref<3x!tpu.dma_semaphore, #tpu.memory_space<semaphore_mem>> -> memref<1x!tpu.dma_semaphore, #tpu.memory_space<semaphore_mem>>
      %dma_start3A_941 = tpu.memref_squeeze %dma_start3A_940 : memref<1x!tpu.dma_semaphore, #tpu.memory_space<semaphore_mem>> -> memref<!tpu.dma_semaphore, #tpu.memory_space<semaphore_mem>>
      tpu.enqueue_indirect_dma source(%dma_start3A_939 : memref<10000x128xf32, #tpu.memory_space<hbm>>) target(%dma_start3A_933 : memref<80x128xf32, #tpu.memory_space<vmem>>) offsets(%dma_start3A_936 : memref<80xi32, #tpu.memory_space<vmem>>) semaphore(%dma_start3A_941 : memref<!tpu.dma_semaphore, #tpu.memory_space<semaphore_mem>>)
      %dma_wait3A_942 = arith.constant 3 : i32
      %dma_wait3A_943 = arith.constant 0 : i32
      %dma_wait3A_944 = arith.constant 0 : i32
      %dma_wait3A_945 = arith.constant 0 : i32
      %dma_wait3A_946 = arith.constant 0 : i32
      %dma_wait3A_947 = tpu.memref_slice %arg9[%dma_wait3A_943, %dma_wait3A_945, %dma_wait3A_946] : memref<3x80x128xf32, #tpu.memory_space<vmem>> -> memref<1x80x128xf32, #tpu.memory_space<vmem>>
      %dma_wait3A_948 = tpu.memref_squeeze %dma_wait3A_947 : memref<1x80x128xf32, #tpu.memory_space<vmem>> -> memref<80x128xf32, #tpu.memory_space<vmem>>
      %dma_wait3A_949 = arith.constant 0 : i32
      %dma_wait3A_950 = tpu.memref_slice %arg7[%dma_wait3A_942, %dma_wait3A_949] : memref<4x80xi32, #tpu.memory_space<vmem>> -> memref<1x80xi32, #tpu.memory_space<vmem>>
      %dma_wait3A_951 = tpu.memref_squeeze %dma_wait3A_950 : memref<1x80xi32, #tpu.memory_space<vmem>> -> memref<80xi32, #tpu.memory_space<vmem>>
      %dma_wait3A_952 = arith.constant 0 : i32
      %dma_wait3A_953 = arith.constant 0 : i32
      %dma_wait3A_954 = tpu.memref_slice %arg2[%dma_wait3A_952, %dma_wait3A_953] : memref<10000x128xf32, #tpu.memory_space<hbm>> -> memref<10000x128xf32, #tpu.memory_space<hbm>>
      %dma_wait3A_955 = tpu.memref_slice %arg16[%dma_wait3A_944] : memref<3x!tpu.dma_semaphore, #tpu.memory_space<semaphore_mem>> -> memref<1x!tpu.dma_semaphore, #tpu.memory_space<semaphore_mem>>
      %dma_wait3A_956 = tpu.memref_squeeze %dma_wait3A_955 : memref<1x!tpu.dma_semaphore, #tpu.memory_space<semaphore_mem>> -> memref<!tpu.dma_semaphore, #tpu.memory_space<semaphore_mem>>
      tpu.wait_indirect_dma semaphore(%dma_wait3A_956 : memref<!tpu.dma_semaphore, #tpu.memory_space<semaphore_mem>>) src(%dma_wait3A_954 : memref<10000x128xf32, #tpu.memory_space<hbm>>) dst(%dma_wait3A_948 : memref<80x128xf32, #tpu.memory_space<vmem>>)
      %dma_start3A_957 = arith.constant 0 : i32
      %dma_start3A_958 = arith.constant 3 : i32
      %dma_start3A_959 = arith.constant 0 : i32
      %dma_start3A_960 = arith.constant 0 : i32
      %dma_start3A_961 = arith.constant 0 : i32
      %dma_start3A_962 = tpu.memref_slice %arg9[%dma_start3A_957, %dma_start3A_960, %dma_start3A_961] : memref<3x80x128xf32, #tpu.memory_space<vmem>> -> memref<1x80x128xf32, #tpu.memory_space<vmem>>
      %dma_start3A_963 = tpu.memref_squeeze %dma_start3A_962 : memref<1x80x128xf32, #tpu.memory_space<vmem>> -> memref<80x128xf32, #tpu.memory_space<vmem>>
      %dma_start3A_964 = arith.constant 0 : i32
      %dma_start3A_965 = tpu.memref_slice %arg8[%dma_start3A_958, %dma_start3A_964] : memref<4x80xi32, #tpu.memory_space<vmem>> -> memref<1x80xi32, #tpu.memory_space<vmem>>
      %dma_start3A_966 = tpu.memref_squeeze %dma_start3A_965 : memref<1x80xi32, #tpu.memory_space<vmem>> -> memref<80xi32, #tpu.memory_space<vmem>>
      %dma_start3A_967 = arith.constant 0 : i32
      %dma_start3A_968 = arith.constant 0 : i32
      %dma_start3A_969 = tpu.memref_slice %arg13[%dma_start3A_967, %dma_start3A_968] : memref<10240x128xf32, #tpu.memory_space<vmem_shared>> -> memref<10240x128xf32, #tpu.memory_space<vmem_shared>>
      %dma_start3A_970 = tpu.memref_slice %arg17[%dma_start3A_959] : memref<3x!tpu.dma_semaphore, #tpu.memory_space<semaphore_mem>> -> memref<1x!tpu.dma_semaphore, #tpu.memory_space<semaphore_mem>>
      %dma_start3A_971 = tpu.memref_squeeze %dma_start3A_970 : memref<1x!tpu.dma_semaphore, #tpu.memory_space<semaphore_mem>> -> memref<!tpu.dma_semaphore, #tpu.memory_space<semaphore_mem>>
      tpu.enqueue_indirect_dma source(%dma_start3A_963 : memref<80x128xf32, #tpu.memory_space<vmem>>) target(%dma_start3A_969 : memref<10240x128xf32, #tpu.memory_space<vmem_shared>>) offsets(%dma_start3A_966 : memref<80xi32, #tpu.memory_space<vmem>>) semaphore(%dma_start3A_971 : memref<!tpu.dma_semaphore, #tpu.memory_space<semaphore_mem>>) {add = true}
      %dma_start3A_972 = arith.constant 3 : i32
      %dma_start3A_973 = arith.constant 0 : i32
      %dma_start3A_974 = arith.constant 0 : i32
      %dma_start3A_975 = tpu.memref_slice %arg8[%dma_start3A_972, %dma_start3A_974] : memref<4x80xi32, #tpu.memory_space<vmem>> -> memref<1x80xi32, #tpu.memory_space<vmem>>
      %dma_start3A_976 = tpu.memref_squeeze %dma_start3A_975 : memref<1x80xi32, #tpu.memory_space<vmem>> -> memref<80xi32, #tpu.memory_space<vmem>>
      %dma_start3A_977 = arith.constant 0 : i32
      %dma_start3A_978 = tpu.memref_slice %arg14[%dma_start3A_977] : memref<10240xf32, #tpu.memory_space<vmem_shared>> -> memref<10240xf32, #tpu.memory_space<vmem_shared>>
      %dma_start3A_979 = tpu.memref_slice %arg17[%dma_start3A_973] : memref<3x!tpu.dma_semaphore, #tpu.memory_space<semaphore_mem>> -> memref<1x!tpu.dma_semaphore, #tpu.memory_space<semaphore_mem>>
      %dma_start3A_980 = tpu.memref_squeeze %dma_start3A_979 : memref<1x!tpu.dma_semaphore, #tpu.memory_space<semaphore_mem>> -> memref<!tpu.dma_semaphore, #tpu.memory_space<semaphore_mem>>
      tpu.enqueue_indirect_dma source(%arg11 : memref<80xf32, #tpu.memory_space<vmem>>) target(%dma_start3A_978 : memref<10240xf32, #tpu.memory_space<vmem_shared>>) offsets(%dma_start3A_976 : memref<80xi32, #tpu.memory_space<vmem>>) semaphore(%dma_start3A_980 : memref<!tpu.dma_semaphore, #tpu.memory_space<semaphore_mem>>) {add = true}
      %mul3A_981 = arith.constant 12 : i32
      %mul3A_982 = arith.muli %scan3A_689, %mul3A_981 : i32
      %add3A_983 = arith.constant 2 : i32
      %add3A_984 = arith.addi %add3A_983, %mul3A_982 : i32
      %add3A_985 = arith.constant 2 : i32
      %add3A_986 = arith.addi %add3A_984, %add3A_985 : i32
      %dma_wait3A_987 = arith.constant 2 : i32
      %dma_wait3A_988 = arith.constant 2 : i32
      %dma_wait3A_989 = arith.constant 0 : i32
      %dma_wait3A_990 = tpu.memref_slice %arg7[%dma_wait3A_987, %dma_wait3A_989] : memref<4x80xi32, #tpu.memory_space<vmem>> -> memref<1x80xi32, #tpu.memory_space<vmem>>
      %dma_wait3A_991 = tpu.memref_squeeze %dma_wait3A_990 : memref<1x80xi32, #tpu.memory_space<vmem>> -> memref<80xi32, #tpu.memory_space<vmem>>
      %dma_wait3A_992 = arith.constant 0 : i32
      %dma_wait3A_993 = tpu.memref_slice %arg3[%dma_wait3A_992] : memref<320000xi32, #tpu.memory_space<hbm>> -> memref<80xi32, #tpu.memory_space<hbm>>
      %dma_wait3A_994 = tpu.memref_slice %arg15[%dma_wait3A_988] : memref<4x!tpu.dma_semaphore, #tpu.memory_space<semaphore_mem>> -> memref<1x!tpu.dma_semaphore, #tpu.memory_space<semaphore_mem>>
      %dma_wait3A_995 = tpu.memref_squeeze %dma_wait3A_994 : memref<1x!tpu.dma_semaphore, #tpu.memory_space<semaphore_mem>> -> memref<!tpu.dma_semaphore, #tpu.memory_space<semaphore_mem>>
      %dma_wait3A_996 = arith.constant 0 : i32
      %dma_wait3A_997 = tpu.memref_slice %arg7[%dma_wait3A_987, %dma_wait3A_996] : memref<4x80xi32, #tpu.memory_space<vmem>> -> memref<1x80xi32, #tpu.memory_space<vmem>>
      %dma_wait3A_998 = tpu.memref_squeeze %dma_wait3A_997 : memref<1x80xi32, #tpu.memory_space<vmem>> -> memref<80xi32, #tpu.memory_space<vmem>>
      %dma_wait3A_999 = arith.constant 0 : i32
      %dma_wait3A_1000 = tpu.memref_slice %arg3[%dma_wait3A_999] : memref<320000xi32, #tpu.memory_space<hbm>> -> memref<80xi32, #tpu.memory_space<hbm>>
      tpu.wait_dma2 semaphore(%dma_wait3A_995 : memref<!tpu.dma_semaphore, #tpu.memory_space<semaphore_mem>>) src(%dma_wait3A_1000 : memref<80xi32, #tpu.memory_space<hbm>>) dst(%dma_wait3A_998 : memref<80xi32, #tpu.memory_space<vmem>>)
      %dma_wait3A_1001 = arith.constant 2 : i32
      %dma_wait3A_1002 = arith.constant 2 : i32
      %dma_wait3A_1003 = arith.constant 0 : i32
      %dma_wait3A_1004 = tpu.memref_slice %arg8[%dma_wait3A_1001, %dma_wait3A_1003] : memref<4x80xi32, #tpu.memory_space<vmem>> -> memref<1x80xi32, #tpu.memory_space<vmem>>
      %dma_wait3A_1005 = tpu.memref_squeeze %dma_wait3A_1004 : memref<1x80xi32, #tpu.memory_space<vmem>> -> memref<80xi32, #tpu.memory_space<vmem>>
      %dma_wait3A_1006 = arith.constant 0 : i32
      %dma_wait3A_1007 = tpu.memref_slice %arg4[%dma_wait3A_1006] : memref<320000xi32, #tpu.memory_space<hbm>> -> memref<80xi32, #tpu.memory_space<hbm>>
      %dma_wait3A_1008 = tpu.memref_slice %arg15[%dma_wait3A_1002] : memref<4x!tpu.dma_semaphore, #tpu.memory_space<semaphore_mem>> -> memref<1x!tpu.dma_semaphore, #tpu.memory_space<semaphore_mem>>
      %dma_wait3A_1009 = tpu.memref_squeeze %dma_wait3A_1008 : memref<1x!tpu.dma_semaphore, #tpu.memory_space<semaphore_mem>> -> memref<!tpu.dma_semaphore, #tpu.memory_space<semaphore_mem>>
      %dma_wait3A_1010 = arith.constant 0 : i32
      %dma_wait3A_1011 = tpu.memref_slice %arg8[%dma_wait3A_1001, %dma_wait3A_1010] : memref<4x80xi32, #tpu.memory_space<vmem>> -> memref<1x80xi32, #tpu.memory_space<vmem>>
      %dma_wait3A_1012 = tpu.memref_squeeze %dma_wait3A_1011 : memref<1x80xi32, #tpu.memory_space<vmem>> -> memref<80xi32, #tpu.memory_space<vmem>>
      %dma_wait3A_1013 = arith.constant 0 : i32
      %dma_wait3A_1014 = tpu.memref_slice %arg4[%dma_wait3A_1013] : memref<320000xi32, #tpu.memory_space<hbm>> -> memref<80xi32, #tpu.memory_space<hbm>>
      tpu.wait_dma2 semaphore(%dma_wait3A_1009 : memref<!tpu.dma_semaphore, #tpu.memory_space<semaphore_mem>>) src(%dma_wait3A_1014 : memref<80xi32, #tpu.memory_space<hbm>>) dst(%dma_wait3A_1012 : memref<80xi32, #tpu.memory_space<vmem>>)
      %dma_wait3A_1015 = arith.constant 0 : i32
      %dma_wait3A_1016 = arith.constant 3 : i32
      %dma_wait3A_1017 = arith.constant 0 : i32
      %dma_wait3A_1018 = arith.constant 0 : i32
      %dma_wait3A_1019 = arith.constant 0 : i32
      %dma_wait3A_1020 = tpu.memref_slice %arg9[%dma_wait3A_1015, %dma_wait3A_1018, %dma_wait3A_1019] : memref<3x80x128xf32, #tpu.memory_space<vmem>> -> memref<1x80x128xf32, #tpu.memory_space<vmem>>
      %dma_wait3A_1021 = tpu.memref_squeeze %dma_wait3A_1020 : memref<1x80x128xf32, #tpu.memory_space<vmem>> -> memref<80x128xf32, #tpu.memory_space<vmem>>
      %dma_wait3A_1022 = arith.constant 0 : i32
      %dma_wait3A_1023 = tpu.memref_slice %arg8[%dma_wait3A_1016, %dma_wait3A_1022] : memref<4x80xi32, #tpu.memory_space<vmem>> -> memref<1x80xi32, #tpu.memory_space<vmem>>
      %dma_wait3A_1024 = tpu.memref_squeeze %dma_wait3A_1023 : memref<1x80xi32, #tpu.memory_space<vmem>> -> memref<80xi32, #tpu.memory_space<vmem>>
      %dma_wait3A_1025 = arith.constant 0 : i32
      %dma_wait3A_1026 = arith.constant 0 : i32
      %dma_wait3A_1027 = tpu.memref_slice %arg13[%dma_wait3A_1025, %dma_wait3A_1026] : memref<10240x128xf32, #tpu.memory_space<vmem_shared>> -> memref<10240x128xf32, #tpu.memory_space<vmem_shared>>
      %dma_wait3A_1028 = tpu.memref_slice %arg17[%dma_wait3A_1017] : memref<3x!tpu.dma_semaphore, #tpu.memory_space<semaphore_mem>> -> memref<1x!tpu.dma_semaphore, #tpu.memory_space<semaphore_mem>>
      %dma_wait3A_1029 = tpu.memref_squeeze %dma_wait3A_1028 : memref<1x!tpu.dma_semaphore, #tpu.memory_space<semaphore_mem>> -> memref<!tpu.dma_semaphore, #tpu.memory_space<semaphore_mem>>
      tpu.wait_indirect_dma semaphore(%dma_wait3A_1029 : memref<!tpu.dma_semaphore, #tpu.memory_space<semaphore_mem>>) src(%dma_wait3A_1021 : memref<80x128xf32, #tpu.memory_space<vmem>>) dst(%dma_wait3A_1027 : memref<10240x128xf32, #tpu.memory_space<vmem_shared>>)
      %dma_wait3A_1030 = arith.constant 3 : i32
      %dma_wait3A_1031 = arith.constant 0 : i32
      %dma_wait3A_1032 = arith.constant 0 : i32
      %dma_wait3A_1033 = tpu.memref_slice %arg8[%dma_wait3A_1030, %dma_wait3A_1032] : memref<4x80xi32, #tpu.memory_space<vmem>> -> memref<1x80xi32, #tpu.memory_space<vmem>>
      %dma_wait3A_1034 = tpu.memref_squeeze %dma_wait3A_1033 : memref<1x80xi32, #tpu.memory_space<vmem>> -> memref<80xi32, #tpu.memory_space<vmem>>
      %dma_wait3A_1035 = arith.constant 0 : i32
      %dma_wait3A_1036 = tpu.memref_slice %arg14[%dma_wait3A_1035] : memref<10240xf32, #tpu.memory_space<vmem_shared>> -> memref<10240xf32, #tpu.memory_space<vmem_shared>>
      %dma_wait3A_1037 = tpu.memref_slice %arg17[%dma_wait3A_1031] : memref<3x!tpu.dma_semaphore, #tpu.memory_space<semaphore_mem>> -> memref<1x!tpu.dma_semaphore, #tpu.memory_space<semaphore_mem>>
      %dma_wait3A_1038 = tpu.memref_squeeze %dma_wait3A_1037 : memref<1x!tpu.dma_semaphore, #tpu.memory_space<semaphore_mem>> -> memref<!tpu.dma_semaphore, #tpu.memory_space<semaphore_mem>>
      tpu.wait_indirect_dma semaphore(%dma_wait3A_1038 : memref<!tpu.dma_semaphore, #tpu.memory_space<semaphore_mem>>) src(%arg11 : memref<80xf32, #tpu.memory_space<vmem>>) dst(%dma_wait3A_1036 : memref<10240xf32, #tpu.memory_space<vmem_shared>>)
      %add3A_1039 = arith.constant 3 : i32
      %add3A_1040 = arith.addi %add3A_986, %add3A_1039 : i32
      %mul3A_1041 = arith.constant 10000 : i32
      %mul3A_1042 = arith.muli %add3A, %mul3A_1041 : i32
      %mul3A_1043 = arith.constant 80 : i32
      %mul3A_1044 = arith.muli %add3A_1040, %mul3A_1043 : i32
      %add3A_1045 = arith.addi %mul3A_1042, %mul3A_1044 : i32
      %dma_start3A_1046 = arith.constant 3 : i32
      %dma_start3A_1047 = arith.constant 3 : i32
      %dma_start3A_1048 = arith.constant 0 : i32
      %dma_start3A_1049 = tpu.memref_slice %arg7[%dma_start3A_1046, %dma_start3A_1048] : memref<4x80xi32, #tpu.memory_space<vmem>> -> memref<1x80xi32, #tpu.memory_space<vmem>>
      %dma_start3A_1050 = tpu.memref_squeeze %dma_start3A_1049 : memref<1x80xi32, #tpu.memory_space<vmem>> -> memref<80xi32, #tpu.memory_space<vmem>>
      %dma_start3A_1051 = tpu.memref_slice %arg3[%add3A_1045] : memref<320000xi32, #tpu.memory_space<hbm>> -> memref<80xi32, #tpu.memory_space<hbm>>
      %dma_start3A_1052 = tpu.memref_slice %arg15[%dma_start3A_1047] : memref<4x!tpu.dma_semaphore, #tpu.memory_space<semaphore_mem>> -> memref<1x!tpu.dma_semaphore, #tpu.memory_space<semaphore_mem>>
      %dma_start3A_1053 = tpu.memref_squeeze %dma_start3A_1052 : memref<1x!tpu.dma_semaphore, #tpu.memory_space<semaphore_mem>> -> memref<!tpu.dma_semaphore, #tpu.memory_space<semaphore_mem>>
      %dma_start3A_1054 = arith.constant 0 : i32
      %dma_start3A_1055 = tpu.memref_slice %arg7[%dma_start3A_1046, %dma_start3A_1054] : memref<4x80xi32, #tpu.memory_space<vmem>> -> memref<1x80xi32, #tpu.memory_space<vmem>>
      %dma_start3A_1056 = tpu.memref_squeeze %dma_start3A_1055 : memref<1x80xi32, #tpu.memory_space<vmem>> -> memref<80xi32, #tpu.memory_space<vmem>>
      %dma_start3A_1057 = tpu.memref_slice %arg3[%add3A_1045] : memref<320000xi32, #tpu.memory_space<hbm>> -> memref<80xi32, #tpu.memory_space<hbm>>
      tpu.enqueue_dma source(%dma_start3A_1057 : memref<80xi32, #tpu.memory_space<hbm>>) target(%dma_start3A_1056 : memref<80xi32, #tpu.memory_space<vmem>>) target_semaphore(%dma_start3A_1053 : memref<!tpu.dma_semaphore, #tpu.memory_space<semaphore_mem>>)
      %dma_start3A_1058 = arith.constant 3 : i32
      %dma_start3A_1059 = arith.constant 3 : i32
      %dma_start3A_1060 = arith.constant 0 : i32
      %dma_start3A_1061 = tpu.memref_slice %arg8[%dma_start3A_1058, %dma_start3A_1060] : memref<4x80xi32, #tpu.memory_space<vmem>> -> memref<1x80xi32, #tpu.memory_space<vmem>>
      %dma_start3A_1062 = tpu.memref_squeeze %dma_start3A_1061 : memref<1x80xi32, #tpu.memory_space<vmem>> -> memref<80xi32, #tpu.memory_space<vmem>>
      %dma_start3A_1063 = tpu.memref_slice %arg4[%add3A_1045] : memref<320000xi32, #tpu.memory_space<hbm>> -> memref<80xi32, #tpu.memory_space<hbm>>
      %dma_start3A_1064 = tpu.memref_slice %arg15[%dma_start3A_1059] : memref<4x!tpu.dma_semaphore, #tpu.memory_space<semaphore_mem>> -> memref<1x!tpu.dma_semaphore, #tpu.memory_space<semaphore_mem>>
      %dma_start3A_1065 = tpu.memref_squeeze %dma_start3A_1064 : memref<1x!tpu.dma_semaphore, #tpu.memory_space<semaphore_mem>> -> memref<!tpu.dma_semaphore, #tpu.memory_space<semaphore_mem>>
      %dma_start3A_1066 = arith.constant 0 : i32
      %dma_start3A_1067 = tpu.memref_slice %arg8[%dma_start3A_1058, %dma_start3A_1066] : memref<4x80xi32, #tpu.memory_space<vmem>> -> memref<1x80xi32, #tpu.memory_space<vmem>>
      %dma_start3A_1068 = tpu.memref_squeeze %dma_start3A_1067 : memref<1x80xi32, #tpu.memory_space<vmem>> -> memref<80xi32, #tpu.memory_space<vmem>>
      %dma_start3A_1069 = tpu.memref_slice %arg4[%add3A_1045] : memref<320000xi32, #tpu.memory_space<hbm>> -> memref<80xi32, #tpu.memory_space<hbm>>
      tpu.enqueue_dma source(%dma_start3A_1069 : memref<80xi32, #tpu.memory_space<hbm>>) target(%dma_start3A_1068 : memref<80xi32, #tpu.memory_space<vmem>>) target_semaphore(%dma_start3A_1065 : memref<!tpu.dma_semaphore, #tpu.memory_space<semaphore_mem>>)
      %add3A_1070 = arith.constant 2 : i32
      %add3A_1071 = arith.addi %add3A_986, %add3A_1070 : i32
      %dma_start3A_1072 = arith.constant 2 : i32
      %dma_start3A_1073 = arith.constant 0 : i32
      %dma_start3A_1074 = arith.constant 0 : i32
      %dma_start3A_1075 = arith.constant 0 : i32
      %dma_start3A_1076 = arith.constant 0 : i32
      %dma_start3A_1077 = tpu.memref_slice %arg9[%dma_start3A_1073, %dma_start3A_1075, %dma_start3A_1076] : memref<3x80x128xf32, #tpu.memory_space<vmem>> -> memref<1x80x128xf32, #tpu.memory_space<vmem>>
      %dma_start3A_1078 = tpu.memref_squeeze %dma_start3A_1077 : memref<1x80x128xf32, #tpu.memory_space<vmem>> -> memref<80x128xf32, #tpu.memory_space<vmem>>
      %dma_start3A_1079 = arith.constant 0 : i32
      %dma_start3A_1080 = tpu.memref_slice %arg7[%dma_start3A_1072, %dma_start3A_1079] : memref<4x80xi32, #tpu.memory_space<vmem>> -> memref<1x80xi32, #tpu.memory_space<vmem>>
      %dma_start3A_1081 = tpu.memref_squeeze %dma_start3A_1080 : memref<1x80xi32, #tpu.memory_space<vmem>> -> memref<80xi32, #tpu.memory_space<vmem>>
      %dma_start3A_1082 = arith.constant 0 : i32
      %dma_start3A_1083 = arith.constant 0 : i32
      %dma_start3A_1084 = tpu.memref_slice %arg2[%dma_start3A_1082, %dma_start3A_1083] : memref<10000x128xf32, #tpu.memory_space<hbm>> -> memref<10000x128xf32, #tpu.memory_space<hbm>>
      %dma_start3A_1085 = tpu.memref_slice %arg16[%dma_start3A_1074] : memref<3x!tpu.dma_semaphore, #tpu.memory_space<semaphore_mem>> -> memref<1x!tpu.dma_semaphore, #tpu.memory_space<semaphore_mem>>
      %dma_start3A_1086 = tpu.memref_squeeze %dma_start3A_1085 : memref<1x!tpu.dma_semaphore, #tpu.memory_space<semaphore_mem>> -> memref<!tpu.dma_semaphore, #tpu.memory_space<semaphore_mem>>
      tpu.enqueue_indirect_dma source(%dma_start3A_1084 : memref<10000x128xf32, #tpu.memory_space<hbm>>) target(%dma_start3A_1078 : memref<80x128xf32, #tpu.memory_space<vmem>>) offsets(%dma_start3A_1081 : memref<80xi32, #tpu.memory_space<vmem>>) semaphore(%dma_start3A_1086 : memref<!tpu.dma_semaphore, #tpu.memory_space<semaphore_mem>>)
      %dma_wait3A_1087 = arith.constant 0 : i32
      %dma_wait3A_1088 = arith.constant 1 : i32
      %dma_wait3A_1089 = arith.constant 1 : i32
      %dma_wait3A_1090 = arith.constant 0 : i32
      %dma_wait3A_1091 = arith.constant 0 : i32
      %dma_wait3A_1092 = tpu.memref_slice %arg9[%dma_wait3A_1088, %dma_wait3A_1090, %dma_wait3A_1091] : memref<3x80x128xf32, #tpu.memory_space<vmem>> -> memref<1x80x128xf32, #tpu.memory_space<vmem>>
      %dma_wait3A_1093 = tpu.memref_squeeze %dma_wait3A_1092 : memref<1x80x128xf32, #tpu.memory_space<vmem>> -> memref<80x128xf32, #tpu.memory_space<vmem>>
      %dma_wait3A_1094 = arith.constant 0 : i32
      %dma_wait3A_1095 = tpu.memref_slice %arg7[%dma_wait3A_1087, %dma_wait3A_1094] : memref<4x80xi32, #tpu.memory_space<vmem>> -> memref<1x80xi32, #tpu.memory_space<vmem>>
      %dma_wait3A_1096 = tpu.memref_squeeze %dma_wait3A_1095 : memref<1x80xi32, #tpu.memory_space<vmem>> -> memref<80xi32, #tpu.memory_space<vmem>>
      %dma_wait3A_1097 = arith.constant 0 : i32
      %dma_wait3A_1098 = arith.constant 0 : i32
      %dma_wait3A_1099 = tpu.memref_slice %arg2[%dma_wait3A_1097, %dma_wait3A_1098] : memref<10000x128xf32, #tpu.memory_space<hbm>> -> memref<10000x128xf32, #tpu.memory_space<hbm>>
      %dma_wait3A_1100 = tpu.memref_slice %arg16[%dma_wait3A_1089] : memref<3x!tpu.dma_semaphore, #tpu.memory_space<semaphore_mem>> -> memref<1x!tpu.dma_semaphore, #tpu.memory_space<semaphore_mem>>
      %dma_wait3A_1101 = tpu.memref_squeeze %dma_wait3A_1100 : memref<1x!tpu.dma_semaphore, #tpu.memory_space<semaphore_mem>> -> memref<!tpu.dma_semaphore, #tpu.memory_space<semaphore_mem>>
      tpu.wait_indirect_dma semaphore(%dma_wait3A_1101 : memref<!tpu.dma_semaphore, #tpu.memory_space<semaphore_mem>>) src(%dma_wait3A_1099 : memref<10000x128xf32, #tpu.memory_space<hbm>>) dst(%dma_wait3A_1093 : memref<80x128xf32, #tpu.memory_space<vmem>>)
      %dma_start3A_1102 = arith.constant 1 : i32
      %dma_start3A_1103 = arith.constant 0 : i32
      %dma_start3A_1104 = arith.constant 1 : i32
      %dma_start3A_1105 = arith.constant 0 : i32
      %dma_start3A_1106 = arith.constant 0 : i32
      %dma_start3A_1107 = tpu.memref_slice %arg9[%dma_start3A_1102, %dma_start3A_1105, %dma_start3A_1106] : memref<3x80x128xf32, #tpu.memory_space<vmem>> -> memref<1x80x128xf32, #tpu.memory_space<vmem>>
      %dma_start3A_1108 = tpu.memref_squeeze %dma_start3A_1107 : memref<1x80x128xf32, #tpu.memory_space<vmem>> -> memref<80x128xf32, #tpu.memory_space<vmem>>
      %dma_start3A_1109 = arith.constant 0 : i32
      %dma_start3A_1110 = tpu.memref_slice %arg8[%dma_start3A_1103, %dma_start3A_1109] : memref<4x80xi32, #tpu.memory_space<vmem>> -> memref<1x80xi32, #tpu.memory_space<vmem>>
      %dma_start3A_1111 = tpu.memref_squeeze %dma_start3A_1110 : memref<1x80xi32, #tpu.memory_space<vmem>> -> memref<80xi32, #tpu.memory_space<vmem>>
      %dma_start3A_1112 = arith.constant 0 : i32
      %dma_start3A_1113 = arith.constant 0 : i32
      %dma_start3A_1114 = tpu.memref_slice %arg13[%dma_start3A_1112, %dma_start3A_1113] : memref<10240x128xf32, #tpu.memory_space<vmem_shared>> -> memref<10240x128xf32, #tpu.memory_space<vmem_shared>>
      %dma_start3A_1115 = tpu.memref_slice %arg17[%dma_start3A_1104] : memref<3x!tpu.dma_semaphore, #tpu.memory_space<semaphore_mem>> -> memref<1x!tpu.dma_semaphore, #tpu.memory_space<semaphore_mem>>
      %dma_start3A_1116 = tpu.memref_squeeze %dma_start3A_1115 : memref<1x!tpu.dma_semaphore, #tpu.memory_space<semaphore_mem>> -> memref<!tpu.dma_semaphore, #tpu.memory_space<semaphore_mem>>
      tpu.enqueue_indirect_dma source(%dma_start3A_1108 : memref<80x128xf32, #tpu.memory_space<vmem>>) target(%dma_start3A_1114 : memref<10240x128xf32, #tpu.memory_space<vmem_shared>>) offsets(%dma_start3A_1111 : memref<80xi32, #tpu.memory_space<vmem>>) semaphore(%dma_start3A_1116 : memref<!tpu.dma_semaphore, #tpu.memory_space<semaphore_mem>>) {add = true}
      %dma_start3A_1117 = arith.constant 0 : i32
      %dma_start3A_1118 = arith.constant 1 : i32
      %dma_start3A_1119 = arith.constant 0 : i32
      %dma_start3A_1120 = tpu.memref_slice %arg8[%dma_start3A_1117, %dma_start3A_1119] : memref<4x80xi32, #tpu.memory_space<vmem>> -> memref<1x80xi32, #tpu.memory_space<vmem>>
      %dma_start3A_1121 = tpu.memref_squeeze %dma_start3A_1120 : memref<1x80xi32, #tpu.memory_space<vmem>> -> memref<80xi32, #tpu.memory_space<vmem>>
      %dma_start3A_1122 = arith.constant 0 : i32
      %dma_start3A_1123 = tpu.memref_slice %arg14[%dma_start3A_1122] : memref<10240xf32, #tpu.memory_space<vmem_shared>> -> memref<10240xf32, #tpu.memory_space<vmem_shared>>
      %dma_start3A_1124 = tpu.memref_slice %arg17[%dma_start3A_1118] : memref<3x!tpu.dma_semaphore, #tpu.memory_space<semaphore_mem>> -> memref<1x!tpu.dma_semaphore, #tpu.memory_space<semaphore_mem>>
      %dma_start3A_1125 = tpu.memref_squeeze %dma_start3A_1124 : memref<1x!tpu.dma_semaphore, #tpu.memory_space<semaphore_mem>> -> memref<!tpu.dma_semaphore, #tpu.memory_space<semaphore_mem>>
      tpu.enqueue_indirect_dma source(%arg11 : memref<80xf32, #tpu.memory_space<vmem>>) target(%dma_start3A_1123 : memref<10240xf32, #tpu.memory_space<vmem_shared>>) offsets(%dma_start3A_1121 : memref<80xi32, #tpu.memory_space<vmem>>) semaphore(%dma_start3A_1125 : memref<!tpu.dma_semaphore, #tpu.memory_space<semaphore_mem>>) {add = true}
      %mul3A_1126 = arith.constant 12 : i32
      %mul3A_1127 = arith.muli %scan3A_689, %mul3A_1126 : i32
      %add3A_1128 = arith.constant 2 : i32
      %add3A_1129 = arith.addi %add3A_1128, %mul3A_1127 : i32
      %add3A_1130 = arith.constant 3 : i32
      %add3A_1131 = arith.addi %add3A_1129, %add3A_1130 : i32
      %dma_wait3A_1132 = arith.constant 3 : i32
      %dma_wait3A_1133 = arith.constant 3 : i32
      %dma_wait3A_1134 = arith.constant 0 : i32
      %dma_wait3A_1135 = tpu.memref_slice %arg7[%dma_wait3A_1132, %dma_wait3A_1134] : memref<4x80xi32, #tpu.memory_space<vmem>> -> memref<1x80xi32, #tpu.memory_space<vmem>>
      %dma_wait3A_1136 = tpu.memref_squeeze %dma_wait3A_1135 : memref<1x80xi32, #tpu.memory_space<vmem>> -> memref<80xi32, #tpu.memory_space<vmem>>
      %dma_wait3A_1137 = arith.constant 0 : i32
      %dma_wait3A_1138 = tpu.memref_slice %arg3[%dma_wait3A_1137] : memref<320000xi32, #tpu.memory_space<hbm>> -> memref<80xi32, #tpu.memory_space<hbm>>
      %dma_wait3A_1139 = tpu.memref_slice %arg15[%dma_wait3A_1133] : memref<4x!tpu.dma_semaphore, #tpu.memory_space<semaphore_mem>> -> memref<1x!tpu.dma_semaphore, #tpu.memory_space<semaphore_mem>>
      %dma_wait3A_1140 = tpu.memref_squeeze %dma_wait3A_1139 : memref<1x!tpu.dma_semaphore, #tpu.memory_space<semaphore_mem>> -> memref<!tpu.dma_semaphore, #tpu.memory_space<semaphore_mem>>
      %dma_wait3A_1141 = arith.constant 0 : i32
      %dma_wait3A_1142 = tpu.memref_slice %arg7[%dma_wait3A_1132, %dma_wait3A_1141] : memref<4x80xi32, #tpu.memory_space<vmem>> -> memref<1x80xi32, #tpu.memory_space<vmem>>
      %dma_wait3A_1143 = tpu.memref_squeeze %dma_wait3A_1142 : memref<1x80xi32, #tpu.memory_space<vmem>> -> memref<80xi32, #tpu.memory_space<vmem>>
      %dma_wait3A_1144 = arith.constant 0 : i32
      %dma_wait3A_1145 = tpu.memref_slice %arg3[%dma_wait3A_1144] : memref<320000xi32, #tpu.memory_space<hbm>> -> memref<80xi32, #tpu.memory_space<hbm>>
      tpu.wait_dma2 semaphore(%dma_wait3A_1140 : memref<!tpu.dma_semaphore, #tpu.memory_space<semaphore_mem>>) src(%dma_wait3A_1145 : memref<80xi32, #tpu.memory_space<hbm>>) dst(%dma_wait3A_1143 : memref<80xi32, #tpu.memory_space<vmem>>)
      %dma_wait3A_1146 = arith.constant 3 : i32
      %dma_wait3A_1147 = arith.constant 3 : i32
      %dma_wait3A_1148 = arith.constant 0 : i32
      %dma_wait3A_1149 = tpu.memref_slice %arg8[%dma_wait3A_1146, %dma_wait3A_1148] : memref<4x80xi32, #tpu.memory_space<vmem>> -> memref<1x80xi32, #tpu.memory_space<vmem>>
      %dma_wait3A_1150 = tpu.memref_squeeze %dma_wait3A_1149 : memref<1x80xi32, #tpu.memory_space<vmem>> -> memref<80xi32, #tpu.memory_space<vmem>>
      %dma_wait3A_1151 = arith.constant 0 : i32
      %dma_wait3A_1152 = tpu.memref_slice %arg4[%dma_wait3A_1151] : memref<320000xi32, #tpu.memory_space<hbm>> -> memref<80xi32, #tpu.memory_space<hbm>>
      %dma_wait3A_1153 = tpu.memref_slice %arg15[%dma_wait3A_1147] : memref<4x!tpu.dma_semaphore, #tpu.memory_space<semaphore_mem>> -> memref<1x!tpu.dma_semaphore, #tpu.memory_space<semaphore_mem>>
      %dma_wait3A_1154 = tpu.memref_squeeze %dma_wait3A_1153 : memref<1x!tpu.dma_semaphore, #tpu.memory_space<semaphore_mem>> -> memref<!tpu.dma_semaphore, #tpu.memory_space<semaphore_mem>>
      %dma_wait3A_1155 = arith.constant 0 : i32
      %dma_wait3A_1156 = tpu.memref_slice %arg8[%dma_wait3A_1146, %dma_wait3A_1155] : memref<4x80xi32, #tpu.memory_space<vmem>> -> memref<1x80xi32, #tpu.memory_space<vmem>>
      %dma_wait3A_1157 = tpu.memref_squeeze %dma_wait3A_1156 : memref<1x80xi32, #tpu.memory_space<vmem>> -> memref<80xi32, #tpu.memory_space<vmem>>
      %dma_wait3A_1158 = arith.constant 0 : i32
      %dma_wait3A_1159 = tpu.memref_slice %arg4[%dma_wait3A_1158] : memref<320000xi32, #tpu.memory_space<hbm>> -> memref<80xi32, #tpu.memory_space<hbm>>
      tpu.wait_dma2 semaphore(%dma_wait3A_1154 : memref<!tpu.dma_semaphore, #tpu.memory_space<semaphore_mem>>) src(%dma_wait3A_1159 : memref<80xi32, #tpu.memory_space<hbm>>) dst(%dma_wait3A_1157 : memref<80xi32, #tpu.memory_space<vmem>>)
      %dma_wait3A_1160 = arith.constant 1 : i32
      %dma_wait3A_1161 = arith.constant 0 : i32
      %dma_wait3A_1162 = arith.constant 1 : i32
      %dma_wait3A_1163 = arith.constant 0 : i32
      %dma_wait3A_1164 = arith.constant 0 : i32
      %dma_wait3A_1165 = tpu.memref_slice %arg9[%dma_wait3A_1160, %dma_wait3A_1163, %dma_wait3A_1164] : memref<3x80x128xf32, #tpu.memory_space<vmem>> -> memref<1x80x128xf32, #tpu.memory_space<vmem>>
      %dma_wait3A_1166 = tpu.memref_squeeze %dma_wait3A_1165 : memref<1x80x128xf32, #tpu.memory_space<vmem>> -> memref<80x128xf32, #tpu.memory_space<vmem>>
      %dma_wait3A_1167 = arith.constant 0 : i32
      %dma_wait3A_1168 = tpu.memref_slice %arg8[%dma_wait3A_1161, %dma_wait3A_1167] : memref<4x80xi32, #tpu.memory_space<vmem>> -> memref<1x80xi32, #tpu.memory_space<vmem>>
      %dma_wait3A_1169 = tpu.memref_squeeze %dma_wait3A_1168 : memref<1x80xi32, #tpu.memory_space<vmem>> -> memref<80xi32, #tpu.memory_space<vmem>>
      %dma_wait3A_1170 = arith.constant 0 : i32
      %dma_wait3A_1171 = arith.constant 0 : i32
      %dma_wait3A_1172 = tpu.memref_slice %arg13[%dma_wait3A_1170, %dma_wait3A_1171] : memref<10240x128xf32, #tpu.memory_space<vmem_shared>> -> memref<10240x128xf32, #tpu.memory_space<vmem_shared>>
      %dma_wait3A_1173 = tpu.memref_slice %arg17[%dma_wait3A_1162] : memref<3x!tpu.dma_semaphore, #tpu.memory_space<semaphore_mem>> -> memref<1x!tpu.dma_semaphore, #tpu.memory_space<semaphore_mem>>
      %dma_wait3A_1174 = tpu.memref_squeeze %dma_wait3A_1173 : memref<1x!tpu.dma_semaphore, #tpu.memory_space<semaphore_mem>> -> memref<!tpu.dma_semaphore, #tpu.memory_space<semaphore_mem>>
      tpu.wait_indirect_dma semaphore(%dma_wait3A_1174 : memref<!tpu.dma_semaphore, #tpu.memory_space<semaphore_mem>>) src(%dma_wait3A_1166 : memref<80x128xf32, #tpu.memory_space<vmem>>) dst(%dma_wait3A_1172 : memref<10240x128xf32, #tpu.memory_space<vmem_shared>>)
      %dma_wait3A_1175 = arith.constant 0 : i32
      %dma_wait3A_1176 = arith.constant 1 : i32
      %dma_wait3A_1177 = arith.constant 0 : i32
      %dma_wait3A_1178 = tpu.memref_slice %arg8[%dma_wait3A_1175, %dma_wait3A_1177] : memref<4x80xi32, #tpu.memory_space<vmem>> -> memref<1x80xi32, #tpu.memory_space<vmem>>
      %dma_wait3A_1179 = tpu.memref_squeeze %dma_wait3A_1178 : memref<1x80xi32, #tpu.memory_space<vmem>> -> memref<80xi32, #tpu.memory_space<vmem>>
      %dma_wait3A_1180 = arith.constant 0 : i32
      %dma_wait3A_1181 = tpu.memref_slice %arg14[%dma_wait3A_1180] : memref<10240xf32, #tpu.memory_space<vmem_shared>> -> memref<10240xf32, #tpu.memory_space<vmem_shared>>
      %dma_wait3A_1182 = tpu.memref_slice %arg17[%dma_wait3A_1176] : memref<3x!tpu.dma_semaphore, #tpu.memory_space<semaphore_mem>> -> memref<1x!tpu.dma_semaphore, #tpu.memory_space<semaphore_mem>>
      %dma_wait3A_1183 = tpu.memref_squeeze %dma_wait3A_1182 : memref<1x!tpu.dma_semaphore, #tpu.memory_space<semaphore_mem>> -> memref<!tpu.dma_semaphore, #tpu.memory_space<semaphore_mem>>
      tpu.wait_indirect_dma semaphore(%dma_wait3A_1183 : memref<!tpu.dma_semaphore, #tpu.memory_space<semaphore_mem>>) src(%arg11 : memref<80xf32, #tpu.memory_space<vmem>>) dst(%dma_wait3A_1181 : memref<10240xf32, #tpu.memory_space<vmem_shared>>)
      %add3A_1184 = arith.constant 3 : i32
      %add3A_1185 = arith.addi %add3A_1131, %add3A_1184 : i32
      %mul3A_1186 = arith.constant 10000 : i32
      %mul3A_1187 = arith.muli %add3A, %mul3A_1186 : i32
      %mul3A_1188 = arith.constant 80 : i32
      %mul3A_1189 = arith.muli %add3A_1185, %mul3A_1188 : i32
      %add3A_1190 = arith.addi %mul3A_1187, %mul3A_1189 : i32
      %dma_start3A_1191 = arith.constant 0 : i32
      %dma_start3A_1192 = arith.constant 0 : i32
      %dma_start3A_1193 = arith.constant 0 : i32
      %dma_start3A_1194 = tpu.memref_slice %arg7[%dma_start3A_1191, %dma_start3A_1193] : memref<4x80xi32, #tpu.memory_space<vmem>> -> memref<1x80xi32, #tpu.memory_space<vmem>>
      %dma_start3A_1195 = tpu.memref_squeeze %dma_start3A_1194 : memref<1x80xi32, #tpu.memory_space<vmem>> -> memref<80xi32, #tpu.memory_space<vmem>>
      %dma_start3A_1196 = tpu.memref_slice %arg3[%add3A_1190] : memref<320000xi32, #tpu.memory_space<hbm>> -> memref<80xi32, #tpu.memory_space<hbm>>
      %dma_start3A_1197 = tpu.memref_slice %arg15[%dma_start3A_1192] : memref<4x!tpu.dma_semaphore, #tpu.memory_space<semaphore_mem>> -> memref<1x!tpu.dma_semaphore, #tpu.memory_space<semaphore_mem>>
      %dma_start3A_1198 = tpu.memref_squeeze %dma_start3A_1197 : memref<1x!tpu.dma_semaphore, #tpu.memory_space<semaphore_mem>> -> memref<!tpu.dma_semaphore, #tpu.memory_space<semaphore_mem>>
      %dma_start3A_1199 = arith.constant 0 : i32
      %dma_start3A_1200 = tpu.memref_slice %arg7[%dma_start3A_1191, %dma_start3A_1199] : memref<4x80xi32, #tpu.memory_space<vmem>> -> memref<1x80xi32, #tpu.memory_space<vmem>>
      %dma_start3A_1201 = tpu.memref_squeeze %dma_start3A_1200 : memref<1x80xi32, #tpu.memory_space<vmem>> -> memref<80xi32, #tpu.memory_space<vmem>>
      %dma_start3A_1202 = tpu.memref_slice %arg3[%add3A_1190] : memref<320000xi32, #tpu.memory_space<hbm>> -> memref<80xi32, #tpu.memory_space<hbm>>
      tpu.enqueue_dma source(%dma_start3A_1202 : memref<80xi32, #tpu.memory_space<hbm>>) target(%dma_start3A_1201 : memref<80xi32, #tpu.memory_space<vmem>>) target_semaphore(%dma_start3A_1198 : memref<!tpu.dma_semaphore, #tpu.memory_space<semaphore_mem>>)
      %dma_start3A_1203 = arith.constant 0 : i32
      %dma_start3A_1204 = arith.constant 0 : i32
      %dma_start3A_1205 = arith.constant 0 : i32
      %dma_start3A_1206 = tpu.memref_slice %arg8[%dma_start3A_1203, %dma_start3A_1205] : memref<4x80xi32, #tpu.memory_space<vmem>> -> memref<1x80xi32, #tpu.memory_space<vmem>>
      %dma_start3A_1207 = tpu.memref_squeeze %dma_start3A_1206 : memref<1x80xi32, #tpu.memory_space<vmem>> -> memref<80xi32, #tpu.memory_space<vmem>>
      %dma_start3A_1208 = tpu.memref_slice %arg4[%add3A_1190] : memref<320000xi32, #tpu.memory_space<hbm>> -> memref<80xi32, #tpu.memory_space<hbm>>
      %dma_start3A_1209 = tpu.memref_slice %arg15[%dma_start3A_1204] : memref<4x!tpu.dma_semaphore, #tpu.memory_space<semaphore_mem>> -> memref<1x!tpu.dma_semaphore, #tpu.memory_space<semaphore_mem>>
      %dma_start3A_1210 = tpu.memref_squeeze %dma_start3A_1209 : memref<1x!tpu.dma_semaphore, #tpu.memory_space<semaphore_mem>> -> memref<!tpu.dma_semaphore, #tpu.memory_space<semaphore_mem>>
      %dma_start3A_1211 = arith.constant 0 : i32
      %dma_start3A_1212 = tpu.memref_slice %arg8[%dma_start3A_1203, %dma_start3A_1211] : memref<4x80xi32, #tpu.memory_space<vmem>> -> memref<1x80xi32, #tpu.memory_space<vmem>>
      %dma_start3A_1213 = tpu.memref_squeeze %dma_start3A_1212 : memref<1x80xi32, #tpu.memory_space<vmem>> -> memref<80xi32, #tpu.memory_space<vmem>>
      %dma_start3A_1214 = tpu.memref_slice %arg4[%add3A_1190] : memref<320000xi32, #tpu.memory_space<hbm>> -> memref<80xi32, #tpu.memory_space<hbm>>
      tpu.enqueue_dma source(%dma_start3A_1214 : memref<80xi32, #tpu.memory_space<hbm>>) target(%dma_start3A_1213 : memref<80xi32, #tpu.memory_space<vmem>>) target_semaphore(%dma_start3A_1210 : memref<!tpu.dma_semaphore, #tpu.memory_space<semaphore_mem>>)
      %add3A_1215 = arith.constant 2 : i32
      %add3A_1216 = arith.addi %add3A_1131, %add3A_1215 : i32
      %dma_start3A_1217 = arith.constant 3 : i32
      %dma_start3A_1218 = arith.constant 1 : i32
      %dma_start3A_1219 = arith.constant 1 : i32
      %dma_start3A_1220 = arith.constant 0 : i32
      %dma_start3A_1221 = arith.constant 0 : i32
      %dma_start3A_1222 = tpu.memref_slice %arg9[%dma_start3A_1218, %dma_start3A_1220, %dma_start3A_1221] : memref<3x80x128xf32, #tpu.memory_space<vmem>> -> memref<1x80x128xf32, #tpu.memory_space<vmem>>
      %dma_start3A_1223 = tpu.memref_squeeze %dma_start3A_1222 : memref<1x80x128xf32, #tpu.memory_space<vmem>> -> memref<80x128xf32, #tpu.memory_space<vmem>>
      %dma_start3A_1224 = arith.constant 0 : i32
      %dma_start3A_1225 = tpu.memref_slice %arg7[%dma_start3A_1217, %dma_start3A_1224] : memref<4x80xi32, #tpu.memory_space<vmem>> -> memref<1x80xi32, #tpu.memory_space<vmem>>
      %dma_start3A_1226 = tpu.memref_squeeze %dma_start3A_1225 : memref<1x80xi32, #tpu.memory_space<vmem>> -> memref<80xi32, #tpu.memory_space<vmem>>
      %dma_start3A_1227 = arith.constant 0 : i32
      %dma_start3A_1228 = arith.constant 0 : i32
      %dma_start3A_1229 = tpu.memref_slice %arg2[%dma_start3A_1227, %dma_start3A_1228] : memref<10000x128xf32, #tpu.memory_space<hbm>> -> memref<10000x128xf32, #tpu.memory_space<hbm>>
      %dma_start3A_1230 = tpu.memref_slice %arg16[%dma_start3A_1219] : memref<3x!tpu.dma_semaphore, #tpu.memory_space<semaphore_mem>> -> memref<1x!tpu.dma_semaphore, #tpu.memory_space<semaphore_mem>>
      %dma_start3A_1231 = tpu.memref_squeeze %dma_start3A_1230 : memref<1x!tpu.dma_semaphore, #tpu.memory_space<semaphore_mem>> -> memref<!tpu.dma_semaphore, #tpu.memory_space<semaphore_mem>>
      tpu.enqueue_indirect_dma source(%dma_start3A_1229 : memref<10000x128xf32, #tpu.memory_space<hbm>>) target(%dma_start3A_1223 : memref<80x128xf32, #tpu.memory_space<vmem>>) offsets(%dma_start3A_1226 : memref<80xi32, #tpu.memory_space<vmem>>) semaphore(%dma_start3A_1231 : memref<!tpu.dma_semaphore, #tpu.memory_space<semaphore_mem>>)
      %dma_wait3A_1232 = arith.constant 1 : i32
      %dma_wait3A_1233 = arith.constant 2 : i32
      %dma_wait3A_1234 = arith.constant 2 : i32
      %dma_wait3A_1235 = arith.constant 0 : i32
      %dma_wait3A_1236 = arith.constant 0 : i32
      %dma_wait3A_1237 = tpu.memref_slice %arg9[%dma_wait3A_1233, %dma_wait3A_1235, %dma_wait3A_1236] : memref<3x80x128xf32, #tpu.memory_space<vmem>> -> memref<1x80x128xf32, #tpu.memory_space<vmem>>
      %dma_wait3A_1238 = tpu.memref_squeeze %dma_wait3A_1237 : memref<1x80x128xf32, #tpu.memory_space<vmem>> -> memref<80x128xf32, #tpu.memory_space<vmem>>
      %dma_wait3A_1239 = arith.constant 0 : i32
      %dma_wait3A_1240 = tpu.memref_slice %arg7[%dma_wait3A_1232, %dma_wait3A_1239] : memref<4x80xi32, #tpu.memory_space<vmem>> -> memref<1x80xi32, #tpu.memory_space<vmem>>
      %dma_wait3A_1241 = tpu.memref_squeeze %dma_wait3A_1240 : memref<1x80xi32, #tpu.memory_space<vmem>> -> memref<80xi32, #tpu.memory_space<vmem>>
      %dma_wait3A_1242 = arith.constant 0 : i32
      %dma_wait3A_1243 = arith.constant 0 : i32
      %dma_wait3A_1244 = tpu.memref_slice %arg2[%dma_wait3A_1242, %dma_wait3A_1243] : memref<10000x128xf32, #tpu.memory_space<hbm>> -> memref<10000x128xf32, #tpu.memory_space<hbm>>
      %dma_wait3A_1245 = tpu.memref_slice %arg16[%dma_wait3A_1234] : memref<3x!tpu.dma_semaphore, #tpu.memory_space<semaphore_mem>> -> memref<1x!tpu.dma_semaphore, #tpu.memory_space<semaphore_mem>>
      %dma_wait3A_1246 = tpu.memref_squeeze %dma_wait3A_1245 : memref<1x!tpu.dma_semaphore, #tpu.memory_space<semaphore_mem>> -> memref<!tpu.dma_semaphore, #tpu.memory_space<semaphore_mem>>
      tpu.wait_indirect_dma semaphore(%dma_wait3A_1246 : memref<!tpu.dma_semaphore, #tpu.memory_space<semaphore_mem>>) src(%dma_wait3A_1244 : memref<10000x128xf32, #tpu.memory_space<hbm>>) dst(%dma_wait3A_1238 : memref<80x128xf32, #tpu.memory_space<vmem>>)
      %dma_start3A_1247 = arith.constant 2 : i32
      %dma_start3A_1248 = arith.constant 1 : i32
      %dma_start3A_1249 = arith.constant 2 : i32
      %dma_start3A_1250 = arith.constant 0 : i32
      %dma_start3A_1251 = arith.constant 0 : i32
      %dma_start3A_1252 = tpu.memref_slice %arg9[%dma_start3A_1247, %dma_start3A_1250, %dma_start3A_1251] : memref<3x80x128xf32, #tpu.memory_space<vmem>> -> memref<1x80x128xf32, #tpu.memory_space<vmem>>
      %dma_start3A_1253 = tpu.memref_squeeze %dma_start3A_1252 : memref<1x80x128xf32, #tpu.memory_space<vmem>> -> memref<80x128xf32, #tpu.memory_space<vmem>>
      %dma_start3A_1254 = arith.constant 0 : i32
      %dma_start3A_1255 = tpu.memref_slice %arg8[%dma_start3A_1248, %dma_start3A_1254] : memref<4x80xi32, #tpu.memory_space<vmem>> -> memref<1x80xi32, #tpu.memory_space<vmem>>
      %dma_start3A_1256 = tpu.memref_squeeze %dma_start3A_1255 : memref<1x80xi32, #tpu.memory_space<vmem>> -> memref<80xi32, #tpu.memory_space<vmem>>
      %dma_start3A_1257 = arith.constant 0 : i32
      %dma_start3A_1258 = arith.constant 0 : i32
      %dma_start3A_1259 = tpu.memref_slice %arg13[%dma_start3A_1257, %dma_start3A_1258] : memref<10240x128xf32, #tpu.memory_space<vmem_shared>> -> memref<10240x128xf32, #tpu.memory_space<vmem_shared>>
      %dma_start3A_1260 = tpu.memref_slice %arg17[%dma_start3A_1249] : memref<3x!tpu.dma_semaphore, #tpu.memory_space<semaphore_mem>> -> memref<1x!tpu.dma_semaphore, #tpu.memory_space<semaphore_mem>>
      %dma_start3A_1261 = tpu.memref_squeeze %dma_start3A_1260 : memref<1x!tpu.dma_semaphore, #tpu.memory_space<semaphore_mem>> -> memref<!tpu.dma_semaphore, #tpu.memory_space<semaphore_mem>>
      tpu.enqueue_indirect_dma source(%dma_start3A_1253 : memref<80x128xf32, #tpu.memory_space<vmem>>) target(%dma_start3A_1259 : memref<10240x128xf32, #tpu.memory_space<vmem_shared>>) offsets(%dma_start3A_1256 : memref<80xi32, #tpu.memory_space<vmem>>) semaphore(%dma_start3A_1261 : memref<!tpu.dma_semaphore, #tpu.memory_space<semaphore_mem>>) {add = true}
      %dma_start3A_1262 = arith.constant 1 : i32
      %dma_start3A_1263 = arith.constant 2 : i32
      %dma_start3A_1264 = arith.constant 0 : i32
      %dma_start3A_1265 = tpu.memref_slice %arg8[%dma_start3A_1262, %dma_start3A_1264] : memref<4x80xi32, #tpu.memory_space<vmem>> -> memref<1x80xi32, #tpu.memory_space<vmem>>
      %dma_start3A_1266 = tpu.memref_squeeze %dma_start3A_1265 : memref<1x80xi32, #tpu.memory_space<vmem>> -> memref<80xi32, #tpu.memory_space<vmem>>
      %dma_start3A_1267 = arith.constant 0 : i32
      %dma_start3A_1268 = tpu.memref_slice %arg14[%dma_start3A_1267] : memref<10240xf32, #tpu.memory_space<vmem_shared>> -> memref<10240xf32, #tpu.memory_space<vmem_shared>>
      %dma_start3A_1269 = tpu.memref_slice %arg17[%dma_start3A_1263] : memref<3x!tpu.dma_semaphore, #tpu.memory_space<semaphore_mem>> -> memref<1x!tpu.dma_semaphore, #tpu.memory_space<semaphore_mem>>
      %dma_start3A_1270 = tpu.memref_squeeze %dma_start3A_1269 : memref<1x!tpu.dma_semaphore, #tpu.memory_space<semaphore_mem>> -> memref<!tpu.dma_semaphore, #tpu.memory_space<semaphore_mem>>
      tpu.enqueue_indirect_dma source(%arg11 : memref<80xf32, #tpu.memory_space<vmem>>) target(%dma_start3A_1268 : memref<10240xf32, #tpu.memory_space<vmem_shared>>) offsets(%dma_start3A_1266 : memref<80xi32, #tpu.memory_space<vmem>>) semaphore(%dma_start3A_1270 : memref<!tpu.dma_semaphore, #tpu.memory_space<semaphore_mem>>) {add = true}
      %mul3A_1271 = arith.constant 12 : i32
      %mul3A_1272 = arith.muli %scan3A_689, %mul3A_1271 : i32
      %add3A_1273 = arith.constant 2 : i32
      %add3A_1274 = arith.addi %add3A_1273, %mul3A_1272 : i32
      %add3A_1275 = arith.constant 4 : i32
      %add3A_1276 = arith.addi %add3A_1274, %add3A_1275 : i32
      %dma_wait3A_1277 = arith.constant 0 : i32
      %dma_wait3A_1278 = arith.constant 0 : i32
      %dma_wait3A_1279 = arith.constant 0 : i32
      %dma_wait3A_1280 = tpu.memref_slice %arg7[%dma_wait3A_1277, %dma_wait3A_1279] : memref<4x80xi32, #tpu.memory_space<vmem>> -> memref<1x80xi32, #tpu.memory_space<vmem>>
      %dma_wait3A_1281 = tpu.memref_squeeze %dma_wait3A_1280 : memref<1x80xi32, #tpu.memory_space<vmem>> -> memref<80xi32, #tpu.memory_space<vmem>>
      %dma_wait3A_1282 = arith.constant 0 : i32
      %dma_wait3A_1283 = tpu.memref_slice %arg3[%dma_wait3A_1282] : memref<320000xi32, #tpu.memory_space<hbm>> -> memref<80xi32, #tpu.memory_space<hbm>>
      %dma_wait3A_1284 = tpu.memref_slice %arg15[%dma_wait3A_1278] : memref<4x!tpu.dma_semaphore, #tpu.memory_space<semaphore_mem>> -> memref<1x!tpu.dma_semaphore, #tpu.memory_space<semaphore_mem>>
      %dma_wait3A_1285 = tpu.memref_squeeze %dma_wait3A_1284 : memref<1x!tpu.dma_semaphore, #tpu.memory_space<semaphore_mem>> -> memref<!tpu.dma_semaphore, #tpu.memory_space<semaphore_mem>>
      %dma_wait3A_1286 = arith.constant 0 : i32
      %dma_wait3A_1287 = tpu.memref_slice %arg7[%dma_wait3A_1277, %dma_wait3A_1286] : memref<4x80xi32, #tpu.memory_space<vmem>> -> memref<1x80xi32, #tpu.memory_space<vmem>>
      %dma_wait3A_1288 = tpu.memref_squeeze %dma_wait3A_1287 : memref<1x80xi32, #tpu.memory_space<vmem>> -> memref<80xi32, #tpu.memory_space<vmem>>
      %dma_wait3A_1289 = arith.constant 0 : i32
      %dma_wait3A_1290 = tpu.memref_slice %arg3[%dma_wait3A_1289] : memref<320000xi32, #tpu.memory_space<hbm>> -> memref<80xi32, #tpu.memory_space<hbm>>
      tpu.wait_dma2 semaphore(%dma_wait3A_1285 : memref<!tpu.dma_semaphore, #tpu.memory_space<semaphore_mem>>) src(%dma_wait3A_1290 : memref<80xi32, #tpu.memory_space<hbm>>) dst(%dma_wait3A_1288 : memref<80xi32, #tpu.memory_space<vmem>>)
      %dma_wait3A_1291 = arith.constant 0 : i32
      %dma_wait3A_1292 = arith.constant 0 : i32
      %dma_wait3A_1293 = arith.constant 0 : i32
      %dma_wait3A_1294 = tpu.memref_slice %arg8[%dma_wait3A_1291, %dma_wait3A_1293] : memref<4x80xi32, #tpu.memory_space<vmem>> -> memref<1x80xi32, #tpu.memory_space<vmem>>
      %dma_wait3A_1295 = tpu.memref_squeeze %dma_wait3A_1294 : memref<1x80xi32, #tpu.memory_space<vmem>> -> memref<80xi32, #tpu.memory_space<vmem>>
      %dma_wait3A_1296 = arith.constant 0 : i32
      %dma_wait3A_1297 = tpu.memref_slice %arg4[%dma_wait3A_1296] : memref<320000xi32, #tpu.memory_space<hbm>> -> memref<80xi32, #tpu.memory_space<hbm>>
      %dma_wait3A_1298 = tpu.memref_slice %arg15[%dma_wait3A_1292] : memref<4x!tpu.dma_semaphore, #tpu.memory_space<semaphore_mem>> -> memref<1x!tpu.dma_semaphore, #tpu.memory_space<semaphore_mem>>
      %dma_wait3A_1299 = tpu.memref_squeeze %dma_wait3A_1298 : memref<1x!tpu.dma_semaphore, #tpu.memory_space<semaphore_mem>> -> memref<!tpu.dma_semaphore, #tpu.memory_space<semaphore_mem>>
      %dma_wait3A_1300 = arith.constant 0 : i32
      %dma_wait3A_1301 = tpu.memref_slice %arg8[%dma_wait3A_1291, %dma_wait3A_1300] : memref<4x80xi32, #tpu.memory_space<vmem>> -> memref<1x80xi32, #tpu.memory_space<vmem>>
      %dma_wait3A_1302 = tpu.memref_squeeze %dma_wait3A_1301 : memref<1x80xi32, #tpu.memory_space<vmem>> -> memref<80xi32, #tpu.memory_space<vmem>>
      %dma_wait3A_1303 = arith.constant 0 : i32
      %dma_wait3A_1304 = tpu.memref_slice %arg4[%dma_wait3A_1303] : memref<320000xi32, #tpu.memory_space<hbm>> -> memref<80xi32, #tpu.memory_space<hbm>>
      tpu.wait_dma2 semaphore(%dma_wait3A_1299 : memref<!tpu.dma_semaphore, #tpu.memory_space<semaphore_mem>>) src(%dma_wait3A_1304 : memref<80xi32, #tpu.memory_space<hbm>>) dst(%dma_wait3A_1302 : memref<80xi32, #tpu.memory_space<vmem>>)
      %dma_wait3A_1305 = arith.constant 2 : i32
      %dma_wait3A_1306 = arith.constant 1 : i32
      %dma_wait3A_1307 = arith.constant 2 : i32
      %dma_wait3A_1308 = arith.constant 0 : i32
      %dma_wait3A_1309 = arith.constant 0 : i32
      %dma_wait3A_1310 = tpu.memref_slice %arg9[%dma_wait3A_1305, %dma_wait3A_1308, %dma_wait3A_1309] : memref<3x80x128xf32, #tpu.memory_space<vmem>> -> memref<1x80x128xf32, #tpu.memory_space<vmem>>
      %dma_wait3A_1311 = tpu.memref_squeeze %dma_wait3A_1310 : memref<1x80x128xf32, #tpu.memory_space<vmem>> -> memref<80x128xf32, #tpu.memory_space<vmem>>
      %dma_wait3A_1312 = arith.constant 0 : i32
      %dma_wait3A_1313 = tpu.memref_slice %arg8[%dma_wait3A_1306, %dma_wait3A_1312] : memref<4x80xi32, #tpu.memory_space<vmem>> -> memref<1x80xi32, #tpu.memory_space<vmem>>
      %dma_wait3A_1314 = tpu.memref_squeeze %dma_wait3A_1313 : memref<1x80xi32, #tpu.memory_space<vmem>> -> memref<80xi32, #tpu.memory_space<vmem>>
      %dma_wait3A_1315 = arith.constant 0 : i32
      %dma_wait3A_1316 = arith.constant 0 : i32
      %dma_wait3A_1317 = tpu.memref_slice %arg13[%dma_wait3A_1315, %dma_wait3A_1316] : memref<10240x128xf32, #tpu.memory_space<vmem_shared>> -> memref<10240x128xf32, #tpu.memory_space<vmem_shared>>
      %dma_wait3A_1318 = tpu.memref_slice %arg17[%dma_wait3A_1307] : memref<3x!tpu.dma_semaphore, #tpu.memory_space<semaphore_mem>> -> memref<1x!tpu.dma_semaphore, #tpu.memory_space<semaphore_mem>>
      %dma_wait3A_1319 = tpu.memref_squeeze %dma_wait3A_1318 : memref<1x!tpu.dma_semaphore, #tpu.memory_space<semaphore_mem>> -> memref<!tpu.dma_semaphore, #tpu.memory_space<semaphore_mem>>
      tpu.wait_indirect_dma semaphore(%dma_wait3A_1319 : memref<!tpu.dma_semaphore, #tpu.memory_space<semaphore_mem>>) src(%dma_wait3A_1311 : memref<80x128xf32, #tpu.memory_space<vmem>>) dst(%dma_wait3A_1317 : memref<10240x128xf32, #tpu.memory_space<vmem_shared>>)
      %dma_wait3A_1320 = arith.constant 1 : i32
      %dma_wait3A_1321 = arith.constant 2 : i32
      %dma_wait3A_1322 = arith.constant 0 : i32
      %dma_wait3A_1323 = tpu.memref_slice %arg8[%dma_wait3A_1320, %dma_wait3A_1322] : memref<4x80xi32, #tpu.memory_space<vmem>> -> memref<1x80xi32, #tpu.memory_space<vmem>>
      %dma_wait3A_1324 = tpu.memref_squeeze %dma_wait3A_1323 : memref<1x80xi32, #tpu.memory_space<vmem>> -> memref<80xi32, #tpu.memory_space<vmem>>
      %dma_wait3A_1325 = arith.constant 0 : i32
      %dma_wait3A_1326 = tpu.memref_slice %arg14[%dma_wait3A_1325] : memref<10240xf32, #tpu.memory_space<vmem_shared>> -> memref<10240xf32, #tpu.memory_space<vmem_shared>>
      %dma_wait3A_1327 = tpu.memref_slice %arg17[%dma_wait3A_1321] : memref<3x!tpu.dma_semaphore, #tpu.memory_space<semaphore_mem>> -> memref<1x!tpu.dma_semaphore, #tpu.memory_space<semaphore_mem>>
      %dma_wait3A_1328 = tpu.memref_squeeze %dma_wait3A_1327 : memref<1x!tpu.dma_semaphore, #tpu.memory_space<semaphore_mem>> -> memref<!tpu.dma_semaphore, #tpu.memory_space<semaphore_mem>>
      tpu.wait_indirect_dma semaphore(%dma_wait3A_1328 : memref<!tpu.dma_semaphore, #tpu.memory_space<semaphore_mem>>) src(%arg11 : memref<80xf32, #tpu.memory_space<vmem>>) dst(%dma_wait3A_1326 : memref<10240xf32, #tpu.memory_space<vmem_shared>>)
      %add3A_1329 = arith.constant 3 : i32
      %add3A_1330 = arith.addi %add3A_1276, %add3A_1329 : i32
      %mul3A_1331 = arith.constant 10000 : i32
      %mul3A_1332 = arith.muli %add3A, %mul3A_1331 : i32
      %mul3A_1333 = arith.constant 80 : i32
      %mul3A_1334 = arith.muli %add3A_1330, %mul3A_1333 : i32
      %add3A_1335 = arith.addi %mul3A_1332, %mul3A_1334 : i32
      %dma_start3A_1336 = arith.constant 1 : i32
      %dma_start3A_1337 = arith.constant 1 : i32
      %dma_start3A_1338 = arith.constant 0 : i32
      %dma_start3A_1339 = tpu.memref_slice %arg7[%dma_start3A_1336, %dma_start3A_1338] : memref<4x80xi32, #tpu.memory_space<vmem>> -> memref<1x80xi32, #tpu.memory_space<vmem>>
      %dma_start3A_1340 = tpu.memref_squeeze %dma_start3A_1339 : memref<1x80xi32, #tpu.memory_space<vmem>> -> memref<80xi32, #tpu.memory_space<vmem>>
      %dma_start3A_1341 = tpu.memref_slice %arg3[%add3A_1335] : memref<320000xi32, #tpu.memory_space<hbm>> -> memref<80xi32, #tpu.memory_space<hbm>>
      %dma_start3A_1342 = tpu.memref_slice %arg15[%dma_start3A_1337] : memref<4x!tpu.dma_semaphore, #tpu.memory_space<semaphore_mem>> -> memref<1x!tpu.dma_semaphore, #tpu.memory_space<semaphore_mem>>
      %dma_start3A_1343 = tpu.memref_squeeze %dma_start3A_1342 : memref<1x!tpu.dma_semaphore, #tpu.memory_space<semaphore_mem>> -> memref<!tpu.dma_semaphore, #tpu.memory_space<semaphore_mem>>
      %dma_start3A_1344 = arith.constant 0 : i32
      %dma_start3A_1345 = tpu.memref_slice %arg7[%dma_start3A_1336, %dma_start3A_1344] : memref<4x80xi32, #tpu.memory_space<vmem>> -> memref<1x80xi32, #tpu.memory_space<vmem>>
      %dma_start3A_1346 = tpu.memref_squeeze %dma_start3A_1345 : memref<1x80xi32, #tpu.memory_space<vmem>> -> memref<80xi32, #tpu.memory_space<vmem>>
      %dma_start3A_1347 = tpu.memref_slice %arg3[%add3A_1335] : memref<320000xi32, #tpu.memory_space<hbm>> -> memref<80xi32, #tpu.memory_space<hbm>>
      tpu.enqueue_dma source(%dma_start3A_1347 : memref<80xi32, #tpu.memory_space<hbm>>) target(%dma_start3A_1346 : memref<80xi32, #tpu.memory_space<vmem>>) target_semaphore(%dma_start3A_1343 : memref<!tpu.dma_semaphore, #tpu.memory_space<semaphore_mem>>)
      %dma_start3A_1348 = arith.constant 1 : i32
      %dma_start3A_1349 = arith.constant 1 : i32
      %dma_start3A_1350 = arith.constant 0 : i32
      %dma_start3A_1351 = tpu.memref_slice %arg8[%dma_start3A_1348, %dma_start3A_1350] : memref<4x80xi32, #tpu.memory_space<vmem>> -> memref<1x80xi32, #tpu.memory_space<vmem>>
      %dma_start3A_1352 = tpu.memref_squeeze %dma_start3A_1351 : memref<1x80xi32, #tpu.memory_space<vmem>> -> memref<80xi32, #tpu.memory_space<vmem>>
      %dma_start3A_1353 = tpu.memref_slice %arg4[%add3A_1335] : memref<320000xi32, #tpu.memory_space<hbm>> -> memref<80xi32, #tpu.memory_space<hbm>>
      %dma_start3A_1354 = tpu.memref_slice %arg15[%dma_start3A_1349] : memref<4x!tpu.dma_semaphore, #tpu.memory_space<semaphore_mem>> -> memref<1x!tpu.dma_semaphore, #tpu.memory_space<semaphore_mem>>
      %dma_start3A_1355 = tpu.memref_squeeze %dma_start3A_1354 : memref<1x!tpu.dma_semaphore, #tpu.memory_space<semaphore_mem>> -> memref<!tpu.dma_semaphore, #tpu.memory_space<semaphore_mem>>
      %dma_start3A_1356 = arith.constant 0 : i32
      %dma_start3A_1357 = tpu.memref_slice %arg8[%dma_start3A_1348, %dma_start3A_1356] : memref<4x80xi32, #tpu.memory_space<vmem>> -> memref<1x80xi32, #tpu.memory_space<vmem>>
      %dma_start3A_1358 = tpu.memref_squeeze %dma_start3A_1357 : memref<1x80xi32, #tpu.memory_space<vmem>> -> memref<80xi32, #tpu.memory_space<vmem>>
      %dma_start3A_1359 = tpu.memref_slice %arg4[%add3A_1335] : memref<320000xi32, #tpu.memory_space<hbm>> -> memref<80xi32, #tpu.memory_space<hbm>>
      tpu.enqueue_dma source(%dma_start3A_1359 : memref<80xi32, #tpu.memory_space<hbm>>) target(%dma_start3A_1358 : memref<80xi32, #tpu.memory_space<vmem>>) target_semaphore(%dma_start3A_1355 : memref<!tpu.dma_semaphore, #tpu.memory_space<semaphore_mem>>)
      %add3A_1360 = arith.constant 2 : i32
      %add3A_1361 = arith.addi %add3A_1276, %add3A_1360 : i32
      %dma_start3A_1362 = arith.constant 0 : i32
      %dma_start3A_1363 = arith.constant 2 : i32
      %dma_start3A_1364 = arith.constant 2 : i32
      %dma_start3A_1365 = arith.constant 0 : i32
      %dma_start3A_1366 = arith.constant 0 : i32
      %dma_start3A_1367 = tpu.memref_slice %arg9[%dma_start3A_1363, %dma_start3A_1365, %dma_start3A_1366] : memref<3x80x128xf32, #tpu.memory_space<vmem>> -> memref<1x80x128xf32, #tpu.memory_space<vmem>>
      %dma_start3A_1368 = tpu.memref_squeeze %dma_start3A_1367 : memref<1x80x128xf32, #tpu.memory_space<vmem>> -> memref<80x128xf32, #tpu.memory_space<vmem>>
      %dma_start3A_1369 = arith.constant 0 : i32
      %dma_start3A_1370 = tpu.memref_slice %arg7[%dma_start3A_1362, %dma_start3A_1369] : memref<4x80xi32, #tpu.memory_space<vmem>> -> memref<1x80xi32, #tpu.memory_space<vmem>>
      %dma_start3A_1371 = tpu.memref_squeeze %dma_start3A_1370 : memref<1x80xi32, #tpu.memory_space<vmem>> -> memref<80xi32, #tpu.memory_space<vmem>>
      %dma_start3A_1372 = arith.constant 0 : i32
      %dma_start3A_1373 = arith.constant 0 : i32
      %dma_start3A_1374 = tpu.memref_slice %arg2[%dma_start3A_1372, %dma_start3A_1373] : memref<10000x128xf32, #tpu.memory_space<hbm>> -> memref<10000x128xf32, #tpu.memory_space<hbm>>
      %dma_start3A_1375 = tpu.memref_slice %arg16[%dma_start3A_1364] : memref<3x!tpu.dma_semaphore, #tpu.memory_space<semaphore_mem>> -> memref<1x!tpu.dma_semaphore, #tpu.memory_space<semaphore_mem>>
      %dma_start3A_1376 = tpu.memref_squeeze %dma_start3A_1375 : memref<1x!tpu.dma_semaphore, #tpu.memory_space<semaphore_mem>> -> memref<!tpu.dma_semaphore, #tpu.memory_space<semaphore_mem>>
      tpu.enqueue_indirect_dma source(%dma_start3A_1374 : memref<10000x128xf32, #tpu.memory_space<hbm>>) target(%dma_start3A_1368 : memref<80x128xf32, #tpu.memory_space<vmem>>) offsets(%dma_start3A_1371 : memref<80xi32, #tpu.memory_space<vmem>>) semaphore(%dma_start3A_1376 : memref<!tpu.dma_semaphore, #tpu.memory_space<semaphore_mem>>)
      %dma_wait3A_1377 = arith.constant 2 : i32
      %dma_wait3A_1378 = arith.constant 0 : i32
      %dma_wait3A_1379 = arith.constant 0 : i32
      %dma_wait3A_1380 = arith.constant 0 : i32
      %dma_wait3A_1381 = arith.constant 0 : i32
      %dma_wait3A_1382 = tpu.memref_slice %arg9[%dma_wait3A_1378, %dma_wait3A_1380, %dma_wait3A_1381] : memref<3x80x128xf32, #tpu.memory_space<vmem>> -> memref<1x80x128xf32, #tpu.memory_space<vmem>>
      %dma_wait3A_1383 = tpu.memref_squeeze %dma_wait3A_1382 : memref<1x80x128xf32, #tpu.memory_space<vmem>> -> memref<80x128xf32, #tpu.memory_space<vmem>>
      %dma_wait3A_1384 = arith.constant 0 : i32
      %dma_wait3A_1385 = tpu.memref_slice %arg7[%dma_wait3A_1377, %dma_wait3A_1384] : memref<4x80xi32, #tpu.memory_space<vmem>> -> memref<1x80xi32, #tpu.memory_space<vmem>>
      %dma_wait3A_1386 = tpu.memref_squeeze %dma_wait3A_1385 : memref<1x80xi32, #tpu.memory_space<vmem>> -> memref<80xi32, #tpu.memory_space<vmem>>
      %dma_wait3A_1387 = arith.constant 0 : i32
      %dma_wait3A_1388 = arith.constant 0 : i32
      %dma_wait3A_1389 = tpu.memref_slice %arg2[%dma_wait3A_1387, %dma_wait3A_1388] : memref<10000x128xf32, #tpu.memory_space<hbm>> -> memref<10000x128xf32, #tpu.memory_space<hbm>>
      %dma_wait3A_1390 = tpu.memref_slice %arg16[%dma_wait3A_1379] : memref<3x!tpu.dma_semaphore, #tpu.memory_space<semaphore_mem>> -> memref<1x!tpu.dma_semaphore, #tpu.memory_space<semaphore_mem>>
      %dma_wait3A_1391 = tpu.memref_squeeze %dma_wait3A_1390 : memref<1x!tpu.dma_semaphore, #tpu.memory_space<semaphore_mem>> -> memref<!tpu.dma_semaphore, #tpu.memory_space<semaphore_mem>>
      tpu.wait_indirect_dma semaphore(%dma_wait3A_1391 : memref<!tpu.dma_semaphore, #tpu.memory_space<semaphore_mem>>) src(%dma_wait3A_1389 : memref<10000x128xf32, #tpu.memory_space<hbm>>) dst(%dma_wait3A_1383 : memref<80x128xf32, #tpu.memory_space<vmem>>)
      %dma_start3A_1392 = arith.constant 0 : i32
      %dma_start3A_1393 = arith.constant 2 : i32
      %dma_start3A_1394 = arith.constant 0 : i32
      %dma_start3A_1395 = arith.constant 0 : i32
      %dma_start3A_1396 = arith.constant 0 : i32
      %dma_start3A_1397 = tpu.memref_slice %arg9[%dma_start3A_1392, %dma_start3A_1395, %dma_start3A_1396] : memref<3x80x128xf32, #tpu.memory_space<vmem>> -> memref<1x80x128xf32, #tpu.memory_space<vmem>>
      %dma_start3A_1398 = tpu.memref_squeeze %dma_start3A_1397 : memref<1x80x128xf32, #tpu.memory_space<vmem>> -> memref<80x128xf32, #tpu.memory_space<vmem>>
      %dma_start3A_1399 = arith.constant 0 : i32
      %dma_start3A_1400 = tpu.memref_slice %arg8[%dma_start3A_1393, %dma_start3A_1399] : memref<4x80xi32, #tpu.memory_space<vmem>> -> memref<1x80xi32, #tpu.memory_space<vmem>>
      %dma_start3A_1401 = tpu.memref_squeeze %dma_start3A_1400 : memref<1x80xi32, #tpu.memory_space<vmem>> -> memref<80xi32, #tpu.memory_space<vmem>>
      %dma_start3A_1402 = arith.constant 0 : i32
      %dma_start3A_1403 = arith.constant 0 : i32
      %dma_start3A_1404 = tpu.memref_slice %arg13[%dma_start3A_1402, %dma_start3A_1403] : memref<10240x128xf32, #tpu.memory_space<vmem_shared>> -> memref<10240x128xf32, #tpu.memory_space<vmem_shared>>
      %dma_start3A_1405 = tpu.memref_slice %arg17[%dma_start3A_1394] : memref<3x!tpu.dma_semaphore, #tpu.memory_space<semaphore_mem>> -> memref<1x!tpu.dma_semaphore, #tpu.memory_space<semaphore_mem>>
      %dma_start3A_1406 = tpu.memref_squeeze %dma_start3A_1405 : memref<1x!tpu.dma_semaphore, #tpu.memory_space<semaphore_mem>> -> memref<!tpu.dma_semaphore, #tpu.memory_space<semaphore_mem>>
      tpu.enqueue_indirect_dma source(%dma_start3A_1398 : memref<80x128xf32, #tpu.memory_space<vmem>>) target(%dma_start3A_1404 : memref<10240x128xf32, #tpu.memory_space<vmem_shared>>) offsets(%dma_start3A_1401 : memref<80xi32, #tpu.memory_space<vmem>>) semaphore(%dma_start3A_1406 : memref<!tpu.dma_semaphore, #tpu.memory_space<semaphore_mem>>) {add = true}
      %dma_start3A_1407 = arith.constant 2 : i32
      %dma_start3A_1408 = arith.constant 0 : i32
      %dma_start3A_1409 = arith.constant 0 : i32
      %dma_start3A_1410 = tpu.memref_slice %arg8[%dma_start3A_1407, %dma_start3A_1409] : memref<4x80xi32, #tpu.memory_space<vmem>> -> memref<1x80xi32, #tpu.memory_space<vmem>>
      %dma_start3A_1411 = tpu.memref_squeeze %dma_start3A_1410 : memref<1x80xi32, #tpu.memory_space<vmem>> -> memref<80xi32, #tpu.memory_space<vmem>>
      %dma_start3A_1412 = arith.constant 0 : i32
      %dma_start3A_1413 = tpu.memref_slice %arg14[%dma_start3A_1412] : memref<10240xf32, #tpu.memory_space<vmem_shared>> -> memref<10240xf32, #tpu.memory_space<vmem_shared>>
      %dma_start3A_1414 = tpu.memref_slice %arg17[%dma_start3A_1408] : memref<3x!tpu.dma_semaphore, #tpu.memory_space<semaphore_mem>> -> memref<1x!tpu.dma_semaphore, #tpu.memory_space<semaphore_mem>>
      %dma_start3A_1415 = tpu.memref_squeeze %dma_start3A_1414 : memref<1x!tpu.dma_semaphore, #tpu.memory_space<semaphore_mem>> -> memref<!tpu.dma_semaphore, #tpu.memory_space<semaphore_mem>>
      tpu.enqueue_indirect_dma source(%arg11 : memref<80xf32, #tpu.memory_space<vmem>>) target(%dma_start3A_1413 : memref<10240xf32, #tpu.memory_space<vmem_shared>>) offsets(%dma_start3A_1411 : memref<80xi32, #tpu.memory_space<vmem>>) semaphore(%dma_start3A_1415 : memref<!tpu.dma_semaphore, #tpu.memory_space<semaphore_mem>>) {add = true}
      %mul3A_1416 = arith.constant 12 : i32
      %mul3A_1417 = arith.muli %scan3A_689, %mul3A_1416 : i32
      %add3A_1418 = arith.constant 2 : i32
      %add3A_1419 = arith.addi %add3A_1418, %mul3A_1417 : i32
      %add3A_1420 = arith.constant 5 : i32
      %add3A_1421 = arith.addi %add3A_1419, %add3A_1420 : i32
      %dma_wait3A_1422 = arith.constant 1 : i32
      %dma_wait3A_1423 = arith.constant 1 : i32
      %dma_wait3A_1424 = arith.constant 0 : i32
      %dma_wait3A_1425 = tpu.memref_slice %arg7[%dma_wait3A_1422, %dma_wait3A_1424] : memref<4x80xi32, #tpu.memory_space<vmem>> -> memref<1x80xi32, #tpu.memory_space<vmem>>
      %dma_wait3A_1426 = tpu.memref_squeeze %dma_wait3A_1425 : memref<1x80xi32, #tpu.memory_space<vmem>> -> memref<80xi32, #tpu.memory_space<vmem>>
      %dma_wait3A_1427 = arith.constant 0 : i32
      %dma_wait3A_1428 = tpu.memref_slice %arg3[%dma_wait3A_1427] : memref<320000xi32, #tpu.memory_space<hbm>> -> memref<80xi32, #tpu.memory_space<hbm>>
      %dma_wait3A_1429 = tpu.memref_slice %arg15[%dma_wait3A_1423] : memref<4x!tpu.dma_semaphore, #tpu.memory_space<semaphore_mem>> -> memref<1x!tpu.dma_semaphore, #tpu.memory_space<semaphore_mem>>
      %dma_wait3A_1430 = tpu.memref_squeeze %dma_wait3A_1429 : memref<1x!tpu.dma_semaphore, #tpu.memory_space<semaphore_mem>> -> memref<!tpu.dma_semaphore, #tpu.memory_space<semaphore_mem>>
      %dma_wait3A_1431 = arith.constant 0 : i32
      %dma_wait3A_1432 = tpu.memref_slice %arg7[%dma_wait3A_1422, %dma_wait3A_1431] : memref<4x80xi32, #tpu.memory_space<vmem>> -> memref<1x80xi32, #tpu.memory_space<vmem>>
      %dma_wait3A_1433 = tpu.memref_squeeze %dma_wait3A_1432 : memref<1x80xi32, #tpu.memory_space<vmem>> -> memref<80xi32, #tpu.memory_space<vmem>>
      %dma_wait3A_1434 = arith.constant 0 : i32
      %dma_wait3A_1435 = tpu.memref_slice %arg3[%dma_wait3A_1434] : memref<320000xi32, #tpu.memory_space<hbm>> -> memref<80xi32, #tpu.memory_space<hbm>>
      tpu.wait_dma2 semaphore(%dma_wait3A_1430 : memref<!tpu.dma_semaphore, #tpu.memory_space<semaphore_mem>>) src(%dma_wait3A_1435 : memref<80xi32, #tpu.memory_space<hbm>>) dst(%dma_wait3A_1433 : memref<80xi32, #tpu.memory_space<vmem>>)
      %dma_wait3A_1436 = arith.constant 1 : i32
      %dma_wait3A_1437 = arith.constant 1 : i32
      %dma_wait3A_1438 = arith.constant 0 : i32
      %dma_wait3A_1439 = tpu.memref_slice %arg8[%dma_wait3A_1436, %dma_wait3A_1438] : memref<4x80xi32, #tpu.memory_space<vmem>> -> memref<1x80xi32, #tpu.memory_space<vmem>>
      %dma_wait3A_1440 = tpu.memref_squeeze %dma_wait3A_1439 : memref<1x80xi32, #tpu.memory_space<vmem>> -> memref<80xi32, #tpu.memory_space<vmem>>
      %dma_wait3A_1441 = arith.constant 0 : i32
      %dma_wait3A_1442 = tpu.memref_slice %arg4[%dma_wait3A_1441] : memref<320000xi32, #tpu.memory_space<hbm>> -> memref<80xi32, #tpu.memory_space<hbm>>
      %dma_wait3A_1443 = tpu.memref_slice %arg15[%dma_wait3A_1437] : memref<4x!tpu.dma_semaphore, #tpu.memory_space<semaphore_mem>> -> memref<1x!tpu.dma_semaphore, #tpu.memory_space<semaphore_mem>>
      %dma_wait3A_1444 = tpu.memref_squeeze %dma_wait3A_1443 : memref<1x!tpu.dma_semaphore, #tpu.memory_space<semaphore_mem>> -> memref<!tpu.dma_semaphore, #tpu.memory_space<semaphore_mem>>
      %dma_wait3A_1445 = arith.constant 0 : i32
      %dma_wait3A_1446 = tpu.memref_slice %arg8[%dma_wait3A_1436, %dma_wait3A_1445] : memref<4x80xi32, #tpu.memory_space<vmem>> -> memref<1x80xi32, #tpu.memory_space<vmem>>
      %dma_wait3A_1447 = tpu.memref_squeeze %dma_wait3A_1446 : memref<1x80xi32, #tpu.memory_space<vmem>> -> memref<80xi32, #tpu.memory_space<vmem>>
      %dma_wait3A_1448 = arith.constant 0 : i32
      %dma_wait3A_1449 = tpu.memref_slice %arg4[%dma_wait3A_1448] : memref<320000xi32, #tpu.memory_space<hbm>> -> memref<80xi32, #tpu.memory_space<hbm>>
      tpu.wait_dma2 semaphore(%dma_wait3A_1444 : memref<!tpu.dma_semaphore, #tpu.memory_space<semaphore_mem>>) src(%dma_wait3A_1449 : memref<80xi32, #tpu.memory_space<hbm>>) dst(%dma_wait3A_1447 : memref<80xi32, #tpu.memory_space<vmem>>)
      %dma_wait3A_1450 = arith.constant 0 : i32
      %dma_wait3A_1451 = arith.constant 2 : i32
      %dma_wait3A_1452 = arith.constant 0 : i32
      %dma_wait3A_1453 = arith.constant 0 : i32
      %dma_wait3A_1454 = arith.constant 0 : i32
      %dma_wait3A_1455 = tpu.memref_slice %arg9[%dma_wait3A_1450, %dma_wait3A_1453, %dma_wait3A_1454] : memref<3x80x128xf32, #tpu.memory_space<vmem>> -> memref<1x80x128xf32, #tpu.memory_space<vmem>>
      %dma_wait3A_1456 = tpu.memref_squeeze %dma_wait3A_1455 : memref<1x80x128xf32, #tpu.memory_space<vmem>> -> memref<80x128xf32, #tpu.memory_space<vmem>>
      %dma_wait3A_1457 = arith.constant 0 : i32
      %dma_wait3A_1458 = tpu.memref_slice %arg8[%dma_wait3A_1451, %dma_wait3A_1457] : memref<4x80xi32, #tpu.memory_space<vmem>> -> memref<1x80xi32, #tpu.memory_space<vmem>>
      %dma_wait3A_1459 = tpu.memref_squeeze %dma_wait3A_1458 : memref<1x80xi32, #tpu.memory_space<vmem>> -> memref<80xi32, #tpu.memory_space<vmem>>
      %dma_wait3A_1460 = arith.constant 0 : i32
      %dma_wait3A_1461 = arith.constant 0 : i32
      %dma_wait3A_1462 = tpu.memref_slice %arg13[%dma_wait3A_1460, %dma_wait3A_1461] : memref<10240x128xf32, #tpu.memory_space<vmem_shared>> -> memref<10240x128xf32, #tpu.memory_space<vmem_shared>>
      %dma_wait3A_1463 = tpu.memref_slice %arg17[%dma_wait3A_1452] : memref<3x!tpu.dma_semaphore, #tpu.memory_space<semaphore_mem>> -> memref<1x!tpu.dma_semaphore, #tpu.memory_space<semaphore_mem>>
      %dma_wait3A_1464 = tpu.memref_squeeze %dma_wait3A_1463 : memref<1x!tpu.dma_semaphore, #tpu.memory_space<semaphore_mem>> -> memref<!tpu.dma_semaphore, #tpu.memory_space<semaphore_mem>>
      tpu.wait_indirect_dma semaphore(%dma_wait3A_1464 : memref<!tpu.dma_semaphore, #tpu.memory_space<semaphore_mem>>) src(%dma_wait3A_1456 : memref<80x128xf32, #tpu.memory_space<vmem>>) dst(%dma_wait3A_1462 : memref<10240x128xf32, #tpu.memory_space<vmem_shared>>)
      %dma_wait3A_1465 = arith.constant 2 : i32
      %dma_wait3A_1466 = arith.constant 0 : i32
      %dma_wait3A_1467 = arith.constant 0 : i32
      %dma_wait3A_1468 = tpu.memref_slice %arg8[%dma_wait3A_1465, %dma_wait3A_1467] : memref<4x80xi32, #tpu.memory_space<vmem>> -> memref<1x80xi32, #tpu.memory_space<vmem>>
      %dma_wait3A_1469 = tpu.memref_squeeze %dma_wait3A_1468 : memref<1x80xi32, #tpu.memory_space<vmem>> -> memref<80xi32, #tpu.memory_space<vmem>>
      %dma_wait3A_1470 = arith.constant 0 : i32
      %dma_wait3A_1471 = tpu.memref_slice %arg14[%dma_wait3A_1470] : memref<10240xf32, #tpu.memory_space<vmem_shared>> -> memref<10240xf32, #tpu.memory_space<vmem_shared>>
      %dma_wait3A_1472 = tpu.memref_slice %arg17[%dma_wait3A_1466] : memref<3x!tpu.dma_semaphore, #tpu.memory_space<semaphore_mem>> -> memref<1x!tpu.dma_semaphore, #tpu.memory_space<semaphore_mem>>
      %dma_wait3A_1473 = tpu.memref_squeeze %dma_wait3A_1472 : memref<1x!tpu.dma_semaphore, #tpu.memory_space<semaphore_mem>> -> memref<!tpu.dma_semaphore, #tpu.memory_space<semaphore_mem>>
      tpu.wait_indirect_dma semaphore(%dma_wait3A_1473 : memref<!tpu.dma_semaphore, #tpu.memory_space<semaphore_mem>>) src(%arg11 : memref<80xf32, #tpu.memory_space<vmem>>) dst(%dma_wait3A_1471 : memref<10240xf32, #tpu.memory_space<vmem_shared>>)
      %add3A_1474 = arith.constant 3 : i32
      %add3A_1475 = arith.addi %add3A_1421, %add3A_1474 : i32
      %mul3A_1476 = arith.constant 10000 : i32
      %mul3A_1477 = arith.muli %add3A, %mul3A_1476 : i32
      %mul3A_1478 = arith.constant 80 : i32
      %mul3A_1479 = arith.muli %add3A_1475, %mul3A_1478 : i32
      %add3A_1480 = arith.addi %mul3A_1477, %mul3A_1479 : i32
      %dma_start3A_1481 = arith.constant 2 : i32
      %dma_start3A_1482 = arith.constant 2 : i32
      %dma_start3A_1483 = arith.constant 0 : i32
      %dma_start3A_1484 = tpu.memref_slice %arg7[%dma_start3A_1481, %dma_start3A_1483] : memref<4x80xi32, #tpu.memory_space<vmem>> -> memref<1x80xi32, #tpu.memory_space<vmem>>
      %dma_start3A_1485 = tpu.memref_squeeze %dma_start3A_1484 : memref<1x80xi32, #tpu.memory_space<vmem>> -> memref<80xi32, #tpu.memory_space<vmem>>
      %dma_start3A_1486 = tpu.memref_slice %arg3[%add3A_1480] : memref<320000xi32, #tpu.memory_space<hbm>> -> memref<80xi32, #tpu.memory_space<hbm>>
      %dma_start3A_1487 = tpu.memref_slice %arg15[%dma_start3A_1482] : memref<4x!tpu.dma_semaphore, #tpu.memory_space<semaphore_mem>> -> memref<1x!tpu.dma_semaphore, #tpu.memory_space<semaphore_mem>>
      %dma_start3A_1488 = tpu.memref_squeeze %dma_start3A_1487 : memref<1x!tpu.dma_semaphore, #tpu.memory_space<semaphore_mem>> -> memref<!tpu.dma_semaphore, #tpu.memory_space<semaphore_mem>>
      %dma_start3A_1489 = arith.constant 0 : i32
      %dma_start3A_1490 = tpu.memref_slice %arg7[%dma_start3A_1481, %dma_start3A_1489] : memref<4x80xi32, #tpu.memory_space<vmem>> -> memref<1x80xi32, #tpu.memory_space<vmem>>
      %dma_start3A_1491 = tpu.memref_squeeze %dma_start3A_1490 : memref<1x80xi32, #tpu.memory_space<vmem>> -> memref<80xi32, #tpu.memory_space<vmem>>
      %dma_start3A_1492 = tpu.memref_slice %arg3[%add3A_1480] : memref<320000xi32, #tpu.memory_space<hbm>> -> memref<80xi32, #tpu.memory_space<hbm>>
      tpu.enqueue_dma source(%dma_start3A_1492 : memref<80xi32, #tpu.memory_space<hbm>>) target(%dma_start3A_1491 : memref<80xi32, #tpu.memory_space<vmem>>) target_semaphore(%dma_start3A_1488 : memref<!tpu.dma_semaphore, #tpu.memory_space<semaphore_mem>>)
      %dma_start3A_1493 = arith.constant 2 : i32
      %dma_start3A_1494 = arith.constant 2 : i32
      %dma_start3A_1495 = arith.constant 0 : i32
      %dma_start3A_1496 = tpu.memref_slice %arg8[%dma_start3A_1493, %dma_start3A_1495] : memref<4x80xi32, #tpu.memory_space<vmem>> -> memref<1x80xi32, #tpu.memory_space<vmem>>
      %dma_start3A_1497 = tpu.memref_squeeze %dma_start3A_1496 : memref<1x80xi32, #tpu.memory_space<vmem>> -> memref<80xi32, #tpu.memory_space<vmem>>
      %dma_start3A_1498 = tpu.memref_slice %arg4[%add3A_1480] : memref<320000xi32, #tpu.memory_space<hbm>> -> memref<80xi32, #tpu.memory_space<hbm>>
      %dma_start3A_1499 = tpu.memref_slice %arg15[%dma_start3A_1494] : memref<4x!tpu.dma_semaphore, #tpu.memory_space<semaphore_mem>> -> memref<1x!tpu.dma_semaphore, #tpu.memory_space<semaphore_mem>>
      %dma_start3A_1500 = tpu.memref_squeeze %dma_start3A_1499 : memref<1x!tpu.dma_semaphore, #tpu.memory_space<semaphore_mem>> -> memref<!tpu.dma_semaphore, #tpu.memory_space<semaphore_mem>>
      %dma_start3A_1501 = arith.constant 0 : i32
      %dma_start3A_1502 = tpu.memref_slice %arg8[%dma_start3A_1493, %dma_start3A_1501] : memref<4x80xi32, #tpu.memory_space<vmem>> -> memref<1x80xi32, #tpu.memory_space<vmem>>
      %dma_start3A_1503 = tpu.memref_squeeze %dma_start3A_1502 : memref<1x80xi32, #tpu.memory_space<vmem>> -> memref<80xi32, #tpu.memory_space<vmem>>
      %dma_start3A_1504 = tpu.memref_slice %arg4[%add3A_1480] : memref<320000xi32, #tpu.memory_space<hbm>> -> memref<80xi32, #tpu.memory_space<hbm>>
      tpu.enqueue_dma source(%dma_start3A_1504 : memref<80xi32, #tpu.memory_space<hbm>>) target(%dma_start3A_1503 : memref<80xi32, #tpu.memory_space<vmem>>) target_semaphore(%dma_start3A_1500 : memref<!tpu.dma_semaphore, #tpu.memory_space<semaphore_mem>>)
      %add3A_1505 = arith.constant 2 : i32
      %add3A_1506 = arith.addi %add3A_1421, %add3A_1505 : i32
      %dma_start3A_1507 = arith.constant 1 : i32
      %dma_start3A_1508 = arith.constant 0 : i32
      %dma_start3A_1509 = arith.constant 0 : i32
      %dma_start3A_1510 = arith.constant 0 : i32
      %dma_start3A_1511 = arith.constant 0 : i32
      %dma_start3A_1512 = tpu.memref_slice %arg9[%dma_start3A_1508, %dma_start3A_1510, %dma_start3A_1511] : memref<3x80x128xf32, #tpu.memory_space<vmem>> -> memref<1x80x128xf32, #tpu.memory_space<vmem>>
      %dma_start3A_1513 = tpu.memref_squeeze %dma_start3A_1512 : memref<1x80x128xf32, #tpu.memory_space<vmem>> -> memref<80x128xf32, #tpu.memory_space<vmem>>
      %dma_start3A_1514 = arith.constant 0 : i32
      %dma_start3A_1515 = tpu.memref_slice %arg7[%dma_start3A_1507, %dma_start3A_1514] : memref<4x80xi32, #tpu.memory_space<vmem>> -> memref<1x80xi32, #tpu.memory_space<vmem>>
      %dma_start3A_1516 = tpu.memref_squeeze %dma_start3A_1515 : memref<1x80xi32, #tpu.memory_space<vmem>> -> memref<80xi32, #tpu.memory_space<vmem>>
      %dma_start3A_1517 = arith.constant 0 : i32
      %dma_start3A_1518 = arith.constant 0 : i32
      %dma_start3A_1519 = tpu.memref_slice %arg2[%dma_start3A_1517, %dma_start3A_1518] : memref<10000x128xf32, #tpu.memory_space<hbm>> -> memref<10000x128xf32, #tpu.memory_space<hbm>>
      %dma_start3A_1520 = tpu.memref_slice %arg16[%dma_start3A_1509] : memref<3x!tpu.dma_semaphore, #tpu.memory_space<semaphore_mem>> -> memref<1x!tpu.dma_semaphore, #tpu.memory_space<semaphore_mem>>
      %dma_start3A_1521 = tpu.memref_squeeze %dma_start3A_1520 : memref<1x!tpu.dma_semaphore, #tpu.memory_space<semaphore_mem>> -> memref<!tpu.dma_semaphore, #tpu.memory_space<semaphore_mem>>
      tpu.enqueue_indirect_dma source(%dma_start3A_1519 : memref<10000x128xf32, #tpu.memory_space<hbm>>) target(%dma_start3A_1513 : memref<80x128xf32, #tpu.memory_space<vmem>>) offsets(%dma_start3A_1516 : memref<80xi32, #tpu.memory_space<vmem>>) semaphore(%dma_start3A_1521 : memref<!tpu.dma_semaphore, #tpu.memory_space<semaphore_mem>>)
      %dma_wait3A_1522 = arith.constant 3 : i32
      %dma_wait3A_1523 = arith.constant 1 : i32
      %dma_wait3A_1524 = arith.constant 1 : i32
      %dma_wait3A_1525 = arith.constant 0 : i32
      %dma_wait3A_1526 = arith.constant 0 : i32
      %dma_wait3A_1527 = tpu.memref_slice %arg9[%dma_wait3A_1523, %dma_wait3A_1525, %dma_wait3A_1526] : memref<3x80x128xf32, #tpu.memory_space<vmem>> -> memref<1x80x128xf32, #tpu.memory_space<vmem>>
      %dma_wait3A_1528 = tpu.memref_squeeze %dma_wait3A_1527 : memref<1x80x128xf32, #tpu.memory_space<vmem>> -> memref<80x128xf32, #tpu.memory_space<vmem>>
      %dma_wait3A_1529 = arith.constant 0 : i32
      %dma_wait3A_1530 = tpu.memref_slice %arg7[%dma_wait3A_1522, %dma_wait3A_1529] : memref<4x80xi32, #tpu.memory_space<vmem>> -> memref<1x80xi32, #tpu.memory_space<vmem>>
      %dma_wait3A_1531 = tpu.memref_squeeze %dma_wait3A_1530 : memref<1x80xi32, #tpu.memory_space<vmem>> -> memref<80xi32, #tpu.memory_space<vmem>>
      %dma_wait3A_1532 = arith.constant 0 : i32
      %dma_wait3A_1533 = arith.constant 0 : i32
      %dma_wait3A_1534 = tpu.memref_slice %arg2[%dma_wait3A_1532, %dma_wait3A_1533] : memref<10000x128xf32, #tpu.memory_space<hbm>> -> memref<10000x128xf32, #tpu.memory_space<hbm>>
      %dma_wait3A_1535 = tpu.memref_slice %arg16[%dma_wait3A_1524] : memref<3x!tpu.dma_semaphore, #tpu.memory_space<semaphore_mem>> -> memref<1x!tpu.dma_semaphore, #tpu.memory_space<semaphore_mem>>
      %dma_wait3A_1536 = tpu.memref_squeeze %dma_wait3A_1535 : memref<1x!tpu.dma_semaphore, #tpu.memory_space<semaphore_mem>> -> memref<!tpu.dma_semaphore, #tpu.memory_space<semaphore_mem>>
      tpu.wait_indirect_dma semaphore(%dma_wait3A_1536 : memref<!tpu.dma_semaphore, #tpu.memory_space<semaphore_mem>>) src(%dma_wait3A_1534 : memref<10000x128xf32, #tpu.memory_space<hbm>>) dst(%dma_wait3A_1528 : memref<80x128xf32, #tpu.memory_space<vmem>>)
      %dma_start3A_1537 = arith.constant 1 : i32
      %dma_start3A_1538 = arith.constant 3 : i32
      %dma_start3A_1539 = arith.constant 1 : i32
      %dma_start3A_1540 = arith.constant 0 : i32
      %dma_start3A_1541 = arith.constant 0 : i32
      %dma_start3A_1542 = tpu.memref_slice %arg9[%dma_start3A_1537, %dma_start3A_1540, %dma_start3A_1541] : memref<3x80x128xf32, #tpu.memory_space<vmem>> -> memref<1x80x128xf32, #tpu.memory_space<vmem>>
      %dma_start3A_1543 = tpu.memref_squeeze %dma_start3A_1542 : memref<1x80x128xf32, #tpu.memory_space<vmem>> -> memref<80x128xf32, #tpu.memory_space<vmem>>
      %dma_start3A_1544 = arith.constant 0 : i32
      %dma_start3A_1545 = tpu.memref_slice %arg8[%dma_start3A_1538, %dma_start3A_1544] : memref<4x80xi32, #tpu.memory_space<vmem>> -> memref<1x80xi32, #tpu.memory_space<vmem>>
      %dma_start3A_1546 = tpu.memref_squeeze %dma_start3A_1545 : memref<1x80xi32, #tpu.memory_space<vmem>> -> memref<80xi32, #tpu.memory_space<vmem>>
      %dma_start3A_1547 = arith.constant 0 : i32
      %dma_start3A_1548 = arith.constant 0 : i32
      %dma_start3A_1549 = tpu.memref_slice %arg13[%dma_start3A_1547, %dma_start3A_1548] : memref<10240x128xf32, #tpu.memory_space<vmem_shared>> -> memref<10240x128xf32, #tpu.memory_space<vmem_shared>>
      %dma_start3A_1550 = tpu.memref_slice %arg17[%dma_start3A_1539] : memref<3x!tpu.dma_semaphore, #tpu.memory_space<semaphore_mem>> -> memref<1x!tpu.dma_semaphore, #tpu.memory_space<semaphore_mem>>
      %dma_start3A_1551 = tpu.memref_squeeze %dma_start3A_1550 : memref<1x!tpu.dma_semaphore, #tpu.memory_space<semaphore_mem>> -> memref<!tpu.dma_semaphore, #tpu.memory_space<semaphore_mem>>
      tpu.enqueue_indirect_dma source(%dma_start3A_1543 : memref<80x128xf32, #tpu.memory_space<vmem>>) target(%dma_start3A_1549 : memref<10240x128xf32, #tpu.memory_space<vmem_shared>>) offsets(%dma_start3A_1546 : memref<80xi32, #tpu.memory_space<vmem>>) semaphore(%dma_start3A_1551 : memref<!tpu.dma_semaphore, #tpu.memory_space<semaphore_mem>>) {add = true}
      %dma_start3A_1552 = arith.constant 3 : i32
      %dma_start3A_1553 = arith.constant 1 : i32
      %dma_start3A_1554 = arith.constant 0 : i32
      %dma_start3A_1555 = tpu.memref_slice %arg8[%dma_start3A_1552, %dma_start3A_1554] : memref<4x80xi32, #tpu.memory_space<vmem>> -> memref<1x80xi32, #tpu.memory_space<vmem>>
      %dma_start3A_1556 = tpu.memref_squeeze %dma_start3A_1555 : memref<1x80xi32, #tpu.memory_space<vmem>> -> memref<80xi32, #tpu.memory_space<vmem>>
      %dma_start3A_1557 = arith.constant 0 : i32
      %dma_start3A_1558 = tpu.memref_slice %arg14[%dma_start3A_1557] : memref<10240xf32, #tpu.memory_space<vmem_shared>> -> memref<10240xf32, #tpu.memory_space<vmem_shared>>
      %dma_start3A_1559 = tpu.memref_slice %arg17[%dma_start3A_1553] : memref<3x!tpu.dma_semaphore, #tpu.memory_space<semaphore_mem>> -> memref<1x!tpu.dma_semaphore, #tpu.memory_space<semaphore_mem>>
      %dma_start3A_1560 = tpu.memref_squeeze %dma_start3A_1559 : memref<1x!tpu.dma_semaphore, #tpu.memory_space<semaphore_mem>> -> memref<!tpu.dma_semaphore, #tpu.memory_space<semaphore_mem>>
      tpu.enqueue_indirect_dma source(%arg11 : memref<80xf32, #tpu.memory_space<vmem>>) target(%dma_start3A_1558 : memref<10240xf32, #tpu.memory_space<vmem_shared>>) offsets(%dma_start3A_1556 : memref<80xi32, #tpu.memory_space<vmem>>) semaphore(%dma_start3A_1560 : memref<!tpu.dma_semaphore, #tpu.memory_space<semaphore_mem>>) {add = true}
      %mul3A_1561 = arith.constant 12 : i32
      %mul3A_1562 = arith.muli %scan3A_689, %mul3A_1561 : i32
      %add3A_1563 = arith.constant 2 : i32
      %add3A_1564 = arith.addi %add3A_1563, %mul3A_1562 : i32
      %add3A_1565 = arith.constant 6 : i32
      %add3A_1566 = arith.addi %add3A_1564, %add3A_1565 : i32
      %dma_wait3A_1567 = arith.constant 2 : i32
      %dma_wait3A_1568 = arith.constant 2 : i32
      %dma_wait3A_1569 = arith.constant 0 : i32
      %dma_wait3A_1570 = tpu.memref_slice %arg7[%dma_wait3A_1567, %dma_wait3A_1569] : memref<4x80xi32, #tpu.memory_space<vmem>> -> memref<1x80xi32, #tpu.memory_space<vmem>>
      %dma_wait3A_1571 = tpu.memref_squeeze %dma_wait3A_1570 : memref<1x80xi32, #tpu.memory_space<vmem>> -> memref<80xi32, #tpu.memory_space<vmem>>
      %dma_wait3A_1572 = arith.constant 0 : i32
      %dma_wait3A_1573 = tpu.memref_slice %arg3[%dma_wait3A_1572] : memref<320000xi32, #tpu.memory_space<hbm>> -> memref<80xi32, #tpu.memory_space<hbm>>
      %dma_wait3A_1574 = tpu.memref_slice %arg15[%dma_wait3A_1568] : memref<4x!tpu.dma_semaphore, #tpu.memory_space<semaphore_mem>> -> memref<1x!tpu.dma_semaphore, #tpu.memory_space<semaphore_mem>>
      %dma_wait3A_1575 = tpu.memref_squeeze %dma_wait3A_1574 : memref<1x!tpu.dma_semaphore, #tpu.memory_space<semaphore_mem>> -> memref<!tpu.dma_semaphore, #tpu.memory_space<semaphore_mem>>
      %dma_wait3A_1576 = arith.constant 0 : i32
      %dma_wait3A_1577 = tpu.memref_slice %arg7[%dma_wait3A_1567, %dma_wait3A_1576] : memref<4x80xi32, #tpu.memory_space<vmem>> -> memref<1x80xi32, #tpu.memory_space<vmem>>
      %dma_wait3A_1578 = tpu.memref_squeeze %dma_wait3A_1577 : memref<1x80xi32, #tpu.memory_space<vmem>> -> memref<80xi32, #tpu.memory_space<vmem>>
      %dma_wait3A_1579 = arith.constant 0 : i32
      %dma_wait3A_1580 = tpu.memref_slice %arg3[%dma_wait3A_1579] : memref<320000xi32, #tpu.memory_space<hbm>> -> memref<80xi32, #tpu.memory_space<hbm>>
      tpu.wait_dma2 semaphore(%dma_wait3A_1575 : memref<!tpu.dma_semaphore, #tpu.memory_space<semaphore_mem>>) src(%dma_wait3A_1580 : memref<80xi32, #tpu.memory_space<hbm>>) dst(%dma_wait3A_1578 : memref<80xi32, #tpu.memory_space<vmem>>)
      %dma_wait3A_1581 = arith.constant 2 : i32
      %dma_wait3A_1582 = arith.constant 2 : i32
      %dma_wait3A_1583 = arith.constant 0 : i32
      %dma_wait3A_1584 = tpu.memref_slice %arg8[%dma_wait3A_1581, %dma_wait3A_1583] : memref<4x80xi32, #tpu.memory_space<vmem>> -> memref<1x80xi32, #tpu.memory_space<vmem>>
      %dma_wait3A_1585 = tpu.memref_squeeze %dma_wait3A_1584 : memref<1x80xi32, #tpu.memory_space<vmem>> -> memref<80xi32, #tpu.memory_space<vmem>>
      %dma_wait3A_1586 = arith.constant 0 : i32
      %dma_wait3A_1587 = tpu.memref_slice %arg4[%dma_wait3A_1586] : memref<320000xi32, #tpu.memory_space<hbm>> -> memref<80xi32, #tpu.memory_space<hbm>>
      %dma_wait3A_1588 = tpu.memref_slice %arg15[%dma_wait3A_1582] : memref<4x!tpu.dma_semaphore, #tpu.memory_space<semaphore_mem>> -> memref<1x!tpu.dma_semaphore, #tpu.memory_space<semaphore_mem>>
      %dma_wait3A_1589 = tpu.memref_squeeze %dma_wait3A_1588 : memref<1x!tpu.dma_semaphore, #tpu.memory_space<semaphore_mem>> -> memref<!tpu.dma_semaphore, #tpu.memory_space<semaphore_mem>>
      %dma_wait3A_1590 = arith.constant 0 : i32
      %dma_wait3A_1591 = tpu.memref_slice %arg8[%dma_wait3A_1581, %dma_wait3A_1590] : memref<4x80xi32, #tpu.memory_space<vmem>> -> memref<1x80xi32, #tpu.memory_space<vmem>>
      %dma_wait3A_1592 = tpu.memref_squeeze %dma_wait3A_1591 : memref<1x80xi32, #tpu.memory_space<vmem>> -> memref<80xi32, #tpu.memory_space<vmem>>
      %dma_wait3A_1593 = arith.constant 0 : i32
      %dma_wait3A_1594 = tpu.memref_slice %arg4[%dma_wait3A_1593] : memref<320000xi32, #tpu.memory_space<hbm>> -> memref<80xi32, #tpu.memory_space<hbm>>
      tpu.wait_dma2 semaphore(%dma_wait3A_1589 : memref<!tpu.dma_semaphore, #tpu.memory_space<semaphore_mem>>) src(%dma_wait3A_1594 : memref<80xi32, #tpu.memory_space<hbm>>) dst(%dma_wait3A_1592 : memref<80xi32, #tpu.memory_space<vmem>>)
      %dma_wait3A_1595 = arith.constant 1 : i32
      %dma_wait3A_1596 = arith.constant 3 : i32
      %dma_wait3A_1597 = arith.constant 1 : i32
      %dma_wait3A_1598 = arith.constant 0 : i32
      %dma_wait3A_1599 = arith.constant 0 : i32
      %dma_wait3A_1600 = tpu.memref_slice %arg9[%dma_wait3A_1595, %dma_wait3A_1598, %dma_wait3A_1599] : memref<3x80x128xf32, #tpu.memory_space<vmem>> -> memref<1x80x128xf32, #tpu.memory_space<vmem>>
      %dma_wait3A_1601 = tpu.memref_squeeze %dma_wait3A_1600 : memref<1x80x128xf32, #tpu.memory_space<vmem>> -> memref<80x128xf32, #tpu.memory_space<vmem>>
      %dma_wait3A_1602 = arith.constant 0 : i32
      %dma_wait3A_1603 = tpu.memref_slice %arg8[%dma_wait3A_1596, %dma_wait3A_1602] : memref<4x80xi32, #tpu.memory_space<vmem>> -> memref<1x80xi32, #tpu.memory_space<vmem>>
      %dma_wait3A_1604 = tpu.memref_squeeze %dma_wait3A_1603 : memref<1x80xi32, #tpu.memory_space<vmem>> -> memref<80xi32, #tpu.memory_space<vmem>>
      %dma_wait3A_1605 = arith.constant 0 : i32
      %dma_wait3A_1606 = arith.constant 0 : i32
      %dma_wait3A_1607 = tpu.memref_slice %arg13[%dma_wait3A_1605, %dma_wait3A_1606] : memref<10240x128xf32, #tpu.memory_space<vmem_shared>> -> memref<10240x128xf32, #tpu.memory_space<vmem_shared>>
      %dma_wait3A_1608 = tpu.memref_slice %arg17[%dma_wait3A_1597] : memref<3x!tpu.dma_semaphore, #tpu.memory_space<semaphore_mem>> -> memref<1x!tpu.dma_semaphore, #tpu.memory_space<semaphore_mem>>
      %dma_wait3A_1609 = tpu.memref_squeeze %dma_wait3A_1608 : memref<1x!tpu.dma_semaphore, #tpu.memory_space<semaphore_mem>> -> memref<!tpu.dma_semaphore, #tpu.memory_space<semaphore_mem>>
      tpu.wait_indirect_dma semaphore(%dma_wait3A_1609 : memref<!tpu.dma_semaphore, #tpu.memory_space<semaphore_mem>>) src(%dma_wait3A_1601 : memref<80x128xf32, #tpu.memory_space<vmem>>) dst(%dma_wait3A_1607 : memref<10240x128xf32, #tpu.memory_space<vmem_shared>>)
      %dma_wait3A_1610 = arith.constant 3 : i32
      %dma_wait3A_1611 = arith.constant 1 : i32
      %dma_wait3A_1612 = arith.constant 0 : i32
      %dma_wait3A_1613 = tpu.memref_slice %arg8[%dma_wait3A_1610, %dma_wait3A_1612] : memref<4x80xi32, #tpu.memory_space<vmem>> -> memref<1x80xi32, #tpu.memory_space<vmem>>
      %dma_wait3A_1614 = tpu.memref_squeeze %dma_wait3A_1613 : memref<1x80xi32, #tpu.memory_space<vmem>> -> memref<80xi32, #tpu.memory_space<vmem>>
      %dma_wait3A_1615 = arith.constant 0 : i32
      %dma_wait3A_1616 = tpu.memref_slice %arg14[%dma_wait3A_1615] : memref<10240xf32, #tpu.memory_space<vmem_shared>> -> memref<10240xf32, #tpu.memory_space<vmem_shared>>
      %dma_wait3A_1617 = tpu.memref_slice %arg17[%dma_wait3A_1611] : memref<3x!tpu.dma_semaphore, #tpu.memory_space<semaphore_mem>> -> memref<1x!tpu.dma_semaphore, #tpu.memory_space<semaphore_mem>>
      %dma_wait3A_1618 = tpu.memref_squeeze %dma_wait3A_1617 : memref<1x!tpu.dma_semaphore, #tpu.memory_space<semaphore_mem>> -> memref<!tpu.dma_semaphore, #tpu.memory_space<semaphore_mem>>
      tpu.wait_indirect_dma semaphore(%dma_wait3A_1618 : memref<!tpu.dma_semaphore, #tpu.memory_space<semaphore_mem>>) src(%arg11 : memref<80xf32, #tpu.memory_space<vmem>>) dst(%dma_wait3A_1616 : memref<10240xf32, #tpu.memory_space<vmem_shared>>)
      %add3A_1619 = arith.constant 3 : i32
      %add3A_1620 = arith.addi %add3A_1566, %add3A_1619 : i32
      %mul3A_1621 = arith.constant 10000 : i32
      %mul3A_1622 = arith.muli %add3A, %mul3A_1621 : i32
      %mul3A_1623 = arith.constant 80 : i32
      %mul3A_1624 = arith.muli %add3A_1620, %mul3A_1623 : i32
      %add3A_1625 = arith.addi %mul3A_1622, %mul3A_1624 : i32
      %dma_start3A_1626 = arith.constant 3 : i32
      %dma_start3A_1627 = arith.constant 3 : i32
      %dma_start3A_1628 = arith.constant 0 : i32
      %dma_start3A_1629 = tpu.memref_slice %arg7[%dma_start3A_1626, %dma_start3A_1628] : memref<4x80xi32, #tpu.memory_space<vmem>> -> memref<1x80xi32, #tpu.memory_space<vmem>>
      %dma_start3A_1630 = tpu.memref_squeeze %dma_start3A_1629 : memref<1x80xi32, #tpu.memory_space<vmem>> -> memref<80xi32, #tpu.memory_space<vmem>>
      %dma_start3A_1631 = tpu.memref_slice %arg3[%add3A_1625] : memref<320000xi32, #tpu.memory_space<hbm>> -> memref<80xi32, #tpu.memory_space<hbm>>
      %dma_start3A_1632 = tpu.memref_slice %arg15[%dma_start3A_1627] : memref<4x!tpu.dma_semaphore, #tpu.memory_space<semaphore_mem>> -> memref<1x!tpu.dma_semaphore, #tpu.memory_space<semaphore_mem>>
      %dma_start3A_1633 = tpu.memref_squeeze %dma_start3A_1632 : memref<1x!tpu.dma_semaphore, #tpu.memory_space<semaphore_mem>> -> memref<!tpu.dma_semaphore, #tpu.memory_space<semaphore_mem>>
      %dma_start3A_1634 = arith.constant 0 : i32
      %dma_start3A_1635 = tpu.memref_slice %arg7[%dma_start3A_1626, %dma_start3A_1634] : memref<4x80xi32, #tpu.memory_space<vmem>> -> memref<1x80xi32, #tpu.memory_space<vmem>>
      %dma_start3A_1636 = tpu.memref_squeeze %dma_start3A_1635 : memref<1x80xi32, #tpu.memory_space<vmem>> -> memref<80xi32, #tpu.memory_space<vmem>>
      %dma_start3A_1637 = tpu.memref_slice %arg3[%add3A_1625] : memref<320000xi32, #tpu.memory_space<hbm>> -> memref<80xi32, #tpu.memory_space<hbm>>
      tpu.enqueue_dma source(%dma_start3A_1637 : memref<80xi32, #tpu.memory_space<hbm>>) target(%dma_start3A_1636 : memref<80xi32, #tpu.memory_space<vmem>>) target_semaphore(%dma_start3A_1633 : memref<!tpu.dma_semaphore, #tpu.memory_space<semaphore_mem>>)
      %dma_start3A_1638 = arith.constant 3 : i32
      %dma_start3A_1639 = arith.constant 3 : i32
      %dma_start3A_1640 = arith.constant 0 : i32
      %dma_start3A_1641 = tpu.memref_slice %arg8[%dma_start3A_1638, %dma_start3A_1640] : memref<4x80xi32, #tpu.memory_space<vmem>> -> memref<1x80xi32, #tpu.memory_space<vmem>>
      %dma_start3A_1642 = tpu.memref_squeeze %dma_start3A_1641 : memref<1x80xi32, #tpu.memory_space<vmem>> -> memref<80xi32, #tpu.memory_space<vmem>>
      %dma_start3A_1643 = tpu.memref_slice %arg4[%add3A_1625] : memref<320000xi32, #tpu.memory_space<hbm>> -> memref<80xi32, #tpu.memory_space<hbm>>
      %dma_start3A_1644 = tpu.memref_slice %arg15[%dma_start3A_1639] : memref<4x!tpu.dma_semaphore, #tpu.memory_space<semaphore_mem>> -> memref<1x!tpu.dma_semaphore, #tpu.memory_space<semaphore_mem>>
      %dma_start3A_1645 = tpu.memref_squeeze %dma_start3A_1644 : memref<1x!tpu.dma_semaphore, #tpu.memory_space<semaphore_mem>> -> memref<!tpu.dma_semaphore, #tpu.memory_space<semaphore_mem>>
      %dma_start3A_1646 = arith.constant 0 : i32
      %dma_start3A_1647 = tpu.memref_slice %arg8[%dma_start3A_1638, %dma_start3A_1646] : memref<4x80xi32, #tpu.memory_space<vmem>> -> memref<1x80xi32, #tpu.memory_space<vmem>>
      %dma_start3A_1648 = tpu.memref_squeeze %dma_start3A_1647 : memref<1x80xi32, #tpu.memory_space<vmem>> -> memref<80xi32, #tpu.memory_space<vmem>>
      %dma_start3A_1649 = tpu.memref_slice %arg4[%add3A_1625] : memref<320000xi32, #tpu.memory_space<hbm>> -> memref<80xi32, #tpu.memory_space<hbm>>
      tpu.enqueue_dma source(%dma_start3A_1649 : memref<80xi32, #tpu.memory_space<hbm>>) target(%dma_start3A_1648 : memref<80xi32, #tpu.memory_space<vmem>>) target_semaphore(%dma_start3A_1645 : memref<!tpu.dma_semaphore, #tpu.memory_space<semaphore_mem>>)
      %add3A_1650 = arith.constant 2 : i32
      %add3A_1651 = arith.addi %add3A_1566, %add3A_1650 : i32
      %dma_start3A_1652 = arith.constant 2 : i32
      %dma_start3A_1653 = arith.constant 1 : i32
      %dma_start3A_1654 = arith.constant 1 : i32
      %dma_start3A_1655 = arith.constant 0 : i32
      %dma_start3A_1656 = arith.constant 0 : i32
      %dma_start3A_1657 = tpu.memref_slice %arg9[%dma_start3A_1653, %dma_start3A_1655, %dma_start3A_1656] : memref<3x80x128xf32, #tpu.memory_space<vmem>> -> memref<1x80x128xf32, #tpu.memory_space<vmem>>
      %dma_start3A_1658 = tpu.memref_squeeze %dma_start3A_1657 : memref<1x80x128xf32, #tpu.memory_space<vmem>> -> memref<80x128xf32, #tpu.memory_space<vmem>>
      %dma_start3A_1659 = arith.constant 0 : i32
      %dma_start3A_1660 = tpu.memref_slice %arg7[%dma_start3A_1652, %dma_start3A_1659] : memref<4x80xi32, #tpu.memory_space<vmem>> -> memref<1x80xi32, #tpu.memory_space<vmem>>
      %dma_start3A_1661 = tpu.memref_squeeze %dma_start3A_1660 : memref<1x80xi32, #tpu.memory_space<vmem>> -> memref<80xi32, #tpu.memory_space<vmem>>
      %dma_start3A_1662 = arith.constant 0 : i32
      %dma_start3A_1663 = arith.constant 0 : i32
      %dma_start3A_1664 = tpu.memref_slice %arg2[%dma_start3A_1662, %dma_start3A_1663] : memref<10000x128xf32, #tpu.memory_space<hbm>> -> memref<10000x128xf32, #tpu.memory_space<hbm>>
      %dma_start3A_1665 = tpu.memref_slice %arg16[%dma_start3A_1654] : memref<3x!tpu.dma_semaphore, #tpu.memory_space<semaphore_mem>> -> memref<1x!tpu.dma_semaphore, #tpu.memory_space<semaphore_mem>>
      %dma_start3A_1666 = tpu.memref_squeeze %dma_start3A_1665 : memref<1x!tpu.dma_semaphore, #tpu.memory_space<semaphore_mem>> -> memref<!tpu.dma_semaphore, #tpu.memory_space<semaphore_mem>>
      tpu.enqueue_indirect_dma source(%dma_start3A_1664 : memref<10000x128xf32, #tpu.memory_space<hbm>>) target(%dma_start3A_1658 : memref<80x128xf32, #tpu.memory_space<vmem>>) offsets(%dma_start3A_1661 : memref<80xi32, #tpu.memory_space<vmem>>) semaphore(%dma_start3A_1666 : memref<!tpu.dma_semaphore, #tpu.memory_space<semaphore_mem>>)
      %dma_wait3A_1667 = arith.constant 0 : i32
      %dma_wait3A_1668 = arith.constant 2 : i32
      %dma_wait3A_1669 = arith.constant 2 : i32
      %dma_wait3A_1670 = arith.constant 0 : i32
      %dma_wait3A_1671 = arith.constant 0 : i32
      %dma_wait3A_1672 = tpu.memref_slice %arg9[%dma_wait3A_1668, %dma_wait3A_1670, %dma_wait3A_1671] : memref<3x80x128xf32, #tpu.memory_space<vmem>> -> memref<1x80x128xf32, #tpu.memory_space<vmem>>
      %dma_wait3A_1673 = tpu.memref_squeeze %dma_wait3A_1672 : memref<1x80x128xf32, #tpu.memory_space<vmem>> -> memref<80x128xf32, #tpu.memory_space<vmem>>
      %dma_wait3A_1674 = arith.constant 0 : i32
      %dma_wait3A_1675 = tpu.memref_slice %arg7[%dma_wait3A_1667, %dma_wait3A_1674] : memref<4x80xi32, #tpu.memory_space<vmem>> -> memref<1x80xi32, #tpu.memory_space<vmem>>
      %dma_wait3A_1676 = tpu.memref_squeeze %dma_wait3A_1675 : memref<1x80xi32, #tpu.memory_space<vmem>> -> memref<80xi32, #tpu.memory_space<vmem>>
      %dma_wait3A_1677 = arith.constant 0 : i32
      %dma_wait3A_1678 = arith.constant 0 : i32
      %dma_wait3A_1679 = tpu.memref_slice %arg2[%dma_wait3A_1677, %dma_wait3A_1678] : memref<10000x128xf32, #tpu.memory_space<hbm>> -> memref<10000x128xf32, #tpu.memory_space<hbm>>
      %dma_wait3A_1680 = tpu.memref_slice %arg16[%dma_wait3A_1669] : memref<3x!tpu.dma_semaphore, #tpu.memory_space<semaphore_mem>> -> memref<1x!tpu.dma_semaphore, #tpu.memory_space<semaphore_mem>>
      %dma_wait3A_1681 = tpu.memref_squeeze %dma_wait3A_1680 : memref<1x!tpu.dma_semaphore, #tpu.memory_space<semaphore_mem>> -> memref<!tpu.dma_semaphore, #tpu.memory_space<semaphore_mem>>
      tpu.wait_indirect_dma semaphore(%dma_wait3A_1681 : memref<!tpu.dma_semaphore, #tpu.memory_space<semaphore_mem>>) src(%dma_wait3A_1679 : memref<10000x128xf32, #tpu.memory_space<hbm>>) dst(%dma_wait3A_1673 : memref<80x128xf32, #tpu.memory_space<vmem>>)
      %dma_start3A_1682 = arith.constant 2 : i32
      %dma_start3A_1683 = arith.constant 0 : i32
      %dma_start3A_1684 = arith.constant 2 : i32
      %dma_start3A_1685 = arith.constant 0 : i32
      %dma_start3A_1686 = arith.constant 0 : i32
      %dma_start3A_1687 = tpu.memref_slice %arg9[%dma_start3A_1682, %dma_start3A_1685, %dma_start3A_1686] : memref<3x80x128xf32, #tpu.memory_space<vmem>> -> memref<1x80x128xf32, #tpu.memory_space<vmem>>
      %dma_start3A_1688 = tpu.memref_squeeze %dma_start3A_1687 : memref<1x80x128xf32, #tpu.memory_space<vmem>> -> memref<80x128xf32, #tpu.memory_space<vmem>>
      %dma_start3A_1689 = arith.constant 0 : i32
      %dma_start3A_1690 = tpu.memref_slice %arg8[%dma_start3A_1683, %dma_start3A_1689] : memref<4x80xi32, #tpu.memory_space<vmem>> -> memref<1x80xi32, #tpu.memory_space<vmem>>
      %dma_start3A_1691 = tpu.memref_squeeze %dma_start3A_1690 : memref<1x80xi32, #tpu.memory_space<vmem>> -> memref<80xi32, #tpu.memory_space<vmem>>
      %dma_start3A_1692 = arith.constant 0 : i32
      %dma_start3A_1693 = arith.constant 0 : i32
      %dma_start3A_1694 = tpu.memref_slice %arg13[%dma_start3A_1692, %dma_start3A_1693] : memref<10240x128xf32, #tpu.memory_space<vmem_shared>> -> memref<10240x128xf32, #tpu.memory_space<vmem_shared>>
      %dma_start3A_1695 = tpu.memref_slice %arg17[%dma_start3A_1684] : memref<3x!tpu.dma_semaphore, #tpu.memory_space<semaphore_mem>> -> memref<1x!tpu.dma_semaphore, #tpu.memory_space<semaphore_mem>>
      %dma_start3A_1696 = tpu.memref_squeeze %dma_start3A_1695 : memref<1x!tpu.dma_semaphore, #tpu.memory_space<semaphore_mem>> -> memref<!tpu.dma_semaphore, #tpu.memory_space<semaphore_mem>>
      tpu.enqueue_indirect_dma source(%dma_start3A_1688 : memref<80x128xf32, #tpu.memory_space<vmem>>) target(%dma_start3A_1694 : memref<10240x128xf32, #tpu.memory_space<vmem_shared>>) offsets(%dma_start3A_1691 : memref<80xi32, #tpu.memory_space<vmem>>) semaphore(%dma_start3A_1696 : memref<!tpu.dma_semaphore, #tpu.memory_space<semaphore_mem>>) {add = true}
      %dma_start3A_1697 = arith.constant 0 : i32
      %dma_start3A_1698 = arith.constant 2 : i32
      %dma_start3A_1699 = arith.constant 0 : i32
      %dma_start3A_1700 = tpu.memref_slice %arg8[%dma_start3A_1697, %dma_start3A_1699] : memref<4x80xi32, #tpu.memory_space<vmem>> -> memref<1x80xi32, #tpu.memory_space<vmem>>
      %dma_start3A_1701 = tpu.memref_squeeze %dma_start3A_1700 : memref<1x80xi32, #tpu.memory_space<vmem>> -> memref<80xi32, #tpu.memory_space<vmem>>
      %dma_start3A_1702 = arith.constant 0 : i32
      %dma_start3A_1703 = tpu.memref_slice %arg14[%dma_start3A_1702] : memref<10240xf32, #tpu.memory_space<vmem_shared>> -> memref<10240xf32, #tpu.memory_space<vmem_shared>>
      %dma_start3A_1704 = tpu.memref_slice %arg17[%dma_start3A_1698] : memref<3x!tpu.dma_semaphore, #tpu.memory_space<semaphore_mem>> -> memref<1x!tpu.dma_semaphore, #tpu.memory_space<semaphore_mem>>
      %dma_start3A_1705 = tpu.memref_squeeze %dma_start3A_1704 : memref<1x!tpu.dma_semaphore, #tpu.memory_space<semaphore_mem>> -> memref<!tpu.dma_semaphore, #tpu.memory_space<semaphore_mem>>
      tpu.enqueue_indirect_dma source(%arg11 : memref<80xf32, #tpu.memory_space<vmem>>) target(%dma_start3A_1703 : memref<10240xf32, #tpu.memory_space<vmem_shared>>) offsets(%dma_start3A_1701 : memref<80xi32, #tpu.memory_space<vmem>>) semaphore(%dma_start3A_1705 : memref<!tpu.dma_semaphore, #tpu.memory_space<semaphore_mem>>) {add = true}
      %mul3A_1706 = arith.constant 12 : i32
      %mul3A_1707 = arith.muli %scan3A_689, %mul3A_1706 : i32
      %add3A_1708 = arith.constant 2 : i32
      %add3A_1709 = arith.addi %add3A_1708, %mul3A_1707 : i32
      %add3A_1710 = arith.constant 7 : i32
      %add3A_1711 = arith.addi %add3A_1709, %add3A_1710 : i32
      %dma_wait3A_1712 = arith.constant 3 : i32
      %dma_wait3A_1713 = arith.constant 3 : i32
      %dma_wait3A_1714 = arith.constant 0 : i32
      %dma_wait3A_1715 = tpu.memref_slice %arg7[%dma_wait3A_1712, %dma_wait3A_1714] : memref<4x80xi32, #tpu.memory_space<vmem>> -> memref<1x80xi32, #tpu.memory_space<vmem>>
      %dma_wait3A_1716 = tpu.memref_squeeze %dma_wait3A_1715 : memref<1x80xi32, #tpu.memory_space<vmem>> -> memref<80xi32, #tpu.memory_space<vmem>>
      %dma_wait3A_1717 = arith.constant 0 : i32
      %dma_wait3A_1718 = tpu.memref_slice %arg3[%dma_wait3A_1717] : memref<320000xi32, #tpu.memory_space<hbm>> -> memref<80xi32, #tpu.memory_space<hbm>>
      %dma_wait3A_1719 = tpu.memref_slice %arg15[%dma_wait3A_1713] : memref<4x!tpu.dma_semaphore, #tpu.memory_space<semaphore_mem>> -> memref<1x!tpu.dma_semaphore, #tpu.memory_space<semaphore_mem>>
      %dma_wait3A_1720 = tpu.memref_squeeze %dma_wait3A_1719 : memref<1x!tpu.dma_semaphore, #tpu.memory_space<semaphore_mem>> -> memref<!tpu.dma_semaphore, #tpu.memory_space<semaphore_mem>>
      %dma_wait3A_1721 = arith.constant 0 : i32
      %dma_wait3A_1722 = tpu.memref_slice %arg7[%dma_wait3A_1712, %dma_wait3A_1721] : memref<4x80xi32, #tpu.memory_space<vmem>> -> memref<1x80xi32, #tpu.memory_space<vmem>>
      %dma_wait3A_1723 = tpu.memref_squeeze %dma_wait3A_1722 : memref<1x80xi32, #tpu.memory_space<vmem>> -> memref<80xi32, #tpu.memory_space<vmem>>
      %dma_wait3A_1724 = arith.constant 0 : i32
      %dma_wait3A_1725 = tpu.memref_slice %arg3[%dma_wait3A_1724] : memref<320000xi32, #tpu.memory_space<hbm>> -> memref<80xi32, #tpu.memory_space<hbm>>
      tpu.wait_dma2 semaphore(%dma_wait3A_1720 : memref<!tpu.dma_semaphore, #tpu.memory_space<semaphore_mem>>) src(%dma_wait3A_1725 : memref<80xi32, #tpu.memory_space<hbm>>) dst(%dma_wait3A_1723 : memref<80xi32, #tpu.memory_space<vmem>>)
      %dma_wait3A_1726 = arith.constant 3 : i32
      %dma_wait3A_1727 = arith.constant 3 : i32
      %dma_wait3A_1728 = arith.constant 0 : i32
      %dma_wait3A_1729 = tpu.memref_slice %arg8[%dma_wait3A_1726, %dma_wait3A_1728] : memref<4x80xi32, #tpu.memory_space<vmem>> -> memref<1x80xi32, #tpu.memory_space<vmem>>
      %dma_wait3A_1730 = tpu.memref_squeeze %dma_wait3A_1729 : memref<1x80xi32, #tpu.memory_space<vmem>> -> memref<80xi32, #tpu.memory_space<vmem>>
      %dma_wait3A_1731 = arith.constant 0 : i32
      %dma_wait3A_1732 = tpu.memref_slice %arg4[%dma_wait3A_1731] : memref<320000xi32, #tpu.memory_space<hbm>> -> memref<80xi32, #tpu.memory_space<hbm>>
      %dma_wait3A_1733 = tpu.memref_slice %arg15[%dma_wait3A_1727] : memref<4x!tpu.dma_semaphore, #tpu.memory_space<semaphore_mem>> -> memref<1x!tpu.dma_semaphore, #tpu.memory_space<semaphore_mem>>
      %dma_wait3A_1734 = tpu.memref_squeeze %dma_wait3A_1733 : memref<1x!tpu.dma_semaphore, #tpu.memory_space<semaphore_mem>> -> memref<!tpu.dma_semaphore, #tpu.memory_space<semaphore_mem>>
      %dma_wait3A_1735 = arith.constant 0 : i32
      %dma_wait3A_1736 = tpu.memref_slice %arg8[%dma_wait3A_1726, %dma_wait3A_1735] : memref<4x80xi32, #tpu.memory_space<vmem>> -> memref<1x80xi32, #tpu.memory_space<vmem>>
      %dma_wait3A_1737 = tpu.memref_squeeze %dma_wait3A_1736 : memref<1x80xi32, #tpu.memory_space<vmem>> -> memref<80xi32, #tpu.memory_space<vmem>>
      %dma_wait3A_1738 = arith.constant 0 : i32
      %dma_wait3A_1739 = tpu.memref_slice %arg4[%dma_wait3A_1738] : memref<320000xi32, #tpu.memory_space<hbm>> -> memref<80xi32, #tpu.memory_space<hbm>>
      tpu.wait_dma2 semaphore(%dma_wait3A_1734 : memref<!tpu.dma_semaphore, #tpu.memory_space<semaphore_mem>>) src(%dma_wait3A_1739 : memref<80xi32, #tpu.memory_space<hbm>>) dst(%dma_wait3A_1737 : memref<80xi32, #tpu.memory_space<vmem>>)
      %dma_wait3A_1740 = arith.constant 2 : i32
      %dma_wait3A_1741 = arith.constant 0 : i32
      %dma_wait3A_1742 = arith.constant 2 : i32
      %dma_wait3A_1743 = arith.constant 0 : i32
      %dma_wait3A_1744 = arith.constant 0 : i32
      %dma_wait3A_1745 = tpu.memref_slice %arg9[%dma_wait3A_1740, %dma_wait3A_1743, %dma_wait3A_1744] : memref<3x80x128xf32, #tpu.memory_space<vmem>> -> memref<1x80x128xf32, #tpu.memory_space<vmem>>
      %dma_wait3A_1746 = tpu.memref_squeeze %dma_wait3A_1745 : memref<1x80x128xf32, #tpu.memory_space<vmem>> -> memref<80x128xf32, #tpu.memory_space<vmem>>
      %dma_wait3A_1747 = arith.constant 0 : i32
      %dma_wait3A_1748 = tpu.memref_slice %arg8[%dma_wait3A_1741, %dma_wait3A_1747] : memref<4x80xi32, #tpu.memory_space<vmem>> -> memref<1x80xi32, #tpu.memory_space<vmem>>
      %dma_wait3A_1749 = tpu.memref_squeeze %dma_wait3A_1748 : memref<1x80xi32, #tpu.memory_space<vmem>> -> memref<80xi32, #tpu.memory_space<vmem>>
      %dma_wait3A_1750 = arith.constant 0 : i32
      %dma_wait3A_1751 = arith.constant 0 : i32
      %dma_wait3A_1752 = tpu.memref_slice %arg13[%dma_wait3A_1750, %dma_wait3A_1751] : memref<10240x128xf32, #tpu.memory_space<vmem_shared>> -> memref<10240x128xf32, #tpu.memory_space<vmem_shared>>
      %dma_wait3A_1753 = tpu.memref_slice %arg17[%dma_wait3A_1742] : memref<3x!tpu.dma_semaphore, #tpu.memory_space<semaphore_mem>> -> memref<1x!tpu.dma_semaphore, #tpu.memory_space<semaphore_mem>>
      %dma_wait3A_1754 = tpu.memref_squeeze %dma_wait3A_1753 : memref<1x!tpu.dma_semaphore, #tpu.memory_space<semaphore_mem>> -> memref<!tpu.dma_semaphore, #tpu.memory_space<semaphore_mem>>
      tpu.wait_indirect_dma semaphore(%dma_wait3A_1754 : memref<!tpu.dma_semaphore, #tpu.memory_space<semaphore_mem>>) src(%dma_wait3A_1746 : memref<80x128xf32, #tpu.memory_space<vmem>>) dst(%dma_wait3A_1752 : memref<10240x128xf32, #tpu.memory_space<vmem_shared>>)
      %dma_wait3A_1755 = arith.constant 0 : i32
      %dma_wait3A_1756 = arith.constant 2 : i32
      %dma_wait3A_1757 = arith.constant 0 : i32
      %dma_wait3A_1758 = tpu.memref_slice %arg8[%dma_wait3A_1755, %dma_wait3A_1757] : memref<4x80xi32, #tpu.memory_space<vmem>> -> memref<1x80xi32, #tpu.memory_space<vmem>>
      %dma_wait3A_1759 = tpu.memref_squeeze %dma_wait3A_1758 : memref<1x80xi32, #tpu.memory_space<vmem>> -> memref<80xi32, #tpu.memory_space<vmem>>
      %dma_wait3A_1760 = arith.constant 0 : i32
      %dma_wait3A_1761 = tpu.memref_slice %arg14[%dma_wait3A_1760] : memref<10240xf32, #tpu.memory_space<vmem_shared>> -> memref<10240xf32, #tpu.memory_space<vmem_shared>>
      %dma_wait3A_1762 = tpu.memref_slice %arg17[%dma_wait3A_1756] : memref<3x!tpu.dma_semaphore, #tpu.memory_space<semaphore_mem>> -> memref<1x!tpu.dma_semaphore, #tpu.memory_space<semaphore_mem>>
      %dma_wait3A_1763 = tpu.memref_squeeze %dma_wait3A_1762 : memref<1x!tpu.dma_semaphore, #tpu.memory_space<semaphore_mem>> -> memref<!tpu.dma_semaphore, #tpu.memory_space<semaphore_mem>>
      tpu.wait_indirect_dma semaphore(%dma_wait3A_1763 : memref<!tpu.dma_semaphore, #tpu.memory_space<semaphore_mem>>) src(%arg11 : memref<80xf32, #tpu.memory_space<vmem>>) dst(%dma_wait3A_1761 : memref<10240xf32, #tpu.memory_space<vmem_shared>>)
      %add3A_1764 = arith.constant 3 : i32
      %add3A_1765 = arith.addi %add3A_1711, %add3A_1764 : i32
      %mul3A_1766 = arith.constant 10000 : i32
      %mul3A_1767 = arith.muli %add3A, %mul3A_1766 : i32
      %mul3A_1768 = arith.constant 80 : i32
      %mul3A_1769 = arith.muli %add3A_1765, %mul3A_1768 : i32
      %add3A_1770 = arith.addi %mul3A_1767, %mul3A_1769 : i32
      %dma_start3A_1771 = arith.constant 0 : i32
      %dma_start3A_1772 = arith.constant 0 : i32
      %dma_start3A_1773 = arith.constant 0 : i32
      %dma_start3A_1774 = tpu.memref_slice %arg7[%dma_start3A_1771, %dma_start3A_1773] : memref<4x80xi32, #tpu.memory_space<vmem>> -> memref<1x80xi32, #tpu.memory_space<vmem>>
      %dma_start3A_1775 = tpu.memref_squeeze %dma_start3A_1774 : memref<1x80xi32, #tpu.memory_space<vmem>> -> memref<80xi32, #tpu.memory_space<vmem>>
      %dma_start3A_1776 = tpu.memref_slice %arg3[%add3A_1770] : memref<320000xi32, #tpu.memory_space<hbm>> -> memref<80xi32, #tpu.memory_space<hbm>>
      %dma_start3A_1777 = tpu.memref_slice %arg15[%dma_start3A_1772] : memref<4x!tpu.dma_semaphore, #tpu.memory_space<semaphore_mem>> -> memref<1x!tpu.dma_semaphore, #tpu.memory_space<semaphore_mem>>
      %dma_start3A_1778 = tpu.memref_squeeze %dma_start3A_1777 : memref<1x!tpu.dma_semaphore, #tpu.memory_space<semaphore_mem>> -> memref<!tpu.dma_semaphore, #tpu.memory_space<semaphore_mem>>
      %dma_start3A_1779 = arith.constant 0 : i32
      %dma_start3A_1780 = tpu.memref_slice %arg7[%dma_start3A_1771, %dma_start3A_1779] : memref<4x80xi32, #tpu.memory_space<vmem>> -> memref<1x80xi32, #tpu.memory_space<vmem>>
      %dma_start3A_1781 = tpu.memref_squeeze %dma_start3A_1780 : memref<1x80xi32, #tpu.memory_space<vmem>> -> memref<80xi32, #tpu.memory_space<vmem>>
      %dma_start3A_1782 = tpu.memref_slice %arg3[%add3A_1770] : memref<320000xi32, #tpu.memory_space<hbm>> -> memref<80xi32, #tpu.memory_space<hbm>>
      tpu.enqueue_dma source(%dma_start3A_1782 : memref<80xi32, #tpu.memory_space<hbm>>) target(%dma_start3A_1781 : memref<80xi32, #tpu.memory_space<vmem>>) target_semaphore(%dma_start3A_1778 : memref<!tpu.dma_semaphore, #tpu.memory_space<semaphore_mem>>)
      %dma_start3A_1783 = arith.constant 0 : i32
      %dma_start3A_1784 = arith.constant 0 : i32
      %dma_start3A_1785 = arith.constant 0 : i32
      %dma_start3A_1786 = tpu.memref_slice %arg8[%dma_start3A_1783, %dma_start3A_1785] : memref<4x80xi32, #tpu.memory_space<vmem>> -> memref<1x80xi32, #tpu.memory_space<vmem>>
      %dma_start3A_1787 = tpu.memref_squeeze %dma_start3A_1786 : memref<1x80xi32, #tpu.memory_space<vmem>> -> memref<80xi32, #tpu.memory_space<vmem>>
      %dma_start3A_1788 = tpu.memref_slice %arg4[%add3A_1770] : memref<320000xi32, #tpu.memory_space<hbm>> -> memref<80xi32, #tpu.memory_space<hbm>>
      %dma_start3A_1789 = tpu.memref_slice %arg15[%dma_start3A_1784] : memref<4x!tpu.dma_semaphore, #tpu.memory_space<semaphore_mem>> -> memref<1x!tpu.dma_semaphore, #tpu.memory_space<semaphore_mem>>
      %dma_start3A_1790 = tpu.memref_squeeze %dma_start3A_1789 : memref<1x!tpu.dma_semaphore, #tpu.memory_space<semaphore_mem>> -> memref<!tpu.dma_semaphore, #tpu.memory_space<semaphore_mem>>
      %dma_start3A_1791 = arith.constant 0 : i32
      %dma_start3A_1792 = tpu.memref_slice %arg8[%dma_start3A_1783, %dma_start3A_1791] : memref<4x80xi32, #tpu.memory_space<vmem>> -> memref<1x80xi32, #tpu.memory_space<vmem>>
      %dma_start3A_1793 = tpu.memref_squeeze %dma_start3A_1792 : memref<1x80xi32, #tpu.memory_space<vmem>> -> memref<80xi32, #tpu.memory_space<vmem>>
      %dma_start3A_1794 = tpu.memref_slice %arg4[%add3A_1770] : memref<320000xi32, #tpu.memory_space<hbm>> -> memref<80xi32, #tpu.memory_space<hbm>>
      tpu.enqueue_dma source(%dma_start3A_1794 : memref<80xi32, #tpu.memory_space<hbm>>) target(%dma_start3A_1793 : memref<80xi32, #tpu.memory_space<vmem>>) target_semaphore(%dma_start3A_1790 : memref<!tpu.dma_semaphore, #tpu.memory_space<semaphore_mem>>)
      %add3A_1795 = arith.constant 2 : i32
      %add3A_1796 = arith.addi %add3A_1711, %add3A_1795 : i32
      %dma_start3A_1797 = arith.constant 3 : i32
      %dma_start3A_1798 = arith.constant 2 : i32
      %dma_start3A_1799 = arith.constant 2 : i32
      %dma_start3A_1800 = arith.constant 0 : i32
      %dma_start3A_1801 = arith.constant 0 : i32
      %dma_start3A_1802 = tpu.memref_slice %arg9[%dma_start3A_1798, %dma_start3A_1800, %dma_start3A_1801] : memref<3x80x128xf32, #tpu.memory_space<vmem>> -> memref<1x80x128xf32, #tpu.memory_space<vmem>>
      %dma_start3A_1803 = tpu.memref_squeeze %dma_start3A_1802 : memref<1x80x128xf32, #tpu.memory_space<vmem>> -> memref<80x128xf32, #tpu.memory_space<vmem>>
      %dma_start3A_1804 = arith.constant 0 : i32
      %dma_start3A_1805 = tpu.memref_slice %arg7[%dma_start3A_1797, %dma_start3A_1804] : memref<4x80xi32, #tpu.memory_space<vmem>> -> memref<1x80xi32, #tpu.memory_space<vmem>>
      %dma_start3A_1806 = tpu.memref_squeeze %dma_start3A_1805 : memref<1x80xi32, #tpu.memory_space<vmem>> -> memref<80xi32, #tpu.memory_space<vmem>>
      %dma_start3A_1807 = arith.constant 0 : i32
      %dma_start3A_1808 = arith.constant 0 : i32
      %dma_start3A_1809 = tpu.memref_slice %arg2[%dma_start3A_1807, %dma_start3A_1808] : memref<10000x128xf32, #tpu.memory_space<hbm>> -> memref<10000x128xf32, #tpu.memory_space<hbm>>
      %dma_start3A_1810 = tpu.memref_slice %arg16[%dma_start3A_1799] : memref<3x!tpu.dma_semaphore, #tpu.memory_space<semaphore_mem>> -> memref<1x!tpu.dma_semaphore, #tpu.memory_space<semaphore_mem>>
      %dma_start3A_1811 = tpu.memref_squeeze %dma_start3A_1810 : memref<1x!tpu.dma_semaphore, #tpu.memory_space<semaphore_mem>> -> memref<!tpu.dma_semaphore, #tpu.memory_space<semaphore_mem>>
      tpu.enqueue_indirect_dma source(%dma_start3A_1809 : memref<10000x128xf32, #tpu.memory_space<hbm>>) target(%dma_start3A_1803 : memref<80x128xf32, #tpu.memory_space<vmem>>) offsets(%dma_start3A_1806 : memref<80xi32, #tpu.memory_space<vmem>>) semaphore(%dma_start3A_1811 : memref<!tpu.dma_semaphore, #tpu.memory_space<semaphore_mem>>)
      %dma_wait3A_1812 = arith.constant 1 : i32
      %dma_wait3A_1813 = arith.constant 0 : i32
      %dma_wait3A_1814 = arith.constant 0 : i32
      %dma_wait3A_1815 = arith.constant 0 : i32
      %dma_wait3A_1816 = arith.constant 0 : i32
      %dma_wait3A_1817 = tpu.memref_slice %arg9[%dma_wait3A_1813, %dma_wait3A_1815, %dma_wait3A_1816] : memref<3x80x128xf32, #tpu.memory_space<vmem>> -> memref<1x80x128xf32, #tpu.memory_space<vmem>>
      %dma_wait3A_1818 = tpu.memref_squeeze %dma_wait3A_1817 : memref<1x80x128xf32, #tpu.memory_space<vmem>> -> memref<80x128xf32, #tpu.memory_space<vmem>>
      %dma_wait3A_1819 = arith.constant 0 : i32
      %dma_wait3A_1820 = tpu.memref_slice %arg7[%dma_wait3A_1812, %dma_wait3A_1819] : memref<4x80xi32, #tpu.memory_space<vmem>> -> memref<1x80xi32, #tpu.memory_space<vmem>>
      %dma_wait3A_1821 = tpu.memref_squeeze %dma_wait3A_1820 : memref<1x80xi32, #tpu.memory_space<vmem>> -> memref<80xi32, #tpu.memory_space<vmem>>
      %dma_wait3A_1822 = arith.constant 0 : i32
      %dma_wait3A_1823 = arith.constant 0 : i32
      %dma_wait3A_1824 = tpu.memref_slice %arg2[%dma_wait3A_1822, %dma_wait3A_1823] : memref<10000x128xf32, #tpu.memory_space<hbm>> -> memref<10000x128xf32, #tpu.memory_space<hbm>>
      %dma_wait3A_1825 = tpu.memref_slice %arg16[%dma_wait3A_1814] : memref<3x!tpu.dma_semaphore, #tpu.memory_space<semaphore_mem>> -> memref<1x!tpu.dma_semaphore, #tpu.memory_space<semaphore_mem>>
      %dma_wait3A_1826 = tpu.memref_squeeze %dma_wait3A_1825 : memref<1x!tpu.dma_semaphore, #tpu.memory_space<semaphore_mem>> -> memref<!tpu.dma_semaphore, #tpu.memory_space<semaphore_mem>>
      tpu.wait_indirect_dma semaphore(%dma_wait3A_1826 : memref<!tpu.dma_semaphore, #tpu.memory_space<semaphore_mem>>) src(%dma_wait3A_1824 : memref<10000x128xf32, #tpu.memory_space<hbm>>) dst(%dma_wait3A_1818 : memref<80x128xf32, #tpu.memory_space<vmem>>)
      %dma_start3A_1827 = arith.constant 0 : i32
      %dma_start3A_1828 = arith.constant 1 : i32
      %dma_start3A_1829 = arith.constant 0 : i32
      %dma_start3A_1830 = arith.constant 0 : i32
      %dma_start3A_1831 = arith.constant 0 : i32
      %dma_start3A_1832 = tpu.memref_slice %arg9[%dma_start3A_1827, %dma_start3A_1830, %dma_start3A_1831] : memref<3x80x128xf32, #tpu.memory_space<vmem>> -> memref<1x80x128xf32, #tpu.memory_space<vmem>>
      %dma_start3A_1833 = tpu.memref_squeeze %dma_start3A_1832 : memref<1x80x128xf32, #tpu.memory_space<vmem>> -> memref<80x128xf32, #tpu.memory_space<vmem>>
      %dma_start3A_1834 = arith.constant 0 : i32
      %dma_start3A_1835 = tpu.memref_slice %arg8[%dma_start3A_1828, %dma_start3A_1834] : memref<4x80xi32, #tpu.memory_space<vmem>> -> memref<1x80xi32, #tpu.memory_space<vmem>>
      %dma_start3A_1836 = tpu.memref_squeeze %dma_start3A_1835 : memref<1x80xi32, #tpu.memory_space<vmem>> -> memref<80xi32, #tpu.memory_space<vmem>>
      %dma_start3A_1837 = arith.constant 0 : i32
      %dma_start3A_1838 = arith.constant 0 : i32
      %dma_start3A_1839 = tpu.memref_slice %arg13[%dma_start3A_1837, %dma_start3A_1838] : memref<10240x128xf32, #tpu.memory_space<vmem_shared>> -> memref<10240x128xf32, #tpu.memory_space<vmem_shared>>
      %dma_start3A_1840 = tpu.memref_slice %arg17[%dma_start3A_1829] : memref<3x!tpu.dma_semaphore, #tpu.memory_space<semaphore_mem>> -> memref<1x!tpu.dma_semaphore, #tpu.memory_space<semaphore_mem>>
      %dma_start3A_1841 = tpu.memref_squeeze %dma_start3A_1840 : memref<1x!tpu.dma_semaphore, #tpu.memory_space<semaphore_mem>> -> memref<!tpu.dma_semaphore, #tpu.memory_space<semaphore_mem>>
      tpu.enqueue_indirect_dma source(%dma_start3A_1833 : memref<80x128xf32, #tpu.memory_space<vmem>>) target(%dma_start3A_1839 : memref<10240x128xf32, #tpu.memory_space<vmem_shared>>) offsets(%dma_start3A_1836 : memref<80xi32, #tpu.memory_space<vmem>>) semaphore(%dma_start3A_1841 : memref<!tpu.dma_semaphore, #tpu.memory_space<semaphore_mem>>) {add = true}
      %dma_start3A_1842 = arith.constant 1 : i32
      %dma_start3A_1843 = arith.constant 0 : i32
      %dma_start3A_1844 = arith.constant 0 : i32
      %dma_start3A_1845 = tpu.memref_slice %arg8[%dma_start3A_1842, %dma_start3A_1844] : memref<4x80xi32, #tpu.memory_space<vmem>> -> memref<1x80xi32, #tpu.memory_space<vmem>>
      %dma_start3A_1846 = tpu.memref_squeeze %dma_start3A_1845 : memref<1x80xi32, #tpu.memory_space<vmem>> -> memref<80xi32, #tpu.memory_space<vmem>>
      %dma_start3A_1847 = arith.constant 0 : i32
      %dma_start3A_1848 = tpu.memref_slice %arg14[%dma_start3A_1847] : memref<10240xf32, #tpu.memory_space<vmem_shared>> -> memref<10240xf32, #tpu.memory_space<vmem_shared>>
      %dma_start3A_1849 = tpu.memref_slice %arg17[%dma_start3A_1843] : memref<3x!tpu.dma_semaphore, #tpu.memory_space<semaphore_mem>> -> memref<1x!tpu.dma_semaphore, #tpu.memory_space<semaphore_mem>>
      %dma_start3A_1850 = tpu.memref_squeeze %dma_start3A_1849 : memref<1x!tpu.dma_semaphore, #tpu.memory_space<semaphore_mem>> -> memref<!tpu.dma_semaphore, #tpu.memory_space<semaphore_mem>>
      tpu.enqueue_indirect_dma source(%arg11 : memref<80xf32, #tpu.memory_space<vmem>>) target(%dma_start3A_1848 : memref<10240xf32, #tpu.memory_space<vmem_shared>>) offsets(%dma_start3A_1846 : memref<80xi32, #tpu.memory_space<vmem>>) semaphore(%dma_start3A_1850 : memref<!tpu.dma_semaphore, #tpu.memory_space<semaphore_mem>>) {add = true}
      %mul3A_1851 = arith.constant 12 : i32
      %mul3A_1852 = arith.muli %scan3A_689, %mul3A_1851 : i32
      %add3A_1853 = arith.constant 2 : i32
      %add3A_1854 = arith.addi %add3A_1853, %mul3A_1852 : i32
      %add3A_1855 = arith.constant 8 : i32
      %add3A_1856 = arith.addi %add3A_1854, %add3A_1855 : i32
      %dma_wait3A_1857 = arith.constant 0 : i32
      %dma_wait3A_1858 = arith.constant 0 : i32
      %dma_wait3A_1859 = arith.constant 0 : i32
      %dma_wait3A_1860 = tpu.memref_slice %arg7[%dma_wait3A_1857, %dma_wait3A_1859] : memref<4x80xi32, #tpu.memory_space<vmem>> -> memref<1x80xi32, #tpu.memory_space<vmem>>
      %dma_wait3A_1861 = tpu.memref_squeeze %dma_wait3A_1860 : memref<1x80xi32, #tpu.memory_space<vmem>> -> memref<80xi32, #tpu.memory_space<vmem>>
      %dma_wait3A_1862 = arith.constant 0 : i32
      %dma_wait3A_1863 = tpu.memref_slice %arg3[%dma_wait3A_1862] : memref<320000xi32, #tpu.memory_space<hbm>> -> memref<80xi32, #tpu.memory_space<hbm>>
      %dma_wait3A_1864 = tpu.memref_slice %arg15[%dma_wait3A_1858] : memref<4x!tpu.dma_semaphore, #tpu.memory_space<semaphore_mem>> -> memref<1x!tpu.dma_semaphore, #tpu.memory_space<semaphore_mem>>
      %dma_wait3A_1865 = tpu.memref_squeeze %dma_wait3A_1864 : memref<1x!tpu.dma_semaphore, #tpu.memory_space<semaphore_mem>> -> memref<!tpu.dma_semaphore, #tpu.memory_space<semaphore_mem>>
      %dma_wait3A_1866 = arith.constant 0 : i32
      %dma_wait3A_1867 = tpu.memref_slice %arg7[%dma_wait3A_1857, %dma_wait3A_1866] : memref<4x80xi32, #tpu.memory_space<vmem>> -> memref<1x80xi32, #tpu.memory_space<vmem>>
      %dma_wait3A_1868 = tpu.memref_squeeze %dma_wait3A_1867 : memref<1x80xi32, #tpu.memory_space<vmem>> -> memref<80xi32, #tpu.memory_space<vmem>>
      %dma_wait3A_1869 = arith.constant 0 : i32
      %dma_wait3A_1870 = tpu.memref_slice %arg3[%dma_wait3A_1869] : memref<320000xi32, #tpu.memory_space<hbm>> -> memref<80xi32, #tpu.memory_space<hbm>>
      tpu.wait_dma2 semaphore(%dma_wait3A_1865 : memref<!tpu.dma_semaphore, #tpu.memory_space<semaphore_mem>>) src(%dma_wait3A_1870 : memref<80xi32, #tpu.memory_space<hbm>>) dst(%dma_wait3A_1868 : memref<80xi32, #tpu.memory_space<vmem>>)
      %dma_wait3A_1871 = arith.constant 0 : i32
      %dma_wait3A_1872 = arith.constant 0 : i32
      %dma_wait3A_1873 = arith.constant 0 : i32
      %dma_wait3A_1874 = tpu.memref_slice %arg8[%dma_wait3A_1871, %dma_wait3A_1873] : memref<4x80xi32, #tpu.memory_space<vmem>> -> memref<1x80xi32, #tpu.memory_space<vmem>>
      %dma_wait3A_1875 = tpu.memref_squeeze %dma_wait3A_1874 : memref<1x80xi32, #tpu.memory_space<vmem>> -> memref<80xi32, #tpu.memory_space<vmem>>
      %dma_wait3A_1876 = arith.constant 0 : i32
      %dma_wait3A_1877 = tpu.memref_slice %arg4[%dma_wait3A_1876] : memref<320000xi32, #tpu.memory_space<hbm>> -> memref<80xi32, #tpu.memory_space<hbm>>
      %dma_wait3A_1878 = tpu.memref_slice %arg15[%dma_wait3A_1872] : memref<4x!tpu.dma_semaphore, #tpu.memory_space<semaphore_mem>> -> memref<1x!tpu.dma_semaphore, #tpu.memory_space<semaphore_mem>>
      %dma_wait3A_1879 = tpu.memref_squeeze %dma_wait3A_1878 : memref<1x!tpu.dma_semaphore, #tpu.memory_space<semaphore_mem>> -> memref<!tpu.dma_semaphore, #tpu.memory_space<semaphore_mem>>
      %dma_wait3A_1880 = arith.constant 0 : i32
      %dma_wait3A_1881 = tpu.memref_slice %arg8[%dma_wait3A_1871, %dma_wait3A_1880] : memref<4x80xi32, #tpu.memory_space<vmem>> -> memref<1x80xi32, #tpu.memory_space<vmem>>
      %dma_wait3A_1882 = tpu.memref_squeeze %dma_wait3A_1881 : memref<1x80xi32, #tpu.memory_space<vmem>> -> memref<80xi32, #tpu.memory_space<vmem>>
      %dma_wait3A_1883 = arith.constant 0 : i32
      %dma_wait3A_1884 = tpu.memref_slice %arg4[%dma_wait3A_1883] : memref<320000xi32, #tpu.memory_space<hbm>> -> memref<80xi32, #tpu.memory_space<hbm>>
      tpu.wait_dma2 semaphore(%dma_wait3A_1879 : memref<!tpu.dma_semaphore, #tpu.memory_space<semaphore_mem>>) src(%dma_wait3A_1884 : memref<80xi32, #tpu.memory_space<hbm>>) dst(%dma_wait3A_1882 : memref<80xi32, #tpu.memory_space<vmem>>)
      %dma_wait3A_1885 = arith.constant 0 : i32
      %dma_wait3A_1886 = arith.constant 1 : i32
      %dma_wait3A_1887 = arith.constant 0 : i32
      %dma_wait3A_1888 = arith.constant 0 : i32
      %dma_wait3A_1889 = arith.constant 0 : i32
      %dma_wait3A_1890 = tpu.memref_slice %arg9[%dma_wait3A_1885, %dma_wait3A_1888, %dma_wait3A_1889] : memref<3x80x128xf32, #tpu.memory_space<vmem>> -> memref<1x80x128xf32, #tpu.memory_space<vmem>>
      %dma_wait3A_1891 = tpu.memref_squeeze %dma_wait3A_1890 : memref<1x80x128xf32, #tpu.memory_space<vmem>> -> memref<80x128xf32, #tpu.memory_space<vmem>>
      %dma_wait3A_1892 = arith.constant 0 : i32
      %dma_wait3A_1893 = tpu.memref_slice %arg8[%dma_wait3A_1886, %dma_wait3A_1892] : memref<4x80xi32, #tpu.memory_space<vmem>> -> memref<1x80xi32, #tpu.memory_space<vmem>>
      %dma_wait3A_1894 = tpu.memref_squeeze %dma_wait3A_1893 : memref<1x80xi32, #tpu.memory_space<vmem>> -> memref<80xi32, #tpu.memory_space<vmem>>
      %dma_wait3A_1895 = arith.constant 0 : i32
      %dma_wait3A_1896 = arith.constant 0 : i32
      %dma_wait3A_1897 = tpu.memref_slice %arg13[%dma_wait3A_1895, %dma_wait3A_1896] : memref<10240x128xf32, #tpu.memory_space<vmem_shared>> -> memref<10240x128xf32, #tpu.memory_space<vmem_shared>>
      %dma_wait3A_1898 = tpu.memref_slice %arg17[%dma_wait3A_1887] : memref<3x!tpu.dma_semaphore, #tpu.memory_space<semaphore_mem>> -> memref<1x!tpu.dma_semaphore, #tpu.memory_space<semaphore_mem>>
      %dma_wait3A_1899 = tpu.memref_squeeze %dma_wait3A_1898 : memref<1x!tpu.dma_semaphore, #tpu.memory_space<semaphore_mem>> -> memref<!tpu.dma_semaphore, #tpu.memory_space<semaphore_mem>>
      tpu.wait_indirect_dma semaphore(%dma_wait3A_1899 : memref<!tpu.dma_semaphore, #tpu.memory_space<semaphore_mem>>) src(%dma_wait3A_1891 : memref<80x128xf32, #tpu.memory_space<vmem>>) dst(%dma_wait3A_1897 : memref<10240x128xf32, #tpu.memory_space<vmem_shared>>)
      %dma_wait3A_1900 = arith.constant 1 : i32
      %dma_wait3A_1901 = arith.constant 0 : i32
      %dma_wait3A_1902 = arith.constant 0 : i32
      %dma_wait3A_1903 = tpu.memref_slice %arg8[%dma_wait3A_1900, %dma_wait3A_1902] : memref<4x80xi32, #tpu.memory_space<vmem>> -> memref<1x80xi32, #tpu.memory_space<vmem>>
      %dma_wait3A_1904 = tpu.memref_squeeze %dma_wait3A_1903 : memref<1x80xi32, #tpu.memory_space<vmem>> -> memref<80xi32, #tpu.memory_space<vmem>>
      %dma_wait3A_1905 = arith.constant 0 : i32
      %dma_wait3A_1906 = tpu.memref_slice %arg14[%dma_wait3A_1905] : memref<10240xf32, #tpu.memory_space<vmem_shared>> -> memref<10240xf32, #tpu.memory_space<vmem_shared>>
      %dma_wait3A_1907 = tpu.memref_slice %arg17[%dma_wait3A_1901] : memref<3x!tpu.dma_semaphore, #tpu.memory_space<semaphore_mem>> -> memref<1x!tpu.dma_semaphore, #tpu.memory_space<semaphore_mem>>
      %dma_wait3A_1908 = tpu.memref_squeeze %dma_wait3A_1907 : memref<1x!tpu.dma_semaphore, #tpu.memory_space<semaphore_mem>> -> memref<!tpu.dma_semaphore, #tpu.memory_space<semaphore_mem>>
      tpu.wait_indirect_dma semaphore(%dma_wait3A_1908 : memref<!tpu.dma_semaphore, #tpu.memory_space<semaphore_mem>>) src(%arg11 : memref<80xf32, #tpu.memory_space<vmem>>) dst(%dma_wait3A_1906 : memref<10240xf32, #tpu.memory_space<vmem_shared>>)
      %add3A_1909 = arith.constant 3 : i32
      %add3A_1910 = arith.addi %add3A_1856, %add3A_1909 : i32
      %mul3A_1911 = arith.constant 10000 : i32
      %mul3A_1912 = arith.muli %add3A, %mul3A_1911 : i32
      %mul3A_1913 = arith.constant 80 : i32
      %mul3A_1914 = arith.muli %add3A_1910, %mul3A_1913 : i32
      %add3A_1915 = arith.addi %mul3A_1912, %mul3A_1914 : i32
      %dma_start3A_1916 = arith.constant 1 : i32
      %dma_start3A_1917 = arith.constant 1 : i32
      %dma_start3A_1918 = arith.constant 0 : i32
      %dma_start3A_1919 = tpu.memref_slice %arg7[%dma_start3A_1916, %dma_start3A_1918] : memref<4x80xi32, #tpu.memory_space<vmem>> -> memref<1x80xi32, #tpu.memory_space<vmem>>
      %dma_start3A_1920 = tpu.memref_squeeze %dma_start3A_1919 : memref<1x80xi32, #tpu.memory_space<vmem>> -> memref<80xi32, #tpu.memory_space<vmem>>
      %dma_start3A_1921 = tpu.memref_slice %arg3[%add3A_1915] : memref<320000xi32, #tpu.memory_space<hbm>> -> memref<80xi32, #tpu.memory_space<hbm>>
      %dma_start3A_1922 = tpu.memref_slice %arg15[%dma_start3A_1917] : memref<4x!tpu.dma_semaphore, #tpu.memory_space<semaphore_mem>> -> memref<1x!tpu.dma_semaphore, #tpu.memory_space<semaphore_mem>>
      %dma_start3A_1923 = tpu.memref_squeeze %dma_start3A_1922 : memref<1x!tpu.dma_semaphore, #tpu.memory_space<semaphore_mem>> -> memref<!tpu.dma_semaphore, #tpu.memory_space<semaphore_mem>>
      %dma_start3A_1924 = arith.constant 0 : i32
      %dma_start3A_1925 = tpu.memref_slice %arg7[%dma_start3A_1916, %dma_start3A_1924] : memref<4x80xi32, #tpu.memory_space<vmem>> -> memref<1x80xi32, #tpu.memory_space<vmem>>
      %dma_start3A_1926 = tpu.memref_squeeze %dma_start3A_1925 : memref<1x80xi32, #tpu.memory_space<vmem>> -> memref<80xi32, #tpu.memory_space<vmem>>
      %dma_start3A_1927 = tpu.memref_slice %arg3[%add3A_1915] : memref<320000xi32, #tpu.memory_space<hbm>> -> memref<80xi32, #tpu.memory_space<hbm>>
      tpu.enqueue_dma source(%dma_start3A_1927 : memref<80xi32, #tpu.memory_space<hbm>>) target(%dma_start3A_1926 : memref<80xi32, #tpu.memory_space<vmem>>) target_semaphore(%dma_start3A_1923 : memref<!tpu.dma_semaphore, #tpu.memory_space<semaphore_mem>>)
      %dma_start3A_1928 = arith.constant 1 : i32
      %dma_start3A_1929 = arith.constant 1 : i32
      %dma_start3A_1930 = arith.constant 0 : i32
      %dma_start3A_1931 = tpu.memref_slice %arg8[%dma_start3A_1928, %dma_start3A_1930] : memref<4x80xi32, #tpu.memory_space<vmem>> -> memref<1x80xi32, #tpu.memory_space<vmem>>
      %dma_start3A_1932 = tpu.memref_squeeze %dma_start3A_1931 : memref<1x80xi32, #tpu.memory_space<vmem>> -> memref<80xi32, #tpu.memory_space<vmem>>
      %dma_start3A_1933 = tpu.memref_slice %arg4[%add3A_1915] : memref<320000xi32, #tpu.memory_space<hbm>> -> memref<80xi32, #tpu.memory_space<hbm>>
      %dma_start3A_1934 = tpu.memref_slice %arg15[%dma_start3A_1929] : memref<4x!tpu.dma_semaphore, #tpu.memory_space<semaphore_mem>> -> memref<1x!tpu.dma_semaphore, #tpu.memory_space<semaphore_mem>>
      %dma_start3A_1935 = tpu.memref_squeeze %dma_start3A_1934 : memref<1x!tpu.dma_semaphore, #tpu.memory_space<semaphore_mem>> -> memref<!tpu.dma_semaphore, #tpu.memory_space<semaphore_mem>>
      %dma_start3A_1936 = arith.constant 0 : i32
      %dma_start3A_1937 = tpu.memref_slice %arg8[%dma_start3A_1928, %dma_start3A_1936] : memref<4x80xi32, #tpu.memory_space<vmem>> -> memref<1x80xi32, #tpu.memory_space<vmem>>
      %dma_start3A_1938 = tpu.memref_squeeze %dma_start3A_1937 : memref<1x80xi32, #tpu.memory_space<vmem>> -> memref<80xi32, #tpu.memory_space<vmem>>
      %dma_start3A_1939 = tpu.memref_slice %arg4[%add3A_1915] : memref<320000xi32, #tpu.memory_space<hbm>> -> memref<80xi32, #tpu.memory_space<hbm>>
      tpu.enqueue_dma source(%dma_start3A_1939 : memref<80xi32, #tpu.memory_space<hbm>>) target(%dma_start3A_1938 : memref<80xi32, #tpu.memory_space<vmem>>) target_semaphore(%dma_start3A_1935 : memref<!tpu.dma_semaphore, #tpu.memory_space<semaphore_mem>>)
      %add3A_1940 = arith.constant 2 : i32
      %add3A_1941 = arith.addi %add3A_1856, %add3A_1940 : i32
      %dma_start3A_1942 = arith.constant 0 : i32
      %dma_start3A_1943 = arith.constant 0 : i32
      %dma_start3A_1944 = arith.constant 0 : i32
      %dma_start3A_1945 = arith.constant 0 : i32
      %dma_start3A_1946 = arith.constant 0 : i32
      %dma_start3A_1947 = tpu.memref_slice %arg9[%dma_start3A_1943, %dma_start3A_1945, %dma_start3A_1946] : memref<3x80x128xf32, #tpu.memory_space<vmem>> -> memref<1x80x128xf32, #tpu.memory_space<vmem>>
      %dma_start3A_1948 = tpu.memref_squeeze %dma_start3A_1947 : memref<1x80x128xf32, #tpu.memory_space<vmem>> -> memref<80x128xf32, #tpu.memory_space<vmem>>
      %dma_start3A_1949 = arith.constant 0 : i32
      %dma_start3A_1950 = tpu.memref_slice %arg7[%dma_start3A_1942, %dma_start3A_1949] : memref<4x80xi32, #tpu.memory_space<vmem>> -> memref<1x80xi32, #tpu.memory_space<vmem>>
      %dma_start3A_1951 = tpu.memref_squeeze %dma_start3A_1950 : memref<1x80xi32, #tpu.memory_space<vmem>> -> memref<80xi32, #tpu.memory_space<vmem>>
      %dma_start3A_1952 = arith.constant 0 : i32
      %dma_start3A_1953 = arith.constant 0 : i32
      %dma_start3A_1954 = tpu.memref_slice %arg2[%dma_start3A_1952, %dma_start3A_1953] : memref<10000x128xf32, #tpu.memory_space<hbm>> -> memref<10000x128xf32, #tpu.memory_space<hbm>>
      %dma_start3A_1955 = tpu.memref_slice %arg16[%dma_start3A_1944] : memref<3x!tpu.dma_semaphore, #tpu.memory_space<semaphore_mem>> -> memref<1x!tpu.dma_semaphore, #tpu.memory_space<semaphore_mem>>
      %dma_start3A_1956 = tpu.memref_squeeze %dma_start3A_1955 : memref<1x!tpu.dma_semaphore, #tpu.memory_space<semaphore_mem>> -> memref<!tpu.dma_semaphore, #tpu.memory_space<semaphore_mem>>
      tpu.enqueue_indirect_dma source(%dma_start3A_1954 : memref<10000x128xf32, #tpu.memory_space<hbm>>) target(%dma_start3A_1948 : memref<80x128xf32, #tpu.memory_space<vmem>>) offsets(%dma_start3A_1951 : memref<80xi32, #tpu.memory_space<vmem>>) semaphore(%dma_start3A_1956 : memref<!tpu.dma_semaphore, #tpu.memory_space<semaphore_mem>>)
      %dma_wait3A_1957 = arith.constant 2 : i32
      %dma_wait3A_1958 = arith.constant 1 : i32
      %dma_wait3A_1959 = arith.constant 1 : i32
      %dma_wait3A_1960 = arith.constant 0 : i32
      %dma_wait3A_1961 = arith.constant 0 : i32
      %dma_wait3A_1962 = tpu.memref_slice %arg9[%dma_wait3A_1958, %dma_wait3A_1960, %dma_wait3A_1961] : memref<3x80x128xf32, #tpu.memory_space<vmem>> -> memref<1x80x128xf32, #tpu.memory_space<vmem>>
      %dma_wait3A_1963 = tpu.memref_squeeze %dma_wait3A_1962 : memref<1x80x128xf32, #tpu.memory_space<vmem>> -> memref<80x128xf32, #tpu.memory_space<vmem>>
      %dma_wait3A_1964 = arith.constant 0 : i32
      %dma_wait3A_1965 = tpu.memref_slice %arg7[%dma_wait3A_1957, %dma_wait3A_1964] : memref<4x80xi32, #tpu.memory_space<vmem>> -> memref<1x80xi32, #tpu.memory_space<vmem>>
      %dma_wait3A_1966 = tpu.memref_squeeze %dma_wait3A_1965 : memref<1x80xi32, #tpu.memory_space<vmem>> -> memref<80xi32, #tpu.memory_space<vmem>>
      %dma_wait3A_1967 = arith.constant 0 : i32
      %dma_wait3A_1968 = arith.constant 0 : i32
      %dma_wait3A_1969 = tpu.memref_slice %arg2[%dma_wait3A_1967, %dma_wait3A_1968] : memref<10000x128xf32, #tpu.memory_space<hbm>> -> memref<10000x128xf32, #tpu.memory_space<hbm>>
      %dma_wait3A_1970 = tpu.memref_slice %arg16[%dma_wait3A_1959] : memref<3x!tpu.dma_semaphore, #tpu.memory_space<semaphore_mem>> -> memref<1x!tpu.dma_semaphore, #tpu.memory_space<semaphore_mem>>
      %dma_wait3A_1971 = tpu.memref_squeeze %dma_wait3A_1970 : memref<1x!tpu.dma_semaphore, #tpu.memory_space<semaphore_mem>> -> memref<!tpu.dma_semaphore, #tpu.memory_space<semaphore_mem>>
      tpu.wait_indirect_dma semaphore(%dma_wait3A_1971 : memref<!tpu.dma_semaphore, #tpu.memory_space<semaphore_mem>>) src(%dma_wait3A_1969 : memref<10000x128xf32, #tpu.memory_space<hbm>>) dst(%dma_wait3A_1963 : memref<80x128xf32, #tpu.memory_space<vmem>>)
      %dma_start3A_1972 = arith.constant 1 : i32
      %dma_start3A_1973 = arith.constant 2 : i32
      %dma_start3A_1974 = arith.constant 1 : i32
      %dma_start3A_1975 = arith.constant 0 : i32
      %dma_start3A_1976 = arith.constant 0 : i32
      %dma_start3A_1977 = tpu.memref_slice %arg9[%dma_start3A_1972, %dma_start3A_1975, %dma_start3A_1976] : memref<3x80x128xf32, #tpu.memory_space<vmem>> -> memref<1x80x128xf32, #tpu.memory_space<vmem>>
      %dma_start3A_1978 = tpu.memref_squeeze %dma_start3A_1977 : memref<1x80x128xf32, #tpu.memory_space<vmem>> -> memref<80x128xf32, #tpu.memory_space<vmem>>
      %dma_start3A_1979 = arith.constant 0 : i32
      %dma_start3A_1980 = tpu.memref_slice %arg8[%dma_start3A_1973, %dma_start3A_1979] : memref<4x80xi32, #tpu.memory_space<vmem>> -> memref<1x80xi32, #tpu.memory_space<vmem>>
      %dma_start3A_1981 = tpu.memref_squeeze %dma_start3A_1980 : memref<1x80xi32, #tpu.memory_space<vmem>> -> memref<80xi32, #tpu.memory_space<vmem>>
      %dma_start3A_1982 = arith.constant 0 : i32
      %dma_start3A_1983 = arith.constant 0 : i32
      %dma_start3A_1984 = tpu.memref_slice %arg13[%dma_start3A_1982, %dma_start3A_1983] : memref<10240x128xf32, #tpu.memory_space<vmem_shared>> -> memref<10240x128xf32, #tpu.memory_space<vmem_shared>>
      %dma_start3A_1985 = tpu.memref_slice %arg17[%dma_start3A_1974] : memref<3x!tpu.dma_semaphore, #tpu.memory_space<semaphore_mem>> -> memref<1x!tpu.dma_semaphore, #tpu.memory_space<semaphore_mem>>
      %dma_start3A_1986 = tpu.memref_squeeze %dma_start3A_1985 : memref<1x!tpu.dma_semaphore, #tpu.memory_space<semaphore_mem>> -> memref<!tpu.dma_semaphore, #tpu.memory_space<semaphore_mem>>
      tpu.enqueue_indirect_dma source(%dma_start3A_1978 : memref<80x128xf32, #tpu.memory_space<vmem>>) target(%dma_start3A_1984 : memref<10240x128xf32, #tpu.memory_space<vmem_shared>>) offsets(%dma_start3A_1981 : memref<80xi32, #tpu.memory_space<vmem>>) semaphore(%dma_start3A_1986 : memref<!tpu.dma_semaphore, #tpu.memory_space<semaphore_mem>>) {add = true}
      %dma_start3A_1987 = arith.constant 2 : i32
      %dma_start3A_1988 = arith.constant 1 : i32
      %dma_start3A_1989 = arith.constant 0 : i32
      %dma_start3A_1990 = tpu.memref_slice %arg8[%dma_start3A_1987, %dma_start3A_1989] : memref<4x80xi32, #tpu.memory_space<vmem>> -> memref<1x80xi32, #tpu.memory_space<vmem>>
      %dma_start3A_1991 = tpu.memref_squeeze %dma_start3A_1990 : memref<1x80xi32, #tpu.memory_space<vmem>> -> memref<80xi32, #tpu.memory_space<vmem>>
      %dma_start3A_1992 = arith.constant 0 : i32
      %dma_start3A_1993 = tpu.memref_slice %arg14[%dma_start3A_1992] : memref<10240xf32, #tpu.memory_space<vmem_shared>> -> memref<10240xf32, #tpu.memory_space<vmem_shared>>
      %dma_start3A_1994 = tpu.memref_slice %arg17[%dma_start3A_1988] : memref<3x!tpu.dma_semaphore, #tpu.memory_space<semaphore_mem>> -> memref<1x!tpu.dma_semaphore, #tpu.memory_space<semaphore_mem>>
      %dma_start3A_1995 = tpu.memref_squeeze %dma_start3A_1994 : memref<1x!tpu.dma_semaphore, #tpu.memory_space<semaphore_mem>> -> memref<!tpu.dma_semaphore, #tpu.memory_space<semaphore_mem>>
      tpu.enqueue_indirect_dma source(%arg11 : memref<80xf32, #tpu.memory_space<vmem>>) target(%dma_start3A_1993 : memref<10240xf32, #tpu.memory_space<vmem_shared>>) offsets(%dma_start3A_1991 : memref<80xi32, #tpu.memory_space<vmem>>) semaphore(%dma_start3A_1995 : memref<!tpu.dma_semaphore, #tpu.memory_space<semaphore_mem>>) {add = true}
      %mul3A_1996 = arith.constant 12 : i32
      %mul3A_1997 = arith.muli %scan3A_689, %mul3A_1996 : i32
      %add3A_1998 = arith.constant 2 : i32
      %add3A_1999 = arith.addi %add3A_1998, %mul3A_1997 : i32
      %add3A_2000 = arith.constant 9 : i32
      %add3A_2001 = arith.addi %add3A_1999, %add3A_2000 : i32
      %dma_wait3A_2002 = arith.constant 1 : i32
      %dma_wait3A_2003 = arith.constant 1 : i32
      %dma_wait3A_2004 = arith.constant 0 : i32
      %dma_wait3A_2005 = tpu.memref_slice %arg7[%dma_wait3A_2002, %dma_wait3A_2004] : memref<4x80xi32, #tpu.memory_space<vmem>> -> memref<1x80xi32, #tpu.memory_space<vmem>>
      %dma_wait3A_2006 = tpu.memref_squeeze %dma_wait3A_2005 : memref<1x80xi32, #tpu.memory_space<vmem>> -> memref<80xi32, #tpu.memory_space<vmem>>
      %dma_wait3A_2007 = arith.constant 0 : i32
      %dma_wait3A_2008 = tpu.memref_slice %arg3[%dma_wait3A_2007] : memref<320000xi32, #tpu.memory_space<hbm>> -> memref<80xi32, #tpu.memory_space<hbm>>
      %dma_wait3A_2009 = tpu.memref_slice %arg15[%dma_wait3A_2003] : memref<4x!tpu.dma_semaphore, #tpu.memory_space<semaphore_mem>> -> memref<1x!tpu.dma_semaphore, #tpu.memory_space<semaphore_mem>>
      %dma_wait3A_2010 = tpu.memref_squeeze %dma_wait3A_2009 : memref<1x!tpu.dma_semaphore, #tpu.memory_space<semaphore_mem>> -> memref<!tpu.dma_semaphore, #tpu.memory_space<semaphore_mem>>
      %dma_wait3A_2011 = arith.constant 0 : i32
      %dma_wait3A_2012 = tpu.memref_slice %arg7[%dma_wait3A_2002, %dma_wait3A_2011] : memref<4x80xi32, #tpu.memory_space<vmem>> -> memref<1x80xi32, #tpu.memory_space<vmem>>
      %dma_wait3A_2013 = tpu.memref_squeeze %dma_wait3A_2012 : memref<1x80xi32, #tpu.memory_space<vmem>> -> memref<80xi32, #tpu.memory_space<vmem>>
      %dma_wait3A_2014 = arith.constant 0 : i32
      %dma_wait3A_2015 = tpu.memref_slice %arg3[%dma_wait3A_2014] : memref<320000xi32, #tpu.memory_space<hbm>> -> memref<80xi32, #tpu.memory_space<hbm>>
      tpu.wait_dma2 semaphore(%dma_wait3A_2010 : memref<!tpu.dma_semaphore, #tpu.memory_space<semaphore_mem>>) src(%dma_wait3A_2015 : memref<80xi32, #tpu.memory_space<hbm>>) dst(%dma_wait3A_2013 : memref<80xi32, #tpu.memory_space<vmem>>)
      %dma_wait3A_2016 = arith.constant 1 : i32
      %dma_wait3A_2017 = arith.constant 1 : i32
      %dma_wait3A_2018 = arith.constant 0 : i32
      %dma_wait3A_2019 = tpu.memref_slice %arg8[%dma_wait3A_2016, %dma_wait3A_2018] : memref<4x80xi32, #tpu.memory_space<vmem>> -> memref<1x80xi32, #tpu.memory_space<vmem>>
      %dma_wait3A_2020 = tpu.memref_squeeze %dma_wait3A_2019 : memref<1x80xi32, #tpu.memory_space<vmem>> -> memref<80xi32, #tpu.memory_space<vmem>>
      %dma_wait3A_2021 = arith.constant 0 : i32
      %dma_wait3A_2022 = tpu.memref_slice %arg4[%dma_wait3A_2021] : memref<320000xi32, #tpu.memory_space<hbm>> -> memref<80xi32, #tpu.memory_space<hbm>>
      %dma_wait3A_2023 = tpu.memref_slice %arg15[%dma_wait3A_2017] : memref<4x!tpu.dma_semaphore, #tpu.memory_space<semaphore_mem>> -> memref<1x!tpu.dma_semaphore, #tpu.memory_space<semaphore_mem>>
      %dma_wait3A_2024 = tpu.memref_squeeze %dma_wait3A_2023 : memref<1x!tpu.dma_semaphore, #tpu.memory_space<semaphore_mem>> -> memref<!tpu.dma_semaphore, #tpu.memory_space<semaphore_mem>>
      %dma_wait3A_2025 = arith.constant 0 : i32
      %dma_wait3A_2026 = tpu.memref_slice %arg8[%dma_wait3A_2016, %dma_wait3A_2025] : memref<4x80xi32, #tpu.memory_space<vmem>> -> memref<1x80xi32, #tpu.memory_space<vmem>>
      %dma_wait3A_2027 = tpu.memref_squeeze %dma_wait3A_2026 : memref<1x80xi32, #tpu.memory_space<vmem>> -> memref<80xi32, #tpu.memory_space<vmem>>
      %dma_wait3A_2028 = arith.constant 0 : i32
      %dma_wait3A_2029 = tpu.memref_slice %arg4[%dma_wait3A_2028] : memref<320000xi32, #tpu.memory_space<hbm>> -> memref<80xi32, #tpu.memory_space<hbm>>
      tpu.wait_dma2 semaphore(%dma_wait3A_2024 : memref<!tpu.dma_semaphore, #tpu.memory_space<semaphore_mem>>) src(%dma_wait3A_2029 : memref<80xi32, #tpu.memory_space<hbm>>) dst(%dma_wait3A_2027 : memref<80xi32, #tpu.memory_space<vmem>>)
      %dma_wait3A_2030 = arith.constant 1 : i32
      %dma_wait3A_2031 = arith.constant 2 : i32
      %dma_wait3A_2032 = arith.constant 1 : i32
      %dma_wait3A_2033 = arith.constant 0 : i32
      %dma_wait3A_2034 = arith.constant 0 : i32
      %dma_wait3A_2035 = tpu.memref_slice %arg9[%dma_wait3A_2030, %dma_wait3A_2033, %dma_wait3A_2034] : memref<3x80x128xf32, #tpu.memory_space<vmem>> -> memref<1x80x128xf32, #tpu.memory_space<vmem>>
      %dma_wait3A_2036 = tpu.memref_squeeze %dma_wait3A_2035 : memref<1x80x128xf32, #tpu.memory_space<vmem>> -> memref<80x128xf32, #tpu.memory_space<vmem>>
      %dma_wait3A_2037 = arith.constant 0 : i32
      %dma_wait3A_2038 = tpu.memref_slice %arg8[%dma_wait3A_2031, %dma_wait3A_2037] : memref<4x80xi32, #tpu.memory_space<vmem>> -> memref<1x80xi32, #tpu.memory_space<vmem>>
      %dma_wait3A_2039 = tpu.memref_squeeze %dma_wait3A_2038 : memref<1x80xi32, #tpu.memory_space<vmem>> -> memref<80xi32, #tpu.memory_space<vmem>>
      %dma_wait3A_2040 = arith.constant 0 : i32
      %dma_wait3A_2041 = arith.constant 0 : i32
      %dma_wait3A_2042 = tpu.memref_slice %arg13[%dma_wait3A_2040, %dma_wait3A_2041] : memref<10240x128xf32, #tpu.memory_space<vmem_shared>> -> memref<10240x128xf32, #tpu.memory_space<vmem_shared>>
      %dma_wait3A_2043 = tpu.memref_slice %arg17[%dma_wait3A_2032] : memref<3x!tpu.dma_semaphore, #tpu.memory_space<semaphore_mem>> -> memref<1x!tpu.dma_semaphore, #tpu.memory_space<semaphore_mem>>
      %dma_wait3A_2044 = tpu.memref_squeeze %dma_wait3A_2043 : memref<1x!tpu.dma_semaphore, #tpu.memory_space<semaphore_mem>> -> memref<!tpu.dma_semaphore, #tpu.memory_space<semaphore_mem>>
      tpu.wait_indirect_dma semaphore(%dma_wait3A_2044 : memref<!tpu.dma_semaphore, #tpu.memory_space<semaphore_mem>>) src(%dma_wait3A_2036 : memref<80x128xf32, #tpu.memory_space<vmem>>) dst(%dma_wait3A_2042 : memref<10240x128xf32, #tpu.memory_space<vmem_shared>>)
      %dma_wait3A_2045 = arith.constant 2 : i32
      %dma_wait3A_2046 = arith.constant 1 : i32
      %dma_wait3A_2047 = arith.constant 0 : i32
      %dma_wait3A_2048 = tpu.memref_slice %arg8[%dma_wait3A_2045, %dma_wait3A_2047] : memref<4x80xi32, #tpu.memory_space<vmem>> -> memref<1x80xi32, #tpu.memory_space<vmem>>
      %dma_wait3A_2049 = tpu.memref_squeeze %dma_wait3A_2048 : memref<1x80xi32, #tpu.memory_space<vmem>> -> memref<80xi32, #tpu.memory_space<vmem>>
      %dma_wait3A_2050 = arith.constant 0 : i32
      %dma_wait3A_2051 = tpu.memref_slice %arg14[%dma_wait3A_2050] : memref<10240xf32, #tpu.memory_space<vmem_shared>> -> memref<10240xf32, #tpu.memory_space<vmem_shared>>
      %dma_wait3A_2052 = tpu.memref_slice %arg17[%dma_wait3A_2046] : memref<3x!tpu.dma_semaphore, #tpu.memory_space<semaphore_mem>> -> memref<1x!tpu.dma_semaphore, #tpu.memory_space<semaphore_mem>>
      %dma_wait3A_2053 = tpu.memref_squeeze %dma_wait3A_2052 : memref<1x!tpu.dma_semaphore, #tpu.memory_space<semaphore_mem>> -> memref<!tpu.dma_semaphore, #tpu.memory_space<semaphore_mem>>
      tpu.wait_indirect_dma semaphore(%dma_wait3A_2053 : memref<!tpu.dma_semaphore, #tpu.memory_space<semaphore_mem>>) src(%arg11 : memref<80xf32, #tpu.memory_space<vmem>>) dst(%dma_wait3A_2051 : memref<10240xf32, #tpu.memory_space<vmem_shared>>)
      %add3A_2054 = arith.constant 3 : i32
      %add3A_2055 = arith.addi %add3A_2001, %add3A_2054 : i32
      %mul3A_2056 = arith.constant 10000 : i32
      %mul3A_2057 = arith.muli %add3A, %mul3A_2056 : i32
      %mul3A_2058 = arith.constant 80 : i32
      %mul3A_2059 = arith.muli %add3A_2055, %mul3A_2058 : i32
      %add3A_2060 = arith.addi %mul3A_2057, %mul3A_2059 : i32
      %dma_start3A_2061 = arith.constant 2 : i32
      %dma_start3A_2062 = arith.constant 2 : i32
      %dma_start3A_2063 = arith.constant 0 : i32
      %dma_start3A_2064 = tpu.memref_slice %arg7[%dma_start3A_2061, %dma_start3A_2063] : memref<4x80xi32, #tpu.memory_space<vmem>> -> memref<1x80xi32, #tpu.memory_space<vmem>>
      %dma_start3A_2065 = tpu.memref_squeeze %dma_start3A_2064 : memref<1x80xi32, #tpu.memory_space<vmem>> -> memref<80xi32, #tpu.memory_space<vmem>>
      %dma_start3A_2066 = tpu.memref_slice %arg3[%add3A_2060] : memref<320000xi32, #tpu.memory_space<hbm>> -> memref<80xi32, #tpu.memory_space<hbm>>
      %dma_start3A_2067 = tpu.memref_slice %arg15[%dma_start3A_2062] : memref<4x!tpu.dma_semaphore, #tpu.memory_space<semaphore_mem>> -> memref<1x!tpu.dma_semaphore, #tpu.memory_space<semaphore_mem>>
      %dma_start3A_2068 = tpu.memref_squeeze %dma_start3A_2067 : memref<1x!tpu.dma_semaphore, #tpu.memory_space<semaphore_mem>> -> memref<!tpu.dma_semaphore, #tpu.memory_space<semaphore_mem>>
      %dma_start3A_2069 = arith.constant 0 : i32
      %dma_start3A_2070 = tpu.memref_slice %arg7[%dma_start3A_2061, %dma_start3A_2069] : memref<4x80xi32, #tpu.memory_space<vmem>> -> memref<1x80xi32, #tpu.memory_space<vmem>>
      %dma_start3A_2071 = tpu.memref_squeeze %dma_start3A_2070 : memref<1x80xi32, #tpu.memory_space<vmem>> -> memref<80xi32, #tpu.memory_space<vmem>>
      %dma_start3A_2072 = tpu.memref_slice %arg3[%add3A_2060] : memref<320000xi32, #tpu.memory_space<hbm>> -> memref<80xi32, #tpu.memory_space<hbm>>
      tpu.enqueue_dma source(%dma_start3A_2072 : memref<80xi32, #tpu.memory_space<hbm>>) target(%dma_start3A_2071 : memref<80xi32, #tpu.memory_space<vmem>>) target_semaphore(%dma_start3A_2068 : memref<!tpu.dma_semaphore, #tpu.memory_space<semaphore_mem>>)
      %dma_start3A_2073 = arith.constant 2 : i32
      %dma_start3A_2074 = arith.constant 2 : i32
      %dma_start3A_2075 = arith.constant 0 : i32
      %dma_start3A_2076 = tpu.memref_slice %arg8[%dma_start3A_2073, %dma_start3A_2075] : memref<4x80xi32, #tpu.memory_space<vmem>> -> memref<1x80xi32, #tpu.memory_space<vmem>>
      %dma_start3A_2077 = tpu.memref_squeeze %dma_start3A_2076 : memref<1x80xi32, #tpu.memory_space<vmem>> -> memref<80xi32, #tpu.memory_space<vmem>>
      %dma_start3A_2078 = tpu.memref_slice %arg4[%add3A_2060] : memref<320000xi32, #tpu.memory_space<hbm>> -> memref<80xi32, #tpu.memory_space<hbm>>
      %dma_start3A_2079 = tpu.memref_slice %arg15[%dma_start3A_2074] : memref<4x!tpu.dma_semaphore, #tpu.memory_space<semaphore_mem>> -> memref<1x!tpu.dma_semaphore, #tpu.memory_space<semaphore_mem>>
      %dma_start3A_2080 = tpu.memref_squeeze %dma_start3A_2079 : memref<1x!tpu.dma_semaphore, #tpu.memory_space<semaphore_mem>> -> memref<!tpu.dma_semaphore, #tpu.memory_space<semaphore_mem>>
      %dma_start3A_2081 = arith.constant 0 : i32
      %dma_start3A_2082 = tpu.memref_slice %arg8[%dma_start3A_2073, %dma_start3A_2081] : memref<4x80xi32, #tpu.memory_space<vmem>> -> memref<1x80xi32, #tpu.memory_space<vmem>>
      %dma_start3A_2083 = tpu.memref_squeeze %dma_start3A_2082 : memref<1x80xi32, #tpu.memory_space<vmem>> -> memref<80xi32, #tpu.memory_space<vmem>>
      %dma_start3A_2084 = tpu.memref_slice %arg4[%add3A_2060] : memref<320000xi32, #tpu.memory_space<hbm>> -> memref<80xi32, #tpu.memory_space<hbm>>
      tpu.enqueue_dma source(%dma_start3A_2084 : memref<80xi32, #tpu.memory_space<hbm>>) target(%dma_start3A_2083 : memref<80xi32, #tpu.memory_space<vmem>>) target_semaphore(%dma_start3A_2080 : memref<!tpu.dma_semaphore, #tpu.memory_space<semaphore_mem>>)
      %add3A_2085 = arith.constant 2 : i32
      %add3A_2086 = arith.addi %add3A_2001, %add3A_2085 : i32
      %dma_start3A_2087 = arith.constant 1 : i32
      %dma_start3A_2088 = arith.constant 1 : i32
      %dma_start3A_2089 = arith.constant 1 : i32
      %dma_start3A_2090 = arith.constant 0 : i32
      %dma_start3A_2091 = arith.constant 0 : i32
      %dma_start3A_2092 = tpu.memref_slice %arg9[%dma_start3A_2088, %dma_start3A_2090, %dma_start3A_2091] : memref<3x80x128xf32, #tpu.memory_space<vmem>> -> memref<1x80x128xf32, #tpu.memory_space<vmem>>
      %dma_start3A_2093 = tpu.memref_squeeze %dma_start3A_2092 : memref<1x80x128xf32, #tpu.memory_space<vmem>> -> memref<80x128xf32, #tpu.memory_space<vmem>>
      %dma_start3A_2094 = arith.constant 0 : i32
      %dma_start3A_2095 = tpu.memref_slice %arg7[%dma_start3A_2087, %dma_start3A_2094] : memref<4x80xi32, #tpu.memory_space<vmem>> -> memref<1x80xi32, #tpu.memory_space<vmem>>
      %dma_start3A_2096 = tpu.memref_squeeze %dma_start3A_2095 : memref<1x80xi32, #tpu.memory_space<vmem>> -> memref<80xi32, #tpu.memory_space<vmem>>
      %dma_start3A_2097 = arith.constant 0 : i32
      %dma_start3A_2098 = arith.constant 0 : i32
      %dma_start3A_2099 = tpu.memref_slice %arg2[%dma_start3A_2097, %dma_start3A_2098] : memref<10000x128xf32, #tpu.memory_space<hbm>> -> memref<10000x128xf32, #tpu.memory_space<hbm>>
      %dma_start3A_2100 = tpu.memref_slice %arg16[%dma_start3A_2089] : memref<3x!tpu.dma_semaphore, #tpu.memory_space<semaphore_mem>> -> memref<1x!tpu.dma_semaphore, #tpu.memory_space<semaphore_mem>>
      %dma_start3A_2101 = tpu.memref_squeeze %dma_start3A_2100 : memref<1x!tpu.dma_semaphore, #tpu.memory_space<semaphore_mem>> -> memref<!tpu.dma_semaphore, #tpu.memory_space<semaphore_mem>>
      tpu.enqueue_indirect_dma source(%dma_start3A_2099 : memref<10000x128xf32, #tpu.memory_space<hbm>>) target(%dma_start3A_2093 : memref<80x128xf32, #tpu.memory_space<vmem>>) offsets(%dma_start3A_2096 : memref<80xi32, #tpu.memory_space<vmem>>) semaphore(%dma_start3A_2101 : memref<!tpu.dma_semaphore, #tpu.memory_space<semaphore_mem>>)
      %dma_wait3A_2102 = arith.constant 3 : i32
      %dma_wait3A_2103 = arith.constant 2 : i32
      %dma_wait3A_2104 = arith.constant 2 : i32
      %dma_wait3A_2105 = arith.constant 0 : i32
      %dma_wait3A_2106 = arith.constant 0 : i32
      %dma_wait3A_2107 = tpu.memref_slice %arg9[%dma_wait3A_2103, %dma_wait3A_2105, %dma_wait3A_2106] : memref<3x80x128xf32, #tpu.memory_space<vmem>> -> memref<1x80x128xf32, #tpu.memory_space<vmem>>
      %dma_wait3A_2108 = tpu.memref_squeeze %dma_wait3A_2107 : memref<1x80x128xf32, #tpu.memory_space<vmem>> -> memref<80x128xf32, #tpu.memory_space<vmem>>
      %dma_wait3A_2109 = arith.constant 0 : i32
      %dma_wait3A_2110 = tpu.memref_slice %arg7[%dma_wait3A_2102, %dma_wait3A_2109] : memref<4x80xi32, #tpu.memory_space<vmem>> -> memref<1x80xi32, #tpu.memory_space<vmem>>
      %dma_wait3A_2111 = tpu.memref_squeeze %dma_wait3A_2110 : memref<1x80xi32, #tpu.memory_space<vmem>> -> memref<80xi32, #tpu.memory_space<vmem>>
      %dma_wait3A_2112 = arith.constant 0 : i32
      %dma_wait3A_2113 = arith.constant 0 : i32
      %dma_wait3A_2114 = tpu.memref_slice %arg2[%dma_wait3A_2112, %dma_wait3A_2113] : memref<10000x128xf32, #tpu.memory_space<hbm>> -> memref<10000x128xf32, #tpu.memory_space<hbm>>
      %dma_wait3A_2115 = tpu.memref_slice %arg16[%dma_wait3A_2104] : memref<3x!tpu.dma_semaphore, #tpu.memory_space<semaphore_mem>> -> memref<1x!tpu.dma_semaphore, #tpu.memory_space<semaphore_mem>>
      %dma_wait3A_2116 = tpu.memref_squeeze %dma_wait3A_2115 : memref<1x!tpu.dma_semaphore, #tpu.memory_space<semaphore_mem>> -> memref<!tpu.dma_semaphore, #tpu.memory_space<semaphore_mem>>
      tpu.wait_indirect_dma semaphore(%dma_wait3A_2116 : memref<!tpu.dma_semaphore, #tpu.memory_space<semaphore_mem>>) src(%dma_wait3A_2114 : memref<10000x128xf32, #tpu.memory_space<hbm>>) dst(%dma_wait3A_2108 : memref<80x128xf32, #tpu.memory_space<vmem>>)
      %dma_start3A_2117 = arith.constant 2 : i32
      %dma_start3A_2118 = arith.constant 3 : i32
      %dma_start3A_2119 = arith.constant 2 : i32
      %dma_start3A_2120 = arith.constant 0 : i32
      %dma_start3A_2121 = arith.constant 0 : i32
      %dma_start3A_2122 = tpu.memref_slice %arg9[%dma_start3A_2117, %dma_start3A_2120, %dma_start3A_2121] : memref<3x80x128xf32, #tpu.memory_space<vmem>> -> memref<1x80x128xf32, #tpu.memory_space<vmem>>
      %dma_start3A_2123 = tpu.memref_squeeze %dma_start3A_2122 : memref<1x80x128xf32, #tpu.memory_space<vmem>> -> memref<80x128xf32, #tpu.memory_space<vmem>>
      %dma_start3A_2124 = arith.constant 0 : i32
      %dma_start3A_2125 = tpu.memref_slice %arg8[%dma_start3A_2118, %dma_start3A_2124] : memref<4x80xi32, #tpu.memory_space<vmem>> -> memref<1x80xi32, #tpu.memory_space<vmem>>
      %dma_start3A_2126 = tpu.memref_squeeze %dma_start3A_2125 : memref<1x80xi32, #tpu.memory_space<vmem>> -> memref<80xi32, #tpu.memory_space<vmem>>
      %dma_start3A_2127 = arith.constant 0 : i32
      %dma_start3A_2128 = arith.constant 0 : i32
      %dma_start3A_2129 = tpu.memref_slice %arg13[%dma_start3A_2127, %dma_start3A_2128] : memref<10240x128xf32, #tpu.memory_space<vmem_shared>> -> memref<10240x128xf32, #tpu.memory_space<vmem_shared>>
      %dma_start3A_2130 = tpu.memref_slice %arg17[%dma_start3A_2119] : memref<3x!tpu.dma_semaphore, #tpu.memory_space<semaphore_mem>> -> memref<1x!tpu.dma_semaphore, #tpu.memory_space<semaphore_mem>>
      %dma_start3A_2131 = tpu.memref_squeeze %dma_start3A_2130 : memref<1x!tpu.dma_semaphore, #tpu.memory_space<semaphore_mem>> -> memref<!tpu.dma_semaphore, #tpu.memory_space<semaphore_mem>>
      tpu.enqueue_indirect_dma source(%dma_start3A_2123 : memref<80x128xf32, #tpu.memory_space<vmem>>) target(%dma_start3A_2129 : memref<10240x128xf32, #tpu.memory_space<vmem_shared>>) offsets(%dma_start3A_2126 : memref<80xi32, #tpu.memory_space<vmem>>) semaphore(%dma_start3A_2131 : memref<!tpu.dma_semaphore, #tpu.memory_space<semaphore_mem>>) {add = true}
      %dma_start3A_2132 = arith.constant 3 : i32
      %dma_start3A_2133 = arith.constant 2 : i32
      %dma_start3A_2134 = arith.constant 0 : i32
      %dma_start3A_2135 = tpu.memref_slice %arg8[%dma_start3A_2132, %dma_start3A_2134] : memref<4x80xi32, #tpu.memory_space<vmem>> -> memref<1x80xi32, #tpu.memory_space<vmem>>
      %dma_start3A_2136 = tpu.memref_squeeze %dma_start3A_2135 : memref<1x80xi32, #tpu.memory_space<vmem>> -> memref<80xi32, #tpu.memory_space<vmem>>
      %dma_start3A_2137 = arith.constant 0 : i32
      %dma_start3A_2138 = tpu.memref_slice %arg14[%dma_start3A_2137] : memref<10240xf32, #tpu.memory_space<vmem_shared>> -> memref<10240xf32, #tpu.memory_space<vmem_shared>>
      %dma_start3A_2139 = tpu.memref_slice %arg17[%dma_start3A_2133] : memref<3x!tpu.dma_semaphore, #tpu.memory_space<semaphore_mem>> -> memref<1x!tpu.dma_semaphore, #tpu.memory_space<semaphore_mem>>
      %dma_start3A_2140 = tpu.memref_squeeze %dma_start3A_2139 : memref<1x!tpu.dma_semaphore, #tpu.memory_space<semaphore_mem>> -> memref<!tpu.dma_semaphore, #tpu.memory_space<semaphore_mem>>
      tpu.enqueue_indirect_dma source(%arg11 : memref<80xf32, #tpu.memory_space<vmem>>) target(%dma_start3A_2138 : memref<10240xf32, #tpu.memory_space<vmem_shared>>) offsets(%dma_start3A_2136 : memref<80xi32, #tpu.memory_space<vmem>>) semaphore(%dma_start3A_2140 : memref<!tpu.dma_semaphore, #tpu.memory_space<semaphore_mem>>) {add = true}
      %mul3A_2141 = arith.constant 12 : i32
      %mul3A_2142 = arith.muli %scan3A_689, %mul3A_2141 : i32
      %add3A_2143 = arith.constant 2 : i32
      %add3A_2144 = arith.addi %add3A_2143, %mul3A_2142 : i32
      %add3A_2145 = arith.constant 10 : i32
      %add3A_2146 = arith.addi %add3A_2144, %add3A_2145 : i32
      %dma_wait3A_2147 = arith.constant 2 : i32
      %dma_wait3A_2148 = arith.constant 2 : i32
      %dma_wait3A_2149 = arith.constant 0 : i32
      %dma_wait3A_2150 = tpu.memref_slice %arg7[%dma_wait3A_2147, %dma_wait3A_2149] : memref<4x80xi32, #tpu.memory_space<vmem>> -> memref<1x80xi32, #tpu.memory_space<vmem>>
      %dma_wait3A_2151 = tpu.memref_squeeze %dma_wait3A_2150 : memref<1x80xi32, #tpu.memory_space<vmem>> -> memref<80xi32, #tpu.memory_space<vmem>>
      %dma_wait3A_2152 = arith.constant 0 : i32
      %dma_wait3A_2153 = tpu.memref_slice %arg3[%dma_wait3A_2152] : memref<320000xi32, #tpu.memory_space<hbm>> -> memref<80xi32, #tpu.memory_space<hbm>>
      %dma_wait3A_2154 = tpu.memref_slice %arg15[%dma_wait3A_2148] : memref<4x!tpu.dma_semaphore, #tpu.memory_space<semaphore_mem>> -> memref<1x!tpu.dma_semaphore, #tpu.memory_space<semaphore_mem>>
      %dma_wait3A_2155 = tpu.memref_squeeze %dma_wait3A_2154 : memref<1x!tpu.dma_semaphore, #tpu.memory_space<semaphore_mem>> -> memref<!tpu.dma_semaphore, #tpu.memory_space<semaphore_mem>>
      %dma_wait3A_2156 = arith.constant 0 : i32
      %dma_wait3A_2157 = tpu.memref_slice %arg7[%dma_wait3A_2147, %dma_wait3A_2156] : memref<4x80xi32, #tpu.memory_space<vmem>> -> memref<1x80xi32, #tpu.memory_space<vmem>>
      %dma_wait3A_2158 = tpu.memref_squeeze %dma_wait3A_2157 : memref<1x80xi32, #tpu.memory_space<vmem>> -> memref<80xi32, #tpu.memory_space<vmem>>
      %dma_wait3A_2159 = arith.constant 0 : i32
      %dma_wait3A_2160 = tpu.memref_slice %arg3[%dma_wait3A_2159] : memref<320000xi32, #tpu.memory_space<hbm>> -> memref<80xi32, #tpu.memory_space<hbm>>
      tpu.wait_dma2 semaphore(%dma_wait3A_2155 : memref<!tpu.dma_semaphore, #tpu.memory_space<semaphore_mem>>) src(%dma_wait3A_2160 : memref<80xi32, #tpu.memory_space<hbm>>) dst(%dma_wait3A_2158 : memref<80xi32, #tpu.memory_space<vmem>>)
      %dma_wait3A_2161 = arith.constant 2 : i32
      %dma_wait3A_2162 = arith.constant 2 : i32
      %dma_wait3A_2163 = arith.constant 0 : i32
      %dma_wait3A_2164 = tpu.memref_slice %arg8[%dma_wait3A_2161, %dma_wait3A_2163] : memref<4x80xi32, #tpu.memory_space<vmem>> -> memref<1x80xi32, #tpu.memory_space<vmem>>
      %dma_wait3A_2165 = tpu.memref_squeeze %dma_wait3A_2164 : memref<1x80xi32, #tpu.memory_space<vmem>> -> memref<80xi32, #tpu.memory_space<vmem>>
      %dma_wait3A_2166 = arith.constant 0 : i32
      %dma_wait3A_2167 = tpu.memref_slice %arg4[%dma_wait3A_2166] : memref<320000xi32, #tpu.memory_space<hbm>> -> memref<80xi32, #tpu.memory_space<hbm>>
      %dma_wait3A_2168 = tpu.memref_slice %arg15[%dma_wait3A_2162] : memref<4x!tpu.dma_semaphore, #tpu.memory_space<semaphore_mem>> -> memref<1x!tpu.dma_semaphore, #tpu.memory_space<semaphore_mem>>
      %dma_wait3A_2169 = tpu.memref_squeeze %dma_wait3A_2168 : memref<1x!tpu.dma_semaphore, #tpu.memory_space<semaphore_mem>> -> memref<!tpu.dma_semaphore, #tpu.memory_space<semaphore_mem>>
      %dma_wait3A_2170 = arith.constant 0 : i32
      %dma_wait3A_2171 = tpu.memref_slice %arg8[%dma_wait3A_2161, %dma_wait3A_2170] : memref<4x80xi32, #tpu.memory_space<vmem>> -> memref<1x80xi32, #tpu.memory_space<vmem>>
      %dma_wait3A_2172 = tpu.memref_squeeze %dma_wait3A_2171 : memref<1x80xi32, #tpu.memory_space<vmem>> -> memref<80xi32, #tpu.memory_space<vmem>>
      %dma_wait3A_2173 = arith.constant 0 : i32
      %dma_wait3A_2174 = tpu.memref_slice %arg4[%dma_wait3A_2173] : memref<320000xi32, #tpu.memory_space<hbm>> -> memref<80xi32, #tpu.memory_space<hbm>>
      tpu.wait_dma2 semaphore(%dma_wait3A_2169 : memref<!tpu.dma_semaphore, #tpu.memory_space<semaphore_mem>>) src(%dma_wait3A_2174 : memref<80xi32, #tpu.memory_space<hbm>>) dst(%dma_wait3A_2172 : memref<80xi32, #tpu.memory_space<vmem>>)
      %dma_wait3A_2175 = arith.constant 2 : i32
      %dma_wait3A_2176 = arith.constant 3 : i32
      %dma_wait3A_2177 = arith.constant 2 : i32
      %dma_wait3A_2178 = arith.constant 0 : i32
      %dma_wait3A_2179 = arith.constant 0 : i32
      %dma_wait3A_2180 = tpu.memref_slice %arg9[%dma_wait3A_2175, %dma_wait3A_2178, %dma_wait3A_2179] : memref<3x80x128xf32, #tpu.memory_space<vmem>> -> memref<1x80x128xf32, #tpu.memory_space<vmem>>
      %dma_wait3A_2181 = tpu.memref_squeeze %dma_wait3A_2180 : memref<1x80x128xf32, #tpu.memory_space<vmem>> -> memref<80x128xf32, #tpu.memory_space<vmem>>
      %dma_wait3A_2182 = arith.constant 0 : i32
      %dma_wait3A_2183 = tpu.memref_slice %arg8[%dma_wait3A_2176, %dma_wait3A_2182] : memref<4x80xi32, #tpu.memory_space<vmem>> -> memref<1x80xi32, #tpu.memory_space<vmem>>
      %dma_wait3A_2184 = tpu.memref_squeeze %dma_wait3A_2183 : memref<1x80xi32, #tpu.memory_space<vmem>> -> memref<80xi32, #tpu.memory_space<vmem>>
      %dma_wait3A_2185 = arith.constant 0 : i32
      %dma_wait3A_2186 = arith.constant 0 : i32
      %dma_wait3A_2187 = tpu.memref_slice %arg13[%dma_wait3A_2185, %dma_wait3A_2186] : memref<10240x128xf32, #tpu.memory_space<vmem_shared>> -> memref<10240x128xf32, #tpu.memory_space<vmem_shared>>
      %dma_wait3A_2188 = tpu.memref_slice %arg17[%dma_wait3A_2177] : memref<3x!tpu.dma_semaphore, #tpu.memory_space<semaphore_mem>> -> memref<1x!tpu.dma_semaphore, #tpu.memory_space<semaphore_mem>>
      %dma_wait3A_2189 = tpu.memref_squeeze %dma_wait3A_2188 : memref<1x!tpu.dma_semaphore, #tpu.memory_space<semaphore_mem>> -> memref<!tpu.dma_semaphore, #tpu.memory_space<semaphore_mem>>
      tpu.wait_indirect_dma semaphore(%dma_wait3A_2189 : memref<!tpu.dma_semaphore, #tpu.memory_space<semaphore_mem>>) src(%dma_wait3A_2181 : memref<80x128xf32, #tpu.memory_space<vmem>>) dst(%dma_wait3A_2187 : memref<10240x128xf32, #tpu.memory_space<vmem_shared>>)
      %dma_wait3A_2190 = arith.constant 3 : i32
      %dma_wait3A_2191 = arith.constant 2 : i32
      %dma_wait3A_2192 = arith.constant 0 : i32
      %dma_wait3A_2193 = tpu.memref_slice %arg8[%dma_wait3A_2190, %dma_wait3A_2192] : memref<4x80xi32, #tpu.memory_space<vmem>> -> memref<1x80xi32, #tpu.memory_space<vmem>>
      %dma_wait3A_2194 = tpu.memref_squeeze %dma_wait3A_2193 : memref<1x80xi32, #tpu.memory_space<vmem>> -> memref<80xi32, #tpu.memory_space<vmem>>
      %dma_wait3A_2195 = arith.constant 0 : i32
      %dma_wait3A_2196 = tpu.memref_slice %arg14[%dma_wait3A_2195] : memref<10240xf32, #tpu.memory_space<vmem_shared>> -> memref<10240xf32, #tpu.memory_space<vmem_shared>>
      %dma_wait3A_2197 = tpu.memref_slice %arg17[%dma_wait3A_2191] : memref<3x!tpu.dma_semaphore, #tpu.memory_space<semaphore_mem>> -> memref<1x!tpu.dma_semaphore, #tpu.memory_space<semaphore_mem>>
      %dma_wait3A_2198 = tpu.memref_squeeze %dma_wait3A_2197 : memref<1x!tpu.dma_semaphore, #tpu.memory_space<semaphore_mem>> -> memref<!tpu.dma_semaphore, #tpu.memory_space<semaphore_mem>>
      tpu.wait_indirect_dma semaphore(%dma_wait3A_2198 : memref<!tpu.dma_semaphore, #tpu.memory_space<semaphore_mem>>) src(%arg11 : memref<80xf32, #tpu.memory_space<vmem>>) dst(%dma_wait3A_2196 : memref<10240xf32, #tpu.memory_space<vmem_shared>>)
      %add3A_2199 = arith.constant 3 : i32
      %add3A_2200 = arith.addi %add3A_2146, %add3A_2199 : i32
      %mul3A_2201 = arith.constant 10000 : i32
      %mul3A_2202 = arith.muli %add3A, %mul3A_2201 : i32
      %mul3A_2203 = arith.constant 80 : i32
      %mul3A_2204 = arith.muli %add3A_2200, %mul3A_2203 : i32
      %add3A_2205 = arith.addi %mul3A_2202, %mul3A_2204 : i32
      %dma_start3A_2206 = arith.constant 3 : i32
      %dma_start3A_2207 = arith.constant 3 : i32
      %dma_start3A_2208 = arith.constant 0 : i32
      %dma_start3A_2209 = tpu.memref_slice %arg7[%dma_start3A_2206, %dma_start3A_2208] : memref<4x80xi32, #tpu.memory_space<vmem>> -> memref<1x80xi32, #tpu.memory_space<vmem>>
      %dma_start3A_2210 = tpu.memref_squeeze %dma_start3A_2209 : memref<1x80xi32, #tpu.memory_space<vmem>> -> memref<80xi32, #tpu.memory_space<vmem>>
      %dma_start3A_2211 = tpu.memref_slice %arg3[%add3A_2205] : memref<320000xi32, #tpu.memory_space<hbm>> -> memref<80xi32, #tpu.memory_space<hbm>>
      %dma_start3A_2212 = tpu.memref_slice %arg15[%dma_start3A_2207] : memref<4x!tpu.dma_semaphore, #tpu.memory_space<semaphore_mem>> -> memref<1x!tpu.dma_semaphore, #tpu.memory_space<semaphore_mem>>
      %dma_start3A_2213 = tpu.memref_squeeze %dma_start3A_2212 : memref<1x!tpu.dma_semaphore, #tpu.memory_space<semaphore_mem>> -> memref<!tpu.dma_semaphore, #tpu.memory_space<semaphore_mem>>
      %dma_start3A_2214 = arith.constant 0 : i32
      %dma_start3A_2215 = tpu.memref_slice %arg7[%dma_start3A_2206, %dma_start3A_2214] : memref<4x80xi32, #tpu.memory_space<vmem>> -> memref<1x80xi32, #tpu.memory_space<vmem>>
      %dma_start3A_2216 = tpu.memref_squeeze %dma_start3A_2215 : memref<1x80xi32, #tpu.memory_space<vmem>> -> memref<80xi32, #tpu.memory_space<vmem>>
      %dma_start3A_2217 = tpu.memref_slice %arg3[%add3A_2205] : memref<320000xi32, #tpu.memory_space<hbm>> -> memref<80xi32, #tpu.memory_space<hbm>>
      tpu.enqueue_dma source(%dma_start3A_2217 : memref<80xi32, #tpu.memory_space<hbm>>) target(%dma_start3A_2216 : memref<80xi32, #tpu.memory_space<vmem>>) target_semaphore(%dma_start3A_2213 : memref<!tpu.dma_semaphore, #tpu.memory_space<semaphore_mem>>)
      %dma_start3A_2218 = arith.constant 3 : i32
      %dma_start3A_2219 = arith.constant 3 : i32
      %dma_start3A_2220 = arith.constant 0 : i32
      %dma_start3A_2221 = tpu.memref_slice %arg8[%dma_start3A_2218, %dma_start3A_2220] : memref<4x80xi32, #tpu.memory_space<vmem>> -> memref<1x80xi32, #tpu.memory_space<vmem>>
      %dma_start3A_2222 = tpu.memref_squeeze %dma_start3A_2221 : memref<1x80xi32, #tpu.memory_space<vmem>> -> memref<80xi32, #tpu.memory_space<vmem>>
      %dma_start3A_2223 = tpu.memref_slice %arg4[%add3A_2205] : memref<320000xi32, #tpu.memory_space<hbm>> -> memref<80xi32, #tpu.memory_space<hbm>>
      %dma_start3A_2224 = tpu.memref_slice %arg15[%dma_start3A_2219] : memref<4x!tpu.dma_semaphore, #tpu.memory_space<semaphore_mem>> -> memref<1x!tpu.dma_semaphore, #tpu.memory_space<semaphore_mem>>
      %dma_start3A_2225 = tpu.memref_squeeze %dma_start3A_2224 : memref<1x!tpu.dma_semaphore, #tpu.memory_space<semaphore_mem>> -> memref<!tpu.dma_semaphore, #tpu.memory_space<semaphore_mem>>
      %dma_start3A_2226 = arith.constant 0 : i32
      %dma_start3A_2227 = tpu.memref_slice %arg8[%dma_start3A_2218, %dma_start3A_2226] : memref<4x80xi32, #tpu.memory_space<vmem>> -> memref<1x80xi32, #tpu.memory_space<vmem>>
      %dma_start3A_2228 = tpu.memref_squeeze %dma_start3A_2227 : memref<1x80xi32, #tpu.memory_space<vmem>> -> memref<80xi32, #tpu.memory_space<vmem>>
      %dma_start3A_2229 = tpu.memref_slice %arg4[%add3A_2205] : memref<320000xi32, #tpu.memory_space<hbm>> -> memref<80xi32, #tpu.memory_space<hbm>>
      tpu.enqueue_dma source(%dma_start3A_2229 : memref<80xi32, #tpu.memory_space<hbm>>) target(%dma_start3A_2228 : memref<80xi32, #tpu.memory_space<vmem>>) target_semaphore(%dma_start3A_2225 : memref<!tpu.dma_semaphore, #tpu.memory_space<semaphore_mem>>)
      %add3A_2230 = arith.constant 2 : i32
      %add3A_2231 = arith.addi %add3A_2146, %add3A_2230 : i32
      %dma_start3A_2232 = arith.constant 2 : i32
      %dma_start3A_2233 = arith.constant 2 : i32
      %dma_start3A_2234 = arith.constant 2 : i32
      %dma_start3A_2235 = arith.constant 0 : i32
      %dma_start3A_2236 = arith.constant 0 : i32
      %dma_start3A_2237 = tpu.memref_slice %arg9[%dma_start3A_2233, %dma_start3A_2235, %dma_start3A_2236] : memref<3x80x128xf32, #tpu.memory_space<vmem>> -> memref<1x80x128xf32, #tpu.memory_space<vmem>>
      %dma_start3A_2238 = tpu.memref_squeeze %dma_start3A_2237 : memref<1x80x128xf32, #tpu.memory_space<vmem>> -> memref<80x128xf32, #tpu.memory_space<vmem>>
      %dma_start3A_2239 = arith.constant 0 : i32
      %dma_start3A_2240 = tpu.memref_slice %arg7[%dma_start3A_2232, %dma_start3A_2239] : memref<4x80xi32, #tpu.memory_space<vmem>> -> memref<1x80xi32, #tpu.memory_space<vmem>>
      %dma_start3A_2241 = tpu.memref_squeeze %dma_start3A_2240 : memref<1x80xi32, #tpu.memory_space<vmem>> -> memref<80xi32, #tpu.memory_space<vmem>>
      %dma_start3A_2242 = arith.constant 0 : i32
      %dma_start3A_2243 = arith.constant 0 : i32
      %dma_start3A_2244 = tpu.memref_slice %arg2[%dma_start3A_2242, %dma_start3A_2243] : memref<10000x128xf32, #tpu.memory_space<hbm>> -> memref<10000x128xf32, #tpu.memory_space<hbm>>
      %dma_start3A_2245 = tpu.memref_slice %arg16[%dma_start3A_2234] : memref<3x!tpu.dma_semaphore, #tpu.memory_space<semaphore_mem>> -> memref<1x!tpu.dma_semaphore, #tpu.memory_space<semaphore_mem>>
      %dma_start3A_2246 = tpu.memref_squeeze %dma_start3A_2245 : memref<1x!tpu.dma_semaphore, #tpu.memory_space<semaphore_mem>> -> memref<!tpu.dma_semaphore, #tpu.memory_space<semaphore_mem>>
      tpu.enqueue_indirect_dma source(%dma_start3A_2244 : memref<10000x128xf32, #tpu.memory_space<hbm>>) target(%dma_start3A_2238 : memref<80x128xf32, #tpu.memory_space<vmem>>) offsets(%dma_start3A_2241 : memref<80xi32, #tpu.memory_space<vmem>>) semaphore(%dma_start3A_2246 : memref<!tpu.dma_semaphore, #tpu.memory_space<semaphore_mem>>)
      %dma_wait3A_2247 = arith.constant 0 : i32
      %dma_wait3A_2248 = arith.constant 0 : i32
      %dma_wait3A_2249 = arith.constant 0 : i32
      %dma_wait3A_2250 = arith.constant 0 : i32
      %dma_wait3A_2251 = arith.constant 0 : i32
      %dma_wait3A_2252 = tpu.memref_slice %arg9[%dma_wait3A_2248, %dma_wait3A_2250, %dma_wait3A_2251] : memref<3x80x128xf32, #tpu.memory_space<vmem>> -> memref<1x80x128xf32, #tpu.memory_space<vmem>>
      %dma_wait3A_2253 = tpu.memref_squeeze %dma_wait3A_2252 : memref<1x80x128xf32, #tpu.memory_space<vmem>> -> memref<80x128xf32, #tpu.memory_space<vmem>>
      %dma_wait3A_2254 = arith.constant 0 : i32
      %dma_wait3A_2255 = tpu.memref_slice %arg7[%dma_wait3A_2247, %dma_wait3A_2254] : memref<4x80xi32, #tpu.memory_space<vmem>> -> memref<1x80xi32, #tpu.memory_space<vmem>>
      %dma_wait3A_2256 = tpu.memref_squeeze %dma_wait3A_2255 : memref<1x80xi32, #tpu.memory_space<vmem>> -> memref<80xi32, #tpu.memory_space<vmem>>
      %dma_wait3A_2257 = arith.constant 0 : i32
      %dma_wait3A_2258 = arith.constant 0 : i32
      %dma_wait3A_2259 = tpu.memref_slice %arg2[%dma_wait3A_2257, %dma_wait3A_2258] : memref<10000x128xf32, #tpu.memory_space<hbm>> -> memref<10000x128xf32, #tpu.memory_space<hbm>>
      %dma_wait3A_2260 = tpu.memref_slice %arg16[%dma_wait3A_2249] : memref<3x!tpu.dma_semaphore, #tpu.memory_space<semaphore_mem>> -> memref<1x!tpu.dma_semaphore, #tpu.memory_space<semaphore_mem>>
      %dma_wait3A_2261 = tpu.memref_squeeze %dma_wait3A_2260 : memref<1x!tpu.dma_semaphore, #tpu.memory_space<semaphore_mem>> -> memref<!tpu.dma_semaphore, #tpu.memory_space<semaphore_mem>>
      tpu.wait_indirect_dma semaphore(%dma_wait3A_2261 : memref<!tpu.dma_semaphore, #tpu.memory_space<semaphore_mem>>) src(%dma_wait3A_2259 : memref<10000x128xf32, #tpu.memory_space<hbm>>) dst(%dma_wait3A_2253 : memref<80x128xf32, #tpu.memory_space<vmem>>)
      %dma_start3A_2262 = arith.constant 0 : i32
      %dma_start3A_2263 = arith.constant 0 : i32
      %dma_start3A_2264 = arith.constant 0 : i32
      %dma_start3A_2265 = arith.constant 0 : i32
      %dma_start3A_2266 = arith.constant 0 : i32
      %dma_start3A_2267 = tpu.memref_slice %arg9[%dma_start3A_2262, %dma_start3A_2265, %dma_start3A_2266] : memref<3x80x128xf32, #tpu.memory_space<vmem>> -> memref<1x80x128xf32, #tpu.memory_space<vmem>>
      %dma_start3A_2268 = tpu.memref_squeeze %dma_start3A_2267 : memref<1x80x128xf32, #tpu.memory_space<vmem>> -> memref<80x128xf32, #tpu.memory_space<vmem>>
      %dma_start3A_2269 = arith.constant 0 : i32
      %dma_start3A_2270 = tpu.memref_slice %arg8[%dma_start3A_2263, %dma_start3A_2269] : memref<4x80xi32, #tpu.memory_space<vmem>> -> memref<1x80xi32, #tpu.memory_space<vmem>>
      %dma_start3A_2271 = tpu.memref_squeeze %dma_start3A_2270 : memref<1x80xi32, #tpu.memory_space<vmem>> -> memref<80xi32, #tpu.memory_space<vmem>>
      %dma_start3A_2272 = arith.constant 0 : i32
      %dma_start3A_2273 = arith.constant 0 : i32
      %dma_start3A_2274 = tpu.memref_slice %arg13[%dma_start3A_2272, %dma_start3A_2273] : memref<10240x128xf32, #tpu.memory_space<vmem_shared>> -> memref<10240x128xf32, #tpu.memory_space<vmem_shared>>
      %dma_start3A_2275 = tpu.memref_slice %arg17[%dma_start3A_2264] : memref<3x!tpu.dma_semaphore, #tpu.memory_space<semaphore_mem>> -> memref<1x!tpu.dma_semaphore, #tpu.memory_space<semaphore_mem>>
      %dma_start3A_2276 = tpu.memref_squeeze %dma_start3A_2275 : memref<1x!tpu.dma_semaphore, #tpu.memory_space<semaphore_mem>> -> memref<!tpu.dma_semaphore, #tpu.memory_space<semaphore_mem>>
      tpu.enqueue_indirect_dma source(%dma_start3A_2268 : memref<80x128xf32, #tpu.memory_space<vmem>>) target(%dma_start3A_2274 : memref<10240x128xf32, #tpu.memory_space<vmem_shared>>) offsets(%dma_start3A_2271 : memref<80xi32, #tpu.memory_space<vmem>>) semaphore(%dma_start3A_2276 : memref<!tpu.dma_semaphore, #tpu.memory_space<semaphore_mem>>) {add = true}
      %dma_start3A_2277 = arith.constant 0 : i32
      %dma_start3A_2278 = arith.constant 0 : i32
      %dma_start3A_2279 = arith.constant 0 : i32
      %dma_start3A_2280 = tpu.memref_slice %arg8[%dma_start3A_2277, %dma_start3A_2279] : memref<4x80xi32, #tpu.memory_space<vmem>> -> memref<1x80xi32, #tpu.memory_space<vmem>>
      %dma_start3A_2281 = tpu.memref_squeeze %dma_start3A_2280 : memref<1x80xi32, #tpu.memory_space<vmem>> -> memref<80xi32, #tpu.memory_space<vmem>>
      %dma_start3A_2282 = arith.constant 0 : i32
      %dma_start3A_2283 = tpu.memref_slice %arg14[%dma_start3A_2282] : memref<10240xf32, #tpu.memory_space<vmem_shared>> -> memref<10240xf32, #tpu.memory_space<vmem_shared>>
      %dma_start3A_2284 = tpu.memref_slice %arg17[%dma_start3A_2278] : memref<3x!tpu.dma_semaphore, #tpu.memory_space<semaphore_mem>> -> memref<1x!tpu.dma_semaphore, #tpu.memory_space<semaphore_mem>>
      %dma_start3A_2285 = tpu.memref_squeeze %dma_start3A_2284 : memref<1x!tpu.dma_semaphore, #tpu.memory_space<semaphore_mem>> -> memref<!tpu.dma_semaphore, #tpu.memory_space<semaphore_mem>>
      tpu.enqueue_indirect_dma source(%arg11 : memref<80xf32, #tpu.memory_space<vmem>>) target(%dma_start3A_2283 : memref<10240xf32, #tpu.memory_space<vmem_shared>>) offsets(%dma_start3A_2281 : memref<80xi32, #tpu.memory_space<vmem>>) semaphore(%dma_start3A_2285 : memref<!tpu.dma_semaphore, #tpu.memory_space<semaphore_mem>>) {add = true}
      %mul3A_2286 = arith.constant 12 : i32
      %mul3A_2287 = arith.muli %scan3A_689, %mul3A_2286 : i32
      %add3A_2288 = arith.constant 2 : i32
      %add3A_2289 = arith.addi %add3A_2288, %mul3A_2287 : i32
      %add3A_2290 = arith.constant 11 : i32
      %add3A_2291 = arith.addi %add3A_2289, %add3A_2290 : i32
      %dma_wait3A_2292 = arith.constant 3 : i32
      %dma_wait3A_2293 = arith.constant 3 : i32
      %dma_wait3A_2294 = arith.constant 0 : i32
      %dma_wait3A_2295 = tpu.memref_slice %arg7[%dma_wait3A_2292, %dma_wait3A_2294] : memref<4x80xi32, #tpu.memory_space<vmem>> -> memref<1x80xi32, #tpu.memory_space<vmem>>
      %dma_wait3A_2296 = tpu.memref_squeeze %dma_wait3A_2295 : memref<1x80xi32, #tpu.memory_space<vmem>> -> memref<80xi32, #tpu.memory_space<vmem>>
      %dma_wait3A_2297 = arith.constant 0 : i32
      %dma_wait3A_2298 = tpu.memref_slice %arg3[%dma_wait3A_2297] : memref<320000xi32, #tpu.memory_space<hbm>> -> memref<80xi32, #tpu.memory_space<hbm>>
      %dma_wait3A_2299 = tpu.memref_slice %arg15[%dma_wait3A_2293] : memref<4x!tpu.dma_semaphore, #tpu.memory_space<semaphore_mem>> -> memref<1x!tpu.dma_semaphore, #tpu.memory_space<semaphore_mem>>
      %dma_wait3A_2300 = tpu.memref_squeeze %dma_wait3A_2299 : memref<1x!tpu.dma_semaphore, #tpu.memory_space<semaphore_mem>> -> memref<!tpu.dma_semaphore, #tpu.memory_space<semaphore_mem>>
      %dma_wait3A_2301 = arith.constant 0 : i32
      %dma_wait3A_2302 = tpu.memref_slice %arg7[%dma_wait3A_2292, %dma_wait3A_2301] : memref<4x80xi32, #tpu.memory_space<vmem>> -> memref<1x80xi32, #tpu.memory_space<vmem>>
      %dma_wait3A_2303 = tpu.memref_squeeze %dma_wait3A_2302 : memref<1x80xi32, #tpu.memory_space<vmem>> -> memref<80xi32, #tpu.memory_space<vmem>>
      %dma_wait3A_2304 = arith.constant 0 : i32
      %dma_wait3A_2305 = tpu.memref_slice %arg3[%dma_wait3A_2304] : memref<320000xi32, #tpu.memory_space<hbm>> -> memref<80xi32, #tpu.memory_space<hbm>>
      tpu.wait_dma2 semaphore(%dma_wait3A_2300 : memref<!tpu.dma_semaphore, #tpu.memory_space<semaphore_mem>>) src(%dma_wait3A_2305 : memref<80xi32, #tpu.memory_space<hbm>>) dst(%dma_wait3A_2303 : memref<80xi32, #tpu.memory_space<vmem>>)
      %dma_wait3A_2306 = arith.constant 3 : i32
      %dma_wait3A_2307 = arith.constant 3 : i32
      %dma_wait3A_2308 = arith.constant 0 : i32
      %dma_wait3A_2309 = tpu.memref_slice %arg8[%dma_wait3A_2306, %dma_wait3A_2308] : memref<4x80xi32, #tpu.memory_space<vmem>> -> memref<1x80xi32, #tpu.memory_space<vmem>>
      %dma_wait3A_2310 = tpu.memref_squeeze %dma_wait3A_2309 : memref<1x80xi32, #tpu.memory_space<vmem>> -> memref<80xi32, #tpu.memory_space<vmem>>
      %dma_wait3A_2311 = arith.constant 0 : i32
      %dma_wait3A_2312 = tpu.memref_slice %arg4[%dma_wait3A_2311] : memref<320000xi32, #tpu.memory_space<hbm>> -> memref<80xi32, #tpu.memory_space<hbm>>
      %dma_wait3A_2313 = tpu.memref_slice %arg15[%dma_wait3A_2307] : memref<4x!tpu.dma_semaphore, #tpu.memory_space<semaphore_mem>> -> memref<1x!tpu.dma_semaphore, #tpu.memory_space<semaphore_mem>>
      %dma_wait3A_2314 = tpu.memref_squeeze %dma_wait3A_2313 : memref<1x!tpu.dma_semaphore, #tpu.memory_space<semaphore_mem>> -> memref<!tpu.dma_semaphore, #tpu.memory_space<semaphore_mem>>
      %dma_wait3A_2315 = arith.constant 0 : i32
      %dma_wait3A_2316 = tpu.memref_slice %arg8[%dma_wait3A_2306, %dma_wait3A_2315] : memref<4x80xi32, #tpu.memory_space<vmem>> -> memref<1x80xi32, #tpu.memory_space<vmem>>
      %dma_wait3A_2317 = tpu.memref_squeeze %dma_wait3A_2316 : memref<1x80xi32, #tpu.memory_space<vmem>> -> memref<80xi32, #tpu.memory_space<vmem>>
      %dma_wait3A_2318 = arith.constant 0 : i32
      %dma_wait3A_2319 = tpu.memref_slice %arg4[%dma_wait3A_2318] : memref<320000xi32, #tpu.memory_space<hbm>> -> memref<80xi32, #tpu.memory_space<hbm>>
      tpu.wait_dma2 semaphore(%dma_wait3A_2314 : memref<!tpu.dma_semaphore, #tpu.memory_space<semaphore_mem>>) src(%dma_wait3A_2319 : memref<80xi32, #tpu.memory_space<hbm>>) dst(%dma_wait3A_2317 : memref<80xi32, #tpu.memory_space<vmem>>)
      %dma_wait3A_2320 = arith.constant 0 : i32
      %dma_wait3A_2321 = arith.constant 0 : i32
      %dma_wait3A_2322 = arith.constant 0 : i32
      %dma_wait3A_2323 = arith.constant 0 : i32
      %dma_wait3A_2324 = arith.constant 0 : i32
      %dma_wait3A_2325 = tpu.memref_slice %arg9[%dma_wait3A_2320, %dma_wait3A_2323, %dma_wait3A_2324] : memref<3x80x128xf32, #tpu.memory_space<vmem>> -> memref<1x80x128xf32, #tpu.memory_space<vmem>>
      %dma_wait3A_2326 = tpu.memref_squeeze %dma_wait3A_2325 : memref<1x80x128xf32, #tpu.memory_space<vmem>> -> memref<80x128xf32, #tpu.memory_space<vmem>>
      %dma_wait3A_2327 = arith.constant 0 : i32
      %dma_wait3A_2328 = tpu.memref_slice %arg8[%dma_wait3A_2321, %dma_wait3A_2327] : memref<4x80xi32, #tpu.memory_space<vmem>> -> memref<1x80xi32, #tpu.memory_space<vmem>>
      %dma_wait3A_2329 = tpu.memref_squeeze %dma_wait3A_2328 : memref<1x80xi32, #tpu.memory_space<vmem>> -> memref<80xi32, #tpu.memory_space<vmem>>
      %dma_wait3A_2330 = arith.constant 0 : i32
      %dma_wait3A_2331 = arith.constant 0 : i32
      %dma_wait3A_2332 = tpu.memref_slice %arg13[%dma_wait3A_2330, %dma_wait3A_2331] : memref<10240x128xf32, #tpu.memory_space<vmem_shared>> -> memref<10240x128xf32, #tpu.memory_space<vmem_shared>>
      %dma_wait3A_2333 = tpu.memref_slice %arg17[%dma_wait3A_2322] : memref<3x!tpu.dma_semaphore, #tpu.memory_space<semaphore_mem>> -> memref<1x!tpu.dma_semaphore, #tpu.memory_space<semaphore_mem>>
      %dma_wait3A_2334 = tpu.memref_squeeze %dma_wait3A_2333 : memref<1x!tpu.dma_semaphore, #tpu.memory_space<semaphore_mem>> -> memref<!tpu.dma_semaphore, #tpu.memory_space<semaphore_mem>>
      tpu.wait_indirect_dma semaphore(%dma_wait3A_2334 : memref<!tpu.dma_semaphore, #tpu.memory_space<semaphore_mem>>) src(%dma_wait3A_2326 : memref<80x128xf32, #tpu.memory_space<vmem>>) dst(%dma_wait3A_2332 : memref<10240x128xf32, #tpu.memory_space<vmem_shared>>)
      %dma_wait3A_2335 = arith.constant 0 : i32
      %dma_wait3A_2336 = arith.constant 0 : i32
      %dma_wait3A_2337 = arith.constant 0 : i32
      %dma_wait3A_2338 = tpu.memref_slice %arg8[%dma_wait3A_2335, %dma_wait3A_2337] : memref<4x80xi32, #tpu.memory_space<vmem>> -> memref<1x80xi32, #tpu.memory_space<vmem>>
      %dma_wait3A_2339 = tpu.memref_squeeze %dma_wait3A_2338 : memref<1x80xi32, #tpu.memory_space<vmem>> -> memref<80xi32, #tpu.memory_space<vmem>>
      %dma_wait3A_2340 = arith.constant 0 : i32
      %dma_wait3A_2341 = tpu.memref_slice %arg14[%dma_wait3A_2340] : memref<10240xf32, #tpu.memory_space<vmem_shared>> -> memref<10240xf32, #tpu.memory_space<vmem_shared>>
      %dma_wait3A_2342 = tpu.memref_slice %arg17[%dma_wait3A_2336] : memref<3x!tpu.dma_semaphore, #tpu.memory_space<semaphore_mem>> -> memref<1x!tpu.dma_semaphore, #tpu.memory_space<semaphore_mem>>
      %dma_wait3A_2343 = tpu.memref_squeeze %dma_wait3A_2342 : memref<1x!tpu.dma_semaphore, #tpu.memory_space<semaphore_mem>> -> memref<!tpu.dma_semaphore, #tpu.memory_space<semaphore_mem>>
      tpu.wait_indirect_dma semaphore(%dma_wait3A_2343 : memref<!tpu.dma_semaphore, #tpu.memory_space<semaphore_mem>>) src(%arg11 : memref<80xf32, #tpu.memory_space<vmem>>) dst(%dma_wait3A_2341 : memref<10240xf32, #tpu.memory_space<vmem_shared>>)
      %add3A_2344 = arith.constant 3 : i32
      %add3A_2345 = arith.addi %add3A_2291, %add3A_2344 : i32
      %mul3A_2346 = arith.constant 10000 : i32
      %mul3A_2347 = arith.muli %add3A, %mul3A_2346 : i32
      %mul3A_2348 = arith.constant 80 : i32
      %mul3A_2349 = arith.muli %add3A_2345, %mul3A_2348 : i32
      %add3A_2350 = arith.addi %mul3A_2347, %mul3A_2349 : i32
      %dma_start3A_2351 = arith.constant 0 : i32
      %dma_start3A_2352 = arith.constant 0 : i32
      %dma_start3A_2353 = arith.constant 0 : i32
      %dma_start3A_2354 = tpu.memref_slice %arg7[%dma_start3A_2351, %dma_start3A_2353] : memref<4x80xi32, #tpu.memory_space<vmem>> -> memref<1x80xi32, #tpu.memory_space<vmem>>
      %dma_start3A_2355 = tpu.memref_squeeze %dma_start3A_2354 : memref<1x80xi32, #tpu.memory_space<vmem>> -> memref<80xi32, #tpu.memory_space<vmem>>
      %dma_start3A_2356 = tpu.memref_slice %arg3[%add3A_2350] : memref<320000xi32, #tpu.memory_space<hbm>> -> memref<80xi32, #tpu.memory_space<hbm>>
      %dma_start3A_2357 = tpu.memref_slice %arg15[%dma_start3A_2352] : memref<4x!tpu.dma_semaphore, #tpu.memory_space<semaphore_mem>> -> memref<1x!tpu.dma_semaphore, #tpu.memory_space<semaphore_mem>>
      %dma_start3A_2358 = tpu.memref_squeeze %dma_start3A_2357 : memref<1x!tpu.dma_semaphore, #tpu.memory_space<semaphore_mem>> -> memref<!tpu.dma_semaphore, #tpu.memory_space<semaphore_mem>>
      %dma_start3A_2359 = arith.constant 0 : i32
      %dma_start3A_2360 = tpu.memref_slice %arg7[%dma_start3A_2351, %dma_start3A_2359] : memref<4x80xi32, #tpu.memory_space<vmem>> -> memref<1x80xi32, #tpu.memory_space<vmem>>
      %dma_start3A_2361 = tpu.memref_squeeze %dma_start3A_2360 : memref<1x80xi32, #tpu.memory_space<vmem>> -> memref<80xi32, #tpu.memory_space<vmem>>
      %dma_start3A_2362 = tpu.memref_slice %arg3[%add3A_2350] : memref<320000xi32, #tpu.memory_space<hbm>> -> memref<80xi32, #tpu.memory_space<hbm>>
      tpu.enqueue_dma source(%dma_start3A_2362 : memref<80xi32, #tpu.memory_space<hbm>>) target(%dma_start3A_2361 : memref<80xi32, #tpu.memory_space<vmem>>) target_semaphore(%dma_start3A_2358 : memref<!tpu.dma_semaphore, #tpu.memory_space<semaphore_mem>>)
      %dma_start3A_2363 = arith.constant 0 : i32
      %dma_start3A_2364 = arith.constant 0 : i32
      %dma_start3A_2365 = arith.constant 0 : i32
      %dma_start3A_2366 = tpu.memref_slice %arg8[%dma_start3A_2363, %dma_start3A_2365] : memref<4x80xi32, #tpu.memory_space<vmem>> -> memref<1x80xi32, #tpu.memory_space<vmem>>
      %dma_start3A_2367 = tpu.memref_squeeze %dma_start3A_2366 : memref<1x80xi32, #tpu.memory_space<vmem>> -> memref<80xi32, #tpu.memory_space<vmem>>
      %dma_start3A_2368 = tpu.memref_slice %arg4[%add3A_2350] : memref<320000xi32, #tpu.memory_space<hbm>> -> memref<80xi32, #tpu.memory_space<hbm>>
      %dma_start3A_2369 = tpu.memref_slice %arg15[%dma_start3A_2364] : memref<4x!tpu.dma_semaphore, #tpu.memory_space<semaphore_mem>> -> memref<1x!tpu.dma_semaphore, #tpu.memory_space<semaphore_mem>>
      %dma_start3A_2370 = tpu.memref_squeeze %dma_start3A_2369 : memref<1x!tpu.dma_semaphore, #tpu.memory_space<semaphore_mem>> -> memref<!tpu.dma_semaphore, #tpu.memory_space<semaphore_mem>>
      %dma_start3A_2371 = arith.constant 0 : i32
      %dma_start3A_2372 = tpu.memref_slice %arg8[%dma_start3A_2363, %dma_start3A_2371] : memref<4x80xi32, #tpu.memory_space<vmem>> -> memref<1x80xi32, #tpu.memory_space<vmem>>
      %dma_start3A_2373 = tpu.memref_squeeze %dma_start3A_2372 : memref<1x80xi32, #tpu.memory_space<vmem>> -> memref<80xi32, #tpu.memory_space<vmem>>
      %dma_start3A_2374 = tpu.memref_slice %arg4[%add3A_2350] : memref<320000xi32, #tpu.memory_space<hbm>> -> memref<80xi32, #tpu.memory_space<hbm>>
      tpu.enqueue_dma source(%dma_start3A_2374 : memref<80xi32, #tpu.memory_space<hbm>>) target(%dma_start3A_2373 : memref<80xi32, #tpu.memory_space<vmem>>) target_semaphore(%dma_start3A_2370 : memref<!tpu.dma_semaphore, #tpu.memory_space<semaphore_mem>>)
      %add3A_2375 = arith.constant 2 : i32
      %add3A_2376 = arith.addi %add3A_2291, %add3A_2375 : i32
      %dma_start3A_2377 = arith.constant 3 : i32
      %dma_start3A_2378 = arith.constant 0 : i32
      %dma_start3A_2379 = arith.constant 0 : i32
      %dma_start3A_2380 = arith.constant 0 : i32
      %dma_start3A_2381 = arith.constant 0 : i32
      %dma_start3A_2382 = tpu.memref_slice %arg9[%dma_start3A_2378, %dma_start3A_2380, %dma_start3A_2381] : memref<3x80x128xf32, #tpu.memory_space<vmem>> -> memref<1x80x128xf32, #tpu.memory_space<vmem>>
      %dma_start3A_2383 = tpu.memref_squeeze %dma_start3A_2382 : memref<1x80x128xf32, #tpu.memory_space<vmem>> -> memref<80x128xf32, #tpu.memory_space<vmem>>
      %dma_start3A_2384 = arith.constant 0 : i32
      %dma_start3A_2385 = tpu.memref_slice %arg7[%dma_start3A_2377, %dma_start3A_2384] : memref<4x80xi32, #tpu.memory_space<vmem>> -> memref<1x80xi32, #tpu.memory_space<vmem>>
      %dma_start3A_2386 = tpu.memref_squeeze %dma_start3A_2385 : memref<1x80xi32, #tpu.memory_space<vmem>> -> memref<80xi32, #tpu.memory_space<vmem>>
      %dma_start3A_2387 = arith.constant 0 : i32
      %dma_start3A_2388 = arith.constant 0 : i32
      %dma_start3A_2389 = tpu.memref_slice %arg2[%dma_start3A_2387, %dma_start3A_2388] : memref<10000x128xf32, #tpu.memory_space<hbm>> -> memref<10000x128xf32, #tpu.memory_space<hbm>>
      %dma_start3A_2390 = tpu.memref_slice %arg16[%dma_start3A_2379] : memref<3x!tpu.dma_semaphore, #tpu.memory_space<semaphore_mem>> -> memref<1x!tpu.dma_semaphore, #tpu.memory_space<semaphore_mem>>
      %dma_start3A_2391 = tpu.memref_squeeze %dma_start3A_2390 : memref<1x!tpu.dma_semaphore, #tpu.memory_space<semaphore_mem>> -> memref<!tpu.dma_semaphore, #tpu.memory_space<semaphore_mem>>
      tpu.enqueue_indirect_dma source(%dma_start3A_2389 : memref<10000x128xf32, #tpu.memory_space<hbm>>) target(%dma_start3A_2383 : memref<80x128xf32, #tpu.memory_space<vmem>>) offsets(%dma_start3A_2386 : memref<80xi32, #tpu.memory_space<vmem>>) semaphore(%dma_start3A_2391 : memref<!tpu.dma_semaphore, #tpu.memory_space<semaphore_mem>>)
      %dma_wait3A_2392 = arith.constant 1 : i32
      %dma_wait3A_2393 = arith.constant 1 : i32
      %dma_wait3A_2394 = arith.constant 1 : i32
      %dma_wait3A_2395 = arith.constant 0 : i32
      %dma_wait3A_2396 = arith.constant 0 : i32
      %dma_wait3A_2397 = tpu.memref_slice %arg9[%dma_wait3A_2393, %dma_wait3A_2395, %dma_wait3A_2396] : memref<3x80x128xf32, #tpu.memory_space<vmem>> -> memref<1x80x128xf32, #tpu.memory_space<vmem>>
      %dma_wait3A_2398 = tpu.memref_squeeze %dma_wait3A_2397 : memref<1x80x128xf32, #tpu.memory_space<vmem>> -> memref<80x128xf32, #tpu.memory_space<vmem>>
      %dma_wait3A_2399 = arith.constant 0 : i32
      %dma_wait3A_2400 = tpu.memref_slice %arg7[%dma_wait3A_2392, %dma_wait3A_2399] : memref<4x80xi32, #tpu.memory_space<vmem>> -> memref<1x80xi32, #tpu.memory_space<vmem>>
      %dma_wait3A_2401 = tpu.memref_squeeze %dma_wait3A_2400 : memref<1x80xi32, #tpu.memory_space<vmem>> -> memref<80xi32, #tpu.memory_space<vmem>>
      %dma_wait3A_2402 = arith.constant 0 : i32
      %dma_wait3A_2403 = arith.constant 0 : i32
      %dma_wait3A_2404 = tpu.memref_slice %arg2[%dma_wait3A_2402, %dma_wait3A_2403] : memref<10000x128xf32, #tpu.memory_space<hbm>> -> memref<10000x128xf32, #tpu.memory_space<hbm>>
      %dma_wait3A_2405 = tpu.memref_slice %arg16[%dma_wait3A_2394] : memref<3x!tpu.dma_semaphore, #tpu.memory_space<semaphore_mem>> -> memref<1x!tpu.dma_semaphore, #tpu.memory_space<semaphore_mem>>
      %dma_wait3A_2406 = tpu.memref_squeeze %dma_wait3A_2405 : memref<1x!tpu.dma_semaphore, #tpu.memory_space<semaphore_mem>> -> memref<!tpu.dma_semaphore, #tpu.memory_space<semaphore_mem>>
      tpu.wait_indirect_dma semaphore(%dma_wait3A_2406 : memref<!tpu.dma_semaphore, #tpu.memory_space<semaphore_mem>>) src(%dma_wait3A_2404 : memref<10000x128xf32, #tpu.memory_space<hbm>>) dst(%dma_wait3A_2398 : memref<80x128xf32, #tpu.memory_space<vmem>>)
      %dma_start3A_2407 = arith.constant 1 : i32
      %dma_start3A_2408 = arith.constant 1 : i32
      %dma_start3A_2409 = arith.constant 1 : i32
      %dma_start3A_2410 = arith.constant 0 : i32
      %dma_start3A_2411 = arith.constant 0 : i32
      %dma_start3A_2412 = tpu.memref_slice %arg9[%dma_start3A_2407, %dma_start3A_2410, %dma_start3A_2411] : memref<3x80x128xf32, #tpu.memory_space<vmem>> -> memref<1x80x128xf32, #tpu.memory_space<vmem>>
      %dma_start3A_2413 = tpu.memref_squeeze %dma_start3A_2412 : memref<1x80x128xf32, #tpu.memory_space<vmem>> -> memref<80x128xf32, #tpu.memory_space<vmem>>
      %dma_start3A_2414 = arith.constant 0 : i32
      %dma_start3A_2415 = tpu.memref_slice %arg8[%dma_start3A_2408, %dma_start3A_2414] : memref<4x80xi32, #tpu.memory_space<vmem>> -> memref<1x80xi32, #tpu.memory_space<vmem>>
      %dma_start3A_2416 = tpu.memref_squeeze %dma_start3A_2415 : memref<1x80xi32, #tpu.memory_space<vmem>> -> memref<80xi32, #tpu.memory_space<vmem>>
      %dma_start3A_2417 = arith.constant 0 : i32
      %dma_start3A_2418 = arith.constant 0 : i32
      %dma_start3A_2419 = tpu.memref_slice %arg13[%dma_start3A_2417, %dma_start3A_2418] : memref<10240x128xf32, #tpu.memory_space<vmem_shared>> -> memref<10240x128xf32, #tpu.memory_space<vmem_shared>>
      %dma_start3A_2420 = tpu.memref_slice %arg17[%dma_start3A_2409] : memref<3x!tpu.dma_semaphore, #tpu.memory_space<semaphore_mem>> -> memref<1x!tpu.dma_semaphore, #tpu.memory_space<semaphore_mem>>
      %dma_start3A_2421 = tpu.memref_squeeze %dma_start3A_2420 : memref<1x!tpu.dma_semaphore, #tpu.memory_space<semaphore_mem>> -> memref<!tpu.dma_semaphore, #tpu.memory_space<semaphore_mem>>
      tpu.enqueue_indirect_dma source(%dma_start3A_2413 : memref<80x128xf32, #tpu.memory_space<vmem>>) target(%dma_start3A_2419 : memref<10240x128xf32, #tpu.memory_space<vmem_shared>>) offsets(%dma_start3A_2416 : memref<80xi32, #tpu.memory_space<vmem>>) semaphore(%dma_start3A_2421 : memref<!tpu.dma_semaphore, #tpu.memory_space<semaphore_mem>>) {add = true}
      %dma_start3A_2422 = arith.constant 1 : i32
      %dma_start3A_2423 = arith.constant 1 : i32
      %dma_start3A_2424 = arith.constant 0 : i32
      %dma_start3A_2425 = tpu.memref_slice %arg8[%dma_start3A_2422, %dma_start3A_2424] : memref<4x80xi32, #tpu.memory_space<vmem>> -> memref<1x80xi32, #tpu.memory_space<vmem>>
      %dma_start3A_2426 = tpu.memref_squeeze %dma_start3A_2425 : memref<1x80xi32, #tpu.memory_space<vmem>> -> memref<80xi32, #tpu.memory_space<vmem>>
      %dma_start3A_2427 = arith.constant 0 : i32
      %dma_start3A_2428 = tpu.memref_slice %arg14[%dma_start3A_2427] : memref<10240xf32, #tpu.memory_space<vmem_shared>> -> memref<10240xf32, #tpu.memory_space<vmem_shared>>
      %dma_start3A_2429 = tpu.memref_slice %arg17[%dma_start3A_2423] : memref<3x!tpu.dma_semaphore, #tpu.memory_space<semaphore_mem>> -> memref<1x!tpu.dma_semaphore, #tpu.memory_space<semaphore_mem>>
      %dma_start3A_2430 = tpu.memref_squeeze %dma_start3A_2429 : memref<1x!tpu.dma_semaphore, #tpu.memory_space<semaphore_mem>> -> memref<!tpu.dma_semaphore, #tpu.memory_space<semaphore_mem>>
      tpu.enqueue_indirect_dma source(%arg11 : memref<80xf32, #tpu.memory_space<vmem>>) target(%dma_start3A_2428 : memref<10240xf32, #tpu.memory_space<vmem_shared>>) offsets(%dma_start3A_2426 : memref<80xi32, #tpu.memory_space<vmem>>) semaphore(%dma_start3A_2430 : memref<!tpu.dma_semaphore, #tpu.memory_space<semaphore_mem>>) {add = true}
      %scan3A_2431 = arith.constant 0 : i32
      scf.yield %scan3A_2431 : i32
    }
    %scan3A_420 = arith.constant 10 : i32
    %dma_wait3A_421 = arith.constant 0 : i32
    %dma_wait3A_422 = arith.constant 0 : i32
    %dma_wait3A_423 = arith.constant 0 : i32
    %dma_wait3A_424 = tpu.memref_slice %arg7[%dma_wait3A_421, %dma_wait3A_423] : memref<4x80xi32, #tpu.memory_space<vmem>> -> memref<1x80xi32, #tpu.memory_space<vmem>>
    %dma_wait3A_425 = tpu.memref_squeeze %dma_wait3A_424 : memref<1x80xi32, #tpu.memory_space<vmem>> -> memref<80xi32, #tpu.memory_space<vmem>>
    %dma_wait3A_426 = arith.constant 0 : i32
    %dma_wait3A_427 = tpu.memref_slice %arg3[%dma_wait3A_426] : memref<320000xi32, #tpu.memory_space<hbm>> -> memref<80xi32, #tpu.memory_space<hbm>>
    %dma_wait3A_428 = tpu.memref_slice %arg15[%dma_wait3A_422] : memref<4x!tpu.dma_semaphore, #tpu.memory_space<semaphore_mem>> -> memref<1x!tpu.dma_semaphore, #tpu.memory_space<semaphore_mem>>
    %dma_wait3A_429 = tpu.memref_squeeze %dma_wait3A_428 : memref<1x!tpu.dma_semaphore, #tpu.memory_space<semaphore_mem>> -> memref<!tpu.dma_semaphore, #tpu.memory_space<semaphore_mem>>
    %dma_wait3A_430 = arith.constant 0 : i32
    %dma_wait3A_431 = tpu.memref_slice %arg7[%dma_wait3A_421, %dma_wait3A_430] : memref<4x80xi32, #tpu.memory_space<vmem>> -> memref<1x80xi32, #tpu.memory_space<vmem>>
    %dma_wait3A_432 = tpu.memref_squeeze %dma_wait3A_431 : memref<1x80xi32, #tpu.memory_space<vmem>> -> memref<80xi32, #tpu.memory_space<vmem>>
    %dma_wait3A_433 = arith.constant 0 : i32
    %dma_wait3A_434 = tpu.memref_slice %arg3[%dma_wait3A_433] : memref<320000xi32, #tpu.memory_space<hbm>> -> memref<80xi32, #tpu.memory_space<hbm>>
    tpu.wait_dma2 semaphore(%dma_wait3A_429 : memref<!tpu.dma_semaphore, #tpu.memory_space<semaphore_mem>>) src(%dma_wait3A_434 : memref<80xi32, #tpu.memory_space<hbm>>) dst(%dma_wait3A_432 : memref<80xi32, #tpu.memory_space<vmem>>)
    %dma_wait3A_435 = arith.constant 0 : i32
    %dma_wait3A_436 = arith.constant 0 : i32
    %dma_wait3A_437 = arith.constant 0 : i32
    %dma_wait3A_438 = tpu.memref_slice %arg8[%dma_wait3A_435, %dma_wait3A_437] : memref<4x80xi32, #tpu.memory_space<vmem>> -> memref<1x80xi32, #tpu.memory_space<vmem>>
    %dma_wait3A_439 = tpu.memref_squeeze %dma_wait3A_438 : memref<1x80xi32, #tpu.memory_space<vmem>> -> memref<80xi32, #tpu.memory_space<vmem>>
    %dma_wait3A_440 = arith.constant 0 : i32
    %dma_wait3A_441 = tpu.memref_slice %arg4[%dma_wait3A_440] : memref<320000xi32, #tpu.memory_space<hbm>> -> memref<80xi32, #tpu.memory_space<hbm>>
    %dma_wait3A_442 = tpu.memref_slice %arg15[%dma_wait3A_436] : memref<4x!tpu.dma_semaphore, #tpu.memory_space<semaphore_mem>> -> memref<1x!tpu.dma_semaphore, #tpu.memory_space<semaphore_mem>>
    %dma_wait3A_443 = tpu.memref_squeeze %dma_wait3A_442 : memref<1x!tpu.dma_semaphore, #tpu.memory_space<semaphore_mem>> -> memref<!tpu.dma_semaphore, #tpu.memory_space<semaphore_mem>>
    %dma_wait3A_444 = arith.constant 0 : i32
    %dma_wait3A_445 = tpu.memref_slice %arg8[%dma_wait3A_435, %dma_wait3A_444] : memref<4x80xi32, #tpu.memory_space<vmem>> -> memref<1x80xi32, #tpu.memory_space<vmem>>
    %dma_wait3A_446 = tpu.memref_squeeze %dma_wait3A_445 : memref<1x80xi32, #tpu.memory_space<vmem>> -> memref<80xi32, #tpu.memory_space<vmem>>
    %dma_wait3A_447 = arith.constant 0 : i32
    %dma_wait3A_448 = tpu.memref_slice %arg4[%dma_wait3A_447] : memref<320000xi32, #tpu.memory_space<hbm>> -> memref<80xi32, #tpu.memory_space<hbm>>
    tpu.wait_dma2 semaphore(%dma_wait3A_443 : memref<!tpu.dma_semaphore, #tpu.memory_space<semaphore_mem>>) src(%dma_wait3A_448 : memref<80xi32, #tpu.memory_space<hbm>>) dst(%dma_wait3A_446 : memref<80xi32, #tpu.memory_space<vmem>>)
    %dma_wait3A_449 = arith.constant 1 : i32
    %dma_wait3A_450 = arith.constant 1 : i32
    %dma_wait3A_451 = arith.constant 1 : i32
    %dma_wait3A_452 = arith.constant 0 : i32
    %dma_wait3A_453 = arith.constant 0 : i32
    %dma_wait3A_454 = tpu.memref_slice %arg9[%dma_wait3A_449, %dma_wait3A_452, %dma_wait3A_453] : memref<3x80x128xf32, #tpu.memory_space<vmem>> -> memref<1x80x128xf32, #tpu.memory_space<vmem>>
    %dma_wait3A_455 = tpu.memref_squeeze %dma_wait3A_454 : memref<1x80x128xf32, #tpu.memory_space<vmem>> -> memref<80x128xf32, #tpu.memory_space<vmem>>
    %dma_wait3A_456 = arith.constant 0 : i32
    %dma_wait3A_457 = tpu.memref_slice %arg8[%dma_wait3A_450, %dma_wait3A_456] : memref<4x80xi32, #tpu.memory_space<vmem>> -> memref<1x80xi32, #tpu.memory_space<vmem>>
    %dma_wait3A_458 = tpu.memref_squeeze %dma_wait3A_457 : memref<1x80xi32, #tpu.memory_space<vmem>> -> memref<80xi32, #tpu.memory_space<vmem>>
    %dma_wait3A_459 = arith.constant 0 : i32
    %dma_wait3A_460 = arith.constant 0 : i32
    %dma_wait3A_461 = tpu.memref_slice %arg13[%dma_wait3A_459, %dma_wait3A_460] : memref<10240x128xf32, #tpu.memory_space<vmem_shared>> -> memref<10240x128xf32, #tpu.memory_space<vmem_shared>>
    %dma_wait3A_462 = tpu.memref_slice %arg17[%dma_wait3A_451] : memref<3x!tpu.dma_semaphore, #tpu.memory_space<semaphore_mem>> -> memref<1x!tpu.dma_semaphore, #tpu.memory_space<semaphore_mem>>
    %dma_wait3A_463 = tpu.memref_squeeze %dma_wait3A_462 : memref<1x!tpu.dma_semaphore, #tpu.memory_space<semaphore_mem>> -> memref<!tpu.dma_semaphore, #tpu.memory_space<semaphore_mem>>
    tpu.wait_indirect_dma semaphore(%dma_wait3A_463 : memref<!tpu.dma_semaphore, #tpu.memory_space<semaphore_mem>>) src(%dma_wait3A_455 : memref<80x128xf32, #tpu.memory_space<vmem>>) dst(%dma_wait3A_461 : memref<10240x128xf32, #tpu.memory_space<vmem_shared>>)
    %dma_wait3A_464 = arith.constant 1 : i32
    %dma_wait3A_465 = arith.constant 1 : i32
    %dma_wait3A_466 = arith.constant 0 : i32
    %dma_wait3A_467 = tpu.memref_slice %arg8[%dma_wait3A_464, %dma_wait3A_466] : memref<4x80xi32, #tpu.memory_space<vmem>> -> memref<1x80xi32, #tpu.memory_space<vmem>>
    %dma_wait3A_468 = tpu.memref_squeeze %dma_wait3A_467 : memref<1x80xi32, #tpu.memory_space<vmem>> -> memref<80xi32, #tpu.memory_space<vmem>>
    %dma_wait3A_469 = arith.constant 0 : i32
    %dma_wait3A_470 = tpu.memref_slice %arg14[%dma_wait3A_469] : memref<10240xf32, #tpu.memory_space<vmem_shared>> -> memref<10240xf32, #tpu.memory_space<vmem_shared>>
    %dma_wait3A_471 = tpu.memref_slice %arg17[%dma_wait3A_465] : memref<3x!tpu.dma_semaphore, #tpu.memory_space<semaphore_mem>> -> memref<1x!tpu.dma_semaphore, #tpu.memory_space<semaphore_mem>>
    %dma_wait3A_472 = tpu.memref_squeeze %dma_wait3A_471 : memref<1x!tpu.dma_semaphore, #tpu.memory_space<semaphore_mem>> -> memref<!tpu.dma_semaphore, #tpu.memory_space<semaphore_mem>>
    tpu.wait_indirect_dma semaphore(%dma_wait3A_472 : memref<!tpu.dma_semaphore, #tpu.memory_space<semaphore_mem>>) src(%arg11 : memref<80xf32, #tpu.memory_space<vmem>>) dst(%dma_wait3A_470 : memref<10240xf32, #tpu.memory_space<vmem_shared>>)
    %dma_start3A_473 = arith.constant 0 : i32
    %dma_start3A_474 = arith.constant 1 : i32
    %dma_start3A_475 = arith.constant 1 : i32
    %dma_start3A_476 = arith.constant 0 : i32
    %dma_start3A_477 = arith.constant 0 : i32
    %dma_start3A_478 = tpu.memref_slice %arg9[%dma_start3A_474, %dma_start3A_476, %dma_start3A_477] : memref<3x80x128xf32, #tpu.memory_space<vmem>> -> memref<1x80x128xf32, #tpu.memory_space<vmem>>
    %dma_start3A_479 = tpu.memref_squeeze %dma_start3A_478 : memref<1x80x128xf32, #tpu.memory_space<vmem>> -> memref<80x128xf32, #tpu.memory_space<vmem>>
    %dma_start3A_480 = arith.constant 0 : i32
    %dma_start3A_481 = tpu.memref_slice %arg7[%dma_start3A_473, %dma_start3A_480] : memref<4x80xi32, #tpu.memory_space<vmem>> -> memref<1x80xi32, #tpu.memory_space<vmem>>
    %dma_start3A_482 = tpu.memref_squeeze %dma_start3A_481 : memref<1x80xi32, #tpu.memory_space<vmem>> -> memref<80xi32, #tpu.memory_space<vmem>>
    %dma_start3A_483 = arith.constant 0 : i32
    %dma_start3A_484 = arith.constant 0 : i32
    %dma_start3A_485 = tpu.memref_slice %arg2[%dma_start3A_483, %dma_start3A_484] : memref<10000x128xf32, #tpu.memory_space<hbm>> -> memref<10000x128xf32, #tpu.memory_space<hbm>>
    %dma_start3A_486 = tpu.memref_slice %arg16[%dma_start3A_475] : memref<3x!tpu.dma_semaphore, #tpu.memory_space<semaphore_mem>> -> memref<1x!tpu.dma_semaphore, #tpu.memory_space<semaphore_mem>>
    %dma_start3A_487 = tpu.memref_squeeze %dma_start3A_486 : memref<1x!tpu.dma_semaphore, #tpu.memory_space<semaphore_mem>> -> memref<!tpu.dma_semaphore, #tpu.memory_space<semaphore_mem>>
    tpu.enqueue_indirect_dma source(%dma_start3A_485 : memref<10000x128xf32, #tpu.memory_space<hbm>>) target(%dma_start3A_479 : memref<80x128xf32, #tpu.memory_space<vmem>>) offsets(%dma_start3A_482 : memref<80xi32, #tpu.memory_space<vmem>>) semaphore(%dma_start3A_487 : memref<!tpu.dma_semaphore, #tpu.memory_space<semaphore_mem>>)
    %dma_wait3A_488 = arith.constant 2 : i32
    %dma_wait3A_489 = arith.constant 2 : i32
    %dma_wait3A_490 = arith.constant 2 : i32
    %dma_wait3A_491 = arith.constant 0 : i32
    %dma_wait3A_492 = arith.constant 0 : i32
    %dma_wait3A_493 = tpu.memref_slice %arg9[%dma_wait3A_489, %dma_wait3A_491, %dma_wait3A_492] : memref<3x80x128xf32, #tpu.memory_space<vmem>> -> memref<1x80x128xf32, #tpu.memory_space<vmem>>
    %dma_wait3A_494 = tpu.memref_squeeze %dma_wait3A_493 : memref<1x80x128xf32, #tpu.memory_space<vmem>> -> memref<80x128xf32, #tpu.memory_space<vmem>>
    %dma_wait3A_495 = arith.constant 0 : i32
    %dma_wait3A_496 = tpu.memref_slice %arg7[%dma_wait3A_488, %dma_wait3A_495] : memref<4x80xi32, #tpu.memory_space<vmem>> -> memref<1x80xi32, #tpu.memory_space<vmem>>
    %dma_wait3A_497 = tpu.memref_squeeze %dma_wait3A_496 : memref<1x80xi32, #tpu.memory_space<vmem>> -> memref<80xi32, #tpu.memory_space<vmem>>
    %dma_wait3A_498 = arith.constant 0 : i32
    %dma_wait3A_499 = arith.constant 0 : i32
    %dma_wait3A_500 = tpu.memref_slice %arg2[%dma_wait3A_498, %dma_wait3A_499] : memref<10000x128xf32, #tpu.memory_space<hbm>> -> memref<10000x128xf32, #tpu.memory_space<hbm>>
    %dma_wait3A_501 = tpu.memref_slice %arg16[%dma_wait3A_490] : memref<3x!tpu.dma_semaphore, #tpu.memory_space<semaphore_mem>> -> memref<1x!tpu.dma_semaphore, #tpu.memory_space<semaphore_mem>>
    %dma_wait3A_502 = tpu.memref_squeeze %dma_wait3A_501 : memref<1x!tpu.dma_semaphore, #tpu.memory_space<semaphore_mem>> -> memref<!tpu.dma_semaphore, #tpu.memory_space<semaphore_mem>>
    tpu.wait_indirect_dma semaphore(%dma_wait3A_502 : memref<!tpu.dma_semaphore, #tpu.memory_space<semaphore_mem>>) src(%dma_wait3A_500 : memref<10000x128xf32, #tpu.memory_space<hbm>>) dst(%dma_wait3A_494 : memref<80x128xf32, #tpu.memory_space<vmem>>)
    %dma_start3A_503 = arith.constant 2 : i32
    %dma_start3A_504 = arith.constant 2 : i32
    %dma_start3A_505 = arith.constant 2 : i32
    %dma_start3A_506 = arith.constant 0 : i32
    %dma_start3A_507 = arith.constant 0 : i32
    %dma_start3A_508 = tpu.memref_slice %arg9[%dma_start3A_503, %dma_start3A_506, %dma_start3A_507] : memref<3x80x128xf32, #tpu.memory_space<vmem>> -> memref<1x80x128xf32, #tpu.memory_space<vmem>>
    %dma_start3A_509 = tpu.memref_squeeze %dma_start3A_508 : memref<1x80x128xf32, #tpu.memory_space<vmem>> -> memref<80x128xf32, #tpu.memory_space<vmem>>
    %dma_start3A_510 = arith.constant 0 : i32
    %dma_start3A_511 = tpu.memref_slice %arg8[%dma_start3A_504, %dma_start3A_510] : memref<4x80xi32, #tpu.memory_space<vmem>> -> memref<1x80xi32, #tpu.memory_space<vmem>>
    %dma_start3A_512 = tpu.memref_squeeze %dma_start3A_511 : memref<1x80xi32, #tpu.memory_space<vmem>> -> memref<80xi32, #tpu.memory_space<vmem>>
    %dma_start3A_513 = arith.constant 0 : i32
    %dma_start3A_514 = arith.constant 0 : i32
    %dma_start3A_515 = tpu.memref_slice %arg13[%dma_start3A_513, %dma_start3A_514] : memref<10240x128xf32, #tpu.memory_space<vmem_shared>> -> memref<10240x128xf32, #tpu.memory_space<vmem_shared>>
    %dma_start3A_516 = tpu.memref_slice %arg17[%dma_start3A_505] : memref<3x!tpu.dma_semaphore, #tpu.memory_space<semaphore_mem>> -> memref<1x!tpu.dma_semaphore, #tpu.memory_space<semaphore_mem>>
    %dma_start3A_517 = tpu.memref_squeeze %dma_start3A_516 : memref<1x!tpu.dma_semaphore, #tpu.memory_space<semaphore_mem>> -> memref<!tpu.dma_semaphore, #tpu.memory_space<semaphore_mem>>
    tpu.enqueue_indirect_dma source(%dma_start3A_509 : memref<80x128xf32, #tpu.memory_space<vmem>>) target(%dma_start3A_515 : memref<10240x128xf32, #tpu.memory_space<vmem_shared>>) offsets(%dma_start3A_512 : memref<80xi32, #tpu.memory_space<vmem>>) semaphore(%dma_start3A_517 : memref<!tpu.dma_semaphore, #tpu.memory_space<semaphore_mem>>) {add = true}
    %dma_start3A_518 = arith.constant 2 : i32
    %dma_start3A_519 = arith.constant 2 : i32
    %dma_start3A_520 = arith.constant 0 : i32
    %dma_start3A_521 = tpu.memref_slice %arg8[%dma_start3A_518, %dma_start3A_520] : memref<4x80xi32, #tpu.memory_space<vmem>> -> memref<1x80xi32, #tpu.memory_space<vmem>>
    %dma_start3A_522 = tpu.memref_squeeze %dma_start3A_521 : memref<1x80xi32, #tpu.memory_space<vmem>> -> memref<80xi32, #tpu.memory_space<vmem>>
    %dma_start3A_523 = arith.constant 0 : i32
    %dma_start3A_524 = tpu.memref_slice %arg14[%dma_start3A_523] : memref<10240xf32, #tpu.memory_space<vmem_shared>> -> memref<10240xf32, #tpu.memory_space<vmem_shared>>
    %dma_start3A_525 = tpu.memref_slice %arg17[%dma_start3A_519] : memref<3x!tpu.dma_semaphore, #tpu.memory_space<semaphore_mem>> -> memref<1x!tpu.dma_semaphore, #tpu.memory_space<semaphore_mem>>
    %dma_start3A_526 = tpu.memref_squeeze %dma_start3A_525 : memref<1x!tpu.dma_semaphore, #tpu.memory_space<semaphore_mem>> -> memref<!tpu.dma_semaphore, #tpu.memory_space<semaphore_mem>>
    tpu.enqueue_indirect_dma source(%arg11 : memref<80xf32, #tpu.memory_space<vmem>>) target(%dma_start3A_524 : memref<10240xf32, #tpu.memory_space<vmem_shared>>) offsets(%dma_start3A_522 : memref<80xi32, #tpu.memory_space<vmem>>) semaphore(%dma_start3A_526 : memref<!tpu.dma_semaphore, #tpu.memory_space<semaphore_mem>>) {add = true}
    %dma_wait3A_527 = arith.constant 2 : i32
    %dma_wait3A_528 = arith.constant 2 : i32
    %dma_wait3A_529 = arith.constant 2 : i32
    %dma_wait3A_530 = arith.constant 0 : i32
    %dma_wait3A_531 = arith.constant 0 : i32
    %dma_wait3A_532 = tpu.memref_slice %arg9[%dma_wait3A_527, %dma_wait3A_530, %dma_wait3A_531] : memref<3x80x128xf32, #tpu.memory_space<vmem>> -> memref<1x80x128xf32, #tpu.memory_space<vmem>>
    %dma_wait3A_533 = tpu.memref_squeeze %dma_wait3A_532 : memref<1x80x128xf32, #tpu.memory_space<vmem>> -> memref<80x128xf32, #tpu.memory_space<vmem>>
    %dma_wait3A_534 = arith.constant 0 : i32
    %dma_wait3A_535 = tpu.memref_slice %arg8[%dma_wait3A_528, %dma_wait3A_534] : memref<4x80xi32, #tpu.memory_space<vmem>> -> memref<1x80xi32, #tpu.memory_space<vmem>>
    %dma_wait3A_536 = tpu.memref_squeeze %dma_wait3A_535 : memref<1x80xi32, #tpu.memory_space<vmem>> -> memref<80xi32, #tpu.memory_space<vmem>>
    %dma_wait3A_537 = arith.constant 0 : i32
    %dma_wait3A_538 = arith.constant 0 : i32
    %dma_wait3A_539 = tpu.memref_slice %arg13[%dma_wait3A_537, %dma_wait3A_538] : memref<10240x128xf32, #tpu.memory_space<vmem_shared>> -> memref<10240x128xf32, #tpu.memory_space<vmem_shared>>
    %dma_wait3A_540 = tpu.memref_slice %arg17[%dma_wait3A_529] : memref<3x!tpu.dma_semaphore, #tpu.memory_space<semaphore_mem>> -> memref<1x!tpu.dma_semaphore, #tpu.memory_space<semaphore_mem>>
    %dma_wait3A_541 = tpu.memref_squeeze %dma_wait3A_540 : memref<1x!tpu.dma_semaphore, #tpu.memory_space<semaphore_mem>> -> memref<!tpu.dma_semaphore, #tpu.memory_space<semaphore_mem>>
    tpu.wait_indirect_dma semaphore(%dma_wait3A_541 : memref<!tpu.dma_semaphore, #tpu.memory_space<semaphore_mem>>) src(%dma_wait3A_533 : memref<80x128xf32, #tpu.memory_space<vmem>>) dst(%dma_wait3A_539 : memref<10240x128xf32, #tpu.memory_space<vmem_shared>>)
    %dma_wait3A_542 = arith.constant 2 : i32
    %dma_wait3A_543 = arith.constant 2 : i32
    %dma_wait3A_544 = arith.constant 0 : i32
    %dma_wait3A_545 = tpu.memref_slice %arg8[%dma_wait3A_542, %dma_wait3A_544] : memref<4x80xi32, #tpu.memory_space<vmem>> -> memref<1x80xi32, #tpu.memory_space<vmem>>
    %dma_wait3A_546 = tpu.memref_squeeze %dma_wait3A_545 : memref<1x80xi32, #tpu.memory_space<vmem>> -> memref<80xi32, #tpu.memory_space<vmem>>
    %dma_wait3A_547 = arith.constant 0 : i32
    %dma_wait3A_548 = tpu.memref_slice %arg14[%dma_wait3A_547] : memref<10240xf32, #tpu.memory_space<vmem_shared>> -> memref<10240xf32, #tpu.memory_space<vmem_shared>>
    %dma_wait3A_549 = tpu.memref_slice %arg17[%dma_wait3A_543] : memref<3x!tpu.dma_semaphore, #tpu.memory_space<semaphore_mem>> -> memref<1x!tpu.dma_semaphore, #tpu.memory_space<semaphore_mem>>
    %dma_wait3A_550 = tpu.memref_squeeze %dma_wait3A_549 : memref<1x!tpu.dma_semaphore, #tpu.memory_space<semaphore_mem>> -> memref<!tpu.dma_semaphore, #tpu.memory_space<semaphore_mem>>
    tpu.wait_indirect_dma semaphore(%dma_wait3A_550 : memref<!tpu.dma_semaphore, #tpu.memory_space<semaphore_mem>>) src(%arg11 : memref<80xf32, #tpu.memory_space<vmem>>) dst(%dma_wait3A_548 : memref<10240xf32, #tpu.memory_space<vmem_shared>>)
    %dma_wait3A_551 = arith.constant 3 : i32
    %dma_wait3A_552 = arith.constant 0 : i32
    %dma_wait3A_553 = arith.constant 0 : i32
    %dma_wait3A_554 = arith.constant 0 : i32
    %dma_wait3A_555 = arith.constant 0 : i32
    %dma_wait3A_556 = tpu.memref_slice %arg9[%dma_wait3A_552, %dma_wait3A_554, %dma_wait3A_555] : memref<3x80x128xf32, #tpu.memory_space<vmem>> -> memref<1x80x128xf32, #tpu.memory_space<vmem>>
    %dma_wait3A_557 = tpu.memref_squeeze %dma_wait3A_556 : memref<1x80x128xf32, #tpu.memory_space<vmem>> -> memref<80x128xf32, #tpu.memory_space<vmem>>
    %dma_wait3A_558 = arith.constant 0 : i32
    %dma_wait3A_559 = tpu.memref_slice %arg7[%dma_wait3A_551, %dma_wait3A_558] : memref<4x80xi32, #tpu.memory_space<vmem>> -> memref<1x80xi32, #tpu.memory_space<vmem>>
    %dma_wait3A_560 = tpu.memref_squeeze %dma_wait3A_559 : memref<1x80xi32, #tpu.memory_space<vmem>> -> memref<80xi32, #tpu.memory_space<vmem>>
    %dma_wait3A_561 = arith.constant 0 : i32
    %dma_wait3A_562 = arith.constant 0 : i32
    %dma_wait3A_563 = tpu.memref_slice %arg2[%dma_wait3A_561, %dma_wait3A_562] : memref<10000x128xf32, #tpu.memory_space<hbm>> -> memref<10000x128xf32, #tpu.memory_space<hbm>>
    %dma_wait3A_564 = tpu.memref_slice %arg16[%dma_wait3A_553] : memref<3x!tpu.dma_semaphore, #tpu.memory_space<semaphore_mem>> -> memref<1x!tpu.dma_semaphore, #tpu.memory_space<semaphore_mem>>
    %dma_wait3A_565 = tpu.memref_squeeze %dma_wait3A_564 : memref<1x!tpu.dma_semaphore, #tpu.memory_space<semaphore_mem>> -> memref<!tpu.dma_semaphore, #tpu.memory_space<semaphore_mem>>
    tpu.wait_indirect_dma semaphore(%dma_wait3A_565 : memref<!tpu.dma_semaphore, #tpu.memory_space<semaphore_mem>>) src(%dma_wait3A_563 : memref<10000x128xf32, #tpu.memory_space<hbm>>) dst(%dma_wait3A_557 : memref<80x128xf32, #tpu.memory_space<vmem>>)
    %dma_start3A_566 = arith.constant 0 : i32
    %dma_start3A_567 = arith.constant 3 : i32
    %dma_start3A_568 = arith.constant 0 : i32
    %dma_start3A_569 = arith.constant 0 : i32
    %dma_start3A_570 = arith.constant 0 : i32
    %dma_start3A_571 = tpu.memref_slice %arg9[%dma_start3A_566, %dma_start3A_569, %dma_start3A_570] : memref<3x80x128xf32, #tpu.memory_space<vmem>> -> memref<1x80x128xf32, #tpu.memory_space<vmem>>
    %dma_start3A_572 = tpu.memref_squeeze %dma_start3A_571 : memref<1x80x128xf32, #tpu.memory_space<vmem>> -> memref<80x128xf32, #tpu.memory_space<vmem>>
    %dma_start3A_573 = arith.constant 0 : i32
    %dma_start3A_574 = tpu.memref_slice %arg8[%dma_start3A_567, %dma_start3A_573] : memref<4x80xi32, #tpu.memory_space<vmem>> -> memref<1x80xi32, #tpu.memory_space<vmem>>
    %dma_start3A_575 = tpu.memref_squeeze %dma_start3A_574 : memref<1x80xi32, #tpu.memory_space<vmem>> -> memref<80xi32, #tpu.memory_space<vmem>>
    %dma_start3A_576 = arith.constant 0 : i32
    %dma_start3A_577 = arith.constant 0 : i32
    %dma_start3A_578 = tpu.memref_slice %arg13[%dma_start3A_576, %dma_start3A_577] : memref<10240x128xf32, #tpu.memory_space<vmem_shared>> -> memref<10240x128xf32, #tpu.memory_space<vmem_shared>>
    %dma_start3A_579 = tpu.memref_slice %arg17[%dma_start3A_568] : memref<3x!tpu.dma_semaphore, #tpu.memory_space<semaphore_mem>> -> memref<1x!tpu.dma_semaphore, #tpu.memory_space<semaphore_mem>>
    %dma_start3A_580 = tpu.memref_squeeze %dma_start3A_579 : memref<1x!tpu.dma_semaphore, #tpu.memory_space<semaphore_mem>> -> memref<!tpu.dma_semaphore, #tpu.memory_space<semaphore_mem>>
    tpu.enqueue_indirect_dma source(%dma_start3A_572 : memref<80x128xf32, #tpu.memory_space<vmem>>) target(%dma_start3A_578 : memref<10240x128xf32, #tpu.memory_space<vmem_shared>>) offsets(%dma_start3A_575 : memref<80xi32, #tpu.memory_space<vmem>>) semaphore(%dma_start3A_580 : memref<!tpu.dma_semaphore, #tpu.memory_space<semaphore_mem>>) {add = true}
    %dma_start3A_581 = arith.constant 3 : i32
    %dma_start3A_582 = arith.constant 0 : i32
    %dma_start3A_583 = arith.constant 0 : i32
    %dma_start3A_584 = tpu.memref_slice %arg8[%dma_start3A_581, %dma_start3A_583] : memref<4x80xi32, #tpu.memory_space<vmem>> -> memref<1x80xi32, #tpu.memory_space<vmem>>
    %dma_start3A_585 = tpu.memref_squeeze %dma_start3A_584 : memref<1x80xi32, #tpu.memory_space<vmem>> -> memref<80xi32, #tpu.memory_space<vmem>>
    %dma_start3A_586 = arith.constant 0 : i32
    %dma_start3A_587 = tpu.memref_slice %arg14[%dma_start3A_586] : memref<10240xf32, #tpu.memory_space<vmem_shared>> -> memref<10240xf32, #tpu.memory_space<vmem_shared>>
    %dma_start3A_588 = tpu.memref_slice %arg17[%dma_start3A_582] : memref<3x!tpu.dma_semaphore, #tpu.memory_space<semaphore_mem>> -> memref<1x!tpu.dma_semaphore, #tpu.memory_space<semaphore_mem>>
    %dma_start3A_589 = tpu.memref_squeeze %dma_start3A_588 : memref<1x!tpu.dma_semaphore, #tpu.memory_space<semaphore_mem>> -> memref<!tpu.dma_semaphore, #tpu.memory_space<semaphore_mem>>
    tpu.enqueue_indirect_dma source(%arg11 : memref<80xf32, #tpu.memory_space<vmem>>) target(%dma_start3A_587 : memref<10240xf32, #tpu.memory_space<vmem_shared>>) offsets(%dma_start3A_585 : memref<80xi32, #tpu.memory_space<vmem>>) semaphore(%dma_start3A_589 : memref<!tpu.dma_semaphore, #tpu.memory_space<semaphore_mem>>) {add = true}
    %dma_wait3A_590 = arith.constant 0 : i32
    %dma_wait3A_591 = arith.constant 3 : i32
    %dma_wait3A_592 = arith.constant 0 : i32
    %dma_wait3A_593 = arith.constant 0 : i32
    %dma_wait3A_594 = arith.constant 0 : i32
    %dma_wait3A_595 = tpu.memref_slice %arg9[%dma_wait3A_590, %dma_wait3A_593, %dma_wait3A_594] : memref<3x80x128xf32, #tpu.memory_space<vmem>> -> memref<1x80x128xf32, #tpu.memory_space<vmem>>
    %dma_wait3A_596 = tpu.memref_squeeze %dma_wait3A_595 : memref<1x80x128xf32, #tpu.memory_space<vmem>> -> memref<80x128xf32, #tpu.memory_space<vmem>>
    %dma_wait3A_597 = arith.constant 0 : i32
    %dma_wait3A_598 = tpu.memref_slice %arg8[%dma_wait3A_591, %dma_wait3A_597] : memref<4x80xi32, #tpu.memory_space<vmem>> -> memref<1x80xi32, #tpu.memory_space<vmem>>
    %dma_wait3A_599 = tpu.memref_squeeze %dma_wait3A_598 : memref<1x80xi32, #tpu.memory_space<vmem>> -> memref<80xi32, #tpu.memory_space<vmem>>
    %dma_wait3A_600 = arith.constant 0 : i32
    %dma_wait3A_601 = arith.constant 0 : i32
    %dma_wait3A_602 = tpu.memref_slice %arg13[%dma_wait3A_600, %dma_wait3A_601] : memref<10240x128xf32, #tpu.memory_space<vmem_shared>> -> memref<10240x128xf32, #tpu.memory_space<vmem_shared>>
    %dma_wait3A_603 = tpu.memref_slice %arg17[%dma_wait3A_592] : memref<3x!tpu.dma_semaphore, #tpu.memory_space<semaphore_mem>> -> memref<1x!tpu.dma_semaphore, #tpu.memory_space<semaphore_mem>>
    %dma_wait3A_604 = tpu.memref_squeeze %dma_wait3A_603 : memref<1x!tpu.dma_semaphore, #tpu.memory_space<semaphore_mem>> -> memref<!tpu.dma_semaphore, #tpu.memory_space<semaphore_mem>>
    tpu.wait_indirect_dma semaphore(%dma_wait3A_604 : memref<!tpu.dma_semaphore, #tpu.memory_space<semaphore_mem>>) src(%dma_wait3A_596 : memref<80x128xf32, #tpu.memory_space<vmem>>) dst(%dma_wait3A_602 : memref<10240x128xf32, #tpu.memory_space<vmem_shared>>)
    %dma_wait3A_605 = arith.constant 3 : i32
    %dma_wait3A_606 = arith.constant 0 : i32
    %dma_wait3A_607 = arith.constant 0 : i32
    %dma_wait3A_608 = tpu.memref_slice %arg8[%dma_wait3A_605, %dma_wait3A_607] : memref<4x80xi32, #tpu.memory_space<vmem>> -> memref<1x80xi32, #tpu.memory_space<vmem>>
    %dma_wait3A_609 = tpu.memref_squeeze %dma_wait3A_608 : memref<1x80xi32, #tpu.memory_space<vmem>> -> memref<80xi32, #tpu.memory_space<vmem>>
    %dma_wait3A_610 = arith.constant 0 : i32
    %dma_wait3A_611 = tpu.memref_slice %arg14[%dma_wait3A_610] : memref<10240xf32, #tpu.memory_space<vmem_shared>> -> memref<10240xf32, #tpu.memory_space<vmem_shared>>
    %dma_wait3A_612 = tpu.memref_slice %arg17[%dma_wait3A_606] : memref<3x!tpu.dma_semaphore, #tpu.memory_space<semaphore_mem>> -> memref<1x!tpu.dma_semaphore, #tpu.memory_space<semaphore_mem>>
    %dma_wait3A_613 = tpu.memref_squeeze %dma_wait3A_612 : memref<1x!tpu.dma_semaphore, #tpu.memory_space<semaphore_mem>> -> memref<!tpu.dma_semaphore, #tpu.memory_space<semaphore_mem>>
    tpu.wait_indirect_dma semaphore(%dma_wait3A_613 : memref<!tpu.dma_semaphore, #tpu.memory_space<semaphore_mem>>) src(%arg11 : memref<80xf32, #tpu.memory_space<vmem>>) dst(%dma_wait3A_611 : memref<10240xf32, #tpu.memory_space<vmem_shared>>)
    %dma_wait3A_614 = arith.constant 0 : i32
    %dma_wait3A_615 = arith.constant 1 : i32
    %dma_wait3A_616 = arith.constant 1 : i32
    %dma_wait3A_617 = arith.constant 0 : i32
    %dma_wait3A_618 = arith.constant 0 : i32
    %dma_wait3A_619 = tpu.memref_slice %arg9[%dma_wait3A_615, %dma_wait3A_617, %dma_wait3A_618] : memref<3x80x128xf32, #tpu.memory_space<vmem>> -> memref<1x80x128xf32, #tpu.memory_space<vmem>>
    %dma_wait3A_620 = tpu.memref_squeeze %dma_wait3A_619 : memref<1x80x128xf32, #tpu.memory_space<vmem>> -> memref<80x128xf32, #tpu.memory_space<vmem>>
    %dma_wait3A_621 = arith.constant 0 : i32
    %dma_wait3A_622 = tpu.memref_slice %arg7[%dma_wait3A_614, %dma_wait3A_621] : memref<4x80xi32, #tpu.memory_space<vmem>> -> memref<1x80xi32, #tpu.memory_space<vmem>>
    %dma_wait3A_623 = tpu.memref_squeeze %dma_wait3A_622 : memref<1x80xi32, #tpu.memory_space<vmem>> -> memref<80xi32, #tpu.memory_space<vmem>>
    %dma_wait3A_624 = arith.constant 0 : i32
    %dma_wait3A_625 = arith.constant 0 : i32
    %dma_wait3A_626 = tpu.memref_slice %arg2[%dma_wait3A_624, %dma_wait3A_625] : memref<10000x128xf32, #tpu.memory_space<hbm>> -> memref<10000x128xf32, #tpu.memory_space<hbm>>
    %dma_wait3A_627 = tpu.memref_slice %arg16[%dma_wait3A_616] : memref<3x!tpu.dma_semaphore, #tpu.memory_space<semaphore_mem>> -> memref<1x!tpu.dma_semaphore, #tpu.memory_space<semaphore_mem>>
    %dma_wait3A_628 = tpu.memref_squeeze %dma_wait3A_627 : memref<1x!tpu.dma_semaphore, #tpu.memory_space<semaphore_mem>> -> memref<!tpu.dma_semaphore, #tpu.memory_space<semaphore_mem>>
    tpu.wait_indirect_dma semaphore(%dma_wait3A_628 : memref<!tpu.dma_semaphore, #tpu.memory_space<semaphore_mem>>) src(%dma_wait3A_626 : memref<10000x128xf32, #tpu.memory_space<hbm>>) dst(%dma_wait3A_620 : memref<80x128xf32, #tpu.memory_space<vmem>>)
    %dma_start3A_629 = arith.constant 1 : i32
    %dma_start3A_630 = arith.constant 0 : i32
    %dma_start3A_631 = arith.constant 1 : i32
    %dma_start3A_632 = arith.constant 0 : i32
    %dma_start3A_633 = arith.constant 0 : i32
    %dma_start3A_634 = tpu.memref_slice %arg9[%dma_start3A_629, %dma_start3A_632, %dma_start3A_633] : memref<3x80x128xf32, #tpu.memory_space<vmem>> -> memref<1x80x128xf32, #tpu.memory_space<vmem>>
    %dma_start3A_635 = tpu.memref_squeeze %dma_start3A_634 : memref<1x80x128xf32, #tpu.memory_space<vmem>> -> memref<80x128xf32, #tpu.memory_space<vmem>>
    %dma_start3A_636 = arith.constant 0 : i32
    %dma_start3A_637 = tpu.memref_slice %arg8[%dma_start3A_630, %dma_start3A_636] : memref<4x80xi32, #tpu.memory_space<vmem>> -> memref<1x80xi32, #tpu.memory_space<vmem>>
    %dma_start3A_638 = tpu.memref_squeeze %dma_start3A_637 : memref<1x80xi32, #tpu.memory_space<vmem>> -> memref<80xi32, #tpu.memory_space<vmem>>
    %dma_start3A_639 = arith.constant 0 : i32
    %dma_start3A_640 = arith.constant 0 : i32
    %dma_start3A_641 = tpu.memref_slice %arg13[%dma_start3A_639, %dma_start3A_640] : memref<10240x128xf32, #tpu.memory_space<vmem_shared>> -> memref<10240x128xf32, #tpu.memory_space<vmem_shared>>
    %dma_start3A_642 = tpu.memref_slice %arg17[%dma_start3A_631] : memref<3x!tpu.dma_semaphore, #tpu.memory_space<semaphore_mem>> -> memref<1x!tpu.dma_semaphore, #tpu.memory_space<semaphore_mem>>
    %dma_start3A_643 = tpu.memref_squeeze %dma_start3A_642 : memref<1x!tpu.dma_semaphore, #tpu.memory_space<semaphore_mem>> -> memref<!tpu.dma_semaphore, #tpu.memory_space<semaphore_mem>>
    tpu.enqueue_indirect_dma source(%dma_start3A_635 : memref<80x128xf32, #tpu.memory_space<vmem>>) target(%dma_start3A_641 : memref<10240x128xf32, #tpu.memory_space<vmem_shared>>) offsets(%dma_start3A_638 : memref<80xi32, #tpu.memory_space<vmem>>) semaphore(%dma_start3A_643 : memref<!tpu.dma_semaphore, #tpu.memory_space<semaphore_mem>>) {add = true}
    %dma_start3A_644 = arith.constant 0 : i32
    %dma_start3A_645 = arith.constant 1 : i32
    %dma_start3A_646 = arith.constant 0 : i32
    %dma_start3A_647 = tpu.memref_slice %arg8[%dma_start3A_644, %dma_start3A_646] : memref<4x80xi32, #tpu.memory_space<vmem>> -> memref<1x80xi32, #tpu.memory_space<vmem>>
    %dma_start3A_648 = tpu.memref_squeeze %dma_start3A_647 : memref<1x80xi32, #tpu.memory_space<vmem>> -> memref<80xi32, #tpu.memory_space<vmem>>
    %dma_start3A_649 = arith.constant 0 : i32
    %dma_start3A_650 = tpu.memref_slice %arg14[%dma_start3A_649] : memref<10240xf32, #tpu.memory_space<vmem_shared>> -> memref<10240xf32, #tpu.memory_space<vmem_shared>>
    %dma_start3A_651 = tpu.memref_slice %arg17[%dma_start3A_645] : memref<3x!tpu.dma_semaphore, #tpu.memory_space<semaphore_mem>> -> memref<1x!tpu.dma_semaphore, #tpu.memory_space<semaphore_mem>>
    %dma_start3A_652 = tpu.memref_squeeze %dma_start3A_651 : memref<1x!tpu.dma_semaphore, #tpu.memory_space<semaphore_mem>> -> memref<!tpu.dma_semaphore, #tpu.memory_space<semaphore_mem>>
    tpu.enqueue_indirect_dma source(%arg11 : memref<80xf32, #tpu.memory_space<vmem>>) target(%dma_start3A_650 : memref<10240xf32, #tpu.memory_space<vmem_shared>>) offsets(%dma_start3A_648 : memref<80xi32, #tpu.memory_space<vmem>>) semaphore(%dma_start3A_652 : memref<!tpu.dma_semaphore, #tpu.memory_space<semaphore_mem>>) {add = true}
    %dma_wait3A_653 = arith.constant 1 : i32
    %dma_wait3A_654 = arith.constant 0 : i32
    %dma_wait3A_655 = arith.constant 1 : i32
    %dma_wait3A_656 = arith.constant 0 : i32
    %dma_wait3A_657 = arith.constant 0 : i32
    %dma_wait3A_658 = tpu.memref_slice %arg9[%dma_wait3A_653, %dma_wait3A_656, %dma_wait3A_657] : memref<3x80x128xf32, #tpu.memory_space<vmem>> -> memref<1x80x128xf32, #tpu.memory_space<vmem>>
    %dma_wait3A_659 = tpu.memref_squeeze %dma_wait3A_658 : memref<1x80x128xf32, #tpu.memory_space<vmem>> -> memref<80x128xf32, #tpu.memory_space<vmem>>
    %dma_wait3A_660 = arith.constant 0 : i32
    %dma_wait3A_661 = tpu.memref_slice %arg8[%dma_wait3A_654, %dma_wait3A_660] : memref<4x80xi32, #tpu.memory_space<vmem>> -> memref<1x80xi32, #tpu.memory_space<vmem>>
    %dma_wait3A_662 = tpu.memref_squeeze %dma_wait3A_661 : memref<1x80xi32, #tpu.memory_space<vmem>> -> memref<80xi32, #tpu.memory_space<vmem>>
    %dma_wait3A_663 = arith.constant 0 : i32
    %dma_wait3A_664 = arith.constant 0 : i32
    %dma_wait3A_665 = tpu.memref_slice %arg13[%dma_wait3A_663, %dma_wait3A_664] : memref<10240x128xf32, #tpu.memory_space<vmem_shared>> -> memref<10240x128xf32, #tpu.memory_space<vmem_shared>>
    %dma_wait3A_666 = tpu.memref_slice %arg17[%dma_wait3A_655] : memref<3x!tpu.dma_semaphore, #tpu.memory_space<semaphore_mem>> -> memref<1x!tpu.dma_semaphore, #tpu.memory_space<semaphore_mem>>
    %dma_wait3A_667 = tpu.memref_squeeze %dma_wait3A_666 : memref<1x!tpu.dma_semaphore, #tpu.memory_space<semaphore_mem>> -> memref<!tpu.dma_semaphore, #tpu.memory_space<semaphore_mem>>
    tpu.wait_indirect_dma semaphore(%dma_wait3A_667 : memref<!tpu.dma_semaphore, #tpu.memory_space<semaphore_mem>>) src(%dma_wait3A_659 : memref<80x128xf32, #tpu.memory_space<vmem>>) dst(%dma_wait3A_665 : memref<10240x128xf32, #tpu.memory_space<vmem_shared>>)
    %dma_wait3A_668 = arith.constant 0 : i32
    %dma_wait3A_669 = arith.constant 1 : i32
    %dma_wait3A_670 = arith.constant 0 : i32
    %dma_wait3A_671 = tpu.memref_slice %arg8[%dma_wait3A_668, %dma_wait3A_670] : memref<4x80xi32, #tpu.memory_space<vmem>> -> memref<1x80xi32, #tpu.memory_space<vmem>>
    %dma_wait3A_672 = tpu.memref_squeeze %dma_wait3A_671 : memref<1x80xi32, #tpu.memory_space<vmem>> -> memref<80xi32, #tpu.memory_space<vmem>>
    %dma_wait3A_673 = arith.constant 0 : i32
    %dma_wait3A_674 = tpu.memref_slice %arg14[%dma_wait3A_673] : memref<10240xf32, #tpu.memory_space<vmem_shared>> -> memref<10240xf32, #tpu.memory_space<vmem_shared>>
    %dma_wait3A_675 = tpu.memref_slice %arg17[%dma_wait3A_669] : memref<3x!tpu.dma_semaphore, #tpu.memory_space<semaphore_mem>> -> memref<1x!tpu.dma_semaphore, #tpu.memory_space<semaphore_mem>>
    %dma_wait3A_676 = tpu.memref_squeeze %dma_wait3A_675 : memref<1x!tpu.dma_semaphore, #tpu.memory_space<semaphore_mem>> -> memref<!tpu.dma_semaphore, #tpu.memory_space<semaphore_mem>>
    tpu.wait_indirect_dma semaphore(%dma_wait3A_676 : memref<!tpu.dma_semaphore, #tpu.memory_space<semaphore_mem>>) src(%arg11 : memref<80xf32, #tpu.memory_space<vmem>>) dst(%dma_wait3A_674 : memref<10240xf32, #tpu.memory_space<vmem_shared>>)
    %barrier3A_677 = arith.constant 0 : index
    tpu.barrier barrier_id(%barrier3A_677)
    %mul3A_678 = arith.constant 640 : i32
    %mul3A_679 = arith.muli %arg1, %mul3A_678 : i32
    %mul3A_680 = arith.constant 640 : i32
    %mul3A_681 = arith.muli %arg1, %mul3A_680 : i32
    "tpu.region"() ({
      %run_scoped3A_689 = tpu.sem_alloc : memref<!tpu.dma_semaphore, #tpu.memory_space<semaphore_mem>>
      %dma_start3A_690 = arith.constant 0 : i32
      %dma_start3A_691 = tpu.memref_slice %arg5[%arg0, %mul3A_681, %dma_start3A_690] : memref<2x10240x128xf32, #tpu.memory_space<hbm>> -> memref<1x640x128xf32, #tpu.memory_space<hbm>>
      %dma_start3A_692 = tpu.memref_squeeze %dma_start3A_691 : memref<1x640x128xf32, #tpu.memory_space<hbm>> -> memref<640x128xf32, #tpu.memory_space<hbm>>
      %dma_start3A_693 = arith.constant 0 : i32
      %dma_start3A_694 = tpu.memref_slice %arg13[%mul3A_679, %dma_start3A_693] : memref<10240x128xf32, #tpu.memory_space<vmem_shared>> -> memref<640x128xf32, #tpu.memory_space<vmem_shared>>
      tpu.enqueue_dma source(%dma_start3A_694 : memref<640x128xf32, #tpu.memory_space<vmem_shared>>) target(%dma_start3A_692 : memref<640x128xf32, #tpu.memory_space<hbm>>) target_semaphore(%run_scoped3A_689 : memref<!tpu.dma_semaphore, #tpu.memory_space<semaphore_mem>>)
      %dma_wait3A_695 = arith.constant 0 : i32
      %dma_wait3A_696 = tpu.memref_slice %arg5[%arg0, %mul3A_681, %dma_wait3A_695] : memref<2x10240x128xf32, #tpu.memory_space<hbm>> -> memref<1x640x128xf32, #tpu.memory_space<hbm>>
      %dma_wait3A_697 = tpu.memref_squeeze %dma_wait3A_696 : memref<1x640x128xf32, #tpu.memory_space<hbm>> -> memref<640x128xf32, #tpu.memory_space<hbm>>
      %dma_wait3A_698 = arith.constant 0 : i32
      %dma_wait3A_699 = tpu.memref_slice %arg13[%mul3A_679, %dma_wait3A_698] : memref<10240x128xf32, #tpu.memory_space<vmem_shared>> -> memref<640x128xf32, #tpu.memory_space<vmem_shared>>
      tpu.wait_dma2 semaphore(%run_scoped3A_689 : memref<!tpu.dma_semaphore, #tpu.memory_space<semaphore_mem>>) src(%dma_wait3A_699 : memref<640x128xf32, #tpu.memory_space<vmem_shared>>) dst(%dma_wait3A_697 : memref<640x128xf32, #tpu.memory_space<hbm>>)
      tpu.yield
    }) : () -> ()
    %mul3A_682 = arith.constant 640 : i32
    %mul3A_683 = arith.muli %arg1, %mul3A_682 : i32
    "tpu.region"() ({
      %run_scoped3A_689 = tpu.sem_alloc : memref<!tpu.dma_semaphore, #tpu.memory_space<semaphore_mem>>
      %dma_start3A_690 = tpu.memref_slice %arg14[%mul3A_683] : memref<10240xf32, #tpu.memory_space<vmem_shared>> -> memref<640xf32, #tpu.memory_space<vmem_shared>>
      %dma_start3A_691 = tpu.memref_slice %arg14[%mul3A_683] : memref<10240xf32, #tpu.memory_space<vmem_shared>> -> memref<640xf32, #tpu.memory_space<vmem_shared>>
      tpu.enqueue_dma source(%dma_start3A_691 : memref<640xf32, #tpu.memory_space<vmem_shared>>) target(%arg12 : memref<640xf32, #tpu.memory_space<vmem>>) target_semaphore(%run_scoped3A_689 : memref<!tpu.dma_semaphore, #tpu.memory_space<semaphore_mem>>)
      %dma_wait3A_692 = tpu.memref_slice %arg14[%mul3A_683] : memref<10240xf32, #tpu.memory_space<vmem_shared>> -> memref<640xf32, #tpu.memory_space<vmem_shared>>
      %dma_wait3A_693 = tpu.memref_slice %arg14[%mul3A_683] : memref<10240xf32, #tpu.memory_space<vmem_shared>> -> memref<640xf32, #tpu.memory_space<vmem_shared>>
      tpu.wait_dma2 semaphore(%run_scoped3A_689 : memref<!tpu.dma_semaphore, #tpu.memory_space<semaphore_mem>>) src(%dma_wait3A_693 : memref<640xf32, #tpu.memory_space<vmem_shared>>) dst(%arg12 : memref<640xf32, #tpu.memory_space<vmem>>)
      tpu.yield
    }) : () -> ()
    %mul3A_684 = arith.constant 10240 : i32
    %mul3A_685 = arith.muli %arg0, %mul3A_684 : i32
    %mul3A_686 = arith.constant 640 : i32
    %mul3A_687 = arith.muli %arg1, %mul3A_686 : i32
    %add3A_688 = arith.addi %mul3A_685, %mul3A_687 : i32
    "tpu.region"() ({
      %run_scoped3A_689 = tpu.sem_alloc : memref<!tpu.dma_semaphore, #tpu.memory_space<semaphore_mem>>
      %dma_start3A_690 = tpu.memref_slice %arg6[%add3A_688] : memref<20480xf32, #tpu.memory_space<hbm>> -> memref<640xf32, #tpu.memory_space<hbm>>
      %dma_start3A_691 = tpu.memref_slice %arg6[%add3A_688] : memref<20480xf32, #tpu.memory_space<hbm>> -> memref<640xf32, #tpu.memory_space<hbm>>
      tpu.enqueue_dma source(%arg12 : memref<640xf32, #tpu.memory_space<vmem>>) target(%dma_start3A_691 : memref<640xf32, #tpu.memory_space<hbm>>) target_semaphore(%run_scoped3A_689 : memref<!tpu.dma_semaphore, #tpu.memory_space<semaphore_mem>>)
      %dma_wait3A_692 = tpu.memref_slice %arg6[%add3A_688] : memref<20480xf32, #tpu.memory_space<hbm>> -> memref<640xf32, #tpu.memory_space<hbm>>
      %dma_wait3A_693 = tpu.memref_slice %arg6[%add3A_688] : memref<20480xf32, #tpu.memory_space<hbm>> -> memref<640xf32, #tpu.memory_space<hbm>>
      tpu.wait_dma2 semaphore(%run_scoped3A_689 : memref<!tpu.dma_semaphore, #tpu.memory_space<semaphore_mem>>) src(%arg12 : memref<640xf32, #tpu.memory_space<vmem>>) dst(%dma_wait3A_693 : memref<640xf32, #tpu.memory_space<hbm>>)
      tpu.yield
    }) : () -> ()
    return
  }
}

module attributes {stable_mosaic.version = 14 : i64} {
  func.func @_dense_body(%arg0: memref<2x10240x128xf32, #tpu.memory_space<vmem>>, %arg1: memref<2x10240xf32, #tpu.memory_space<vmem>>, %arg2: memref<10000x128xf32, #tpu.memory_space<vmem>>, %arg3: memref<128x128xf32, #tpu.memory_space<vmem>>, %arg4: memref<128xf32, #tpu.memory_space<vmem>>, %arg5: memref<128x128xf32, #tpu.memory_space<vmem>>, %arg6: memref<128xf32, #tpu.memory_space<vmem>>, %arg7: memref<128xf32, #tpu.memory_space<vmem>>, %arg8: memref<1xf32, #tpu.memory_space<vmem>>, %arg9: memref<10000x128xf32, #tpu.memory_space<vmem>>) attributes {dimension_semantics = [], scalar_prefetch = 0 : i64, scratch_operands = 0 : i64, tpu.core_type = #tpu.core_type<tc>} {
    %get3A = arith.constant 0 : index
    %get3A_0 = arith.constant 0 : index
    %get3A_1 = arith.constant 0 : index
    %get3A_2 = vector.load %arg0[%get3A, %get3A_0, %get3A_1] : memref<2x10240x128xf32, #tpu.memory_space<vmem>>, vector<1x10000x128xf32>
    %get3A_3 = vector.shape_cast %get3A_2 : vector<1x10000x128xf32> to vector<10000x128xf32>
    %get3A_4 = arith.constant 1 : index
    %get3A_5 = arith.constant 0 : index
    %get3A_6 = arith.constant 0 : index
    %get3A_7 = vector.load %arg0[%get3A_4, %get3A_5, %get3A_6] : memref<2x10240x128xf32, #tpu.memory_space<vmem>>, vector<1x10000x128xf32>
    %get3A_8 = vector.shape_cast %get3A_7 : vector<1x10000x128xf32> to vector<10000x128xf32>
    %add3A = arith.addf %get3A_3, %get3A_8 : vector<10000x128xf32>
    %get3A_9 = arith.constant 0 : index
    %get3A_10 = arith.constant 0 : index
    %get3A_11 = vector.load %arg1[%get3A_9, %get3A_10] : memref<2x10240xf32, #tpu.memory_space<vmem>>, vector<1x10000xf32>
    %get3A_12 = vector.shape_cast %get3A_11 : vector<1x10000xf32> to vector<10000xf32>
    %get3A_13 = arith.constant 1 : index
    %get3A_14 = arith.constant 0 : index
    %get3A_15 = vector.load %arg1[%get3A_13, %get3A_14] : memref<2x10240xf32, #tpu.memory_space<vmem>>, vector<1x10000xf32>
    %get3A_16 = vector.shape_cast %get3A_15 : vector<1x10000xf32> to vector<10000xf32>
    %add3A_17 = arith.addf %get3A_12, %get3A_16 : vector<10000xf32>
    %broadcast_in_dim3A = vector.shape_cast %add3A_17 : vector<10000xf32> to vector<10000x1xf32>
    %max3A = arith.constant 1.000000e+00 : f32
    %max3A_18 = vector.broadcast %max3A : f32 to vector<10000x1xf32>
    %max3A_19 = arith.maximumf %broadcast_in_dim3A, %max3A_18 : vector<10000x1xf32>
    %div3A = vector.broadcast %max3A_19 : vector<10000x1xf32> to vector<10000x128xf32>
    %div3A_20 = arith.divf %add3A, %div3A : vector<10000x128xf32>
    %get3A_21 = arith.constant 0 : index
    %get3A_22 = arith.constant 0 : index
    %get3A_23 = vector.load %arg2[%get3A_21, %get3A_22] : memref<10000x128xf32, #tpu.memory_space<vmem>>, vector<10000x128xf32>
    %get3A_24 = arith.constant 0 : index
    %get3A_25 = arith.constant 0 : index
    %get3A_26 = vector.load %arg3[%get3A_24, %get3A_25] : memref<128x128xf32, #tpu.memory_space<vmem>>, vector<128x128xf32>
    %dot_general3A = arith.constant dense<0.000000e+00> : vector<10000x128xf32>
    %dot_general3A_27 = tpu.matmul %div3A_20, %get3A_26, %dot_general3A {dimension_numbers = #tpu.dot_dimension_numbers<[1], [0], [0], [1], [0, 0, 1, 1], [], []>, transpose_lhs_hint = false} : vector<10000x128xf32>, vector<128x128xf32>, vector<10000x128xf32> -> vector<10000x128xf32>
    %get3A_28 = arith.constant 0 : index
    %get3A_29 = vector.load %arg4[%get3A_28] : memref<128xf32, #tpu.memory_space<vmem>>, vector<128xf32>
    %broadcast_in_dim3A_30 = vector.shape_cast %get3A_29 : vector<128xf32> to vector<1x128xf32>
    %add3A_31 = vector.broadcast %broadcast_in_dim3A_30 : vector<1x128xf32> to vector<10000x128xf32>
    %add3A_32 = arith.addf %dot_general3A_27, %add3A_31 : vector<10000x128xf32>
    %get3A_33 = arith.constant 0 : index
    %get3A_34 = arith.constant 0 : index
    %get3A_35 = vector.load %arg5[%get3A_33, %get3A_34] : memref<128x128xf32, #tpu.memory_space<vmem>>, vector<128x128xf32>
    %dot_general3A_36 = arith.constant dense<0.000000e+00> : vector<10000x128xf32>
    %dot_general3A_37 = tpu.matmul %get3A_23, %get3A_35, %dot_general3A_36 {dimension_numbers = #tpu.dot_dimension_numbers<[1], [0], [0], [1], [0, 0, 1, 1], [], []>, transpose_lhs_hint = false} : vector<10000x128xf32>, vector<128x128xf32>, vector<10000x128xf32> -> vector<10000x128xf32>
    %add3A_38 = arith.addf %add3A_32, %dot_general3A_37 : vector<10000x128xf32>
    %mul3A = arith.mulf %add3A_38, %add3A_38 : vector<10000x128xf32>
    %reduce_sum3A = arith.constant dense<0.000000e+00> : vector<10000xf32>
    %reduce_sum3A_39 = vector.multi_reduction <add>, %mul3A, %reduce_sum3A [1] : vector<10000x128xf32> to vector<10000xf32>
    %broadcast_in_dim3A_40 = vector.shape_cast %reduce_sum3A_39 : vector<10000xf32> to vector<10000x1xf32>
    %sqrt3A = math.sqrt %broadcast_in_dim3A_40 : vector<10000x1xf32>
    %max3A_41 = arith.constant 9.99999996E-13 : f32
    %max3A_42 = vector.broadcast %max3A_41 : f32 to vector<10000x1xf32>
    %max3A_43 = arith.maximumf %sqrt3A, %max3A_42 : vector<10000x1xf32>
    %div3A_44 = vector.broadcast %max3A_43 : vector<10000x1xf32> to vector<10000x128xf32>
    %div3A_45 = arith.divf %add3A_38, %div3A_44 : vector<10000x128xf32>
    %reduce_sum3A_46 = arith.constant dense<0.000000e+00> : vector<128xf32>
    %reduce_sum3A_47 = vector.multi_reduction <add>, %div3A_45, %reduce_sum3A_46 [0] : vector<10000x128xf32> to vector<128xf32>
    %broadcast_in_dim3A_48 = vector.shape_cast %reduce_sum3A_47 : vector<128xf32> to vector<1x128xf32>
    %div3A_49 = arith.constant 1.000000e+04 : f32
    %div3A_50 = vector.broadcast %div3A_49 : f32 to vector<1x128xf32>
    %div3A_51 = arith.divf %broadcast_in_dim3A_48, %div3A_50 : vector<1x128xf32>
    %sub3A = vector.broadcast %div3A_51 : vector<1x128xf32> to vector<10000x128xf32>
    %sub3A_52 = arith.subf %div3A_45, %sub3A : vector<10000x128xf32>
    %sub3A_53 = vector.broadcast %div3A_51 : vector<1x128xf32> to vector<10000x128xf32>
    %sub3A_54 = arith.subf %div3A_45, %sub3A_53 : vector<10000x128xf32>
    %mul3A_55 = arith.mulf %sub3A_52, %sub3A_54 : vector<10000x128xf32>
    %reduce_sum3A_56 = arith.constant dense<0.000000e+00> : vector<128xf32>
    %reduce_sum3A_57 = vector.multi_reduction <add>, %mul3A_55, %reduce_sum3A_56 [0] : vector<10000x128xf32> to vector<128xf32>
    %broadcast_in_dim3A_58 = vector.shape_cast %reduce_sum3A_57 : vector<128xf32> to vector<1x128xf32>
    %div3A_59 = arith.constant 1.000000e+04 : f32
    %div3A_60 = vector.broadcast %div3A_59 : f32 to vector<1x128xf32>
    %div3A_61 = arith.divf %broadcast_in_dim3A_58, %div3A_60 : vector<1x128xf32>
    %get3A_62 = arith.constant 0 : index
    %get3A_63 = vector.load %arg6[%get3A_62] : memref<128xf32, #tpu.memory_space<vmem>>, vector<128xf32>
    %broadcast_in_dim3A_64 = vector.shape_cast %get3A_63 : vector<128xf32> to vector<1x128xf32>
    %sub3A_65 = vector.broadcast %div3A_51 : vector<1x128xf32> to vector<10000x128xf32>
    %sub3A_66 = arith.subf %div3A_45, %sub3A_65 : vector<10000x128xf32>
    %mul3A_67 = vector.broadcast %broadcast_in_dim3A_64 : vector<1x128xf32> to vector<10000x128xf32>
    %mul3A_68 = arith.mulf %mul3A_67, %sub3A_66 : vector<10000x128xf32>
    %add3A_69 = arith.constant 9.99999974E-6 : f32
    %add3A_70 = vector.broadcast %add3A_69 : f32 to vector<1x128xf32>
    %add3A_71 = arith.addf %div3A_61, %add3A_70 : vector<1x128xf32>
    %sqrt3A_72 = math.sqrt %add3A_71 : vector<1x128xf32>
    %div3A_73 = vector.broadcast %sqrt3A_72 : vector<1x128xf32> to vector<10000x128xf32>
    %div3A_74 = arith.divf %mul3A_68, %div3A_73 : vector<10000x128xf32>
    %get3A_75 = arith.constant 0 : index
    %get3A_76 = vector.load %arg7[%get3A_75] : memref<128xf32, #tpu.memory_space<vmem>>, vector<128xf32>
    %broadcast_in_dim3A_77 = vector.shape_cast %get3A_76 : vector<128xf32> to vector<1x128xf32>
    %add3A_78 = vector.broadcast %broadcast_in_dim3A_77 : vector<1x128xf32> to vector<10000x128xf32>
    %add3A_79 = arith.addf %div3A_74, %add3A_78 : vector<10000x128xf32>
    %add3A_80 = arith.addf %add3A_79, %get3A_23 : vector<10000x128xf32>
    %get3A_81 = arith.constant 0 : index
    %get3A_82 = vector.load %arg8[%get3A_81] : memref<1xf32, #tpu.memory_space<vmem>>, vector<1xf32>
    %get3A_83 = vector.extract %get3A_82[0] : f32 from vector<1xf32>
    %gt3A = arith.constant 0.000000e+00 : f32
    %gt3A_84 = arith.cmpf ogt, %get3A_83, %gt3A : f32
    %max3A_85 = arith.constant 0.000000e+00 : f32
    %max3A_86 = vector.broadcast %max3A_85 : f32 to vector<10000x128xf32>
    %max3A_87 = arith.maximumf %add3A_80, %max3A_86 : vector<10000x128xf32>
    %select_n3A = arith.select %gt3A_84, %max3A_87, %add3A_80 : vector<10000x128xf32>
    %swap3A = arith.constant 0 : index
    %swap3A_88 = arith.constant 0 : index
    %swap3A_89 = vector.load %arg9[%swap3A, %swap3A_88] : memref<10000x128xf32, #tpu.memory_space<vmem>>, vector<10000x128xf32>
    tpu.vector_store %arg9[%swap3A, %swap3A_88], %select_n3A {strides = array<i32>} : memref<10000x128xf32, #tpu.memory_space<vmem>>, vector<10000x128xf32>,
    return
  }
}

</mosaic_0001>

<sc_bundles>
// kernel: closed_call.9.cloned.1.call-start
scs
__scs_entry_jumppad:
0x0: {  	(pc) =	sbr.rel $0x88, $3  }
0x1: {  	(tag) =	ssettag $0x0;
	lr =	simm.s32 $0x1  }
0x2: {  	[smem:$0x3F9A] =	sst lr;
	_ =	strace $0xD0000000  }
0x3: {  	_ = 	snop  }
0x4: {  	_ = 	snop  }
0x5: {  	_ = 	snop  }
0x6: {  	_ = 	snop  }
0x7: {  	_ = 	snop  }
__scs_overlays_trampoline_lowered:
0x8: {  	[smem:$0x3FA9] =	sst s0  }
0x9: {  	[smem:$0x3FAA] =	sst s1  }
0xa: {  	[smem:$0x3FAB] =	sst s2  }
0xb: {  	[smem:$0x3FAC] =	sst s3  }
0xc: {  	[smem:$0x3FAD] =	sst s4  }
0xd: {  	[smem:$0x3FAE] =	sst s5  }
0xe: {  	[smem:$0x3FAF] =	sst s6  }
0xf: {  	[smem:$0x3FB0] =	sst s7  }
0x10: {  	[smem:$0x3FB1] =	sst s8  }
0x11: {  	[smem:$0x3FB2] =	sst s9;
	s0 =	simm.s32 @!p0 $0x0  }
0x12: {  	s1 =	sld [smem:$0x3F98];
	s0 =	simm.s32 @p0 $0x1  }
0x13: {  	[smem:$0x3FB3] =	sst s0;
	s0 =	simm.s32 @!p1 $0x0  }
0x14: {  	s2 =	sld [smem:$0x3F97];
	s0 =	simm.s32 @p1 $0x1  }
0x15: {  	[smem:$0x3FB4] =	sst s0;
	s0 =	simm.s32 @!p2 $0x0  }
0x16: {  	s3 =	sld [smem:$0x3FDB];
	s0 =	simm.s32 @p2 $0x1  }
0x17: {  	s4 =	simm.s32 $0x1BF5;
	[smem:$0x3FB6] =	sst s0  }
0x18: {  	s0 =	sld [smem:$0x3F99];
	_ =	swait.ge [sflag:s4], $0x0  }
0x19: {  	s7 =	sld [smem:$0x3F9A]  }
0x1a: {  	s8 =	sadd.s32 $0xFFFFE003, lr  }
0x1b: {  	s9 =	sadd.s32 $0xFFFFFEF7, lr;
	s5 =	simm.s32 $0xFFFFFFFF;
	p2 =	slt.u32 s8, $0xFFFFF086  }
0x1c: {  	p1 =	slt.u32 s9, $0xF7A;
	s5 =	simm.s32 @!p2 $0x0  }
0x1d: {  	s5 =	simm.s32 @p1 $0x1;
	p0 =	seq.s32 s7, s2  }
0x1e: {  	s7 =	smul.u32 @!p0 $0xF7A, s2;
	p2 =	seq.s32 @!p0 s5, $0x0  }
0x1f: {  	s9 =	smul.u32 $0xF7A, s1;
	s8 =	simm.s32 @!p0 $0x1BF5;
	p2 =	por !p2, p0  }
0x20: {  	[sflag:s8] =	ssyncset.s32 @!p0 $0xFFFFF086;
	s6 =	sadd.s32 @!p0 s3, s7;
	s7 =	simm.s32 @!p0 $0x108  }
0x21: {  	s3 =	sadd.s32 s3, s9;
	s6 =	sadd.s32 @!p0 $0x88, s6;
	s7 =	simm.s32 @p2 $0x1082  }
0x22: {  	[simem:s7], [sflag:s8] =	dma.local @!p0 [hbm:s6], $0xF7A  }
0x23: {  	s9 =	sor.u32 $0xD0000000, s2;
	s6 =	simm.s32 $0x108;
	_ =	swait.ge @!p0 [sflag:s8], $0x0  }
0x24: {  	s3 =	sadd.s32 $0x88, s3;
	s6 =	simm.s32 @!p1 $0x1082;
	[sflag:s4] =	ssyncset.s32 $0xFFFFF086  }
0x25: {  	[simem:s6], [sflag:s4] =	dma.local [hbm:s3], $0xF7A  }
0x26: {  	[smem:$0x3F9A] =	sst s1;
	(tag) =	ssettag s2;
	_ =	strace s9  }
0x27: {  	s1 =	sld [smem:$0x3FAA]  }
0x28: {  	s2 =	sld [smem:$0x3FAB]  }
0x29: {  	s4 =	sld [smem:$0x3FAD]  }
0x2a: {  	p0 =	seq.s32 s5, $0x0;
	s5 =	sld [smem:$0x3FAE]  }
0x2b: {  	s6 =	sld [smem:$0x3FAF]  }
0x2c: {  	s7 =	sld [smem:$0x3FB0]  }
0x2d: {  	s3 =	simm.s32 $0x108;
	s8 =	sld [smem:$0x3FB1]  }
0x2e: {  	s3 =	simm.s32 @!p0 $0x1082;
	s9 =	sld [smem:$0x3FB2]  }
0x2f: {  	lr =	sadd.s32 s0, s3;
	s0 =	sld [smem:$0x3FA9]  }
0x30: {  	s3 =	sld [smem:$0x3FAC]  }
0x31: {  	[smem:$0x3FB5] =	sst s10  }
0x32: {  	s10 =	sld [smem:$0x3FB3];
	_ =	sdelay $0x3  }
0x33: {  	p0 =	seq.s32 s10, $0x1;
	s10 =	sld [smem:$0x3FB5];
	_ =	sdelay $0x3  }
0x34: {  	[smem:$0x3FB5] =	sst s10  }
0x35: {  	s10 =	sld [smem:$0x3FB4];
	_ =	sdelay $0x3  }
0x36: {  	p1 =	seq.s32 s10, $0x1;
	s10 =	sld [smem:$0x3FB5];
	_ =	sdelay $0x3  }
0x37: {  	[smem:$0x3FB5] =	sst s10  }
0x38: {  	s10 =	sld [smem:$0x3FB6]  }
0x39: {  	_ = 	snop;
	(pc) =	sbr.ind lr, $3  }
0x3a: {  	_ = 	snop  }
0x3b: {  	_ = 	snop  }
0x3c: {  	p2 =	seq.s32 s10, $0x1;
	s10 =	sld [smem:$0x3FB5]  }
0x3d: {  	_ =	shalt  }
0x3e: {  	_ =	shalt  }
0x3f: {  	_ =	shalt  }
0x40: {  	_ =	shalt  }
0x41: {  	_ =	shalt  }
0x42: {  	_ =	shalt  }
0x43: {  	_ =	shalt  }
0x44: {  	_ =	shalt  }
0x45: {  	_ =	shalt  }
0x46: {  	_ =	shalt  }
0x47: {  	_ =	shalt  }
0x48: {  	_ =	shalt  }
0x49: {  	_ =	shalt  }
0x4a: {  	_ =	shalt  }
0x4b: {  	_ =	shalt  }
0x4c: {  	_ =	shalt  }
0x4d: {  	_ =	shalt  }
0x4e: {  	_ =	shalt  }
0x4f: {  	_ =	shalt  }
0x50: {  	_ =	shalt  }
0x51: {  	_ =	shalt  }
0x52: {  	_ =	shalt  }
0x53: {  	_ =	shalt  }
0x54: {  	_ =	shalt  }
0x55: {  	_ =	shalt  }
0x56: {  	_ =	shalt  }
0x57: {  	_ =	shalt  }
0x58: {  	_ =	shalt  }
0x59: {  	_ =	shalt  }
0x5a: {  	_ =	shalt  }
0x5b: {  	_ =	shalt  }
0x5c: {  	_ =	shalt  }
0x5d: {  	_ =	shalt  }
0x5e: {  	_ =	shalt  }
0x5f: {  	_ =	shalt  }
0x60: {  	_ =	shalt  }
0x61: {  	_ =	shalt  }
0x62: {  	_ =	shalt  }
0x63: {  	_ =	shalt  }
0x64: {  	_ =	shalt  }
0x65: {  	_ =	shalt  }
0x66: {  	_ =	shalt  }
0x67: {  	_ =	shalt  }
0x68: {  	_ =	shalt  }
0x69: {  	_ =	shalt  }
0x6a: {  	_ =	shalt  }
0x6b: {  	_ =	shalt  }
0x6c: {  	_ =	shalt  }
0x6d: {  	_ =	shalt  }
0x6e: {  	_ =	shalt  }
0x6f: {  	_ =	shalt  }
0x70: {  	_ =	shalt  }
0x71: {  	_ =	shalt  }
0x72: {  	_ =	shalt  }
0x73: {  	_ =	shalt  }
0x74: {  	_ =	shalt  }
0x75: {  	_ =	shalt  }
0x76: {  	_ =	shalt  }
0x77: {  	_ =	shalt  }
0x78: {  	_ =	shalt  }
0x79: {  	_ =	shalt  }
0x7a: {  	_ =	shalt  }
0x7b: {  	_ =	shalt  }
0x7c: {  	_ =	shalt  }
0x7d: {  	_ =	shalt  }
0x7e: {  	_ =	shalt  }
0x7f: {  	_ =	shalt  }
0x80: {  	_ =	shalt  }
0x81: {  	_ =	shalt  }
0x82: {  	_ =	shalt  }
0x83: {  	_ =	shalt  }
0x84: {  	_ =	shalt  }
0x85: {  	_ =	shalt  }
0x86: {  	_ =	shalt  }
0x87: {  	_ =	shalt  }
.Lfunc_end0:
.L_simem_size_0:
called_computation_lowered:
.L_overlay_start_0:
0x88: {  	s2 =	sld [smem:$0x3FD9]  }
0x89: {  	s3 =	sld [smem:$0x3FFE];
	_ =	sdelay $0x1  }
0x8a: {  	s1 =	srdreg.scid  }
0x8b: {  	s0 =	sand.u32 $0x1, s1  }
0x8c: {  	s17 =	sshll.u32 s0, $0xA;
	s2 =	sadd.s32 s3, s2  }
0x8d: {  	s2 =	sadd.s32 s2, s17  }
0x8e: {  	[smem:$0x3FC1] =	sst s2  }
0x8f: {  	_ = 	snop  }
0x90: {  	s2 =	sld [smem:$0x3FD0];
	(tm) =	ssettm $0x1  }
0x91: {  	s18 =	sld [smem:$0x3FFB];
	_ =	sdelay $0x3  }
0x92: {  	_ =	strace s18  }
0x93: {  	s3 =	sld [smem:$0x3FFC];
	_ =	sdelay $0x3  }
0x94: {  	_ =	strace s3  }
0x95: {  	s3 =	sld [smem:$0x3FFD];
	_ =	sdelay $0x3  }
0x96: {  	_ =	strace s3  }
0x97: {  	_ =	strace $0x8FFFFFFF  }
0x98: {  	s19 =	sld [smem:$0x3FDB];
	_ =	sdelay $0x1  }
0x99: {  	s4 =	simm.s32 $_scs_section_size  }
0x9a: {  	s5 =	simm.s32 $_size__tile_overlayer_lowered;
	s6 =	simm.s32 $_tile_overlayer_lowered  }
0x9b: {  	s22 =	simm.s32 $0x1BFF;
	s21 =	sshll.u32 s6, $0x1;
	s3 =	sadd.s32 s4, s19  }
0x9c: {  	s7 =	simm.s32 $0x0;
	s20 =	sshll.u32 s5, $0x1;
	s5 =	sadd.s32 s21, s3  }
0x9d: {  	[timem:s7], [sflag:s22] =	dma.local [hbm:s5], s20  }
0x9e: {  	_ =	swait.ge [sflag:s22], s20  }
0x9f: {  	s4 =	ssub.s32 $0x0, s20;
	[sflag:s22] =	ssyncset.done $0x0  }
0xa0: {  	[sflag:s22] =	ssyncadd.s32 s4;
	_ =	sdelay $0x1  }
0xa1: {  	s23 =	simm.s32 $0x1B8B  }
0xa2: {  	_ =	swait.ge [sflag:s23], $0x1  }
0xa3: {  	[sflag:s23] =	ssyncset.done $0x0  }
0xa4: {  	s25 =	simm.s32 $0x1B8E;
	s24 =	sld [smem:$0x3FFE];
	[sflag:s23] =	ssyncadd.s32 $0xFFFFFFFF  }
0xa5: {  	s26 =	simm.s32 $execute0_lowered;
	[smem:$0x3FD2] =	sst s25  }
0xa6: {  	s5 =	sshll.u32 s26, $0x1;
	_ =	strace $0x80000046;
	[dreg:$0x1] =	wrdreg $0xFFFFFFFF  }
0xa7: {  	s28 =	simm.s32 $_size_execute0_lowered;
	s3 =	sadd.s32 s3, s5;
	[dreg:$0x0] =	wrdreg $0x0  }
0xa8: {  	s5 =	sshll.u32 s28, $0x1;
	[dreg:$0x2] =	wrdreg s3  }
0xa9: {  	[dreg:$0x3] =	wrdreg s5  }
0xaa: {  	[dreg:$0x4] =	wrdreg $0xC0  }
0xab: {  	_ =	task [dreg:s7], $0x5FFFF  }
0xac: {  	[dreg:$0x1] =	wrdreg $0xFFFFFFFF  }
0xad: {  	[dreg:$0x0] =	wrdreg $0x60  }
0xae: {  	[dreg:$0x2] =	wrdreg s2  }
0xaf: {  	[dreg:$0x3] =	wrdreg s24  }
0xb0: {  	[dreg:$0x4] =	wrdreg $0x8F000  }
0xb1: {  	[dreg:$0x5] =	wrdreg $0x1CF000  }
0xb2: {  	[dreg:$0x6] =	wrdreg $0x9  }
0xb3: {  	_ =	task.clear_ibuf [dreg:s7], $0x7FFFF;
	_ =	strace $0x90000046  }
0xb4: {  	s29 =	simm.s32 $0x9;
	_ =	strace $0x80000048  }
0xb5: {  	_ =	swait.ge [sflag:s29], $0x1  }
0xb6: {  	[sflag:s29] =	ssyncadd.s32 $0xFFFFFFFF  }
0xb7: {  	_ =	strace $0x90000048  }
0xb8: {  	_ =	sfence  }
0xb9: {  	s30 =	sld [smem:$0x0];
	_ =	sdelay $0x2  }
0xba: {  	s31 =	sshll.u32 s1, $0xD;
	s1 =	sshrl.u32 s1, $0x2  }
0xbb: {  	s3 =	sand.u32 $0x4000, s31;
	s1 =	sadd.s32 s1, s30  }
0xbc: {  	s0 =	sor.u32 s3, s0;
	s1 =	sshll.u32 s1, $0x11  }
0xbd: {  	s0 =	sor.u32 s1, s0  }
0xbe: {  	s0 =	sadd.s32 $0x8F2B, s0  }
0xbf: {  	[sflag:s0] =	ssyncadd.remote.s32 $0x1  }
0xc0: {  	_ =	sfence.sel $0xFFFF  }
0xc1: {  	[dreg:$0x0] =	wrdreg $0xFFFFFFFF;
	(pc) =	sbr.abs _section_cstart, $3  }
0xc2: {  	[dreg:$0x1] =	wrdreg $0xFFFFFFFF  }
0xc3: {  	_ =	task.clear_ibuf [dreg:s7], $0x2FFFF;
	_ =	strace $0x9FFFFFFF  }
0xc4: {  	(tm) =	ssettm $0x7FFFFFFF  }
0xc5: {  	_ =	shalt  }
tec
execute0_lowered:
.L_overlay_start_1:
0x0: {  	(tag) =	ssettag $0x1  }
0x1: {  	s0 =	rddreg [dreg:$0x0]  }
0x2: {  	s2 =	rddreg [dreg:$0x1];
	s7 =	stileid.u32  }
0x3: {  	s3 =	rddreg [dreg:$0x2];
	s6 =	smul.u32 $0x14000, s7  }
0x4: {  	s1 =	srdreg.scid;
	s9 =	smul.u32 $0x280, s7  }
0x5: {  	s4 =	rddreg [dreg:$0x3];
	s5 =	simm.s32 $0x0;
	s12 =	smul.u32 $0x50000, s7  }
0x6: {  	s8 =	sand.u32 $0x1, s1;
	[smem:$0x7FF] =	sst s5;
	s18 =	smul.u32 $0x2710, s7  }
0x7: {  	s20 =	sadd.s32 $0xB800, s2;
	s1 =	smul.u32 $0x140000, s8;
	_ =	strace $0x80000047  }
0x8: {  	s10 =	smul.u32 $0x2800, s8;
	s11 =	sshll.u32 s8, $0x4;
	s17 =	ssub.s32 $0x2, s8  }
0x9: {  	s14 =	smul.u32 $0x27100, s8;
	[dreg:$0x1b] =	wrdreg s20;
	s11 =	sor.u32 s7, s11  }
0xa: {  	s13 =	sshrl.u32 s17, $0x1;
	s12 =	sshrl.u32 s12, $0x2;
	s22 =	sadd.s32 s9, s4  }
0xb: {  	s1 =	sadd.s32 s6, s1;
	s6 =	sadd.s32 $0x1A00, s2;
	s10 =	sadd.s32 s9, s10  }
0xc: {  	s11 =	smul.u32 $0x2710, s11;
	s8 =	ssub.s32 s17, s13;
	s15 =	sadd.s32 s12, s3  }
0xd: {  	[smem:$0x7DE] =	sst s22;
	s9 =	sadd.s32 s18, s14;
	s1 =	sshrl.u32 s1, $0x3  }
0xe: {  	s10 =	sshrl.u32 s10, $0x3;
	s19 =	sadd.s32 $0x1000, s15;
	[dreg:$0x1d] =	wrdreg s15  }
0xf: {  	s21 =	sadd.s32 $0x2000, s15;
	[dreg:$0x1c] =	wrdreg s6;
	s1 =	sadd.s32 s1, s2  }
0x10: {  	s2 =	sadd.s32 s10, s2;
	[dreg:$0x1e] =	wrdreg s19;
	s10 =	sshrl.u32 s11, $0x3  }
0x11: {  	s12 =	sadd.s32 $0x500, s9;
	[dreg:$0x1f] =	wrdreg s21;
	s23 =	sadd.s32 s20, s10  }
0x12: {  	s12 =	sshrl.u32 s12, $0x3;
	s24 =	sadd.s32 s6, s10;
	[smem:$0x7DF] =	sst s23  }
0x13: {  	s14 =	sadd.s32 $0x4B0, s9;
	s7 =	sadd.s32 s12, s6;
	[smem:$0x7E0] =	sst s24  }
0x14: {  	s16 =	sshrl.u32 s14, $0x3;
	s12 =	sadd.s32 s12, s20;
	[dreg:$0x5] =	wrdreg s7  }
0x15: {  	s18 =	sadd.s32 $0x460, s9;
	s17 =	sadd.s32 s16, s6;
	[dreg:$0x6] =	wrdreg s12  }
0x16: {  	s21 =	sshrl.u32 s18, $0x3;
	s19 =	sadd.s32 s16, s20;
	[dreg:$0x7] =	wrdreg s17  }
0x17: {  	s22 =	sadd.s32 s21, s6;
	[dreg:$0x8] =	wrdreg s19  }
0x18: {  	s11 =	sadd.s32 $0xA, s10;
	s1 =	sadd.s32 $0x16000, s1;
	[dreg:$0x9] =	wrdreg s22  }
0x19: {  	s18 =	sadd.s32 $0x320, s9;
	s25 =	sadd.s32 s20, s11;
	[smem:$0x7E9] =	sst s1  }
0x1a: {  	s26 =	sadd.s32 s6, s11;
	s11 =	sadd.s32 $0x14, s10;
	[smem:$0x7E1] =	sst s25  }
0x1b: {  	s23 =	sadd.s32 $0x410, s9;
	s24 =	sadd.s32 s21, s20;
	[smem:$0x7E2] =	sst s26  }
0x1c: {  	s21 =	sshrl.u32 s18, $0x3;
	s12 =	sadd.s32 $0x7000, s15;
	[dreg:$0xa] =	wrdreg s24  }
0x1d: {  	s18 =	sadd.s32 $0x230, s9;
	s22 =	sadd.s32 s21, s6;
	[smem:$0x7F1] =	sst s12  }
0x1e: {  	s25 =	sshrl.u32 s23, $0x3;
	s24 =	sadd.s32 s21, s20;
	[dreg:$0xf] =	wrdreg s22  }
0x1f: {  	s21 =	sshrl.u32 s18, $0x3;
	s18 =	sadd.s32 s6, s11;
	[dreg:$0x10] =	wrdreg s24  }
0x20: {  	s7 =	sadd.s32 $0x370, s9;
	s26 =	sadd.s32 s25, s6;
	[smem:$0x7E4] =	sst s18  }
0x21: {  	s16 =	sshrl.u32 s7, $0x3;
	s13 =	sadd.s32 s25, s20;
	[dreg:$0xb] =	wrdreg s26  }
0x22: {  	s17 =	sadd.s32 s16, s6;
	[dreg:$0xc] =	wrdreg s13  }
0x23: {  	s19 =	sadd.s32 s16, s20;
	[dreg:$0xd] =	wrdreg s17  }
0x24: {  	s22 =	sadd.s32 s21, s6;
	[dreg:$0xe] =	wrdreg s19  }
0x25: {  	s23 =	sadd.s32 $0x2D0, s9;
	s24 =	sadd.s32 s21, s20;
	[dreg:$0x15] =	wrdreg s22  }
0x26: {  	s25 =	sshrl.u32 s23, $0x3;
	s18 =	sadd.s32 $0xC000, s15;
	[dreg:$0x16] =	wrdreg s24  }
0x27: {  	s7 =	sadd.s32 $0x280, s9;
	s26 =	sadd.s32 s25, s6;
	[smem:$0x7F6] =	sst s18  }
0x28: {  	s16 =	sshrl.u32 s7, $0x3;
	s13 =	sadd.s32 s25, s20;
	[dreg:$0x11] =	wrdreg s26  }
0x29: {  	s17 =	sadd.s32 s16, s6;
	[dreg:$0x12] =	wrdreg s13  }
0x2a: {  	s19 =	sadd.s32 s16, s20;
	[dreg:$0x13] =	wrdreg s17  }
0x2b: {  	s7 =	sadd.s32 $0x190, s9;
	s16 =	sadd.s32 s20, s11;
	[dreg:$0x14] =	wrdreg s19  }
0x2c: {  	s14 =	sshrl.u32 s7, $0x3;
	s7 =	sadd.s32 $0x3C0, s9;
	[smem:$0x7E3] =	sst s16  }
0x2d: {  	s23 =	sadd.s32 $0x1E0, s9;
	s9 =	sadd.s32 $0x4000, s15;
	[smem:$0x7EC] =	sst s7  }
0x2e: {  	s25 =	sshrl.u32 s23, $0x3;
	s11 =	sadd.s32 $0x6000, s15;
	[smem:$0x7EE] =	sst s9  }
0x2f: {  	s26 =	sadd.s32 s25, s6;
	[smem:$0x7F0] =	sst s11  }
0x30: {  	s13 =	sadd.s32 s25, s20;
	[dreg:$0x17] =	wrdreg s26  }
0x31: {  	s17 =	sadd.s32 s14, s6;
	[dreg:$0x18] =	wrdreg s13  }
0x32: {  	s22 =	sadd.s32 s14, s20;
	[dreg:$0x19] =	wrdreg s17  }
0x33: {  	s14 =	sadd.s32 $0x9000, s15;
	[dreg:$0x1a] =	wrdreg s22  }
0x34: {  	s19 =	sadd.s32 $0x1E, s10;
	s16 =	sadd.s32 $0xA000, s15;
	[smem:$0x7F3] =	sst s14  }
0x35: {  	s28 =	simm.s32 $0x50;
	s21 =	sadd.s32 s20, s19;
	[smem:$0x7F4] =	sst s16  }
0x36: {  	s10 =	sadd.s32 $0x28, s10;
	s23 =	sadd.s32 s6, s19;
	[smem:$0x7E5] =	sst s21  }
0x37: {  	s29 =	simm.s32 $0x400;
	s24 =	sadd.s32 s20, s10;
	[smem:$0x7E6] =	sst s23  }
0x38: {  	s30 =	simm.s32 $0x2C00;
	s25 =	sadd.s32 s6, s10;
	[smem:$0x7E7] =	sst s24  }
0x39: {  	s31 =	simm.s32 $0x100;
	s26 =	sadd.s32 $0x15600, s2;
	[smem:$0x7E8] =	sst s25  }
0x3a: {  	s1 =	simm.s32 $0x300;
	s2 =	smax.u32 s8, $0x1;
	[smem:$0x7EA] =	sst s26  }
0x3b: {  	s12 =	simm.s32 $0x5400;
	s8 =	sadd.s32 $0x3000, s15;
	[smem:$0x7EB] =	sst s2  }
0x3c: {  	s18 =	simm.s32 $0x1;
	s10 =	sadd.s32 $0x5000, s15;
	[smem:$0x7ED] =	sst s8  }
0x3d: {  	s9 =	simm.s32 $0x180;
	s13 =	sadd.s32 $0x8000, s15;
	[smem:$0x7EF] =	sst s10  }
0x3e: {  	s11 =	simm.s32 $0x2;
	s17 =	sadd.s32 $0xB000, s15;
	[smem:$0x7F2] =	sst s13  }
0x3f: {  	s19 =	sadd.s32 $0xD000, s15;
	s22 =	sadd.s32 $0xF000, s15;
	[smem:$0x7F5] =	sst s17  }
0x40: {  	s14 =	simm.s32 $0x8C00;
	s16 =	simm.s32 $0x8;
	[smem:$0x7F7] =	sst s19  }
0x41: {  	s21 =	sadd.s32 $0xE000, s15;
	[smem:$0x7F9] =	sst s22;
	s23 =	sadd.s32 $0x10000, s15  }
0x42: {  	s24 =	sadd.s32 $0x11000, s15;
	s25 =	sadd.s32 $0x12000, s15;
	s26 =	sadd.s32 $0x13000, s15  }
0x43: {  	s2 =	simm.s32 $0x3;
	s10 =	simm.s32 $0x380;
	[smem:$0x7F8] =	sst s21  }
0x44: {  	s13 =	simm.s32 $0x5;
	s15 =	simm.s32 $0x4;
	[smem:$0x7FA] =	sst s23  }
0x45: {  	s17 =	simm.s32 $0x6;
	s19 =	simm.s32 $0x9;
	[smem:$0x7FB] =	sst s24  }
0x46: {  	s22 =	simm.s32 $0x7;
	s8 =	simm.s32 $0x0;
	[smem:$0x7FC] =	sst s25  }
0x47: {  	[smem:$0x7FD] =	sst s26;
	s21 =	simm.s32 $0x8C80;
	s23 =	simm.s32 $0x200  }
0x48: {  	v0 =	vimm.f32 $0.0e+00;
	v1 =	vimm.f32 $1.000000000e+00;
	s24 =	simm.s32 $0x80;
	s26 =	simm.s32 $0x280;
	s25 =	simm.s32 $0xA  }
.LBB2_1:
0x49: {  	[smem:$0x7DD] =	sst s8;
	s8 =	simm.s32 $0x0;
	s20 =	simm.s32 $0x200  }
.LBB2_2:
0x4a: {  	p0 =	sne.s32 s20, $0x3E00;
	[tilespmem:s8+$0x7C70] =	vst v0  }
0x4b: {  	[tilespmem:s8+$0x7C00] =	vst v0  }
0x4c: {  	[tilespmem:s8+$0x7C10] =	vst v0  }
.Ltmp0:
0x4d: {  	[tilespmem:s8+$0x7C20] =	vst v0;
	(pc) =	sbr.rel @p0 .LBB2_2-.Ltmp0, $4  }
0x4e: {  	[tilespmem:s8+$0x7C30] =	vst v0  }
0x4f: {  	[tilespmem:s8+$0x7C40] =	vst v0  }
0x50: {  	[tilespmem:s8+$0x7C50] =	vst v0  }
0x51: {  	[tilespmem:s8+$0x7C60] =	vst v0;
	s8 =	sshra.s32 s20, $0x2;
	s20 =	sadd.s32 $0x200, s20  }
0x52: {  	[tilespmem:s8+$0x7C70] =	vst v0  }
0x53: {  	[tilespmem:s8+$0x7C00] =	vst v0  }
0x54: {  	[tilespmem:s8+$0x7C10] =	vst v0  }
0x55: {  	[tilespmem:s8+$0x7C20] =	vst v0  }
0x56: {  	[tilespmem:s8+$0x7C30] =	vst v0  }
0x57: {  	[tilespmem:s8+$0x7C40] =	vst v0  }
0x58: {  	[tilespmem:s8+$0x7C50] =	vst v0  }
0x59: {  	[tilespmem:s8+$0x7C60] =	vst v0  }
0x5a: {  	[tilespmem:$0x8C80] =	vst v0  }
0x5b: {  	[tilespmem:$0x8C90] =	vst v0  }
0x5c: {  	[tilespmem:$0x8CA0] =	vst v0  }
0x5d: {  	[tilespmem:$0x8CB0] =	vst v0  }
0x5e: {  	[tilespmem:$0x8CC0] =	vst v0  }
0x5f: {  	[tilespmem:$0x8CD0] =	vst v0  }
0x60: {  	[tilespmem:$0x8CE0] =	vst v0  }
0x61: {  	[tilespmem:$0x8CF0] =	vst v0  }
0x62: {  	[tilespmem:$0x8D00] =	vst v0  }
0x63: {  	[tilespmem:$0x8D10] =	vst v0  }
0x64: {  	[tilespmem:$0x8D20] =	vst v0  }
0x65: {  	[tilespmem:$0x8D30] =	vst v0  }
0x66: {  	[tilespmem:$0x8D40] =	vst v0  }
0x67: {  	[tilespmem:$0x8D50] =	vst v0  }
0x68: {  	[tilespmem:$0x8D60] =	vst v0  }
0x69: {  	[tilespmem:$0x8D70] =	vst v0  }
0x6a: {  	[tilespmem:$0x8D80] =	vst v0  }
0x6b: {  	[tilespmem:$0x8D90] =	vst v0  }
0x6c: {  	[tilespmem:$0x8DA0] =	vst v0  }
0x6d: {  	[tilespmem:$0x8DB0] =	vst v0  }
0x6e: {  	[tilespmem:$0x8DC0] =	vst v0  }
0x6f: {  	[tilespmem:$0x8DD0] =	vst v0  }
0x70: {  	[tilespmem:$0x8DE0] =	vst v0  }
0x71: {  	[tilespmem:$0x8DF0] =	vst v0  }
0x72: {  	[tilespmem:$0x8E00] =	vst v0  }
0x73: {  	[tilespmem:$0x8E10] =	vst v0  }
0x74: {  	[tilespmem:$0x8E20] =	vst v0  }
0x75: {  	[tilespmem:$0x8E30] =	vst v0  }
0x76: {  	[tilespmem:$0x8E40] =	vst v0  }
0x77: {  	[tilespmem:$0x8E50] =	vst v0  }
0x78: {  	[tilespmem:$0x8E60] =	vst v0  }
0x79: {  	[tilespmem:$0x8E70] =	vst v0  }
0x7a: {  	[tilespmem:$0x8E80] =	vst v0  }
0x7b: {  	[tilespmem:$0x8E90] =	vst v0  }
0x7c: {  	[tilespmem:$0x8EA0] =	vst v0  }
0x7d: {  	[tilespmem:$0x8EB0] =	vst v0  }
0x7e: {  	[tilespmem:$0x8EC0] =	vst v0  }
0x7f: {  	[tilespmem:$0x8ED0] =	vst v0  }
0x80: {  	[tilespmem:$0x8EE0] =	vst v0  }
0x81: {  	[tilespmem:$0x8EF0] =	vst v0  }
0x82: {  	[tilespmem:$0x8C00] =	vst v1  }
0x83: {  	[tilespmem:$0x8C10] =	vst v1  }
0x84: {  	[tilespmem:$0x8C20] =	vst v1  }
0x85: {  	[tilespmem:$0x8C30] =	vst v1  }
0x86: {  	s7 =	rddreg [dreg:$0x1d];
	s8 =	simm.s32 $0x7C00;
	s20 =	simm.s32 $0xB;
	[tilespmem:$0x8C40] =	vst v1  }
0x87: {  	[spmem:s7] =	stream.linear.scatter [tilespmem:s8], [sflag:$0xB], $0x1000, $0x38;
	[tilespmem:$0x1D180] =	vst v63  }
0x88: {  	_ =	swait.ge [sflag:s20], $0x1000  }
0x89: {  	[sflag:s20] =	ssyncset.done $0x0  }
0x8a: {  	s7 =	rddreg [dreg:$0x1e];
	[sflag:s20] =	ssyncadd.s32 $0xFFFFF000  }
0x8b: {  	[spmem:s7] =	stream.linear.scatter [tilespmem:s8], [sflag:$0xB], $0x1000, $0x38;
	[tilespmem:$0x1D180] =	vst v63  }
0x8c: {  	_ =	swait.ge [sflag:s20], $0x1000  }
0x8d: {  	[sflag:s20] =	ssyncset.done $0x0  }
0x8e: {  	s7 =	rddreg [dreg:$0x1f];
	[sflag:s20] =	ssyncadd.s32 $0xFFFFF000  }
0x8f: {  	[spmem:s7] =	stream.linear.scatter [tilespmem:s8], [sflag:$0xB], $0x1000, $0x38;
	[tilespmem:$0x1D180] =	vst v63  }
0x90: {  	_ =	swait.ge [sflag:s20], $0x1000  }
0x91: {  	s7 =	sld [smem:$0x7ED]  }
0x92: {  	[sflag:s20] =	ssyncset.done $0x0  }
0x93: {  	[sflag:s20] =	ssyncadd.s32 $0xFFFFF000  }
0x94: {  	[spmem:s7] =	stream.linear.scatter [tilespmem:s8], [sflag:$0xB], $0x1000, $0x38;
	[tilespmem:$0x1D180] =	vst v63  }
0x95: {  	_ =	swait.ge [sflag:s20], $0x1000  }
0x96: {  	s7 =	sld [smem:$0x7EE]  }
0x97: {  	[sflag:s20] =	ssyncset.done $0x0  }
0x98: {  	[sflag:s20] =	ssyncadd.s32 $0xFFFFF000  }
0x99: {  	[spmem:s7] =	stream.linear.scatter [tilespmem:s8], [sflag:$0xB], $0x1000, $0x38;
	[tilespmem:$0x1D180] =	vst v63  }
0x9a: {  	_ =	swait.ge [sflag:s20], $0x1000  }
0x9b: {  	s7 =	sld [smem:$0x7EF]  }
0x9c: {  	[sflag:s20] =	ssyncset.done $0x0  }
0x9d: {  	[sflag:s20] =	ssyncadd.s32 $0xFFFFF000  }
0x9e: {  	[spmem:s7] =	stream.linear.scatter [tilespmem:s8], [sflag:$0xB], $0x1000, $0x38;
	[tilespmem:$0x1D180] =	vst v63  }
0x9f: {  	_ =	swait.ge [sflag:s20], $0x1000  }
0xa0: {  	s7 =	sld [smem:$0x7F0]  }
0xa1: {  	[sflag:s20] =	ssyncset.done $0x0  }
0xa2: {  	[sflag:s20] =	ssyncadd.s32 $0xFFFFF000  }
0xa3: {  	[spmem:s7] =	stream.linear.scatter [tilespmem:s8], [sflag:$0xB], $0x1000, $0x38;
	[tilespmem:$0x1D180] =	vst v63  }
0xa4: {  	_ =	swait.ge [sflag:s20], $0x1000  }
0xa5: {  	s7 =	sld [smem:$0x7F1]  }
0xa6: {  	[sflag:s20] =	ssyncset.done $0x0  }
0xa7: {  	[sflag:s20] =	ssyncadd.s32 $0xFFFFF000  }
0xa8: {  	[spmem:s7] =	stream.linear.scatter [tilespmem:s8], [sflag:$0xB], $0x1000, $0x38;
	[tilespmem:$0x1D180] =	vst v63  }
0xa9: {  	_ =	swait.ge [sflag:s20], $0x1000  }
0xaa: {  	s7 =	sld [smem:$0x7F2]  }
0xab: {  	[sflag:s20] =	ssyncset.done $0x0  }
0xac: {  	[sflag:s20] =	ssyncadd.s32 $0xFFFFF000  }
0xad: {  	[spmem:s7] =	stream.linear.scatter [tilespmem:s8], [sflag:$0xB], $0x1000, $0x38;
	[tilespmem:$0x1D180] =	vst v63  }
0xae: {  	_ =	swait.ge [sflag:s20], $0x1000  }
0xaf: {  	s7 =	sld [smem:$0x7F3]  }
0xb0: {  	[sflag:s20] =	ssyncset.done $0x0  }
0xb1: {  	[sflag:s20] =	ssyncadd.s32 $0xFFFFF000  }
0xb2: {  	[spmem:s7] =	stream.linear.scatter [tilespmem:s8], [sflag:$0xB], $0x1000, $0x38;
	[tilespmem:$0x1D180] =	vst v63  }
0xb3: {  	_ =	swait.ge [sflag:s20], $0x1000  }
0xb4: {  	s7 =	sld [smem:$0x7F4]  }
0xb5: {  	[sflag:s20] =	ssyncset.done $0x0  }
0xb6: {  	[sflag:s20] =	ssyncadd.s32 $0xFFFFF000  }
0xb7: {  	[spmem:s7] =	stream.linear.scatter [tilespmem:s8], [sflag:$0xB], $0x1000, $0x38;
	[tilespmem:$0x1D180] =	vst v63  }
0xb8: {  	_ =	swait.ge [sflag:s20], $0x1000  }
0xb9: {  	s7 =	sld [smem:$0x7F5]  }
0xba: {  	[sflag:s20] =	ssyncset.done $0x0  }
0xbb: {  	[sflag:s20] =	ssyncadd.s32 $0xFFFFF000  }
0xbc: {  	[spmem:s7] =	stream.linear.scatter [tilespmem:s8], [sflag:$0xB], $0x1000, $0x38;
	[tilespmem:$0x1D180] =	vst v63  }
0xbd: {  	_ =	swait.ge [sflag:s20], $0x1000  }
0xbe: {  	s7 =	sld [smem:$0x7F6]  }
0xbf: {  	[sflag:s20] =	ssyncset.done $0x0  }
0xc0: {  	[sflag:s20] =	ssyncadd.s32 $0xFFFFF000  }
0xc1: {  	[spmem:s7] =	stream.linear.scatter [tilespmem:s8], [sflag:$0xB], $0x1000, $0x38;
	[tilespmem:$0x1D180] =	vst v63  }
0xc2: {  	_ =	swait.ge [sflag:s20], $0x1000  }
0xc3: {  	s7 =	sld [smem:$0x7F7]  }
0xc4: {  	[sflag:s20] =	ssyncset.done $0x0  }
0xc5: {  	[sflag:s20] =	ssyncadd.s32 $0xFFFFF000  }
0xc6: {  	[spmem:s7] =	stream.linear.scatter [tilespmem:s8], [sflag:$0xB], $0x1000, $0x38;
	[tilespmem:$0x1D180] =	vst v63  }
0xc7: {  	_ =	swait.ge [sflag:s20], $0x1000  }
0xc8: {  	s7 =	sld [smem:$0x7F8]  }
0xc9: {  	[sflag:s20] =	ssyncset.done $0x0  }
0xca: {  	[sflag:s20] =	ssyncadd.s32 $0xFFFFF000  }
0xcb: {  	[spmem:s7] =	stream.linear.scatter [tilespmem:s8], [sflag:$0xB], $0x1000, $0x38;
	[tilespmem:$0x1D180] =	vst v63  }
0xcc: {  	_ =	swait.ge [sflag:s20], $0x1000  }
0xcd: {  	s7 =	sld [smem:$0x7F9]  }
0xce: {  	[sflag:s20] =	ssyncset.done $0x0  }
0xcf: {  	[sflag:s20] =	ssyncadd.s32 $0xFFFFF000  }
0xd0: {  	[spmem:s7] =	stream.linear.scatter [tilespmem:s8], [sflag:$0xB], $0x1000, $0x38;
	[tilespmem:$0x1D180] =	vst v63  }
0xd1: {  	_ =	swait.ge [sflag:s20], $0x1000  }
0xd2: {  	s7 =	sld [smem:$0x7FA]  }
0xd3: {  	[sflag:s20] =	ssyncset.done $0x0  }
0xd4: {  	[sflag:s20] =	ssyncadd.s32 $0xFFFFF000  }
0xd5: {  	[spmem:s7] =	stream.linear.scatter [tilespmem:s8], [sflag:$0xB], $0x1000, $0x38;
	[tilespmem:$0x1D180] =	vst v63  }
0xd6: {  	_ =	swait.ge [sflag:s20], $0x1000  }
0xd7: {  	s7 =	sld [smem:$0x7FB]  }
0xd8: {  	[sflag:s20] =	ssyncset.done $0x0  }
0xd9: {  	[sflag:s20] =	ssyncadd.s32 $0xFFFFF000  }
0xda: {  	[spmem:s7] =	stream.linear.scatter [tilespmem:s8], [sflag:$0xB], $0x1000, $0x38;
	[tilespmem:$0x1D180] =	vst v63  }
0xdb: {  	_ =	swait.ge [sflag:s20], $0x1000  }
0xdc: {  	s7 =	sld [smem:$0x7FC]  }
0xdd: {  	[sflag:s20] =	ssyncset.done $0x0  }
0xde: {  	[sflag:s20] =	ssyncadd.s32 $0xFFFFF000  }
0xdf: {  	[spmem:s7] =	stream.linear.scatter [tilespmem:s8], [sflag:$0xB], $0x1000, $0x38;
	[tilespmem:$0x1D180] =	vst v63  }
0xe0: {  	_ =	swait.ge [sflag:s20], $0x1000  }
0xe1: {  	s7 =	sld [smem:$0x7FD]  }
0xe2: {  	[sflag:s20] =	ssyncset.done $0x0  }
0xe3: {  	[sflag:s20] =	ssyncadd.s32 $0xFFFFF000  }
0xe4: {  	[spmem:s7] =	stream.linear.scatter [tilespmem:s8], [sflag:$0xB], $0x1000, $0x38;
	[tilespmem:$0x1D180] =	vst v63  }
0xe5: {  	_ =	swait.ge [sflag:s20], $0x1000  }
0xe6: {  	s8 =	sld [smem:$0x7DE]  }
0xe7: {  	[sflag:s20] =	ssyncset.done $0x0  }
0xe8: {  	[sflag:s20] =	ssyncadd.s32 $0xFFFFF000  }
0xe9: {  	[spmem:s8] =	stream.linear.scatter [tilespmem:s21], [sflag:$0xB], $0x280, $0x38;
	[tilespmem:$0x1D180] =	vst v63  }
0xea: {  	_ =	swait.ge [sflag:s20], $0x280  }
0xeb: {  	[sflag:s20] =	ssyncset.done $0x0  }
0xec: {  	[sflag:s20] =	ssyncadd.s32 $0xFFFFFD80  }
0xed: {  	[bflag:$0x0] =	sbarrier.arrive $0xFFFF  }
0xee: {  	s21 =	sld [smem:$0x7DF];
	_ =	sdelay $0x1  }
0xef: {  	s8 =	simm.s32 $0x0  }
0xf0: {  	[tilespmem:s8], [sflag:$0xB] =	stream.linear.gather [hbm4b:s21+s8], $0x50, $0x38;
	[tilespmem:$0x1D180] =	vst v63  }
0xf1: {  	_ =	swait.ge [sflag:s20], $0x50  }
0xf2: {  	s21 =	sld [smem:$0x7E0]  }
0xf3: {  	[sflag:s20] =	ssyncset.done $0x0  }
0xf4: {  	[sflag:s20] =	ssyncadd.s32 $0xFFFFFFB0  }
0xf5: {  	[tilespmem:s23], [sflag:$0xB] =	stream.linear.gather [hbm4b:s21+s8], $0x50, $0x38;
	[tilespmem:$0x1D180] =	vst v63  }
0xf6: {  	_ =	swait.ge [sflag:s20], $0x50  }
0xf7: {  	s21 =	sld [smem:$0x7E1]  }
0xf8: {  	[sflag:s20] =	ssyncset.done $0x0  }
0xf9: {  	[sflag:s20] =	ssyncadd.s32 $0xFFFFFFB0  }
0xfa: {  	[tilespmem:s24], [sflag:$0xB] =	stream.linear.gather [hbm4b:s21+s8], $0x50, $0x38;
	[tilespmem:$0x1D180] =	vst v63  }
0xfb: {  	_ =	swait.ge [sflag:s20], $0x50  }
0xfc: {  	s21 =	sld [smem:$0x7E2]  }
0xfd: {  	[sflag:s20] =	ssyncset.done $0x0  }
0xfe: {  	[sflag:s20] =	ssyncadd.s32 $0xFFFFFFB0  }
0xff: {  	[tilespmem:s26], [sflag:$0xB] =	stream.linear.gather [hbm4b:s21+s8], $0x50, $0x38;
	[tilespmem:$0x1D180] =	vst v63  }
0x100: {  	_ =	swait.ge [sflag:s20], $0x50  }
0x101: {  	[sflag:s20] =	ssyncset.done $0x0  }
0x102: {  	[sflag:s20] =	ssyncadd.s32 $0xFFFFFFB0  }
0x103: {  	[tilespmem:s29], [sflag:$0x5] =	stream.indirect.gather [hbm4b:s0+s28], $0x80, s8, s28, $0xb8;
	[tilespmem:$0x1D180] =	vst v63  }
0x104: {  	s21 =	sld [smem:$0x7E3]  }
0x105: {  	[tilespmem:s30], [sflag:$0x6] =	stream.indirect.gather [hbm4b:s0+s28], $0x80, s24, s28, $0xb8;
	[tilespmem:$0x1D180] =	vst v63  }
0x106: {  	s20 =	sld [smem:$0x7E4]  }
0x107: {  	[tilespmem:s31], [sflag:$0x3] =	stream.linear.gather [hbm4b:s21+s8], $0x50, $0x38;
	[tilespmem:$0x1D180] =	vst v63  }
0x108: {  	_ = 	snop  }
0x109: {  	[tilespmem:s1], [sflag:$0x3] =	stream.linear.gather [hbm4b:s20+s8], $0x50, $0x38;
	[tilespmem:$0x1D180] =	vst v63  }
0x10a: {  	_ =	swait.ge [sflag:s2], $0x50  }
0x10b: {  	[sflag:s2] =	ssyncset.done $0x0  }
0x10c: {  	[sflag:s2] =	ssyncadd.s32 $0xFFFFFFB0  }
0x10d: {  	_ =	swait.ge [sflag:s2], $0x50  }
0x10e: {  	s21 =	sld [smem:$0x7E5]  }
0x10f: {  	[sflag:s2] =	ssyncset.done $0x0  }
0x110: {  	s20 =	sld [smem:$0x7E6];
	[sflag:s2] =	ssyncadd.s32 $0xFFFFFFB0  }
0x111: {  	[tilespmem:s9], [sflag:$0x4] =	stream.linear.gather [hbm4b:s21+s8], $0x50, $0x38;
	[tilespmem:$0x1D180] =	vst v63  }
0x112: {  	_ = 	snop  }
0x113: {  	[tilespmem:s10], [sflag:$0x4] =	stream.linear.gather [hbm4b:s20+s8], $0x50, $0x38;
	[tilespmem:$0x1D180] =	vst v63  }
0x114: {  	_ = 	snop  }
0x115: {  	[tilespmem:s12], [sflag:$0x7] =	stream.indirect.gather [hbm4b:s0+s28], $0x80, s31, s28, $0xb8;
	[tilespmem:$0x1D180] =	vst v63  }
0x116: {  	_ =	swait.ge [sflag:s13], $0x2800  }
0x117: {  	[sflag:s13] =	ssyncset.done $0x0  }
0x118: {  	[sflag:s13] =	ssyncadd.s32 $0xFFFFD800  }
0x119: {  	[spmem:s3] =	stream.indirect.scatter.add.f32 [tilespmem:s29], [sflag:$0x8], $0x80, s23, s28, $0xb8;
	[tilespmem:$0x1D180] =	vst v63  }
0x11a: {  	_ = 	snop  }
0x11b: {  	[spmem:s4] =	stream.indirect.scatter.add.f32 [tilespmem:s14], [sflag:$0x8], $0x1, s23, s28, $0xb8;
	[tilespmem:$0x1D180] =	vst v63  }
0x11c: {  	_ =	swait.ge [sflag:s15], $0x50  }
0x11d: {  	[sflag:s15] =	ssyncset.done $0x0  }
0x11e: {  	[sflag:s15] =	ssyncadd.s32 $0xFFFFFFB0  }
0x11f: {  	_ =	swait.ge [sflag:s15], $0x50  }
0x120: {  	[sflag:s15] =	ssyncset.done $0x0  }
0x121: {  	[sflag:s15] =	ssyncadd.s32 $0xFFFFFFB0  }
0x122: {  	_ =	swait.ge [sflag:s16], $0x2800  }
0x123: {  	[sflag:s16] =	ssyncset.done $0x0  }
0x124: {  	[sflag:s16] =	ssyncadd.s32 $0xFFFFD800  }
0x125: {  	_ =	swait.ge [sflag:s16], $0x50  }
0x126: {  	s21 =	sld [smem:$0x7E7]  }
0x127: {  	[sflag:s16] =	ssyncset.done $0x0  }
0x128: {  	s20 =	sld [smem:$0x7E8];
	[sflag:s16] =	ssyncadd.s32 $0xFFFFFFB0  }
0x129: {  	[tilespmem:s8], [sflag:$0x1] =	stream.linear.gather [hbm4b:s21+s8], $0x50, $0x38;
	[tilespmem:$0x1D180] =	vst v63  }
0x12a: {  	_ = 	snop  }
0x12b: {  	[tilespmem:s23], [sflag:$0x1] =	stream.linear.gather [hbm4b:s20+s8], $0x50, $0x38;
	[tilespmem:$0x1D180] =	vst v63  }
0x12c: {  	_ = 	snop  }
0x12d: {  	[tilespmem:s29], [sflag:$0x5] =	stream.indirect.gather [hbm4b:s0+s28], $0x80, s9, s28, $0xb8;
	[tilespmem:$0x1D180] =	vst v63  }
0x12e: {  	_ =	swait.ge [sflag:s17], $0x2800  }
0x12f: {  	[sflag:s17] =	ssyncset.done $0x0  }
0x130: {  	[sflag:s17] =	ssyncadd.s32 $0xFFFFD800  }
0x131: {  	[spmem:s3] =	stream.indirect.scatter.add.f32 [tilespmem:s30], [sflag:$0x9], $0x80, s26, s28, $0xb8;
	[tilespmem:$0x1D180] =	vst v63  }
0x132: {  	_ = 	snop  }
0x133: {  	[spmem:s4] =	stream.indirect.scatter.add.f32 [tilespmem:s14], [sflag:$0x9], $0x1, s26, s28, $0xb8;
	[tilespmem:$0x1D180] =	vst v63  }
0x134: {  	_ =	swait.ge [sflag:s18], $0x50  }
0x135: {  	[sflag:s18] =	ssyncset.done $0x0  }
0x136: {  	[sflag:s18] =	ssyncadd.s32 $0xFFFFFFB0  }
0x137: {  	_ =	swait.ge [sflag:s18], $0x50  }
0x138: {  	[sflag:s18] =	ssyncset.done $0x0  }
0x139: {  	[sflag:s18] =	ssyncadd.s32 $0xFFFFFFB0  }
0x13a: {  	_ =	swait.ge [sflag:s19], $0x2800  }
0x13b: {  	[sflag:s19] =	ssyncset.done $0x0  }
0x13c: {  	[sflag:s19] =	ssyncadd.s32 $0xFFFFD800  }
0x13d: {  	_ =	swait.ge [sflag:s19], $0x50  }
0x13e: {  	s21 =	rddreg [dreg:$0x1a];
	[sflag:s19] =	ssyncset.done $0x0  }
0x13f: {  	s7 =	rddreg [dreg:$0x19];
	[sflag:s19] =	ssyncadd.s32 $0xFFFFFFB0;
	s8 =	sadd.s32 $0x0, s21  }
0x140: {  	[tilespmem:s24], [sflag:$0x2] =	stream.linear.gather [hbm4b:s8+s5], $0x50, $0x38;
	[tilespmem:$0x1D180] =	vst v63  }
0x141: {  	s20 =	sadd.s32 $0x0, s7  }
0x142: {  	[tilespmem:s26], [sflag:$0x2] =	stream.linear.gather [hbm4b:s20+s5], $0x50, $0x38;
	[tilespmem:$0x1D180] =	vst v63  }
0x143: {  	_ = 	snop  }
0x144: {  	[tilespmem:s30], [sflag:$0x6] =	stream.indirect.gather [hbm4b:s0+s28], $0x80, s5, s28, $0xb8;
	[tilespmem:$0x1D180] =	vst v63  }
0x145: {  	_ =	swait.ge [sflag:s22], $0x2800  }
0x146: {  	[sflag:s22] =	ssyncset.done $0x0  }
0x147: {  	[sflag:s22] =	ssyncadd.s32 $0xFFFFD800  }
0x148: {  	[spmem:s3] =	stream.indirect.scatter.add.f32 [tilespmem:s12], [sflag:$0xA], $0x80, s1, s28, $0xb8;
	[tilespmem:$0x1D180] =	vst v63  }
0x149: {  	_ = 	snop  }
0x14a: {  	[spmem:s4] =	stream.indirect.scatter.add.f32 [tilespmem:s14], [sflag:$0xA], $0x1, s1, s28, $0xb8;
	[tilespmem:$0x1D180] =	vst v63  }
0x14b: {  	_ =	swait.ge [sflag:s11], $0x50  }
0x14c: {  	[sflag:s11] =	ssyncset.done $0x0  }
0x14d: {  	[sflag:s11] =	ssyncadd.s32 $0xFFFFFFB0  }
0x14e: {  	_ =	swait.ge [sflag:s11], $0x50  }
0x14f: {  	[sflag:s11] =	ssyncset.done $0x0  }
0x150: {  	[sflag:s11] =	ssyncadd.s32 $0xFFFFFFB0  }
0x151: {  	_ =	swait.ge [sflag:s25], $0x2800  }
0x152: {  	[sflag:s25] =	ssyncset.done $0x0  }
0x153: {  	[sflag:s25] =	ssyncadd.s32 $0xFFFFD800  }
0x154: {  	_ =	swait.ge [sflag:s25], $0x50  }
0x155: {  	s21 =	rddreg [dreg:$0x18];
	[sflag:s25] =	ssyncset.done $0x0  }
0x156: {  	s7 =	rddreg [dreg:$0x17];
	[sflag:s25] =	ssyncadd.s32 $0xFFFFFFB0;
	s8 =	sadd.s32 $0x0, s21  }
0x157: {  	[tilespmem:s31], [sflag:$0x3] =	stream.linear.gather [hbm4b:s8+s5], $0x50, $0x38;
	[tilespmem:$0x1D180] =	vst v63  }
0x158: {  	s20 =	sadd.s32 $0x0, s7  }
0x159: {  	[tilespmem:s1], [sflag:$0x3] =	stream.linear.gather [hbm4b:s20+s5], $0x50, $0x38;
	[tilespmem:$0x1D180] =	vst v63  }
0x15a: {  	_ = 	snop  }
0x15b: {  	[tilespmem:s12], [sflag:$0x7] =	stream.indirect.gather [hbm4b:s0+s28], $0x80, s24, s28, $0xb8;
	[tilespmem:$0x1D180] =	vst v63  }
0x15c: {  	_ =	swait.ge [sflag:s13], $0x2800  }
0x15d: {  	[sflag:s13] =	ssyncset.done $0x0  }
0x15e: {  	[sflag:s13] =	ssyncadd.s32 $0xFFFFD800  }
0x15f: {  	[spmem:s3] =	stream.indirect.scatter.add.f32 [tilespmem:s29], [sflag:$0x8], $0x80, s10, s28, $0xb8;
	[tilespmem:$0x1D180] =	vst v63  }
0x160: {  	_ = 	snop  }
0x161: {  	[spmem:s4] =	stream.indirect.scatter.add.f32 [tilespmem:s14], [sflag:$0x8], $0x1, s10, s28, $0xb8;
	[tilespmem:$0x1D180] =	vst v63  }
0x162: {  	_ =	swait.ge [sflag:s2], $0x50  }
0x163: {  	[sflag:s2] =	ssyncset.done $0x0  }
0x164: {  	[sflag:s2] =	ssyncadd.s32 $0xFFFFFFB0  }
0x165: {  	_ =	swait.ge [sflag:s2], $0x50  }
0x166: {  	[sflag:s2] =	ssyncset.done $0x0  }
0x167: {  	[sflag:s2] =	ssyncadd.s32 $0xFFFFFFB0  }
0x168: {  	_ =	swait.ge [sflag:s16], $0x2800  }
0x169: {  	[sflag:s16] =	ssyncset.done $0x0  }
0x16a: {  	[sflag:s16] =	ssyncadd.s32 $0xFFFFD800  }
0x16b: {  	_ =	swait.ge [sflag:s16], $0x50  }
0x16c: {  	s21 =	rddreg [dreg:$0x16];
	[sflag:s16] =	ssyncset.done $0x0  }
0x16d: {  	s7 =	rddreg [dreg:$0x15];
	[sflag:s16] =	ssyncadd.s32 $0xFFFFFFB0;
	s8 =	sadd.s32 $0x0, s21  }
0x16e: {  	[tilespmem:s9], [sflag:$0x4] =	stream.linear.gather [hbm4b:s8+s5], $0x50, $0x38;
	[tilespmem:$0x1D180] =	vst v63  }
0x16f: {  	s20 =	sadd.s32 $0x0, s7  }
0x170: {  	[tilespmem:s10], [sflag:$0x4] =	stream.linear.gather [hbm4b:s20+s5], $0x50, $0x38;
	[tilespmem:$0x1D180] =	vst v63  }
0x171: {  	_ = 	snop  }
0x172: {  	[tilespmem:s29], [sflag:$0x5] =	stream.indirect.gather [hbm4b:s0+s28], $0x80, s31, s28, $0xb8;
	[tilespmem:$0x1D180] =	vst v63  }
0x173: {  	_ =	swait.ge [sflag:s17], $0x2800  }
0x174: {  	[sflag:s17] =	ssyncset.done $0x0  }
0x175: {  	[sflag:s17] =	ssyncadd.s32 $0xFFFFD800  }
0x176: {  	[spmem:s3] =	stream.indirect.scatter.add.f32 [tilespmem:s30], [sflag:$0x9], $0x80, s23, s28, $0xb8;
	[tilespmem:$0x1D180] =	vst v63  }
0x177: {  	_ = 	snop  }
0x178: {  	[spmem:s4] =	stream.indirect.scatter.add.f32 [tilespmem:s14], [sflag:$0x9], $0x1, s23, s28, $0xb8;
	[tilespmem:$0x1D180] =	vst v63  }
0x179: {  	_ =	swait.ge [sflag:s15], $0x50  }
0x17a: {  	[sflag:s15] =	ssyncset.done $0x0  }
0x17b: {  	[sflag:s15] =	ssyncadd.s32 $0xFFFFFFB0  }
0x17c: {  	_ =	swait.ge [sflag:s15], $0x50  }
0x17d: {  	[sflag:s15] =	ssyncset.done $0x0  }
0x17e: {  	[sflag:s15] =	ssyncadd.s32 $0xFFFFFFB0  }
0x17f: {  	_ =	swait.ge [sflag:s19], $0x2800  }
0x180: {  	[sflag:s19] =	ssyncset.done $0x0  }
0x181: {  	[sflag:s19] =	ssyncadd.s32 $0xFFFFD800  }
0x182: {  	_ =	swait.ge [sflag:s19], $0x50  }
0x183: {  	s21 =	rddreg [dreg:$0x14];
	[sflag:s19] =	ssyncset.done $0x0  }
0x184: {  	s7 =	rddreg [dreg:$0x13];
	[sflag:s19] =	ssyncadd.s32 $0xFFFFFFB0;
	s8 =	sadd.s32 $0x0, s21  }
0x185: {  	[tilespmem:s5], [sflag:$0x1] =	stream.linear.gather [hbm4b:s8+s5], $0x50, $0x38;
	[tilespmem:$0x1D180] =	vst v63  }
0x186: {  	s20 =	sadd.s32 $0x0, s7  }
0x187: {  	[tilespmem:s23], [sflag:$0x1] =	stream.linear.gather [hbm4b:s20+s5], $0x50, $0x38;
	[tilespmem:$0x1D180] =	vst v63  }
0x188: {  	_ = 	snop  }
0x189: {  	[tilespmem:s30], [sflag:$0x6] =	stream.indirect.gather [hbm4b:s0+s28], $0x80, s9, s28, $0xb8;
	[tilespmem:$0x1D180] =	vst v63  }
0x18a: {  	_ =	swait.ge [sflag:s22], $0x2800  }
0x18b: {  	[sflag:s22] =	ssyncset.done $0x0  }
0x18c: {  	[sflag:s22] =	ssyncadd.s32 $0xFFFFD800  }
0x18d: {  	[spmem:s3] =	stream.indirect.scatter.add.f32 [tilespmem:s12], [sflag:$0xA], $0x80, s26, s28, $0xb8;
	[tilespmem:$0x1D180] =	vst v63  }
0x18e: {  	_ = 	snop  }
0x18f: {  	[spmem:s4] =	stream.indirect.scatter.add.f32 [tilespmem:s14], [sflag:$0xA], $0x1, s26, s28, $0xb8;
	[tilespmem:$0x1D180] =	vst v63  }
0x190: {  	_ =	swait.ge [sflag:s18], $0x50  }
0x191: {  	[sflag:s18] =	ssyncset.done $0x0  }
0x192: {  	[sflag:s18] =	ssyncadd.s32 $0xFFFFFFB0  }
0x193: {  	_ =	swait.ge [sflag:s18], $0x50  }
0x194: {  	[sflag:s18] =	ssyncset.done $0x0  }
0x195: {  	[sflag:s18] =	ssyncadd.s32 $0xFFFFFFB0  }
0x196: {  	_ =	swait.ge [sflag:s25], $0x2800  }
0x197: {  	[sflag:s25] =	ssyncset.done $0x0  }
0x198: {  	[sflag:s25] =	ssyncadd.s32 $0xFFFFD800  }
0x199: {  	_ =	swait.ge [sflag:s25], $0x50  }
0x19a: {  	s21 =	rddreg [dreg:$0x12];
	[sflag:s25] =	ssyncset.done $0x0  }
0x19b: {  	s7 =	rddreg [dreg:$0x11];
	[sflag:s25] =	ssyncadd.s32 $0xFFFFFFB0;
	s8 =	sadd.s32 $0x0, s21  }
0x19c: {  	[tilespmem:s24], [sflag:$0x2] =	stream.linear.gather [hbm4b:s8+s5], $0x50, $0x38;
	[tilespmem:$0x1D180] =	vst v63  }
0x19d: {  	s20 =	sadd.s32 $0x0, s7  }
0x19e: {  	[tilespmem:s26], [sflag:$0x2] =	stream.linear.gather [hbm4b:s20+s5], $0x50, $0x38;
	[tilespmem:$0x1D180] =	vst v63  }
0x19f: {  	_ = 	snop  }
0x1a0: {  	[tilespmem:s12], [sflag:$0x7] =	stream.indirect.gather [hbm4b:s0+s28], $0x80, s5, s28, $0xb8;
	[tilespmem:$0x1D180] =	vst v63  }
0x1a1: {  	_ =	swait.ge [sflag:s13], $0x2800  }
0x1a2: {  	[sflag:s13] =	ssyncset.done $0x0  }
0x1a3: {  	[sflag:s13] =	ssyncadd.s32 $0xFFFFD800  }
0x1a4: {  	[spmem:s3] =	stream.indirect.scatter.add.f32 [tilespmem:s29], [sflag:$0x8], $0x80, s1, s28, $0xb8;
	[tilespmem:$0x1D180] =	vst v63  }
0x1a5: {  	_ = 	snop  }
0x1a6: {  	[spmem:s4] =	stream.indirect.scatter.add.f32 [tilespmem:s14], [sflag:$0x8], $0x1, s1, s28, $0xb8;
	[tilespmem:$0x1D180] =	vst v63  }
0x1a7: {  	_ =	swait.ge [sflag:s11], $0x50  }
0x1a8: {  	[sflag:s11] =	ssyncset.done $0x0  }
0x1a9: {  	[sflag:s11] =	ssyncadd.s32 $0xFFFFFFB0  }
0x1aa: {  	_ =	swait.ge [sflag:s11], $0x50  }
0x1ab: {  	[sflag:s11] =	ssyncset.done $0x0  }
0x1ac: {  	[sflag:s11] =	ssyncadd.s32 $0xFFFFFFB0  }
0x1ad: {  	_ =	swait.ge [sflag:s16], $0x2800  }
0x1ae: {  	[sflag:s16] =	ssyncset.done $0x0  }
0x1af: {  	[sflag:s16] =	ssyncadd.s32 $0xFFFFD800  }
0x1b0: {  	_ =	swait.ge [sflag:s16], $0x50  }
0x1b1: {  	s21 =	rddreg [dreg:$0x10];
	[sflag:s16] =	ssyncset.done $0x0  }
0x1b2: {  	s7 =	rddreg [dreg:$0xf];
	[sflag:s16] =	ssyncadd.s32 $0xFFFFFFB0;
	s8 =	sadd.s32 $0x0, s21  }
0x1b3: {  	[tilespmem:s31], [sflag:$0x3] =	stream.linear.gather [hbm4b:s8+s5], $0x50, $0x38;
	[tilespmem:$0x1D180] =	vst v63  }
0x1b4: {  	s20 =	sadd.s32 $0x0, s7  }
0x1b5: {  	[tilespmem:s1], [sflag:$0x3] =	stream.linear.gather [hbm4b:s20+s5], $0x50, $0x38;
	[tilespmem:$0x1D180] =	vst v63  }
0x1b6: {  	_ = 	snop  }
0x1b7: {  	[tilespmem:s29], [sflag:$0x5] =	stream.indirect.gather [hbm4b:s0+s28], $0x80, s24, s28, $0xb8;
	[tilespmem:$0x1D180] =	vst v63  }
0x1b8: {  	_ =	swait.ge [sflag:s17], $0x2800  }
0x1b9: {  	[sflag:s17] =	ssyncset.done $0x0  }
0x1ba: {  	[sflag:s17] =	ssyncadd.s32 $0xFFFFD800  }
0x1bb: {  	[spmem:s3] =	stream.indirect.scatter.add.f32 [tilespmem:s30], [sflag:$0x9], $0x80, s10, s28, $0xb8;
	[tilespmem:$0x1D180] =	vst v63  }
0x1bc: {  	_ = 	snop  }
0x1bd: {  	[spmem:s4] =	stream.indirect.scatter.add.f32 [tilespmem:s14], [sflag:$0x9], $0x1, s10, s28, $0xb8;
	[tilespmem:$0x1D180] =	vst v63  }
0x1be: {  	_ =	swait.ge [sflag:s2], $0x50  }
0x1bf: {  	[sflag:s2] =	ssyncset.done $0x0  }
0x1c0: {  	[sflag:s2] =	ssyncadd.s32 $0xFFFFFFB0  }
0x1c1: {  	_ =	swait.ge [sflag:s2], $0x50  }
0x1c2: {  	[sflag:s2] =	ssyncset.done $0x0  }
0x1c3: {  	[sflag:s2] =	ssyncadd.s32 $0xFFFFFFB0  }
0x1c4: {  	_ =	swait.ge [sflag:s19], $0x2800  }
0x1c5: {  	[sflag:s19] =	ssyncset.done $0x0  }
0x1c6: {  	[sflag:s19] =	ssyncadd.s32 $0xFFFFD800  }
0x1c7: {  	_ =	swait.ge [sflag:s19], $0x50  }
0x1c8: {  	s21 =	rddreg [dreg:$0xe];
	[sflag:s19] =	ssyncset.done $0x0  }
0x1c9: {  	s7 =	rddreg [dreg:$0xd];
	[sflag:s19] =	ssyncadd.s32 $0xFFFFFFB0;
	s8 =	sadd.s32 $0x0, s21  }
0x1ca: {  	[tilespmem:s9], [sflag:$0x4] =	stream.linear.gather [hbm4b:s8+s5], $0x50, $0x38;
	[tilespmem:$0x1D180] =	vst v63  }
0x1cb: {  	s20 =	sadd.s32 $0x0, s7  }
0x1cc: {  	[tilespmem:s10], [sflag:$0x4] =	stream.linear.gather [hbm4b:s20+s5], $0x50, $0x38;
	[tilespmem:$0x1D180] =	vst v63  }
0x1cd: {  	_ = 	snop  }
0x1ce: {  	[tilespmem:s30], [sflag:$0x6] =	stream.indirect.gather [hbm4b:s0+s28], $0x80, s31, s28, $0xb8;
	[tilespmem:$0x1D180] =	vst v63  }
0x1cf: {  	_ =	swait.ge [sflag:s22], $0x2800  }
0x1d0: {  	[sflag:s22] =	ssyncset.done $0x0  }
0x1d1: {  	[sflag:s22] =	ssyncadd.s32 $0xFFFFD800  }
0x1d2: {  	[spmem:s3] =	stream.indirect.scatter.add.f32 [tilespmem:s12], [sflag:$0xA], $0x80, s23, s28, $0xb8;
	[tilespmem:$0x1D180] =	vst v63  }
0x1d3: {  	_ = 	snop  }
0x1d4: {  	[spmem:s4] =	stream.indirect.scatter.add.f32 [tilespmem:s14], [sflag:$0xA], $0x1, s23, s28, $0xb8;
	[tilespmem:$0x1D180] =	vst v63  }
0x1d5: {  	_ =	swait.ge [sflag:s15], $0x50  }
0x1d6: {  	[sflag:s15] =	ssyncset.done $0x0  }
0x1d7: {  	[sflag:s15] =	ssyncadd.s32 $0xFFFFFFB0  }
0x1d8: {  	_ =	swait.ge [sflag:s15], $0x50  }
0x1d9: {  	[sflag:s15] =	ssyncset.done $0x0  }
0x1da: {  	[sflag:s15] =	ssyncadd.s32 $0xFFFFFFB0  }
0x1db: {  	_ =	swait.ge [sflag:s25], $0x2800  }
0x1dc: {  	[sflag:s25] =	ssyncset.done $0x0  }
0x1dd: {  	[sflag:s25] =	ssyncadd.s32 $0xFFFFD800  }
0x1de: {  	_ =	swait.ge [sflag:s25], $0x50  }
0x1df: {  	s7 =	sld [smem:$0x7EC];
	_ =	sdelay $0x2  }
0x1e0: {  	[sflag:s25] =	ssyncset.done $0x0;
	s21 =	rddreg [dreg:$0x1b];
	s8 =	sshrl.u32 s7, $0x3  }
0x1e1: {  	[sflag:s25] =	ssyncadd.s32 $0xFFFFFFB0;
	s20 =	sadd.s32 s21, s8  }
0x1e2: {  	[tilespmem:s5], [sflag:$0x1] =	stream.linear.gather [hbm4b:s20+s5], $0x50, $0x38;
	[tilespmem:$0x1D180] =	vst v63  }
0x1e3: {  	s8 =	sadd.s32 s6, s8  }
0x1e4: {  	[tilespmem:s23], [sflag:$0x1] =	stream.linear.gather [hbm4b:s8+s5], $0x50, $0x38;
	[tilespmem:$0x1D180] =	vst v63  }
0x1e5: {  	_ = 	snop  }
0x1e6: {  	[tilespmem:s12], [sflag:$0x7] =	stream.indirect.gather [hbm4b:s0+s28], $0x80, s9, s28, $0xb8;
	[tilespmem:$0x1D180] =	vst v63  }
0x1e7: {  	_ =	swait.ge [sflag:s13], $0x2800  }
0x1e8: {  	[sflag:s13] =	ssyncset.done $0x0  }
0x1e9: {  	[sflag:s13] =	ssyncadd.s32 $0xFFFFD800  }
0x1ea: {  	[spmem:s3] =	stream.indirect.scatter.add.f32 [tilespmem:s29], [sflag:$0x8], $0x80, s26, s28, $0xb8;
	[tilespmem:$0x1D180] =	vst v63  }
0x1eb: {  	_ = 	snop  }
0x1ec: {  	[spmem:s4] =	stream.indirect.scatter.add.f32 [tilespmem:s14], [sflag:$0x8], $0x1, s26, s28, $0xb8;
	[tilespmem:$0x1D180] =	vst v63  }
0x1ed: {  	_ =	swait.ge [sflag:s18], $0x50  }
0x1ee: {  	[sflag:s18] =	ssyncset.done $0x0  }
0x1ef: {  	[sflag:s18] =	ssyncadd.s32 $0xFFFFFFB0  }
0x1f0: {  	_ =	swait.ge [sflag:s18], $0x50  }
0x1f1: {  	[sflag:s18] =	ssyncset.done $0x0  }
0x1f2: {  	[sflag:s18] =	ssyncadd.s32 $0xFFFFFFB0  }
0x1f3: {  	_ =	swait.ge [sflag:s16], $0x2800  }
0x1f4: {  	[sflag:s16] =	ssyncset.done $0x0  }
0x1f5: {  	[sflag:s16] =	ssyncadd.s32 $0xFFFFD800  }
0x1f6: {  	_ =	swait.ge [sflag:s16], $0x50  }
0x1f7: {  	s21 =	rddreg [dreg:$0xc];
	[sflag:s16] =	ssyncset.done $0x0  }
0x1f8: {  	s6 =	rddreg [dreg:$0xb];
	[sflag:s16] =	ssyncadd.s32 $0xFFFFFFB0;
	s8 =	sadd.s32 $0x0, s21  }
0x1f9: {  	[tilespmem:s24], [sflag:$0x2] =	stream.linear.gather [hbm4b:s8+s5], $0x50, $0x38;
	[tilespmem:$0x1D180] =	vst v63  }
0x1fa: {  	s20 =	sadd.s32 $0x0, s6  }
0x1fb: {  	[tilespmem:s26], [sflag:$0x2] =	stream.linear.gather [hbm4b:s20+s5], $0x50, $0x38;
	[tilespmem:$0x1D180] =	vst v63  }
0x1fc: {  	_ = 	snop  }
0x1fd: {  	[tilespmem:s29], [sflag:$0x5] =	stream.indirect.gather [hbm4b:s0+s28], $0x80, s5, s28, $0xb8;
	[tilespmem:$0x1D180] =	vst v63  }
0x1fe: {  	_ =	swait.ge [sflag:s17], $0x2800  }
0x1ff: {  	[sflag:s17] =	ssyncset.done $0x0  }
0x200: {  	[sflag:s17] =	ssyncadd.s32 $0xFFFFD800  }
0x201: {  	[spmem:s3] =	stream.indirect.scatter.add.f32 [tilespmem:s30], [sflag:$0x9], $0x80, s1, s28, $0xb8;
	[tilespmem:$0x1D180] =	vst v63  }
0x202: {  	_ = 	snop  }
0x203: {  	[spmem:s4] =	stream.indirect.scatter.add.f32 [tilespmem:s14], [sflag:$0x9], $0x1, s1, s28, $0xb8;
	[tilespmem:$0x1D180] =	vst v63  }
0x204: {  	_ =	swait.ge [sflag:s11], $0x50  }
0x205: {  	[sflag:s11] =	ssyncset.done $0x0  }
0x206: {  	[sflag:s11] =	ssyncadd.s32 $0xFFFFFFB0  }
0x207: {  	_ =	swait.ge [sflag:s11], $0x50  }
0x208: {  	[sflag:s11] =	ssyncset.done $0x0  }
0x209: {  	[sflag:s11] =	ssyncadd.s32 $0xFFFFFFB0  }
0x20a: {  	_ =	swait.ge [sflag:s19], $0x2800  }
0x20b: {  	[sflag:s19] =	ssyncset.done $0x0  }
0x20c: {  	[sflag:s19] =	ssyncadd.s32 $0xFFFFD800  }
0x20d: {  	_ =	swait.ge [sflag:s19], $0x50  }
0x20e: {  	s21 =	rddreg [dreg:$0xa];
	[sflag:s19] =	ssyncset.done $0x0  }
0x20f: {  	s6 =	rddreg [dreg:$0x9];
	[sflag:s19] =	ssyncadd.s32 $0xFFFFFFB0;
	s8 =	sadd.s32 $0x0, s21  }
0x210: {  	[tilespmem:s31], [sflag:$0x3] =	stream.linear.gather [hbm4b:s8+s5], $0x50, $0x38;
	[tilespmem:$0x1D180] =	vst v63  }
0x211: {  	s20 =	sadd.s32 $0x0, s6  }
0x212: {  	[tilespmem:s1], [sflag:$0x3] =	stream.linear.gather [hbm4b:s20+s5], $0x50, $0x38;
	[tilespmem:$0x1D180] =	vst v63  }
0x213: {  	_ = 	snop  }
0x214: {  	[tilespmem:s30], [sflag:$0x6] =	stream.indirect.gather [hbm4b:s0+s28], $0x80, s24, s28, $0xb8;
	[tilespmem:$0x1D180] =	vst v63  }
0x215: {  	_ =	swait.ge [sflag:s22], $0x2800  }
0x216: {  	[sflag:s22] =	ssyncset.done $0x0  }
0x217: {  	[sflag:s22] =	ssyncadd.s32 $0xFFFFD800  }
0x218: {  	[spmem:s3] =	stream.indirect.scatter.add.f32 [tilespmem:s12], [sflag:$0xA], $0x80, s10, s28, $0xb8;
	[tilespmem:$0x1D180] =	vst v63  }
0x219: {  	_ = 	snop  }
0x21a: {  	[spmem:s4] =	stream.indirect.scatter.add.f32 [tilespmem:s14], [sflag:$0xA], $0x1, s10, s28, $0xb8;
	[tilespmem:$0x1D180] =	vst v63  }
0x21b: {  	_ =	swait.ge [sflag:s2], $0x50  }
0x21c: {  	[sflag:s2] =	ssyncset.done $0x0  }
0x21d: {  	[sflag:s2] =	ssyncadd.s32 $0xFFFFFFB0  }
0x21e: {  	_ =	swait.ge [sflag:s2], $0x50  }
0x21f: {  	[sflag:s2] =	ssyncset.done $0x0  }
0x220: {  	[sflag:s2] =	ssyncadd.s32 $0xFFFFFFB0  }
0x221: {  	_ =	swait.ge [sflag:s25], $0x2800  }
0x222: {  	[sflag:s25] =	ssyncset.done $0x0  }
0x223: {  	[sflag:s25] =	ssyncadd.s32 $0xFFFFD800  }
0x224: {  	_ =	swait.ge [sflag:s25], $0x50  }
0x225: {  	s21 =	rddreg [dreg:$0x8];
	[sflag:s25] =	ssyncset.done $0x0  }
0x226: {  	s6 =	rddreg [dreg:$0x7];
	[sflag:s25] =	ssyncadd.s32 $0xFFFFFFB0;
	s8 =	sadd.s32 $0x0, s21  }
0x227: {  	[tilespmem:s9], [sflag:$0x4] =	stream.linear.gather [hbm4b:s8+s5], $0x50, $0x38;
	[tilespmem:$0x1D180] =	vst v63  }
0x228: {  	s20 =	sadd.s32 $0x0, s6  }
0x229: {  	[tilespmem:s10], [sflag:$0x4] =	stream.linear.gather [hbm4b:s20+s5], $0x50, $0x38;
	[tilespmem:$0x1D180] =	vst v63  }
0x22a: {  	_ = 	snop  }
0x22b: {  	[tilespmem:s12], [sflag:$0x7] =	stream.indirect.gather [hbm4b:s0+s28], $0x80, s31, s28, $0xb8;
	[tilespmem:$0x1D180] =	vst v63  }
0x22c: {  	_ =	swait.ge [sflag:s13], $0x2800  }
0x22d: {  	[sflag:s13] =	ssyncset.done $0x0  }
0x22e: {  	[sflag:s13] =	ssyncadd.s32 $0xFFFFD800  }
0x22f: {  	[spmem:s3] =	stream.indirect.scatter.add.f32 [tilespmem:s29], [sflag:$0x8], $0x80, s23, s28, $0xb8;
	[tilespmem:$0x1D180] =	vst v63  }
0x230: {  	_ = 	snop  }
0x231: {  	[spmem:s4] =	stream.indirect.scatter.add.f32 [tilespmem:s14], [sflag:$0x8], $0x1, s23, s28, $0xb8;
	[tilespmem:$0x1D180] =	vst v63  }
0x232: {  	_ =	swait.ge [sflag:s15], $0x50  }
0x233: {  	[sflag:s15] =	ssyncset.done $0x0  }
0x234: {  	[sflag:s15] =	ssyncadd.s32 $0xFFFFFFB0  }
0x235: {  	_ =	swait.ge [sflag:s15], $0x50  }
0x236: {  	[sflag:s15] =	ssyncset.done $0x0  }
0x237: {  	[sflag:s15] =	ssyncadd.s32 $0xFFFFFFB0  }
0x238: {  	_ =	swait.ge [sflag:s16], $0x2800  }
0x239: {  	[sflag:s16] =	ssyncset.done $0x0  }
0x23a: {  	[sflag:s16] =	ssyncadd.s32 $0xFFFFD800  }
0x23b: {  	_ =	swait.ge [sflag:s16], $0x50  }
0x23c: {  	s21 =	rddreg [dreg:$0x6];
	[sflag:s16] =	ssyncset.done $0x0  }
0x23d: {  	s6 =	rddreg [dreg:$0x5];
	[sflag:s16] =	ssyncadd.s32 $0xFFFFFFB0;
	s8 =	sadd.s32 $0x0, s21  }
0x23e: {  	[tilespmem:s5], [sflag:$0x1] =	stream.linear.gather [hbm4b:s8+s5], $0x50, $0x38;
	[tilespmem:$0x1D180] =	vst v63  }
0x23f: {  	s21 =	sadd.s32 $0x0, s6  }
0x240: {  	[tilespmem:s23], [sflag:$0x1] =	stream.linear.gather [hbm4b:s21+s5], $0x50, $0x38;
	[tilespmem:$0x1D180] =	vst v63  }
0x241: {  	_ = 	snop  }
0x242: {  	[tilespmem:s29], [sflag:$0x5] =	stream.indirect.gather [hbm4b:s0+s28], $0x80, s9, s28, $0xb8;
	[tilespmem:$0x1D180] =	vst v63  }
0x243: {  	_ =	swait.ge [sflag:s17], $0x2800  }
0x244: {  	[sflag:s17] =	ssyncset.done $0x0  }
0x245: {  	s20 =	sadd.s32 $0x3C0, s7;
	s8 =	simm.s32 $0x78;
	[sflag:s17] =	ssyncadd.s32 $0xFFFFD800  }
0x246: {  	[spmem:s3] =	stream.indirect.scatter.add.f32 [tilespmem:s30], [sflag:$0x9], $0x80, s26, s28, $0xb8;
	[tilespmem:$0x1D180] =	vst v63  }
.LBB2_4:
0x247: {  	[spmem:s4] =	stream.indirect.scatter.add.f32 [tilespmem:s14], [sflag:$0x9], $0x1, s26, s28, $0xb8;
	[tilespmem:$0x1D180] =	vst v63  }
0x248: {  	_ =	swait.ge [sflag:s18], $0x50  }
0x249: {  	[sflag:s18] =	ssyncset.done $0x0  }
0x24a: {  	[sflag:s18] =	ssyncadd.s32 $0xFFFFFFB0  }
0x24b: {  	_ =	swait.ge [sflag:s18], $0x50  }
0x24c: {  	[sflag:s18] =	ssyncset.done $0x0  }
0x24d: {  	[sflag:s18] =	ssyncadd.s32 $0xFFFFFFB0  }
0x24e: {  	_ =	swait.ge [sflag:s19], $0x2800  }
0x24f: {  	[sflag:s19] =	ssyncset.done $0x0  }
0x250: {  	[sflag:s19] =	ssyncadd.s32 $0xFFFFD800  }
0x251: {  	_ =	swait.ge [sflag:s19], $0x50  }
0x252: {  	s21 =	smov.u32 s8;
	s6 =	rddreg [dreg:$0x1a];
	[sflag:s19] =	ssyncset.done $0x0  }
0x253: {  	s7 =	rddreg [dreg:$0x19];
	[sflag:s19] =	ssyncadd.s32 $0xFFFFFFB0;
	s6 =	sadd.s32 s21, s6  }
0x254: {  	[tilespmem:s24], [sflag:$0x2] =	stream.linear.gather [hbm4b:s6+s5], $0x50, $0x38;
	[tilespmem:$0x1D180] =	vst v63  }
0x255: {  	s7 =	sadd.s32 s21, s7  }
0x256: {  	[tilespmem:s26], [sflag:$0x2] =	stream.linear.gather [hbm4b:s7+s5], $0x50, $0x38;
	[tilespmem:$0x1D180] =	vst v63  }
0x257: {  	_ = 	snop  }
0x258: {  	[tilespmem:s30], [sflag:$0x6] =	stream.indirect.gather [hbm4b:s0+s28], $0x80, s5, s28, $0xb8;
	[tilespmem:$0x1D180] =	vst v63  }
0x259: {  	_ =	swait.ge [sflag:s22], $0x2800  }
0x25a: {  	[sflag:s22] =	ssyncset.done $0x0  }
0x25b: {  	[sflag:s22] =	ssyncadd.s32 $0xFFFFD800  }
0x25c: {  	[spmem:s3] =	stream.indirect.scatter.add.f32 [tilespmem:s12], [sflag:$0xA], $0x80, s1, s28, $0xb8;
	[tilespmem:$0x1D180] =	vst v63  }
0x25d: {  	_ = 	snop  }
0x25e: {  	[spmem:s4] =	stream.indirect.scatter.add.f32 [tilespmem:s14], [sflag:$0xA], $0x1, s1, s28, $0xb8;
	[tilespmem:$0x1D180] =	vst v63  }
0x25f: {  	_ =	swait.ge [sflag:s11], $0x50  }
0x260: {  	[sflag:s11] =	ssyncset.done $0x0  }
0x261: {  	[sflag:s11] =	ssyncadd.s32 $0xFFFFFFB0  }
0x262: {  	_ =	swait.ge [sflag:s11], $0x50  }
0x263: {  	[sflag:s11] =	ssyncset.done $0x0  }
0x264: {  	[sflag:s11] =	ssyncadd.s32 $0xFFFFFFB0  }
0x265: {  	_ =	swait.ge [sflag:s25], $0x2800  }
0x266: {  	[sflag:s25] =	ssyncset.done $0x0  }
0x267: {  	[sflag:s25] =	ssyncadd.s32 $0xFFFFD800  }
0x268: {  	_ =	swait.ge [sflag:s25], $0x50  }
0x269: {  	s6 =	rddreg [dreg:$0x18];
	[sflag:s25] =	ssyncset.done $0x0  }
0x26a: {  	s7 =	rddreg [dreg:$0x17];
	[sflag:s25] =	ssyncadd.s32 $0xFFFFFFB0;
	s6 =	sadd.s32 s21, s6  }
0x26b: {  	[tilespmem:s31], [sflag:$0x3] =	stream.linear.gather [hbm4b:s6+s5], $0x50, $0x38;
	[tilespmem:$0x1D180] =	vst v63  }
0x26c: {  	s7 =	sadd.s32 s21, s7  }
0x26d: {  	[tilespmem:s1], [sflag:$0x3] =	stream.linear.gather [hbm4b:s7+s5], $0x50, $0x38;
	[tilespmem:$0x1D180] =	vst v63  }
0x26e: {  	_ = 	snop  }
0x26f: {  	[tilespmem:s12], [sflag:$0x7] =	stream.indirect.gather [hbm4b:s0+s28], $0x80, s24, s28, $0xb8;
	[tilespmem:$0x1D180] =	vst v63  }
0x270: {  	_ =	swait.ge [sflag:s13], $0x2800  }
0x271: {  	[sflag:s13] =	ssyncset.done $0x0  }
0x272: {  	[sflag:s13] =	ssyncadd.s32 $0xFFFFD800  }
0x273: {  	[spmem:s3] =	stream.indirect.scatter.add.f32 [tilespmem:s29], [sflag:$0x8], $0x80, s10, s28, $0xb8;
	[tilespmem:$0x1D180] =	vst v63  }
0x274: {  	_ = 	snop  }
0x275: {  	[spmem:s4] =	stream.indirect.scatter.add.f32 [tilespmem:s14], [sflag:$0x8], $0x1, s10, s28, $0xb8;
	[tilespmem:$0x1D180] =	vst v63  }
0x276: {  	_ =	swait.ge [sflag:s2], $0x50  }
0x277: {  	[sflag:s2] =	ssyncset.done $0x0  }
0x278: {  	[sflag:s2] =	ssyncadd.s32 $0xFFFFFFB0  }
0x279: {  	_ =	swait.ge [sflag:s2], $0x50  }
0x27a: {  	[sflag:s2] =	ssyncset.done $0x0  }
0x27b: {  	[sflag:s2] =	ssyncadd.s32 $0xFFFFFFB0  }
0x27c: {  	_ =	swait.ge [sflag:s16], $0x2800  }
0x27d: {  	[sflag:s16] =	ssyncset.done $0x0  }
0x27e: {  	[sflag:s16] =	ssyncadd.s32 $0xFFFFD800  }
0x27f: {  	_ =	swait.ge [sflag:s16], $0x50  }
0x280: {  	s6 =	rddreg [dreg:$0x16];
	[sflag:s16] =	ssyncset.done $0x0  }
0x281: {  	s7 =	rddreg [dreg:$0x15];
	[sflag:s16] =	ssyncadd.s32 $0xFFFFFFB0;
	s6 =	sadd.s32 s21, s6  }
0x282: {  	[tilespmem:s9], [sflag:$0x4] =	stream.linear.gather [hbm4b:s6+s5], $0x50, $0x38;
	[tilespmem:$0x1D180] =	vst v63  }
0x283: {  	s7 =	sadd.s32 s21, s7  }
0x284: {  	[tilespmem:s10], [sflag:$0x4] =	stream.linear.gather [hbm4b:s7+s5], $0x50, $0x38;
	[tilespmem:$0x1D180] =	vst v63  }
0x285: {  	_ = 	snop  }
0x286: {  	[tilespmem:s29], [sflag:$0x5] =	stream.indirect.gather [hbm4b:s0+s28], $0x80, s31, s28, $0xb8;
	[tilespmem:$0x1D180] =	vst v63  }
0x287: {  	_ =	swait.ge [sflag:s17], $0x2800  }
0x288: {  	[sflag:s17] =	ssyncset.done $0x0  }
0x289: {  	[sflag:s17] =	ssyncadd.s32 $0xFFFFD800  }
0x28a: {  	[spmem:s3] =	stream.indirect.scatter.add.f32 [tilespmem:s30], [sflag:$0x9], $0x80, s23, s28, $0xb8;
	[tilespmem:$0x1D180] =	vst v63  }
0x28b: {  	_ = 	snop  }
0x28c: {  	[spmem:s4] =	stream.indirect.scatter.add.f32 [tilespmem:s14], [sflag:$0x9], $0x1, s23, s28, $0xb8;
	[tilespmem:$0x1D180] =	vst v63  }
0x28d: {  	_ =	swait.ge [sflag:s15], $0x50  }
0x28e: {  	[sflag:s15] =	ssyncset.done $0x0  }
0x28f: {  	[sflag:s15] =	ssyncadd.s32 $0xFFFFFFB0  }
0x290: {  	_ =	swait.ge [sflag:s15], $0x50  }
0x291: {  	[sflag:s15] =	ssyncset.done $0x0  }
0x292: {  	[sflag:s15] =	ssyncadd.s32 $0xFFFFFFB0  }
0x293: {  	_ =	swait.ge [sflag:s19], $0x2800  }
0x294: {  	[sflag:s19] =	ssyncset.done $0x0  }
0x295: {  	[sflag:s19] =	ssyncadd.s32 $0xFFFFD800  }
0x296: {  	_ =	swait.ge [sflag:s19], $0x50  }
0x297: {  	s6 =	rddreg [dreg:$0x14];
	[sflag:s19] =	ssyncset.done $0x0  }
0x298: {  	s7 =	rddreg [dreg:$0x13];
	[sflag:s19] =	ssyncadd.s32 $0xFFFFFFB0;
	s6 =	sadd.s32 s21, s6  }
0x299: {  	[tilespmem:s5], [sflag:$0x1] =	stream.linear.gather [hbm4b:s6+s5], $0x50, $0x38;
	[tilespmem:$0x1D180] =	vst v63  }
0x29a: {  	s7 =	sadd.s32 s21, s7  }
0x29b: {  	[tilespmem:s23], [sflag:$0x1] =	stream.linear.gather [hbm4b:s7+s5], $0x50, $0x38;
	[tilespmem:$0x1D180] =	vst v63  }
0x29c: {  	_ = 	snop  }
0x29d: {  	[tilespmem:s30], [sflag:$0x6] =	stream.indirect.gather [hbm4b:s0+s28], $0x80, s9, s28, $0xb8;
	[tilespmem:$0x1D180] =	vst v63  }
0x29e: {  	_ =	swait.ge [sflag:s22], $0x2800  }
0x29f: {  	[sflag:s22] =	ssyncset.done $0x0  }
0x2a0: {  	[sflag:s22] =	ssyncadd.s32 $0xFFFFD800  }
0x2a1: {  	[spmem:s3] =	stream.indirect.scatter.add.f32 [tilespmem:s12], [sflag:$0xA], $0x80, s26, s28, $0xb8;
	[tilespmem:$0x1D180] =	vst v63  }
0x2a2: {  	_ = 	snop  }
0x2a3: {  	[spmem:s4] =	stream.indirect.scatter.add.f32 [tilespmem:s14], [sflag:$0xA], $0x1, s26, s28, $0xb8;
	[tilespmem:$0x1D180] =	vst v63  }
0x2a4: {  	_ =	swait.ge [sflag:s18], $0x50  }
0x2a5: {  	[sflag:s18] =	ssyncset.done $0x0  }
0x2a6: {  	[sflag:s18] =	ssyncadd.s32 $0xFFFFFFB0  }
0x2a7: {  	_ =	swait.ge [sflag:s18], $0x50  }
0x2a8: {  	[sflag:s18] =	ssyncset.done $0x0  }
0x2a9: {  	[sflag:s18] =	ssyncadd.s32 $0xFFFFFFB0  }
0x2aa: {  	_ =	swait.ge [sflag:s25], $0x2800  }
0x2ab: {  	[sflag:s25] =	ssyncset.done $0x0  }
0x2ac: {  	[sflag:s25] =	ssyncadd.s32 $0xFFFFD800  }
0x2ad: {  	_ =	swait.ge [sflag:s25], $0x50  }
0x2ae: {  	s6 =	rddreg [dreg:$0x12];
	[sflag:s25] =	ssyncset.done $0x0  }
0x2af: {  	s7 =	rddreg [dreg:$0x11];
	[sflag:s25] =	ssyncadd.s32 $0xFFFFFFB0;
	s6 =	sadd.s32 s21, s6  }
0x2b0: {  	[tilespmem:s24], [sflag:$0x2] =	stream.linear.gather [hbm4b:s6+s5], $0x50, $0x38;
	[tilespmem:$0x1D180] =	vst v63  }
0x2b1: {  	s7 =	sadd.s32 s21, s7  }
0x2b2: {  	[tilespmem:s26], [sflag:$0x2] =	stream.linear.gather [hbm4b:s7+s5], $0x50, $0x38;
	[tilespmem:$0x1D180] =	vst v63  }
0x2b3: {  	_ = 	snop  }
0x2b4: {  	[tilespmem:s12], [sflag:$0x7] =	stream.indirect.gather [hbm4b:s0+s28], $0x80, s5, s28, $0xb8;
	[tilespmem:$0x1D180] =	vst v63  }
0x2b5: {  	_ =	swait.ge [sflag:s13], $0x2800  }
0x2b6: {  	[sflag:s13] =	ssyncset.done $0x0  }
0x2b7: {  	[sflag:s13] =	ssyncadd.s32 $0xFFFFD800  }
0x2b8: {  	[spmem:s3] =	stream.indirect.scatter.add.f32 [tilespmem:s29], [sflag:$0x8], $0x80, s1, s28, $0xb8;
	[tilespmem:$0x1D180] =	vst v63  }
0x2b9: {  	_ = 	snop  }
0x2ba: {  	[spmem:s4] =	stream.indirect.scatter.add.f32 [tilespmem:s14], [sflag:$0x8], $0x1, s1, s28, $0xb8;
	[tilespmem:$0x1D180] =	vst v63  }
0x2bb: {  	_ =	swait.ge [sflag:s11], $0x50  }
0x2bc: {  	[sflag:s11] =	ssyncset.done $0x0  }
0x2bd: {  	[sflag:s11] =	ssyncadd.s32 $0xFFFFFFB0  }
0x2be: {  	_ =	swait.ge [sflag:s11], $0x50  }
0x2bf: {  	[sflag:s11] =	ssyncset.done $0x0  }
0x2c0: {  	[sflag:s11] =	ssyncadd.s32 $0xFFFFFFB0  }
0x2c1: {  	_ =	swait.ge [sflag:s16], $0x2800  }
0x2c2: {  	[sflag:s16] =	ssyncset.done $0x0  }
0x2c3: {  	[sflag:s16] =	ssyncadd.s32 $0xFFFFD800  }
0x2c4: {  	_ =	swait.ge [sflag:s16], $0x50  }
0x2c5: {  	s6 =	rddreg [dreg:$0x10];
	[sflag:s16] =	ssyncset.done $0x0  }
0x2c6: {  	s7 =	rddreg [dreg:$0xf];
	[sflag:s16] =	ssyncadd.s32 $0xFFFFFFB0;
	s6 =	sadd.s32 s21, s6  }
0x2c7: {  	[tilespmem:s31], [sflag:$0x3] =	stream.linear.gather [hbm4b:s6+s5], $0x50, $0x38;
	[tilespmem:$0x1D180] =	vst v63  }
0x2c8: {  	s7 =	sadd.s32 s21, s7  }
0x2c9: {  	[tilespmem:s1], [sflag:$0x3] =	stream.linear.gather [hbm4b:s7+s5], $0x50, $0x38;
	[tilespmem:$0x1D180] =	vst v63  }
0x2ca: {  	_ = 	snop  }
0x2cb: {  	[tilespmem:s29], [sflag:$0x5] =	stream.indirect.gather [hbm4b:s0+s28], $0x80, s24, s28, $0xb8;
	[tilespmem:$0x1D180] =	vst v63  }
0x2cc: {  	_ =	swait.ge [sflag:s17], $0x2800  }
0x2cd: {  	[sflag:s17] =	ssyncset.done $0x0  }
0x2ce: {  	[sflag:s17] =	ssyncadd.s32 $0xFFFFD800  }
0x2cf: {  	[spmem:s3] =	stream.indirect.scatter.add.f32 [tilespmem:s30], [sflag:$0x9], $0x80, s10, s28, $0xb8;
	[tilespmem:$0x1D180] =	vst v63  }
0x2d0: {  	_ = 	snop  }
0x2d1: {  	[spmem:s4] =	stream.indirect.scatter.add.f32 [tilespmem:s14], [sflag:$0x9], $0x1, s10, s28, $0xb8;
	[tilespmem:$0x1D180] =	vst v63  }
0x2d2: {  	_ =	swait.ge [sflag:s2], $0x50  }
0x2d3: {  	[sflag:s2] =	ssyncset.done $0x0  }
0x2d4: {  	[sflag:s2] =	ssyncadd.s32 $0xFFFFFFB0  }
0x2d5: {  	_ =	swait.ge [sflag:s2], $0x50  }
0x2d6: {  	[sflag:s2] =	ssyncset.done $0x0  }
0x2d7: {  	[sflag:s2] =	ssyncadd.s32 $0xFFFFFFB0  }
0x2d8: {  	_ =	swait.ge [sflag:s19], $0x2800  }
0x2d9: {  	[sflag:s19] =	ssyncset.done $0x0  }
0x2da: {  	[sflag:s19] =	ssyncadd.s32 $0xFFFFD800  }
0x2db: {  	_ =	swait.ge [sflag:s19], $0x50  }
0x2dc: {  	s6 =	rddreg [dreg:$0xe];
	[sflag:s19] =	ssyncset.done $0x0  }
0x2dd: {  	s7 =	rddreg [dreg:$0xd];
	[sflag:s19] =	ssyncadd.s32 $0xFFFFFFB0;
	s6 =	sadd.s32 s21, s6  }
0x2de: {  	[tilespmem:s9], [sflag:$0x4] =	stream.linear.gather [hbm4b:s6+s5], $0x50, $0x38;
	[tilespmem:$0x1D180] =	vst v63  }
0x2df: {  	s7 =	sadd.s32 s21, s7  }
0x2e0: {  	[tilespmem:s10], [sflag:$0x4] =	stream.linear.gather [hbm4b:s7+s5], $0x50, $0x38;
	[tilespmem:$0x1D180] =	vst v63  }
0x2e1: {  	_ = 	snop  }
0x2e2: {  	[tilespmem:s30], [sflag:$0x6] =	stream.indirect.gather [hbm4b:s0+s28], $0x80, s31, s28, $0xb8;
	[tilespmem:$0x1D180] =	vst v63  }
0x2e3: {  	_ =	swait.ge [sflag:s22], $0x2800  }
0x2e4: {  	[sflag:s22] =	ssyncset.done $0x0  }
0x2e5: {  	[sflag:s22] =	ssyncadd.s32 $0xFFFFD800  }
0x2e6: {  	[spmem:s3] =	stream.indirect.scatter.add.f32 [tilespmem:s12], [sflag:$0xA], $0x80, s23, s28, $0xb8;
	[tilespmem:$0x1D180] =	vst v63  }
0x2e7: {  	_ = 	snop  }
0x2e8: {  	[spmem:s4] =	stream.indirect.scatter.add.f32 [tilespmem:s14], [sflag:$0xA], $0x1, s23, s28, $0xb8;
	[tilespmem:$0x1D180] =	vst v63  }
0x2e9: {  	_ =	swait.ge [sflag:s15], $0x50  }
0x2ea: {  	[sflag:s15] =	ssyncset.done $0x0  }
0x2eb: {  	[sflag:s15] =	ssyncadd.s32 $0xFFFFFFB0  }
0x2ec: {  	_ =	swait.ge [sflag:s15], $0x50  }
0x2ed: {  	[sflag:s15] =	ssyncset.done $0x0  }
0x2ee: {  	[sflag:s15] =	ssyncadd.s32 $0xFFFFFFB0  }
0x2ef: {  	_ =	swait.ge [sflag:s25], $0x2800  }
0x2f0: {  	[sflag:s25] =	ssyncset.done $0x0  }
0x2f1: {  	[sflag:s25] =	ssyncadd.s32 $0xFFFFD800  }
0x2f2: {  	_ =	swait.ge [sflag:s25], $0x50  }
0x2f3: {  	s6 =	sshrl.u32 s20, $0x3;
	[sflag:s25] =	ssyncset.done $0x0;
	s7 =	rddreg [dreg:$0x1b]  }
0x2f4: {  	[sflag:s25] =	ssyncadd.s32 $0xFFFFFFB0;
	s7 =	sadd.s32 s7, s6  }
0x2f5: {  	[tilespmem:s5], [sflag:$0x1] =	stream.linear.gather [hbm4b:s7+s5], $0x50, $0x38;
	[tilespmem:$0x1D180] =	vst v63  }
0x2f6: {  	s7 =	rddreg [dreg:$0x1c]  }
0x2f7: {  	s6 =	sadd.s32 s7, s6  }
0x2f8: {  	[tilespmem:s23], [sflag:$0x1] =	stream.linear.gather [hbm4b:s6+s5], $0x50, $0x38;
	[tilespmem:$0x1D180] =	vst v63  }
0x2f9: {  	_ = 	snop  }
0x2fa: {  	[tilespmem:s12], [sflag:$0x7] =	stream.indirect.gather [hbm4b:s0+s28], $0x80, s9, s28, $0xb8;
	[tilespmem:$0x1D180] =	vst v63  }
0x2fb: {  	_ =	swait.ge [sflag:s13], $0x2800  }
0x2fc: {  	[sflag:s13] =	ssyncset.done $0x0  }
0x2fd: {  	[sflag:s13] =	ssyncadd.s32 $0xFFFFD800  }
0x2fe: {  	[spmem:s3] =	stream.indirect.scatter.add.f32 [tilespmem:s29], [sflag:$0x8], $0x80, s26, s28, $0xb8;
	[tilespmem:$0x1D180] =	vst v63  }
0x2ff: {  	_ = 	snop  }
0x300: {  	[spmem:s4] =	stream.indirect.scatter.add.f32 [tilespmem:s14], [sflag:$0x8], $0x1, s26, s28, $0xb8;
	[tilespmem:$0x1D180] =	vst v63  }
0x301: {  	_ =	swait.ge [sflag:s18], $0x50  }
0x302: {  	[sflag:s18] =	ssyncset.done $0x0  }
0x303: {  	[sflag:s18] =	ssyncadd.s32 $0xFFFFFFB0  }
0x304: {  	_ =	swait.ge [sflag:s18], $0x50  }
0x305: {  	[sflag:s18] =	ssyncset.done $0x0  }
0x306: {  	[sflag:s18] =	ssyncadd.s32 $0xFFFFFFB0  }
0x307: {  	_ =	swait.ge [sflag:s16], $0x2800  }
0x308: {  	[sflag:s16] =	ssyncset.done $0x0  }
0x309: {  	[sflag:s16] =	ssyncadd.s32 $0xFFFFD800  }
0x30a: {  	_ =	swait.ge [sflag:s16], $0x50  }
0x30b: {  	s6 =	rddreg [dreg:$0xc];
	[sflag:s16] =	ssyncset.done $0x0  }
0x30c: {  	s7 =	rddreg [dreg:$0xb];
	[sflag:s16] =	ssyncadd.s32 $0xFFFFFFB0;
	s6 =	sadd.s32 s21, s6  }
0x30d: {  	[tilespmem:s24], [sflag:$0x2] =	stream.linear.gather [hbm4b:s6+s5], $0x50, $0x38;
	[tilespmem:$0x1D180] =	vst v63  }
0x30e: {  	s7 =	sadd.s32 s21, s7  }
0x30f: {  	[tilespmem:s26], [sflag:$0x2] =	stream.linear.gather [hbm4b:s7+s5], $0x50, $0x38;
	[tilespmem:$0x1D180] =	vst v63  }
0x310: {  	_ = 	snop  }
0x311: {  	[tilespmem:s29], [sflag:$0x5] =	stream.indirect.gather [hbm4b:s0+s28], $0x80, s5, s28, $0xb8;
	[tilespmem:$0x1D180] =	vst v63  }
0x312: {  	_ =	swait.ge [sflag:s17], $0x2800  }
0x313: {  	[sflag:s17] =	ssyncset.done $0x0  }
0x314: {  	[sflag:s17] =	ssyncadd.s32 $0xFFFFD800  }
0x315: {  	[spmem:s3] =	stream.indirect.scatter.add.f32 [tilespmem:s30], [sflag:$0x9], $0x80, s1, s28, $0xb8;
	[tilespmem:$0x1D180] =	vst v63  }
0x316: {  	_ = 	snop  }
0x317: {  	[spmem:s4] =	stream.indirect.scatter.add.f32 [tilespmem:s14], [sflag:$0x9], $0x1, s1, s28, $0xb8;
	[tilespmem:$0x1D180] =	vst v63  }
0x318: {  	_ =	swait.ge [sflag:s11], $0x50  }
0x319: {  	[sflag:s11] =	ssyncset.done $0x0  }
0x31a: {  	[sflag:s11] =	ssyncadd.s32 $0xFFFFFFB0  }
0x31b: {  	_ =	swait.ge [sflag:s11], $0x50  }
0x31c: {  	[sflag:s11] =	ssyncset.done $0x0  }
0x31d: {  	[sflag:s11] =	ssyncadd.s32 $0xFFFFFFB0  }
0x31e: {  	_ =	swait.ge [sflag:s19], $0x2800  }
0x31f: {  	[sflag:s19] =	ssyncset.done $0x0  }
0x320: {  	[sflag:s19] =	ssyncadd.s32 $0xFFFFD800  }
0x321: {  	_ =	swait.ge [sflag:s19], $0x50  }
0x322: {  	s6 =	rddreg [dreg:$0xa];
	[sflag:s19] =	ssyncset.done $0x0  }
0x323: {  	s7 =	rddreg [dreg:$0x9];
	[sflag:s19] =	ssyncadd.s32 $0xFFFFFFB0;
	s6 =	sadd.s32 s21, s6  }
0x324: {  	[tilespmem:s31], [sflag:$0x3] =	stream.linear.gather [hbm4b:s6+s5], $0x50, $0x38;
	[tilespmem:$0x1D180] =	vst v63  }
0x325: {  	s7 =	sadd.s32 s21, s7  }
0x326: {  	[tilespmem:s1], [sflag:$0x3] =	stream.linear.gather [hbm4b:s7+s5], $0x50, $0x38;
	[tilespmem:$0x1D180] =	vst v63  }
0x327: {  	_ = 	snop  }
0x328: {  	[tilespmem:s30], [sflag:$0x6] =	stream.indirect.gather [hbm4b:s0+s28], $0x80, s24, s28, $0xb8;
	[tilespmem:$0x1D180] =	vst v63  }
0x329: {  	_ =	swait.ge [sflag:s22], $0x2800  }
0x32a: {  	[sflag:s22] =	ssyncset.done $0x0  }
0x32b: {  	[sflag:s22] =	ssyncadd.s32 $0xFFFFD800  }
0x32c: {  	[spmem:s3] =	stream.indirect.scatter.add.f32 [tilespmem:s12], [sflag:$0xA], $0x80, s10, s28, $0xb8;
	[tilespmem:$0x1D180] =	vst v63  }
0x32d: {  	_ = 	snop  }
0x32e: {  	[spmem:s4] =	stream.indirect.scatter.add.f32 [tilespmem:s14], [sflag:$0xA], $0x1, s10, s28, $0xb8;
	[tilespmem:$0x1D180] =	vst v63  }
0x32f: {  	_ =	swait.ge [sflag:s2], $0x50  }
0x330: {  	[sflag:s2] =	ssyncset.done $0x0  }
0x331: {  	[sflag:s2] =	ssyncadd.s32 $0xFFFFFFB0  }
0x332: {  	_ =	swait.ge [sflag:s2], $0x50  }
0x333: {  	[sflag:s2] =	ssyncset.done $0x0  }
0x334: {  	[sflag:s2] =	ssyncadd.s32 $0xFFFFFFB0  }
0x335: {  	_ =	swait.ge [sflag:s25], $0x2800  }
0x336: {  	[sflag:s25] =	ssyncset.done $0x0  }
0x337: {  	[sflag:s25] =	ssyncadd.s32 $0xFFFFD800  }
0x338: {  	_ =	swait.ge [sflag:s25], $0x50  }
0x339: {  	s6 =	rddreg [dreg:$0x8];
	[sflag:s25] =	ssyncset.done $0x0  }
0x33a: {  	s7 =	rddreg [dreg:$0x7];
	[sflag:s25] =	ssyncadd.s32 $0xFFFFFFB0;
	s6 =	sadd.s32 s21, s6  }
0x33b: {  	[tilespmem:s9], [sflag:$0x4] =	stream.linear.gather [hbm4b:s6+s5], $0x50, $0x38;
	[tilespmem:$0x1D180] =	vst v63  }
0x33c: {  	s7 =	sadd.s32 s21, s7  }
0x33d: {  	[tilespmem:s10], [sflag:$0x4] =	stream.linear.gather [hbm4b:s7+s5], $0x50, $0x38;
	[tilespmem:$0x1D180] =	vst v63  }
0x33e: {  	_ = 	snop  }
0x33f: {  	[tilespmem:s12], [sflag:$0x7] =	stream.indirect.gather [hbm4b:s0+s28], $0x80, s31, s28, $0xb8;
	[tilespmem:$0x1D180] =	vst v63  }
0x340: {  	_ =	swait.ge [sflag:s13], $0x2800  }
0x341: {  	[sflag:s13] =	ssyncset.done $0x0  }
0x342: {  	[sflag:s13] =	ssyncadd.s32 $0xFFFFD800  }
0x343: {  	[spmem:s3] =	stream.indirect.scatter.add.f32 [tilespmem:s29], [sflag:$0x8], $0x80, s23, s28, $0xb8;
	[tilespmem:$0x1D180] =	vst v63  }
0x344: {  	_ = 	snop  }
0x345: {  	[spmem:s4] =	stream.indirect.scatter.add.f32 [tilespmem:s14], [sflag:$0x8], $0x1, s23, s28, $0xb8;
	[tilespmem:$0x1D180] =	vst v63  }
0x346: {  	_ =	swait.ge [sflag:s15], $0x50  }
0x347: {  	[sflag:s15] =	ssyncset.done $0x0  }
0x348: {  	[sflag:s15] =	ssyncadd.s32 $0xFFFFFFB0  }
0x349: {  	_ =	swait.ge [sflag:s15], $0x50  }
0x34a: {  	[sflag:s15] =	ssyncset.done $0x0  }
0x34b: {  	[sflag:s15] =	ssyncadd.s32 $0xFFFFFFB0  }
0x34c: {  	_ =	swait.ge [sflag:s16], $0x2800  }
0x34d: {  	[sflag:s16] =	ssyncset.done $0x0  }
0x34e: {  	[sflag:s16] =	ssyncadd.s32 $0xFFFFD800  }
0x34f: {  	_ =	swait.ge [sflag:s16], $0x50  }
0x350: {  	s6 =	rddreg [dreg:$0x6];
	[sflag:s16] =	ssyncset.done $0x0  }
0x351: {  	s7 =	rddreg [dreg:$0x5];
	[sflag:s16] =	ssyncadd.s32 $0xFFFFFFB0;
	s6 =	sadd.s32 s21, s6  }
0x352: {  	[tilespmem:s5], [sflag:$0x1] =	stream.linear.gather [hbm4b:s6+s5], $0x50, $0x38;
	[tilespmem:$0x1D180] =	vst v63  }
0x353: {  	s21 =	sadd.s32 s21, s7  }
0x354: {  	[tilespmem:s23], [sflag:$0x1] =	stream.linear.gather [hbm4b:s21+s5], $0x50, $0x38;
	[tilespmem:$0x1D180] =	vst v63  }
0x355: {  	p0 =	sne.s32 s8, $0x438  }
0x356: {  	[tilespmem:s29], [sflag:$0x5] =	stream.indirect.gather [hbm4b:s0+s28], $0x80, s9, s28, $0xb8;
	[tilespmem:$0x1D180] =	vst v63  }
.Ltmp1:
0x357: {  	_ = 	snop;
	(pc) =	sbr.rel @p0 .LBB2_4-.Ltmp1, $4  }
0x358: {  	_ =	swait.ge [sflag:s17], $0x2800  }
0x359: {  	[sflag:s17] =	ssyncset.done $0x0  }
0x35a: {  	s8 =	sadd.s32 $0x78, s8;
	s20 =	sadd.s32 $0x3C0, s20;
	[sflag:s17] =	ssyncadd.s32 $0xFFFFD800  }
0x35b: {  	[spmem:s3] =	stream.indirect.scatter.add.f32 [tilespmem:s30], [sflag:$0x9], $0x80, s26, s28, $0xb8;
	[tilespmem:$0x1D180] =	vst v63  }
0x35c: {  	[spmem:s4] =	stream.indirect.scatter.add.f32 [tilespmem:s14], [sflag:$0x9], $0x1, s26, s28, $0xb8;
	[tilespmem:$0x1D180] =	vst v63  }
0x35d: {  	_ =	swait.ge [sflag:s18], $0x50  }
0x35e: {  	[sflag:s18] =	ssyncset.done $0x0  }
0x35f: {  	[sflag:s18] =	ssyncadd.s32 $0xFFFFFFB0  }
0x360: {  	_ =	swait.ge [sflag:s18], $0x50  }
0x361: {  	[sflag:s18] =	ssyncset.done $0x0  }
0x362: {  	[sflag:s18] =	ssyncadd.s32 $0xFFFFFFB0  }
0x363: {  	_ =	swait.ge [sflag:s19], $0x2800  }
0x364: {  	[sflag:s19] =	ssyncset.done $0x0  }
0x365: {  	[sflag:s19] =	ssyncadd.s32 $0xFFFFD800  }
0x366: {  	_ =	swait.ge [sflag:s19], $0x50  }
0x367: {  	[sflag:s19] =	ssyncset.done $0x0  }
0x368: {  	[sflag:s19] =	ssyncadd.s32 $0xFFFFFFB0  }
0x369: {  	[tilespmem:s30], [sflag:$0x6] =	stream.indirect.gather [hbm4b:s0+s28], $0x80, s5, s28, $0xb8;
	[tilespmem:$0x1D180] =	vst v63  }
0x36a: {  	_ =	swait.ge [sflag:s22], $0x2800  }
0x36b: {  	[sflag:s22] =	ssyncset.done $0x0  }
0x36c: {  	[sflag:s22] =	ssyncadd.s32 $0xFFFFD800  }
0x36d: {  	[spmem:s3] =	stream.indirect.scatter.add.f32 [tilespmem:s12], [sflag:$0xA], $0x80, s1, s28, $0xb8;
	[tilespmem:$0x1D180] =	vst v63  }
0x36e: {  	_ = 	snop  }
0x36f: {  	[spmem:s4] =	stream.indirect.scatter.add.f32 [tilespmem:s14], [sflag:$0xA], $0x1, s1, s28, $0xb8;
	[tilespmem:$0x1D180] =	vst v63  }
0x370: {  	_ =	swait.ge [sflag:s25], $0x2800  }
0x371: {  	[sflag:s25] =	ssyncset.done $0x0  }
0x372: {  	[sflag:s25] =	ssyncadd.s32 $0xFFFFD800  }
0x373: {  	_ =	swait.ge [sflag:s25], $0x50  }
0x374: {  	[sflag:s25] =	ssyncset.done $0x0  }
0x375: {  	[sflag:s25] =	ssyncadd.s32 $0xFFFFFFB0  }
0x376: {  	_ =	swait.ge [sflag:s13], $0x2800  }
0x377: {  	[sflag:s13] =	ssyncset.done $0x0  }
0x378: {  	[sflag:s13] =	ssyncadd.s32 $0xFFFFD800  }
0x379: {  	[spmem:s3] =	stream.indirect.scatter.add.f32 [tilespmem:s29], [sflag:$0x8], $0x80, s10, s28, $0xb8;
	[tilespmem:$0x1D180] =	vst v63  }
0x37a: {  	_ = 	snop  }
0x37b: {  	[spmem:s4] =	stream.indirect.scatter.add.f32 [tilespmem:s14], [sflag:$0x8], $0x1, s10, s28, $0xb8;
	[tilespmem:$0x1D180] =	vst v63  }
0x37c: {  	_ =	swait.ge [sflag:s16], $0x2800  }
0x37d: {  	[sflag:s16] =	ssyncset.done $0x0  }
0x37e: {  	[sflag:s16] =	ssyncadd.s32 $0xFFFFD800  }
0x37f: {  	_ =	swait.ge [sflag:s16], $0x50  }
0x380: {  	[sflag:s16] =	ssyncset.done $0x0  }
0x381: {  	[sflag:s16] =	ssyncadd.s32 $0xFFFFFFB0  }
0x382: {  	_ =	swait.ge [sflag:s17], $0x2800  }
0x383: {  	[sflag:s17] =	ssyncset.done $0x0  }
0x384: {  	[sflag:s17] =	ssyncadd.s32 $0xFFFFD800  }
0x385: {  	[spmem:s3] =	stream.indirect.scatter.add.f32 [tilespmem:s30], [sflag:$0x9], $0x80, s23, s28, $0xb8;
	[tilespmem:$0x1D180] =	vst v63  }
0x386: {  	_ = 	snop  }
0x387: {  	[spmem:s4] =	stream.indirect.scatter.add.f32 [tilespmem:s14], [sflag:$0x9], $0x1, s23, s28, $0xb8;
	[tilespmem:$0x1D180] =	vst v63  }
0x388: {  	_ =	swait.ge [sflag:s19], $0x2800  }
0x389: {  	[sflag:s19] =	ssyncset.done $0x0  }
0x38a: {  	[sflag:s19] =	ssyncadd.s32 $0xFFFFD800  }
0x38b: {  	_ =	swait.ge [sflag:s19], $0x50  }
0x38c: {  	[sflag:s19] =	ssyncset.done $0x0  }
0x38d: {  	[sflag:s19] =	ssyncadd.s32 $0xFFFFFFB0  }
0x38e: {  	[bflag:$0x0] =	sbarrier.arrive $0xFFFF  }
0x38f: {  	s6 =	stileid.u32;
	s8 =	sld [smem:$0x7E9]  }
0x390: {  	s6 =	sshll.u32 s6, $0x6;
	s7 =	rddreg [dreg:$0x1d]  }
0x391: {  	s6 =	sor.u32 $0x1C0B, s6;
	s7 =	sshrl.u32 s7, $0x3  }
0x392: {  	[hbm:s8], [sflag:s6] =	dma.local [spmem:s7], $0x2800  }
0x393: {  	s7 =	simm.s32 $0xB  }
0x394: {  	_ =	swait.ge [sflag:s7], $0x2800  }
0x395: {  	s21 =	sld [smem:$0x7DE]  }
0x396: {  	[sflag:s7] =	ssyncset.done $0x0  }
0x397: {  	s8 =	simm.s32 $0x8C80;
	[sflag:s7] =	ssyncadd.s32 $0xFFFFD800  }
0x398: {  	[tilespmem:s8], [sflag:$0xB] =	stream.linear.gather [spmem:s21], $0x280, $0x38;
	[tilespmem:$0x1D180] =	vst v63  }
0x399: {  	_ =	swait.ge [sflag:s7], $0x280  }
0x39a: {  	s20 =	sld [smem:$0x7EA]  }
0x39b: {  	[sflag:s7] =	ssyncset.done $0x0  }
0x39c: {  	[sflag:s7] =	ssyncadd.s32 $0xFFFFFD80  }
0x39d: {  	[hbm4b:s20+s5] =	stream.linear.scatter [tilespmem:s8], [sflag:$0xB], $0x280, $0x38;
	[tilespmem:$0x1D180] =	vst v63  }
0x39e: {  	_ =	swait.ge [sflag:s7], $0x280  }
0x39f: {  	s6 =	sld [smem:$0x7DD]  }
0x3a0: {  	s20 =	sld [smem:$0x7EB];
	_ =	sdelay $0x1  }
0x3a1: {  	s8 =	sadd.s32 $0x1, s6  }
0x3a2: {  	p0 =	sne.s32 s8, s20  }
.Ltmp2:
0x3a3: {  	_ = 	snop;
	(pc) =	sbr.rel @p0 .LBB2_1-.Ltmp2, $3  }
0x3a4: {  	_ =	sdelay $0x1  }
0x3a5: {  	[sflag:s7] =	ssyncset.done $0x0  }
0x3a6: {  	s21 =	simm.s32 $0x8C80;
	[sflag:s7] =	ssyncadd.s32 $0xFFFFFD80;
	s6 =	rddreg [dreg:$0x1c]  }
0x3a7: {  	_ =	sfence.sel $0x180000  }
0x3a8: {  	[bflag:$0x0] =	sbarrier.arrive $0xFFFF  }
0x3a9: {  	_ =	strace $0x90000047  }
0x3aa: {  	s0 =	stileid.u32;
	[bflag:$0x2] =	sbarrier.arrive $0xFFFF  }
0x3ab: {  	p0 =	sne.s32 s0, $0x0;
	s0 =	rddreg [dreg:$0x4]  }
0x3ac: {  	s0 =	sadd.s32 @!p0 $0x100000, s0  }
0x3ad: {  	[sflag:s0] =	ssyncadd.tile.s32 @!p0 $0x1;
	_ =	shalt  }
.Lfunc_end2:
_tile_overlayer_lowered:
.L_overlay_start_2:
0x3ae: {  	(tag) =	ssettag $0x2  }
0x3af: {  	s0 =	rddreg [dreg:$0x0];
	s2 =	stileid.u32  }
0x3b0: {  	s1 =	rddreg [dreg:$0x1];
	p0 =	sne.s32 s2, $0x0  }
0x3b1: {  	s3 =	rddreg [dreg:$0x2];
	[bflag:$0x3] =	sbarrier.arrive $0xFFFF;
	s2 =	simm.s32 @!p0 $0x1C0B  }
0x3b2: {  	[timem:s3], [sflag:s2] =	dma.local @!p0 [hbm:s0], s1  }
0x3b3: {  	s0 =	simm.s32 @!p0 $0xB  }
0x3b4: {  	_ =	swait.ge @!p0 [sflag:s0], s1  }
0x3b5: {  	s1 =	ssub.s32 @!p0 $0x0, s1;
	[sflag:s0] =	ssyncset.done @!p0 $0x0  }
0x3b6: {  	[sflag:s0] =	ssyncadd.s32 @!p0 s1  }
0x3b7: {  	[bflag:$0x3] =	sbarrier.arrive $0xFFFF  }
0x3b8: {  	_ =	shalt  }

</sc_bundles>
